<compile_context>
chip_gen: v7x
topology: tpu7x:2x2x1
jax: 0.10.2.dev20260603
libtpu: 0.0.44.dev20260713+nightly
codegen_flags: <defaults>
</compile_context>

<pallas_src>
import functools

import jax
import jax.numpy as jnp
from jax import lax
from jax.experimental import pallas as pl
from jax.experimental.pallas import tpu as pltpu
from jax.experimental.pallas import tpu_sc as plsc

S = 128
BITS = 256
H = 8
NB = 12
TABLE = 1 << NB
THRESH = H // 2
N_TILES = 16
ROWS_PER_TILE = S // N_TILES
JW = S // 32


def _prep_body(tok_ref, conn_ref, ram_ref, e_ref, comb_ref):
    tok = tok_ref[...].astype(jnp.float32)
    iota_r = lax.broadcasted_iota(jnp.int32, (1, BITS), 1)
    ii = lax.broadcasted_iota(jnp.int32, (S, S), 0)
    jj = lax.broadcasted_iota(jnp.int32, (S, S), 1)
    dd = ii - jj
    for h in range(H):
        wq = jnp.zeros((1, BITS), jnp.float32)
        wk = jnp.zeros((1, BITS), jnp.float32)
        app = jnp.zeros((S, S), jnp.int32)
        for b in range(NB):
            c = conn_ref[h, b]
            wq = wq + jnp.where(iota_r == c, float(1 << b), 0.0)
            wk = wk + jnp.where(iota_r == c - BITS, float(1 << b), 0.0)
            vb = jnp.where(c >= 2 * BITS, 1 << b, 0)
            app = app + jnp.where(dd > c - 2 * BITS, vb, 0)
        aq = lax.dot_general(tok, wq, (((1,), (1,)), ((), ())),
                             preferred_element_type=jnp.float32)
        ak = lax.dot_general(wk, tok, (((1,), (1,)), ((), ())),
                             preferred_element_type=jnp.float32)
        e_ref[:, h, :] = aq.astype(jnp.int32) + ak.astype(jnp.int32) + app
    pk = jnp.zeros((H, 128), jnp.int32)
    for r in range(32):
        pk = pk | (ram_ref[:, r * 128:(r + 1) * 128] << r)
    comb_ref[:, 0:128] = pk
    iota_sub = lax.broadcasted_iota(jnp.int32, (32, 1), 0)
    rows = []
    for w in range(JW):
        blk = tok_ref[w * 32:(w + 1) * 32, :] << iota_sub
        rows.append(jnp.sum(blk, axis=0, keepdims=True))
    rows.append(jnp.zeros((8 - JW, BITS), jnp.int32))
    comb_ref[:, 128:128 + BITS] = jnp.concatenate(rows, axis=0)


_prep_call = pl.pallas_call(
    _prep_body,
    out_shape=(
        jax.ShapeDtypeStruct((S, H, S), jnp.int32),
        jax.ShapeDtypeStruct((H, 128 + BITS), jnp.int32),
    ),
    in_specs=[
        pl.BlockSpec(memory_space=pltpu.VMEM),
        pl.BlockSpec(memory_space=pltpu.SMEM),
        pl.BlockSpec(memory_space=pltpu.VMEM),
    ],
    out_specs=(
        pl.BlockSpec(memory_space=pltpu.VMEM),
        pl.BlockSpec(memory_space=pltpu.VMEM),
    ),
)


def _sc_body(e_hbm, comb_hbm, out_hbm, comb_v, e_v, votes_v, out_v, sem1, sem2):
    sid = lax.axis_index("s")
    base = sid * ROWS_PER_TILE
    cp1 = pltpu.async_copy(comb_hbm, comb_v, sem1)
    cp2 = pltpu.async_copy(e_hbm.at[pl.ds(base, ROWS_PER_TILE)], e_v, sem2)
    cp1.wait()
    cp2.wait()
    iota = lax.broadcasted_iota(jnp.int32, (16,), 0)
    zero16 = jnp.zeros((16,), jnp.int32)

    def row_body(i, _):
        gi = base + i

        def votes_body(jc, carry):
            cnt, mx = carry
            off = jc * 16
            acc = zero16
            for h in range(H):
                e = e_v[i, h, pl.ds(off, 16)]
                w = plsc.load_gather(
                    comb_v, [jnp.full((16,), h, jnp.int32), e & 127]
                )
                acc = acc + (
                    lax.shift_right_logical(w, lax.shift_right_logical(e, 7)) & 1
                )
            vm = jnp.where(iota + off <= gi, acc, 0)
            votes_v[i, pl.ds(off, 16)] = vm
            return (cnt + jnp.where(vm >= THRESH, 1, 0), jnp.maximum(mx, vm))

        cnt, mx = lax.fori_loop(0, S // 16, votes_body, (zero16, zero16))
        cnt_s = jnp.sum(cnt)
        mx_s = jnp.max(mx)

        def fm_body(jc, fmv):
            off = jc * 16
            vm = votes_v[i, pl.ds(off, 16)]
            return jnp.minimum(fmv, jnp.where(vm == mx_s, iota + off, S))

        fm_s = jnp.min(lax.fori_loop(0, S // 16, fm_body,
                                     jnp.full((16,), S, jnp.int32)))

        use_fb = jnp.where(cnt_s == 0, 1, 0)
        mws = []
        for w in range(JW):
            mword = zero16
            for half in range(2):
                off = (w * 2 + half) * 16
                vm = votes_v[i, pl.ds(off, 16)]
                inc_i = jnp.where(vm >= THRESH, 1, 0) * (1 - use_fb)
                oh_i = jnp.where(iota + off == fm_s, 1, 0) * use_fb
                mword = mword + ((inc_i + oh_i) << (iota + half * 16))
            mws.append(jnp.sum(mword))

        def cc_body(cc, carry):
            off = cc * 16
            z = zero16
            for w in range(JW):
                z = z ^ (comb_v[w, pl.ds(128 + off, 16)] & mws[w])
            z = z ^ lax.shift_right_logical(z, 16)
            z = z ^ lax.shift_right_logical(z, 8)
            z = z ^ lax.shift_right_logical(z, 4)
            z = z ^ lax.shift_right_logical(z, 2)
            z = z ^ lax.shift_right_logical(z, 1)
            out_v[i, pl.ds(off, 16)] = z & 1
            return carry

        lax.fori_loop(0, BITS // 16, cc_body, 0)
        return _

    lax.fori_loop(0, ROWS_PER_TILE, row_body, 0)
    pltpu.sync_copy(out_v, out_hbm.at[pl.ds(base, ROWS_PER_TILE)])


@functools.cache
def _sc_call():
    return pl.kernel(
        _sc_body,
        out_type=jax.ShapeDtypeStruct((S, BITS), jnp.int32),
        mesh=plsc.VectorSubcoreMesh(
            core_axis_name="c", subcore_axis_name="s", num_cores=1
        ),
        scratch_types=[
            pltpu.VMEM((H, 128 + BITS), jnp.int32),
            pltpu.VMEM((ROWS_PER_TILE, H, S), jnp.int32),
            pltpu.VMEM((ROWS_PER_TILE, S), jnp.int32),
            pltpu.VMEM((ROWS_PER_TILE, BITS), jnp.int32),
            pltpu.SemaphoreType.DMA,
            pltpu.SemaphoreType.DMA,
        ],
        compiler_params=pltpu.CompilerParams(needs_layout_passes=False),
    )


def kernel(tokens, connections, ram_memory):
    e, comb = _prep_call(tokens, connections, ram_memory)
    return _sc_call()(e, comb)

# --- scband reference (transcript-rebuilt; emitter-appended) ---
"""Pipeline reference for scband-xorwith-previous-85950885527687 (READ-ONLY COPY).

The authoritative reference and input builder live on the scoring server;
editing this copy changes nothing except your own understanding.
"""

import jax, jax.numpy as jnp
import numpy as np

S = 128
BITS = 256
NUM_HEADS = 8
MAX_DIST = 8
NPOS = 8
SIM_BITS = 2 * BITS + NPOS
NB = 12
THRESH = NUM_HEADS // 2


def setup_inputs(seed: int = 0):
    key = jax.random.key(seed)
    k1, k2, k3 = jax.random.split(key, 3)
    tokens = jax.random.randint(k1, (S, BITS), 0, 2).astype(jnp.int32)
    rs = np.random.RandomState(0)
    conns = np.stack([rs.permutation(SIM_BITS)[:NB] for _ in range(NUM_HEADS)])
    connections = jnp.asarray(conns, dtype=jnp.int32)
    ram_memory = jax.random.randint(k3, (NUM_HEADS, 2 ** NB), 0, 2).astype(jnp.int32)
    return {"tokens": tokens, "connections": connections, "ram_memory": ram_memory}


def reference(tokens, connections, ram_memory):
    # tokens: [S, BITS] 0/1 bit vectors (one row per token in the input list)
    Sn = tokens.shape[0]
    ii = jnp.arange(Sn)[:, None]
    jj = jnp.arange(Sn)[None, :]
    # relative position encoder: thermometer code of clipped distance (max_distance=8 -> 8 bits)
    d = jnp.clip(ii - jj, 0, MAX_DIST)
    pos = (d[..., None] > jnp.arange(NPOS)[None, None, :]).astype(tokens.dtype)  # [S,S,NPOS]
    q = jnp.broadcast_to(tokens[:, None, :], (Sn, Sn, BITS))
    k = jnp.broadcast_to(tokens[None, :, :], (Sn, Sn, BITS))
    sim = jnp.concatenate([q, k, pos], axis=-1)  # [S,S,SIM_BITS] == cat([query, key, rel_dist])
    # RAMLayer heads: each head samples NB=min(SIM_BITS,12) input bits (fixed random connections),
    # forms a RAM address, and looks up a stored bit (scatter/gather memory op).
    addr_bits = jnp.take(sim, connections, axis=-1)  # [S,S,H,NB]
    powers = (2 ** jnp.arange(NB)).astype(jnp.int32)
    addr = jnp.sum(addr_bits * powers[None, None, None, :], axis=-1)  # [S,S,H]
    head_idx = jnp.arange(NUM_HEADS)[None, None, :]
    lookups = ram_memory[head_idx, addr]  # gather from RAM tables, [S,S,H]
    votes = jnp.sum(lookups, axis=-1)  # vote_count per (i,j)
    votes = jnp.where(jj <= ii, votes, 0)  # j > i contributes vote 0 (causal)
    # aggregate_threshold: XOR all tokens whose vote >= num_heads//2
    inc = (votes >= THRESH)
    xor_res = jnp.mod(jnp.sum(inc.astype(tokens.dtype)[:, :, None] * tokens[None, :, :], axis=1), 2)
    count = jnp.sum(inc.astype(jnp.int32), axis=1)
    # fallback: first token whose vote equals the max vote (argmax returns first max)
    fallback = tokens[jnp.argmax(votes, axis=1)]
    out = jnp.where((count == 0)[:, None], fallback, xor_res)
    return out

if __name__ == "__main__":
    import jax
    _d = setup_inputs()
    print(jax.jit(kernel)(*tuple(_d.values())))

</pallas_src>

<mosaic_0001>
#map = affine_map<(d0, d1) -> (0, 0, 0)>
#map1 = affine_map<(d0, d1) -> (0, 0)>
module attributes {stable_mosaic.version = 14 : i64} {
  func.func @_sc_body(%arg0: i32, %arg1: i32, %arg2: memref<128x8x128xi32, #tpu.memory_space<hbm>>, %arg3: memref<8x384xi32, #tpu.memory_space<hbm>>, %arg4: memref<128x256xi32, #tpu.memory_space<hbm>>, %arg5: memref<8x384xi32, #tpu.memory_space<vmem>>, %arg6: memref<8x8x128xi32, #tpu.memory_space<vmem>>, %arg7: memref<8x128xi32, #tpu.memory_space<vmem>>, %arg8: memref<8x256xi32, #tpu.memory_space<vmem>>, %arg9: memref<!tpu.dma_semaphore, #tpu.memory_space<semaphore_mem>>, %arg10: memref<!tpu.dma_semaphore, #tpu.memory_space<semaphore_mem>>) attributes {dimension_semantics = [#tpu.dimension_semantics<core_parallel>, #tpu.dimension_semantics<subcore_parallel>], iteration_bounds = array<i64: 1, 16>, scalar_prefetch = 0 : i64, scratch_operands = 6 : i64, tpu.core_type = #tpu.core_type<sc_vector_subcore>, window_params = [{transform_indices = #map}, {transform_indices = #map1}, {transform_indices = #map1}]} {
    %mul3A = arith.constant 8 : i32
    %mul3A_0 = arith.muli %arg1, %mul3A : i32
    tpu.enqueue_dma source(%arg3 : memref<8x384xi32, #tpu.memory_space<hbm>>) target(%arg5 : memref<8x384xi32, #tpu.memory_space<vmem>>) target_semaphore(%arg9 : memref<!tpu.dma_semaphore, #tpu.memory_space<semaphore_mem>>)
    %dma_start3A = arith.constant 0 : i32
    %dma_start3A_1 = arith.constant 0 : i32
    %dma_start3A_2 = tpu.memref_slice %arg2[%mul3A_0, %dma_start3A, %dma_start3A_1] : memref<128x8x128xi32, #tpu.memory_space<hbm>> -> memref<8x8x128xi32, #tpu.memory_space<hbm>>
    %dma_start3A_3 = arith.constant 0 : i32
    %dma_start3A_4 = arith.constant 0 : i32
    %dma_start3A_5 = tpu.memref_slice %arg2[%mul3A_0, %dma_start3A_3, %dma_start3A_4] : memref<128x8x128xi32, #tpu.memory_space<hbm>> -> memref<8x8x128xi32, #tpu.memory_space<hbm>>
    tpu.enqueue_dma source(%dma_start3A_5 : memref<8x8x128xi32, #tpu.memory_space<hbm>>) target(%arg6 : memref<8x8x128xi32, #tpu.memory_space<vmem>>) target_semaphore(%arg10 : memref<!tpu.dma_semaphore, #tpu.memory_space<semaphore_mem>>)
    tpu.wait_dma2 semaphore(%arg9 : memref<!tpu.dma_semaphore, #tpu.memory_space<semaphore_mem>>) src(%arg3 : memref<8x384xi32, #tpu.memory_space<hbm>>) dst(%arg5 : memref<8x384xi32, #tpu.memory_space<vmem>>)
    %dma_wait3A = arith.constant 0 : i32
    %dma_wait3A_6 = arith.constant 0 : i32
    %dma_wait3A_7 = tpu.memref_slice %arg2[%mul3A_0, %dma_wait3A, %dma_wait3A_6] : memref<128x8x128xi32, #tpu.memory_space<hbm>> -> memref<8x8x128xi32, #tpu.memory_space<hbm>>
    %dma_wait3A_8 = arith.constant 0 : i32
    %dma_wait3A_9 = arith.constant 0 : i32
    %dma_wait3A_10 = tpu.memref_slice %arg2[%mul3A_0, %dma_wait3A_8, %dma_wait3A_9] : memref<128x8x128xi32, #tpu.memory_space<hbm>> -> memref<8x8x128xi32, #tpu.memory_space<hbm>>
    tpu.wait_dma2 semaphore(%arg10 : memref<!tpu.dma_semaphore, #tpu.memory_space<semaphore_mem>>) src(%dma_wait3A_10 : memref<8x8x128xi32, #tpu.memory_space<hbm>>) dst(%arg6 : memref<8x8x128xi32, #tpu.memory_space<vmem>>)
    %iota3A = tpu.iota {dimensions = array<i32: 0>} : vector<16xi32>
    %broadcast_in_dim3A = arith.constant 0 : i32
    %broadcast_in_dim3A_11 = vector.broadcast %broadcast_in_dim3A : i32 to vector<16xi32>
    %scan3A = arith.constant 0 : i32
    %scan3A_12 = arith.constant 0 : i32
    %scan3A_13 = arith.constant 8 : i32
    %scan3A_14 = arith.addi %scan3A_12, %scan3A_13 : i32
    %scan3A_15 = arith.constant 1 : i32
    scf.for %scan3A_17 = %scan3A_12 to %scan3A_14 step %scan3A_15  : i32 {
      %add3A = arith.addi %mul3A_0, %scan3A_17 : i32
      %scan3A_18 = arith.constant 0 : i32
      %scan3A_19 = arith.constant 8 : i32
      %scan3A_20 = arith.addi %scan3A_18, %scan3A_19 : i32
      %scan3A_21 = arith.constant 1 : i32
      %scan3A_22:2 = scf.for %scan3A_333 = %scan3A_18 to %scan3A_20 step %scan3A_21 iter_args(%scan3A_334 = %broadcast_in_dim3A_11, %scan3A_335 = %broadcast_in_dim3A_11) -> (vector<16xi32>, vector<16xi32>)  : i32 {
        %mul3A_336 = arith.constant 16 : i32
        %mul3A_337 = arith.muli %scan3A_333, %mul3A_336 : i32
        %get3A_338 = arith.constant 0 : i32
        %get3A_339 = arith.index_cast %scan3A_17 : i32 to index
        %get3A_340 = arith.index_cast %get3A_338 : i32 to index
        %get3A_341 = arith.index_cast %mul3A_337 : i32 to index
        %get3A_342 = tpu.vector_load %arg6[%get3A_339, %get3A_340, %get3A_341] {strides = array<i32>} : memref<8x8x128xi32, #tpu.memory_space<vmem>>, vector<16xi32>,
        %broadcast_in_dim3A_343 = arith.constant 0 : i32
        %broadcast_in_dim3A_344 = vector.broadcast %broadcast_in_dim3A_343 : i32 to vector<16xi32>
        %and3A = arith.constant 127 : i32
        %and3A_345 = vector.broadcast %and3A : i32 to vector<16xi32>
        %and3A_346 = arith.andi %get3A_342, %and3A_345 : vector<16xi32>
        %gather3A = tpu.vector_load_idx %arg5[%broadcast_in_dim3A_344, %and3A_346] : memref<8x384xi32, #tpu.memory_space<vmem>>[vector<16xi32>, vector<16xi32>], vector<16xi32>,
        %shift_right_logical3A = arith.constant 7 : i32
        %shift_right_logical3A_347 = vector.broadcast %shift_right_logical3A : i32 to vector<16xi32>
        %shift_right_logical3A_348 = arith.shrui %get3A_342, %shift_right_logical3A_347 : vector<16xi32>
        %shift_right_logical3A_349 = arith.shrui %gather3A, %shift_right_logical3A_348 : vector<16xi32>
        %and3A_350 = arith.constant 1 : i32
        %and3A_351 = vector.broadcast %and3A_350 : i32 to vector<16xi32>
        %and3A_352 = arith.andi %shift_right_logical3A_349, %and3A_351 : vector<16xi32>
        %add3A_353 = arith.addi %broadcast_in_dim3A_11, %and3A_352 : vector<16xi32>
        %get3A_354 = arith.constant 1 : i32
        %get3A_355 = arith.index_cast %scan3A_17 : i32 to index
        %get3A_356 = arith.index_cast %get3A_354 : i32 to index
        %get3A_357 = arith.index_cast %mul3A_337 : i32 to index
        %get3A_358 = tpu.vector_load %arg6[%get3A_355, %get3A_356, %get3A_357] {strides = array<i32>} : memref<8x8x128xi32, #tpu.memory_space<vmem>>, vector<16xi32>,
        %broadcast_in_dim3A_359 = arith.constant 1 : i32
        %broadcast_in_dim3A_360 = vector.broadcast %broadcast_in_dim3A_359 : i32 to vector<16xi32>
        %and3A_361 = arith.constant 127 : i32
        %and3A_362 = vector.broadcast %and3A_361 : i32 to vector<16xi32>
        %and3A_363 = arith.andi %get3A_358, %and3A_362 : vector<16xi32>
        %gather3A_364 = tpu.vector_load_idx %arg5[%broadcast_in_dim3A_360, %and3A_363] : memref<8x384xi32, #tpu.memory_space<vmem>>[vector<16xi32>, vector<16xi32>], vector<16xi32>,
        %shift_right_logical3A_365 = arith.constant 7 : i32
        %shift_right_logical3A_366 = vector.broadcast %shift_right_logical3A_365 : i32 to vector<16xi32>
        %shift_right_logical3A_367 = arith.shrui %get3A_358, %shift_right_logical3A_366 : vector<16xi32>
        %shift_right_logical3A_368 = arith.shrui %gather3A_364, %shift_right_logical3A_367 : vector<16xi32>
        %and3A_369 = arith.constant 1 : i32
        %and3A_370 = vector.broadcast %and3A_369 : i32 to vector<16xi32>
        %and3A_371 = arith.andi %shift_right_logical3A_368, %and3A_370 : vector<16xi32>
        %add3A_372 = arith.addi %add3A_353, %and3A_371 : vector<16xi32>
        %get3A_373 = arith.constant 2 : i32
        %get3A_374 = arith.index_cast %scan3A_17 : i32 to index
        %get3A_375 = arith.index_cast %get3A_373 : i32 to index
        %get3A_376 = arith.index_cast %mul3A_337 : i32 to index
        %get3A_377 = tpu.vector_load %arg6[%get3A_374, %get3A_375, %get3A_376] {strides = array<i32>} : memref<8x8x128xi32, #tpu.memory_space<vmem>>, vector<16xi32>,
        %broadcast_in_dim3A_378 = arith.constant 2 : i32
        %broadcast_in_dim3A_379 = vector.broadcast %broadcast_in_dim3A_378 : i32 to vector<16xi32>
        %and3A_380 = arith.constant 127 : i32
        %and3A_381 = vector.broadcast %and3A_380 : i32 to vector<16xi32>
        %and3A_382 = arith.andi %get3A_377, %and3A_381 : vector<16xi32>
        %gather3A_383 = tpu.vector_load_idx %arg5[%broadcast_in_dim3A_379, %and3A_382] : memref<8x384xi32, #tpu.memory_space<vmem>>[vector<16xi32>, vector<16xi32>], vector<16xi32>,
        %shift_right_logical3A_384 = arith.constant 7 : i32
        %shift_right_logical3A_385 = vector.broadcast %shift_right_logical3A_384 : i32 to vector<16xi32>
        %shift_right_logical3A_386 = arith.shrui %get3A_377, %shift_right_logical3A_385 : vector<16xi32>
        %shift_right_logical3A_387 = arith.shrui %gather3A_383, %shift_right_logical3A_386 : vector<16xi32>
        %and3A_388 = arith.constant 1 : i32
        %and3A_389 = vector.broadcast %and3A_388 : i32 to vector<16xi32>
        %and3A_390 = arith.andi %shift_right_logical3A_387, %and3A_389 : vector<16xi32>
        %add3A_391 = arith.addi %add3A_372, %and3A_390 : vector<16xi32>
        %get3A_392 = arith.constant 3 : i32
        %get3A_393 = arith.index_cast %scan3A_17 : i32 to index
        %get3A_394 = arith.index_cast %get3A_392 : i32 to index
        %get3A_395 = arith.index_cast %mul3A_337 : i32 to index
        %get3A_396 = tpu.vector_load %arg6[%get3A_393, %get3A_394, %get3A_395] {strides = array<i32>} : memref<8x8x128xi32, #tpu.memory_space<vmem>>, vector<16xi32>,
        %broadcast_in_dim3A_397 = arith.constant 3 : i32
        %broadcast_in_dim3A_398 = vector.broadcast %broadcast_in_dim3A_397 : i32 to vector<16xi32>
        %and3A_399 = arith.constant 127 : i32
        %and3A_400 = vector.broadcast %and3A_399 : i32 to vector<16xi32>
        %and3A_401 = arith.andi %get3A_396, %and3A_400 : vector<16xi32>
        %gather3A_402 = tpu.vector_load_idx %arg5[%broadcast_in_dim3A_398, %and3A_401] : memref<8x384xi32, #tpu.memory_space<vmem>>[vector<16xi32>, vector<16xi32>], vector<16xi32>,
        %shift_right_logical3A_403 = arith.constant 7 : i32
        %shift_right_logical3A_404 = vector.broadcast %shift_right_logical3A_403 : i32 to vector<16xi32>
        %shift_right_logical3A_405 = arith.shrui %get3A_396, %shift_right_logical3A_404 : vector<16xi32>
        %shift_right_logical3A_406 = arith.shrui %gather3A_402, %shift_right_logical3A_405 : vector<16xi32>
        %and3A_407 = arith.constant 1 : i32
        %and3A_408 = vector.broadcast %and3A_407 : i32 to vector<16xi32>
        %and3A_409 = arith.andi %shift_right_logical3A_406, %and3A_408 : vector<16xi32>
        %add3A_410 = arith.addi %add3A_391, %and3A_409 : vector<16xi32>
        %get3A_411 = arith.constant 4 : i32
        %get3A_412 = arith.index_cast %scan3A_17 : i32 to index
        %get3A_413 = arith.index_cast %get3A_411 : i32 to index
        %get3A_414 = arith.index_cast %mul3A_337 : i32 to index
        %get3A_415 = tpu.vector_load %arg6[%get3A_412, %get3A_413, %get3A_414] {strides = array<i32>} : memref<8x8x128xi32, #tpu.memory_space<vmem>>, vector<16xi32>,
        %broadcast_in_dim3A_416 = arith.constant 4 : i32
        %broadcast_in_dim3A_417 = vector.broadcast %broadcast_in_dim3A_416 : i32 to vector<16xi32>
        %and3A_418 = arith.constant 127 : i32
        %and3A_419 = vector.broadcast %and3A_418 : i32 to vector<16xi32>
        %and3A_420 = arith.andi %get3A_415, %and3A_419 : vector<16xi32>
        %gather3A_421 = tpu.vector_load_idx %arg5[%broadcast_in_dim3A_417, %and3A_420] : memref<8x384xi32, #tpu.memory_space<vmem>>[vector<16xi32>, vector<16xi32>], vector<16xi32>,
        %shift_right_logical3A_422 = arith.constant 7 : i32
        %shift_right_logical3A_423 = vector.broadcast %shift_right_logical3A_422 : i32 to vector<16xi32>
        %shift_right_logical3A_424 = arith.shrui %get3A_415, %shift_right_logical3A_423 : vector<16xi32>
        %shift_right_logical3A_425 = arith.shrui %gather3A_421, %shift_right_logical3A_424 : vector<16xi32>
        %and3A_426 = arith.constant 1 : i32
        %and3A_427 = vector.broadcast %and3A_426 : i32 to vector<16xi32>
        %and3A_428 = arith.andi %shift_right_logical3A_425, %and3A_427 : vector<16xi32>
        %add3A_429 = arith.addi %add3A_410, %and3A_428 : vector<16xi32>
        %get3A_430 = arith.constant 5 : i32
        %get3A_431 = arith.index_cast %scan3A_17 : i32 to index
        %get3A_432 = arith.index_cast %get3A_430 : i32 to index
        %get3A_433 = arith.index_cast %mul3A_337 : i32 to index
        %get3A_434 = tpu.vector_load %arg6[%get3A_431, %get3A_432, %get3A_433] {strides = array<i32>} : memref<8x8x128xi32, #tpu.memory_space<vmem>>, vector<16xi32>,
        %broadcast_in_dim3A_435 = arith.constant 5 : i32
        %broadcast_in_dim3A_436 = vector.broadcast %broadcast_in_dim3A_435 : i32 to vector<16xi32>
        %and3A_437 = arith.constant 127 : i32
        %and3A_438 = vector.broadcast %and3A_437 : i32 to vector<16xi32>
        %and3A_439 = arith.andi %get3A_434, %and3A_438 : vector<16xi32>
        %gather3A_440 = tpu.vector_load_idx %arg5[%broadcast_in_dim3A_436, %and3A_439] : memref<8x384xi32, #tpu.memory_space<vmem>>[vector<16xi32>, vector<16xi32>], vector<16xi32>,
        %shift_right_logical3A_441 = arith.constant 7 : i32
        %shift_right_logical3A_442 = vector.broadcast %shift_right_logical3A_441 : i32 to vector<16xi32>
        %shift_right_logical3A_443 = arith.shrui %get3A_434, %shift_right_logical3A_442 : vector<16xi32>
        %shift_right_logical3A_444 = arith.shrui %gather3A_440, %shift_right_logical3A_443 : vector<16xi32>
        %and3A_445 = arith.constant 1 : i32
        %and3A_446 = vector.broadcast %and3A_445 : i32 to vector<16xi32>
        %and3A_447 = arith.andi %shift_right_logical3A_444, %and3A_446 : vector<16xi32>
        %add3A_448 = arith.addi %add3A_429, %and3A_447 : vector<16xi32>
        %get3A_449 = arith.constant 6 : i32
        %get3A_450 = arith.index_cast %scan3A_17 : i32 to index
        %get3A_451 = arith.index_cast %get3A_449 : i32 to index
        %get3A_452 = arith.index_cast %mul3A_337 : i32 to index
        %get3A_453 = tpu.vector_load %arg6[%get3A_450, %get3A_451, %get3A_452] {strides = array<i32>} : memref<8x8x128xi32, #tpu.memory_space<vmem>>, vector<16xi32>,
        %broadcast_in_dim3A_454 = arith.constant 6 : i32
        %broadcast_in_dim3A_455 = vector.broadcast %broadcast_in_dim3A_454 : i32 to vector<16xi32>
        %and3A_456 = arith.constant 127 : i32
        %and3A_457 = vector.broadcast %and3A_456 : i32 to vector<16xi32>
        %and3A_458 = arith.andi %get3A_453, %and3A_457 : vector<16xi32>
        %gather3A_459 = tpu.vector_load_idx %arg5[%broadcast_in_dim3A_455, %and3A_458] : memref<8x384xi32, #tpu.memory_space<vmem>>[vector<16xi32>, vector<16xi32>], vector<16xi32>,
        %shift_right_logical3A_460 = arith.constant 7 : i32
        %shift_right_logical3A_461 = vector.broadcast %shift_right_logical3A_460 : i32 to vector<16xi32>
        %shift_right_logical3A_462 = arith.shrui %get3A_453, %shift_right_logical3A_461 : vector<16xi32>
        %shift_right_logical3A_463 = arith.shrui %gather3A_459, %shift_right_logical3A_462 : vector<16xi32>
        %and3A_464 = arith.constant 1 : i32
        %and3A_465 = vector.broadcast %and3A_464 : i32 to vector<16xi32>
        %and3A_466 = arith.andi %shift_right_logical3A_463, %and3A_465 : vector<16xi32>
        %add3A_467 = arith.addi %add3A_448, %and3A_466 : vector<16xi32>
        %get3A_468 = arith.constant 7 : i32
        %get3A_469 = arith.index_cast %scan3A_17 : i32 to index
        %get3A_470 = arith.index_cast %get3A_468 : i32 to index
        %get3A_471 = arith.index_cast %mul3A_337 : i32 to index
        %get3A_472 = tpu.vector_load %arg6[%get3A_469, %get3A_470, %get3A_471] {strides = array<i32>} : memref<8x8x128xi32, #tpu.memory_space<vmem>>, vector<16xi32>,
        %broadcast_in_dim3A_473 = arith.constant 7 : i32
        %broadcast_in_dim3A_474 = vector.broadcast %broadcast_in_dim3A_473 : i32 to vector<16xi32>
        %and3A_475 = arith.constant 127 : i32
        %and3A_476 = vector.broadcast %and3A_475 : i32 to vector<16xi32>
        %and3A_477 = arith.andi %get3A_472, %and3A_476 : vector<16xi32>
        %gather3A_478 = tpu.vector_load_idx %arg5[%broadcast_in_dim3A_474, %and3A_477] : memref<8x384xi32, #tpu.memory_space<vmem>>[vector<16xi32>, vector<16xi32>], vector<16xi32>,
        %shift_right_logical3A_479 = arith.constant 7 : i32
        %shift_right_logical3A_480 = vector.broadcast %shift_right_logical3A_479 : i32 to vector<16xi32>
        %shift_right_logical3A_481 = arith.shrui %get3A_472, %shift_right_logical3A_480 : vector<16xi32>
        %shift_right_logical3A_482 = arith.shrui %gather3A_478, %shift_right_logical3A_481 : vector<16xi32>
        %and3A_483 = arith.constant 1 : i32
        %and3A_484 = vector.broadcast %and3A_483 : i32 to vector<16xi32>
        %and3A_485 = arith.andi %shift_right_logical3A_482, %and3A_484 : vector<16xi32>
        %add3A_486 = arith.addi %add3A_467, %and3A_485 : vector<16xi32>
        %add3A_487 = vector.broadcast %mul3A_337 : i32 to vector<16xi32>
        %add3A_488 = arith.addi %iota3A, %add3A_487 : vector<16xi32>
        %le3A = vector.broadcast %add3A : i32 to vector<16xi32>
        %le3A_489 = arith.cmpi sle, %add3A_488, %le3A : vector<16xi32>
        %jit3A_490 = arith.constant 0 : i32
        %broadcast_in_dim3A_491 = vector.broadcast %jit3A_490 : i32 to vector<16xi32>
        %select_n3A_492 = arith.select %le3A_489, %add3A_486, %broadcast_in_dim3A_491 : vector<16xi1>, vector<16xi32>
        %swap3A = arith.index_cast %scan3A_17 : i32 to index
        %swap3A_493 = arith.index_cast %mul3A_337 : i32 to index
        %swap3A_494 = tpu.vector_load %arg7[%swap3A, %swap3A_493] {strides = array<i32>} : memref<8x128xi32, #tpu.memory_space<vmem>>, vector<16xi32>,
        tpu.vector_store %arg7[%swap3A, %swap3A_493], %select_n3A_492 {strides = array<i32>} : memref<8x128xi32, #tpu.memory_space<vmem>>, vector<16xi32>,
        %ge3A_495 = arith.constant 4 : i32
        %ge3A_496 = vector.broadcast %ge3A_495 : i32 to vector<16xi32>
        %ge3A_497 = arith.cmpi sge, %select_n3A_492, %ge3A_496 : vector<16xi32>
        %jit3A_498 = arith.constant 1 : i32
        %jit3A_499 = arith.constant 0 : i32
        %broadcast_in_dim3A_500 = vector.broadcast %jit3A_498 : i32 to vector<16xi32>
        %broadcast_in_dim3A_501 = vector.broadcast %jit3A_499 : i32 to vector<16xi32>
        %select_n3A_502 = arith.select %ge3A_497, %broadcast_in_dim3A_500, %broadcast_in_dim3A_501 : vector<16xi1>, vector<16xi32>
        %add3A_503 = arith.addi %scan3A_334, %select_n3A_502 : vector<16xi32>
        %max3A = arith.maxsi %scan3A_335, %select_n3A_492 : vector<16xi32>
        scf.yield %add3A_503, %max3A : vector<16xi32>, vector<16xi32>
      }
      %scan3A_23 = arith.constant 8 : i32
      %reduce_sum3A = arith.constant true
      %reduce_sum3A_24 = vector.broadcast %reduce_sum3A : i1 to vector<16xi1>
      %reduce_sum3A_25 = tpu.scan <sum>, %scan3A_22#0 masked %reduce_sum3A_24 : vector<16xi32>, vector<16xi1> -> vector<16xi32>
      %reduce_sum3A_26 = vector.extract %reduce_sum3A_25[15] : i32 from vector<16xi32>
      %reduce_max3A = arith.constant true
      %reduce_max3A_27 = vector.broadcast %reduce_max3A : i1 to vector<16xi1>
      %reduce_max3A_28 = arith.constant -2147483648 : i32
      %reduce_max3A_29 = vector.broadcast %reduce_max3A_28 : i32 to vector<16xi32>
      %reduce_max3A_30 = arith.xori %scan3A_22#1, %reduce_max3A_29 : vector<16xi32>
      %reduce_max3A_31 = tpu.scan <max>, %reduce_max3A_30 masked %reduce_max3A_27 : vector<16xi32>, vector<16xi1> -> vector<16xi32>
      %reduce_max3A_32 = arith.xori %reduce_max3A_31, %reduce_max3A_29 : vector<16xi32>
      %reduce_max3A_33 = vector.extract %reduce_max3A_32[15] : i32 from vector<16xi32>
      %broadcast_in_dim3A_34 = arith.constant 128 : i32
      %broadcast_in_dim3A_35 = vector.broadcast %broadcast_in_dim3A_34 : i32 to vector<16xi32>
      %scan3A_36 = arith.constant 0 : i32
      %scan3A_37 = arith.constant 8 : i32
      %scan3A_38 = arith.addi %scan3A_36, %scan3A_37 : i32
      %scan3A_39 = arith.constant 1 : i32
      %scan3A_40 = scf.for %scan3A_333 = %scan3A_36 to %scan3A_38 step %scan3A_39 iter_args(%scan3A_334 = %broadcast_in_dim3A_35) -> (vector<16xi32>)  : i32 {
        %mul3A_335 = arith.constant 16 : i32
        %mul3A_336 = arith.muli %scan3A_333, %mul3A_335 : i32
        %get3A_337 = arith.index_cast %scan3A_17 : i32 to index
        %get3A_338 = arith.index_cast %mul3A_336 : i32 to index
        %get3A_339 = tpu.vector_load %arg7[%get3A_337, %get3A_338] {strides = array<i32>} : memref<8x128xi32, #tpu.memory_space<vmem>>, vector<16xi32>,
        %eq3A_340 = vector.broadcast %reduce_max3A_33 : i32 to vector<16xi32>
        %eq3A_341 = arith.cmpi eq, %get3A_339, %eq3A_340 : vector<16xi32>
        %add3A_342 = vector.broadcast %mul3A_336 : i32 to vector<16xi32>
        %add3A_343 = arith.addi %iota3A, %add3A_342 : vector<16xi32>
        %jit3A_344 = arith.constant 128 : i32
        %broadcast_in_dim3A_345 = vector.broadcast %jit3A_344 : i32 to vector<16xi32>
        %select_n3A_346 = arith.select %eq3A_341, %add3A_343, %broadcast_in_dim3A_345 : vector<16xi1>, vector<16xi32>
        %min3A = arith.minsi %scan3A_334, %select_n3A_346 : vector<16xi32>
        scf.yield %min3A : vector<16xi32>
      }
      %scan3A_41 = arith.constant 8 : i32
      %reduce_min3A = arith.constant true
      %reduce_min3A_42 = vector.broadcast %reduce_min3A : i1 to vector<16xi1>
      %reduce_min3A_43 = arith.constant -2147483648 : i32
      %reduce_min3A_44 = vector.broadcast %reduce_min3A_43 : i32 to vector<16xi32>
      %reduce_min3A_45 = arith.xori %scan3A_40, %reduce_min3A_44 : vector<16xi32>
      %reduce_min3A_46 = tpu.scan <min>, %reduce_min3A_45 masked %reduce_min3A_42 : vector<16xi32>, vector<16xi1> -> vector<16xi32>
      %reduce_min3A_47 = arith.xori %reduce_min3A_46, %reduce_min3A_44 : vector<16xi32>
      %reduce_min3A_48 = vector.extract %reduce_min3A_47[15] : i32 from vector<16xi32>
      %eq3A = arith.constant 0 : i32
      %eq3A_49 = arith.cmpi eq, %reduce_sum3A_26, %eq3A : i32
      %jit3A = arith.constant 1 : i32
      %jit3A_50 = arith.constant 0 : i32
      %select_n3A = arith.select %eq3A_49, %jit3A, %jit3A_50 : i32
      %get3A = arith.index_cast %scan3A_17 : i32 to index
      %get3A_51 = arith.constant 0 : index
      %get3A_52 = tpu.vector_load %arg7[%get3A, %get3A_51] {strides = array<i32>} : memref<8x128xi32, #tpu.memory_space<vmem>>, vector<16xi32>,
      %ge3A = arith.constant 4 : i32
      %ge3A_53 = vector.broadcast %ge3A : i32 to vector<16xi32>
      %ge3A_54 = arith.cmpi sge, %get3A_52, %ge3A_53 : vector<16xi32>
      %jit3A_55 = arith.constant 1 : i32
      %jit3A_56 = arith.constant 0 : i32
      %broadcast_in_dim3A_57 = vector.broadcast %jit3A_55 : i32 to vector<16xi32>
      %broadcast_in_dim3A_58 = vector.broadcast %jit3A_56 : i32 to vector<16xi32>
      %select_n3A_59 = arith.select %ge3A_54, %broadcast_in_dim3A_57, %broadcast_in_dim3A_58 : vector<16xi1>, vector<16xi32>
      %sub3A = arith.constant 1 : i32
      %sub3A_60 = arith.subi %sub3A, %select_n3A : i32
      %mul3A_61 = vector.broadcast %sub3A_60 : i32 to vector<16xi32>
      %mul3A_62 = arith.muli %select_n3A_59, %mul3A_61 : vector<16xi32>
      %add3A_63 = arith.constant 0 : i32
      %add3A_64 = vector.broadcast %add3A_63 : i32 to vector<16xi32>
      %add3A_65 = arith.addi %iota3A, %add3A_64 : vector<16xi32>
      %eq3A_66 = vector.broadcast %reduce_min3A_48 : i32 to vector<16xi32>
      %eq3A_67 = arith.cmpi eq, %add3A_65, %eq3A_66 : vector<16xi32>
      %jit3A_68 = arith.constant 1 : i32
      %jit3A_69 = arith.constant 0 : i32
      %broadcast_in_dim3A_70 = vector.broadcast %jit3A_68 : i32 to vector<16xi32>
      %broadcast_in_dim3A_71 = vector.broadcast %jit3A_69 : i32 to vector<16xi32>
      %select_n3A_72 = arith.select %eq3A_67, %broadcast_in_dim3A_70, %broadcast_in_dim3A_71 : vector<16xi1>, vector<16xi32>
      %mul3A_73 = vector.broadcast %select_n3A : i32 to vector<16xi32>
      %mul3A_74 = arith.muli %select_n3A_72, %mul3A_73 : vector<16xi32>
      %add3A_75 = arith.addi %mul3A_62, %mul3A_74 : vector<16xi32>
      %add3A_76 = arith.constant 0 : i32
      %add3A_77 = vector.broadcast %add3A_76 : i32 to vector<16xi32>
      %add3A_78 = arith.addi %iota3A, %add3A_77 : vector<16xi32>
      %shift_left3A = arith.shli %add3A_75, %add3A_78 : vector<16xi32>
      %add3A_79 = arith.addi %broadcast_in_dim3A_11, %shift_left3A : vector<16xi32>
      %get3A_80 = arith.index_cast %scan3A_17 : i32 to index
      %get3A_81 = arith.constant 16 : index
      %get3A_82 = tpu.vector_load %arg7[%get3A_80, %get3A_81] {strides = array<i32>} : memref<8x128xi32, #tpu.memory_space<vmem>>, vector<16xi32>,
      %ge3A_83 = arith.constant 4 : i32
      %ge3A_84 = vector.broadcast %ge3A_83 : i32 to vector<16xi32>
      %ge3A_85 = arith.cmpi sge, %get3A_82, %ge3A_84 : vector<16xi32>
      %jit3A_86 = arith.constant 1 : i32
      %jit3A_87 = arith.constant 0 : i32
      %broadcast_in_dim3A_88 = vector.broadcast %jit3A_86 : i32 to vector<16xi32>
      %broadcast_in_dim3A_89 = vector.broadcast %jit3A_87 : i32 to vector<16xi32>
      %select_n3A_90 = arith.select %ge3A_85, %broadcast_in_dim3A_88, %broadcast_in_dim3A_89 : vector<16xi1>, vector<16xi32>
      %sub3A_91 = arith.constant 1 : i32
      %sub3A_92 = arith.subi %sub3A_91, %select_n3A : i32
      %mul3A_93 = vector.broadcast %sub3A_92 : i32 to vector<16xi32>
      %mul3A_94 = arith.muli %select_n3A_90, %mul3A_93 : vector<16xi32>
      %add3A_95 = arith.constant 16 : i32
      %add3A_96 = vector.broadcast %add3A_95 : i32 to vector<16xi32>
      %add3A_97 = arith.addi %iota3A, %add3A_96 : vector<16xi32>
      %eq3A_98 = vector.broadcast %reduce_min3A_48 : i32 to vector<16xi32>
      %eq3A_99 = arith.cmpi eq, %add3A_97, %eq3A_98 : vector<16xi32>
      %jit3A_100 = arith.constant 1 : i32
      %jit3A_101 = arith.constant 0 : i32
      %broadcast_in_dim3A_102 = vector.broadcast %jit3A_100 : i32 to vector<16xi32>
      %broadcast_in_dim3A_103 = vector.broadcast %jit3A_101 : i32 to vector<16xi32>
      %select_n3A_104 = arith.select %eq3A_99, %broadcast_in_dim3A_102, %broadcast_in_dim3A_103 : vector<16xi1>, vector<16xi32>
      %mul3A_105 = vector.broadcast %select_n3A : i32 to vector<16xi32>
      %mul3A_106 = arith.muli %select_n3A_104, %mul3A_105 : vector<16xi32>
      %add3A_107 = arith.addi %mul3A_94, %mul3A_106 : vector<16xi32>
      %add3A_108 = arith.constant 16 : i32
      %add3A_109 = vector.broadcast %add3A_108 : i32 to vector<16xi32>
      %add3A_110 = arith.addi %iota3A, %add3A_109 : vector<16xi32>
      %shift_left3A_111 = arith.shli %add3A_107, %add3A_110 : vector<16xi32>
      %add3A_112 = arith.addi %add3A_79, %shift_left3A_111 : vector<16xi32>
      %reduce_sum3A_113 = arith.constant true
      %reduce_sum3A_114 = vector.broadcast %reduce_sum3A_113 : i1 to vector<16xi1>
      %reduce_sum3A_115 = tpu.scan <sum>, %add3A_112 masked %reduce_sum3A_114 : vector<16xi32>, vector<16xi1> -> vector<16xi32>
      %reduce_sum3A_116 = vector.extract %reduce_sum3A_115[15] : i32 from vector<16xi32>
      %get3A_117 = arith.index_cast %scan3A_17 : i32 to index
      %get3A_118 = arith.constant 32 : index
      %get3A_119 = tpu.vector_load %arg7[%get3A_117, %get3A_118] {strides = array<i32>} : memref<8x128xi32, #tpu.memory_space<vmem>>, vector<16xi32>,
      %ge3A_120 = arith.constant 4 : i32
      %ge3A_121 = vector.broadcast %ge3A_120 : i32 to vector<16xi32>
      %ge3A_122 = arith.cmpi sge, %get3A_119, %ge3A_121 : vector<16xi32>
      %jit3A_123 = arith.constant 1 : i32
      %jit3A_124 = arith.constant 0 : i32
      %broadcast_in_dim3A_125 = vector.broadcast %jit3A_123 : i32 to vector<16xi32>
      %broadcast_in_dim3A_126 = vector.broadcast %jit3A_124 : i32 to vector<16xi32>
      %select_n3A_127 = arith.select %ge3A_122, %broadcast_in_dim3A_125, %broadcast_in_dim3A_126 : vector<16xi1>, vector<16xi32>
      %sub3A_128 = arith.constant 1 : i32
      %sub3A_129 = arith.subi %sub3A_128, %select_n3A : i32
      %mul3A_130 = vector.broadcast %sub3A_129 : i32 to vector<16xi32>
      %mul3A_131 = arith.muli %select_n3A_127, %mul3A_130 : vector<16xi32>
      %add3A_132 = arith.constant 32 : i32
      %add3A_133 = vector.broadcast %add3A_132 : i32 to vector<16xi32>
      %add3A_134 = arith.addi %iota3A, %add3A_133 : vector<16xi32>
      %eq3A_135 = vector.broadcast %reduce_min3A_48 : i32 to vector<16xi32>
      %eq3A_136 = arith.cmpi eq, %add3A_134, %eq3A_135 : vector<16xi32>
      %jit3A_137 = arith.constant 1 : i32
      %jit3A_138 = arith.constant 0 : i32
      %broadcast_in_dim3A_139 = vector.broadcast %jit3A_137 : i32 to vector<16xi32>
      %broadcast_in_dim3A_140 = vector.broadcast %jit3A_138 : i32 to vector<16xi32>
      %select_n3A_141 = arith.select %eq3A_136, %broadcast_in_dim3A_139, %broadcast_in_dim3A_140 : vector<16xi1>, vector<16xi32>
      %mul3A_142 = vector.broadcast %select_n3A : i32 to vector<16xi32>
      %mul3A_143 = arith.muli %select_n3A_141, %mul3A_142 : vector<16xi32>
      %add3A_144 = arith.addi %mul3A_131, %mul3A_143 : vector<16xi32>
      %add3A_145 = arith.constant 0 : i32
      %add3A_146 = vector.broadcast %add3A_145 : i32 to vector<16xi32>
      %add3A_147 = arith.addi %iota3A, %add3A_146 : vector<16xi32>
      %shift_left3A_148 = arith.shli %add3A_144, %add3A_147 : vector<16xi32>
      %add3A_149 = arith.addi %broadcast_in_dim3A_11, %shift_left3A_148 : vector<16xi32>
      %get3A_150 = arith.index_cast %scan3A_17 : i32 to index
      %get3A_151 = arith.constant 48 : index
      %get3A_152 = tpu.vector_load %arg7[%get3A_150, %get3A_151] {strides = array<i32>} : memref<8x128xi32, #tpu.memory_space<vmem>>, vector<16xi32>,
      %ge3A_153 = arith.constant 4 : i32
      %ge3A_154 = vector.broadcast %ge3A_153 : i32 to vector<16xi32>
      %ge3A_155 = arith.cmpi sge, %get3A_152, %ge3A_154 : vector<16xi32>
      %jit3A_156 = arith.constant 1 : i32
      %jit3A_157 = arith.constant 0 : i32
      %broadcast_in_dim3A_158 = vector.broadcast %jit3A_156 : i32 to vector<16xi32>
      %broadcast_in_dim3A_159 = vector.broadcast %jit3A_157 : i32 to vector<16xi32>
      %select_n3A_160 = arith.select %ge3A_155, %broadcast_in_dim3A_158, %broadcast_in_dim3A_159 : vector<16xi1>, vector<16xi32>
      %sub3A_161 = arith.constant 1 : i32
      %sub3A_162 = arith.subi %sub3A_161, %select_n3A : i32
      %mul3A_163 = vector.broadcast %sub3A_162 : i32 to vector<16xi32>
      %mul3A_164 = arith.muli %select_n3A_160, %mul3A_163 : vector<16xi32>
      %add3A_165 = arith.constant 48 : i32
      %add3A_166 = vector.broadcast %add3A_165 : i32 to vector<16xi32>
      %add3A_167 = arith.addi %iota3A, %add3A_166 : vector<16xi32>
      %eq3A_168 = vector.broadcast %reduce_min3A_48 : i32 to vector<16xi32>
      %eq3A_169 = arith.cmpi eq, %add3A_167, %eq3A_168 : vector<16xi32>
      %jit3A_170 = arith.constant 1 : i32
      %jit3A_171 = arith.constant 0 : i32
      %broadcast_in_dim3A_172 = vector.broadcast %jit3A_170 : i32 to vector<16xi32>
      %broadcast_in_dim3A_173 = vector.broadcast %jit3A_171 : i32 to vector<16xi32>
      %select_n3A_174 = arith.select %eq3A_169, %broadcast_in_dim3A_172, %broadcast_in_dim3A_173 : vector<16xi1>, vector<16xi32>
      %mul3A_175 = vector.broadcast %select_n3A : i32 to vector<16xi32>
      %mul3A_176 = arith.muli %select_n3A_174, %mul3A_175 : vector<16xi32>
      %add3A_177 = arith.addi %mul3A_164, %mul3A_176 : vector<16xi32>
      %add3A_178 = arith.constant 16 : i32
      %add3A_179 = vector.broadcast %add3A_178 : i32 to vector<16xi32>
      %add3A_180 = arith.addi %iota3A, %add3A_179 : vector<16xi32>
      %shift_left3A_181 = arith.shli %add3A_177, %add3A_180 : vector<16xi32>
      %add3A_182 = arith.addi %add3A_149, %shift_left3A_181 : vector<16xi32>
      %reduce_sum3A_183 = arith.constant true
      %reduce_sum3A_184 = vector.broadcast %reduce_sum3A_183 : i1 to vector<16xi1>
      %reduce_sum3A_185 = tpu.scan <sum>, %add3A_182 masked %reduce_sum3A_184 : vector<16xi32>, vector<16xi1> -> vector<16xi32>
      %reduce_sum3A_186 = vector.extract %reduce_sum3A_185[15] : i32 from vector<16xi32>
      %get3A_187 = arith.index_cast %scan3A_17 : i32 to index
      %get3A_188 = arith.constant 64 : index
      %get3A_189 = tpu.vector_load %arg7[%get3A_187, %get3A_188] {strides = array<i32>} : memref<8x128xi32, #tpu.memory_space<vmem>>, vector<16xi32>,
      %ge3A_190 = arith.constant 4 : i32
      %ge3A_191 = vector.broadcast %ge3A_190 : i32 to vector<16xi32>
      %ge3A_192 = arith.cmpi sge, %get3A_189, %ge3A_191 : vector<16xi32>
      %jit3A_193 = arith.constant 1 : i32
      %jit3A_194 = arith.constant 0 : i32
      %broadcast_in_dim3A_195 = vector.broadcast %jit3A_193 : i32 to vector<16xi32>
      %broadcast_in_dim3A_196 = vector.broadcast %jit3A_194 : i32 to vector<16xi32>
      %select_n3A_197 = arith.select %ge3A_192, %broadcast_in_dim3A_195, %broadcast_in_dim3A_196 : vector<16xi1>, vector<16xi32>
      %sub3A_198 = arith.constant 1 : i32
      %sub3A_199 = arith.subi %sub3A_198, %select_n3A : i32
      %mul3A_200 = vector.broadcast %sub3A_199 : i32 to vector<16xi32>
      %mul3A_201 = arith.muli %select_n3A_197, %mul3A_200 : vector<16xi32>
      %add3A_202 = arith.constant 64 : i32
      %add3A_203 = vector.broadcast %add3A_202 : i32 to vector<16xi32>
      %add3A_204 = arith.addi %iota3A, %add3A_203 : vector<16xi32>
      %eq3A_205 = vector.broadcast %reduce_min3A_48 : i32 to vector<16xi32>
      %eq3A_206 = arith.cmpi eq, %add3A_204, %eq3A_205 : vector<16xi32>
      %jit3A_207 = arith.constant 1 : i32
      %jit3A_208 = arith.constant 0 : i32
      %broadcast_in_dim3A_209 = vector.broadcast %jit3A_207 : i32 to vector<16xi32>
      %broadcast_in_dim3A_210 = vector.broadcast %jit3A_208 : i32 to vector<16xi32>
      %select_n3A_211 = arith.select %eq3A_206, %broadcast_in_dim3A_209, %broadcast_in_dim3A_210 : vector<16xi1>, vector<16xi32>
      %mul3A_212 = vector.broadcast %select_n3A : i32 to vector<16xi32>
      %mul3A_213 = arith.muli %select_n3A_211, %mul3A_212 : vector<16xi32>
      %add3A_214 = arith.addi %mul3A_201, %mul3A_213 : vector<16xi32>
      %add3A_215 = arith.constant 0 : i32
      %add3A_216 = vector.broadcast %add3A_215 : i32 to vector<16xi32>
      %add3A_217 = arith.addi %iota3A, %add3A_216 : vector<16xi32>
      %shift_left3A_218 = arith.shli %add3A_214, %add3A_217 : vector<16xi32>
      %add3A_219 = arith.addi %broadcast_in_dim3A_11, %shift_left3A_218 : vector<16xi32>
      %get3A_220 = arith.index_cast %scan3A_17 : i32 to index
      %get3A_221 = arith.constant 80 : index
      %get3A_222 = tpu.vector_load %arg7[%get3A_220, %get3A_221] {strides = array<i32>} : memref<8x128xi32, #tpu.memory_space<vmem>>, vector<16xi32>,
      %ge3A_223 = arith.constant 4 : i32
      %ge3A_224 = vector.broadcast %ge3A_223 : i32 to vector<16xi32>
      %ge3A_225 = arith.cmpi sge, %get3A_222, %ge3A_224 : vector<16xi32>
      %jit3A_226 = arith.constant 1 : i32
      %jit3A_227 = arith.constant 0 : i32
      %broadcast_in_dim3A_228 = vector.broadcast %jit3A_226 : i32 to vector<16xi32>
      %broadcast_in_dim3A_229 = vector.broadcast %jit3A_227 : i32 to vector<16xi32>
      %select_n3A_230 = arith.select %ge3A_225, %broadcast_in_dim3A_228, %broadcast_in_dim3A_229 : vector<16xi1>, vector<16xi32>
      %sub3A_231 = arith.constant 1 : i32
      %sub3A_232 = arith.subi %sub3A_231, %select_n3A : i32
      %mul3A_233 = vector.broadcast %sub3A_232 : i32 to vector<16xi32>
      %mul3A_234 = arith.muli %select_n3A_230, %mul3A_233 : vector<16xi32>
      %add3A_235 = arith.constant 80 : i32
      %add3A_236 = vector.broadcast %add3A_235 : i32 to vector<16xi32>
      %add3A_237 = arith.addi %iota3A, %add3A_236 : vector<16xi32>
      %eq3A_238 = vector.broadcast %reduce_min3A_48 : i32 to vector<16xi32>
      %eq3A_239 = arith.cmpi eq, %add3A_237, %eq3A_238 : vector<16xi32>
      %jit3A_240 = arith.constant 1 : i32
      %jit3A_241 = arith.constant 0 : i32
      %broadcast_in_dim3A_242 = vector.broadcast %jit3A_240 : i32 to vector<16xi32>
      %broadcast_in_dim3A_243 = vector.broadcast %jit3A_241 : i32 to vector<16xi32>
      %select_n3A_244 = arith.select %eq3A_239, %broadcast_in_dim3A_242, %broadcast_in_dim3A_243 : vector<16xi1>, vector<16xi32>
      %mul3A_245 = vector.broadcast %select_n3A : i32 to vector<16xi32>
      %mul3A_246 = arith.muli %select_n3A_244, %mul3A_245 : vector<16xi32>
      %add3A_247 = arith.addi %mul3A_234, %mul3A_246 : vector<16xi32>
      %add3A_248 = arith.constant 16 : i32
      %add3A_249 = vector.broadcast %add3A_248 : i32 to vector<16xi32>
      %add3A_250 = arith.addi %iota3A, %add3A_249 : vector<16xi32>
      %shift_left3A_251 = arith.shli %add3A_247, %add3A_250 : vector<16xi32>
      %add3A_252 = arith.addi %add3A_219, %shift_left3A_251 : vector<16xi32>
      %reduce_sum3A_253 = arith.constant true
      %reduce_sum3A_254 = vector.broadcast %reduce_sum3A_253 : i1 to vector<16xi1>
      %reduce_sum3A_255 = tpu.scan <sum>, %add3A_252 masked %reduce_sum3A_254 : vector<16xi32>, vector<16xi1> -> vector<16xi32>
      %reduce_sum3A_256 = vector.extract %reduce_sum3A_255[15] : i32 from vector<16xi32>
      %get3A_257 = arith.index_cast %scan3A_17 : i32 to index
      %get3A_258 = arith.constant 96 : index
      %get3A_259 = tpu.vector_load %arg7[%get3A_257, %get3A_258] {strides = array<i32>} : memref<8x128xi32, #tpu.memory_space<vmem>>, vector<16xi32>,
      %ge3A_260 = arith.constant 4 : i32
      %ge3A_261 = vector.broadcast %ge3A_260 : i32 to vector<16xi32>
      %ge3A_262 = arith.cmpi sge, %get3A_259, %ge3A_261 : vector<16xi32>
      %jit3A_263 = arith.constant 1 : i32
      %jit3A_264 = arith.constant 0 : i32
      %broadcast_in_dim3A_265 = vector.broadcast %jit3A_263 : i32 to vector<16xi32>
      %broadcast_in_dim3A_266 = vector.broadcast %jit3A_264 : i32 to vector<16xi32>
      %select_n3A_267 = arith.select %ge3A_262, %broadcast_in_dim3A_265, %broadcast_in_dim3A_266 : vector<16xi1>, vector<16xi32>
      %sub3A_268 = arith.constant 1 : i32
      %sub3A_269 = arith.subi %sub3A_268, %select_n3A : i32
      %mul3A_270 = vector.broadcast %sub3A_269 : i32 to vector<16xi32>
      %mul3A_271 = arith.muli %select_n3A_267, %mul3A_270 : vector<16xi32>
      %add3A_272 = arith.constant 96 : i32
      %add3A_273 = vector.broadcast %add3A_272 : i32 to vector<16xi32>
      %add3A_274 = arith.addi %iota3A, %add3A_273 : vector<16xi32>
      %eq3A_275 = vector.broadcast %reduce_min3A_48 : i32 to vector<16xi32>
      %eq3A_276 = arith.cmpi eq, %add3A_274, %eq3A_275 : vector<16xi32>
      %jit3A_277 = arith.constant 1 : i32
      %jit3A_278 = arith.constant 0 : i32
      %broadcast_in_dim3A_279 = vector.broadcast %jit3A_277 : i32 to vector<16xi32>
      %broadcast_in_dim3A_280 = vector.broadcast %jit3A_278 : i32 to vector<16xi32>
      %select_n3A_281 = arith.select %eq3A_276, %broadcast_in_dim3A_279, %broadcast_in_dim3A_280 : vector<16xi1>, vector<16xi32>
      %mul3A_282 = vector.broadcast %select_n3A : i32 to vector<16xi32>
      %mul3A_283 = arith.muli %select_n3A_281, %mul3A_282 : vector<16xi32>
      %add3A_284 = arith.addi %mul3A_271, %mul3A_283 : vector<16xi32>
      %add3A_285 = arith.constant 0 : i32
      %add3A_286 = vector.broadcast %add3A_285 : i32 to vector<16xi32>
      %add3A_287 = arith.addi %iota3A, %add3A_286 : vector<16xi32>
      %shift_left3A_288 = arith.shli %add3A_284, %add3A_287 : vector<16xi32>
      %add3A_289 = arith.addi %broadcast_in_dim3A_11, %shift_left3A_288 : vector<16xi32>
      %get3A_290 = arith.index_cast %scan3A_17 : i32 to index
      %get3A_291 = arith.constant 112 : index
      %get3A_292 = tpu.vector_load %arg7[%get3A_290, %get3A_291] {strides = array<i32>} : memref<8x128xi32, #tpu.memory_space<vmem>>, vector<16xi32>,
      %ge3A_293 = arith.constant 4 : i32
      %ge3A_294 = vector.broadcast %ge3A_293 : i32 to vector<16xi32>
      %ge3A_295 = arith.cmpi sge, %get3A_292, %ge3A_294 : vector<16xi32>
      %jit3A_296 = arith.constant 1 : i32
      %jit3A_297 = arith.constant 0 : i32
      %broadcast_in_dim3A_298 = vector.broadcast %jit3A_296 : i32 to vector<16xi32>
      %broadcast_in_dim3A_299 = vector.broadcast %jit3A_297 : i32 to vector<16xi32>
      %select_n3A_300 = arith.select %ge3A_295, %broadcast_in_dim3A_298, %broadcast_in_dim3A_299 : vector<16xi1>, vector<16xi32>
      %sub3A_301 = arith.constant 1 : i32
      %sub3A_302 = arith.subi %sub3A_301, %select_n3A : i32
      %mul3A_303 = vector.broadcast %sub3A_302 : i32 to vector<16xi32>
      %mul3A_304 = arith.muli %select_n3A_300, %mul3A_303 : vector<16xi32>
      %add3A_305 = arith.constant 112 : i32
      %add3A_306 = vector.broadcast %add3A_305 : i32 to vector<16xi32>
      %add3A_307 = arith.addi %iota3A, %add3A_306 : vector<16xi32>
      %eq3A_308 = vector.broadcast %reduce_min3A_48 : i32 to vector<16xi32>
      %eq3A_309 = arith.cmpi eq, %add3A_307, %eq3A_308 : vector<16xi32>
      %jit3A_310 = arith.constant 1 : i32
      %jit3A_311 = arith.constant 0 : i32
      %broadcast_in_dim3A_312 = vector.broadcast %jit3A_310 : i32 to vector<16xi32>
      %broadcast_in_dim3A_313 = vector.broadcast %jit3A_311 : i32 to vector<16xi32>
      %select_n3A_314 = arith.select %eq3A_309, %broadcast_in_dim3A_312, %broadcast_in_dim3A_313 : vector<16xi1>, vector<16xi32>
      %mul3A_315 = vector.broadcast %select_n3A : i32 to vector<16xi32>
      %mul3A_316 = arith.muli %select_n3A_314, %mul3A_315 : vector<16xi32>
      %add3A_317 = arith.addi %mul3A_304, %mul3A_316 : vector<16xi32>
      %add3A_318 = arith.constant 16 : i32
      %add3A_319 = vector.broadcast %add3A_318 : i32 to vector<16xi32>
      %add3A_320 = arith.addi %iota3A, %add3A_319 : vector<16xi32>
      %shift_left3A_321 = arith.shli %add3A_317, %add3A_320 : vector<16xi32>
      %add3A_322 = arith.addi %add3A_289, %shift_left3A_321 : vector<16xi32>
      %reduce_sum3A_323 = arith.constant true
      %reduce_sum3A_324 = vector.broadcast %reduce_sum3A_323 : i1 to vector<16xi1>
      %reduce_sum3A_325 = tpu.scan <sum>, %add3A_322 masked %reduce_sum3A_324 : vector<16xi32>, vector<16xi1> -> vector<16xi32>
      %reduce_sum3A_326 = vector.extract %reduce_sum3A_325[15] : i32 from vector<16xi32>
      %scan3A_327 = arith.constant 0 : i32
      %scan3A_328 = arith.constant 0 : i32
      %scan3A_329 = arith.constant 16 : i32
      %scan3A_330 = arith.addi %scan3A_328, %scan3A_329 : i32
      %scan3A_331 = arith.constant 1 : i32
      scf.for %scan3A_333 = %scan3A_328 to %scan3A_330 step %scan3A_331  : i32 {
        %mul3A_334 = arith.constant 16 : i32
        %mul3A_335 = arith.muli %scan3A_333, %mul3A_334 : i32
        %add3A_336 = arith.constant 128 : i32
        %add3A_337 = arith.addi %add3A_336, %mul3A_335 : i32
        %get3A_338 = arith.constant 0 : i32
        %get3A_339 = arith.index_cast %get3A_338 : i32 to index
        %get3A_340 = arith.index_cast %add3A_337 : i32 to index
        %get3A_341 = tpu.vector_load %arg5[%get3A_339, %get3A_340] {strides = array<i32>} : memref<8x384xi32, #tpu.memory_space<vmem>>, vector<16xi32>,
        %and3A = vector.broadcast %reduce_sum3A_116 : i32 to vector<16xi32>
        %and3A_342 = arith.andi %get3A_341, %and3A : vector<16xi32>
        %xor3A = arith.xori %broadcast_in_dim3A_11, %and3A_342 : vector<16xi32>
        %add3A_343 = arith.constant 128 : i32
        %add3A_344 = arith.addi %add3A_343, %mul3A_335 : i32
        %get3A_345 = arith.constant 1 : i32
        %get3A_346 = arith.index_cast %get3A_345 : i32 to index
        %get3A_347 = arith.index_cast %add3A_344 : i32 to index
        %get3A_348 = tpu.vector_load %arg5[%get3A_346, %get3A_347] {strides = array<i32>} : memref<8x384xi32, #tpu.memory_space<vmem>>, vector<16xi32>,
        %and3A_349 = vector.broadcast %reduce_sum3A_186 : i32 to vector<16xi32>
        %and3A_350 = arith.andi %get3A_348, %and3A_349 : vector<16xi32>
        %xor3A_351 = arith.xori %xor3A, %and3A_350 : vector<16xi32>
        %add3A_352 = arith.constant 128 : i32
        %add3A_353 = arith.addi %add3A_352, %mul3A_335 : i32
        %get3A_354 = arith.constant 2 : i32
        %get3A_355 = arith.index_cast %get3A_354 : i32 to index
        %get3A_356 = arith.index_cast %add3A_353 : i32 to index
        %get3A_357 = tpu.vector_load %arg5[%get3A_355, %get3A_356] {strides = array<i32>} : memref<8x384xi32, #tpu.memory_space<vmem>>, vector<16xi32>,
        %and3A_358 = vector.broadcast %reduce_sum3A_256 : i32 to vector<16xi32>
        %and3A_359 = arith.andi %get3A_357, %and3A_358 : vector<16xi32>
        %xor3A_360 = arith.xori %xor3A_351, %and3A_359 : vector<16xi32>
        %add3A_361 = arith.constant 128 : i32
        %add3A_362 = arith.addi %add3A_361, %mul3A_335 : i32
        %get3A_363 = arith.constant 3 : i32
        %get3A_364 = arith.index_cast %get3A_363 : i32 to index
        %get3A_365 = arith.index_cast %add3A_362 : i32 to index
        %get3A_366 = tpu.vector_load %arg5[%get3A_364, %get3A_365] {strides = array<i32>} : memref<8x384xi32, #tpu.memory_space<vmem>>, vector<16xi32>,
        %and3A_367 = vector.broadcast %reduce_sum3A_326 : i32 to vector<16xi32>
        %and3A_368 = arith.andi %get3A_366, %and3A_367 : vector<16xi32>
        %xor3A_369 = arith.xori %xor3A_360, %and3A_368 : vector<16xi32>
        %shift_right_logical3A = arith.constant 16 : i32
        %shift_right_logical3A_370 = vector.broadcast %shift_right_logical3A : i32 to vector<16xi32>
        %shift_right_logical3A_371 = arith.shrui %xor3A_369, %shift_right_logical3A_370 : vector<16xi32>
        %xor3A_372 = arith.xori %xor3A_369, %shift_right_logical3A_371 : vector<16xi32>
        %shift_right_logical3A_373 = arith.constant 8 : i32
        %shift_right_logical3A_374 = vector.broadcast %shift_right_logical3A_373 : i32 to vector<16xi32>
        %shift_right_logical3A_375 = arith.shrui %xor3A_372, %shift_right_logical3A_374 : vector<16xi32>
        %xor3A_376 = arith.xori %xor3A_372, %shift_right_logical3A_375 : vector<16xi32>
        %shift_right_logical3A_377 = arith.constant 4 : i32
        %shift_right_logical3A_378 = vector.broadcast %shift_right_logical3A_377 : i32 to vector<16xi32>
        %shift_right_logical3A_379 = arith.shrui %xor3A_376, %shift_right_logical3A_378 : vector<16xi32>
        %xor3A_380 = arith.xori %xor3A_376, %shift_right_logical3A_379 : vector<16xi32>
        %shift_right_logical3A_381 = arith.constant 2 : i32
        %shift_right_logical3A_382 = vector.broadcast %shift_right_logical3A_381 : i32 to vector<16xi32>
        %shift_right_logical3A_383 = arith.shrui %xor3A_380, %shift_right_logical3A_382 : vector<16xi32>
        %xor3A_384 = arith.xori %xor3A_380, %shift_right_logical3A_383 : vector<16xi32>
        %shift_right_logical3A_385 = arith.constant 1 : i32
        %shift_right_logical3A_386 = vector.broadcast %shift_right_logical3A_385 : i32 to vector<16xi32>
        %shift_right_logical3A_387 = arith.shrui %xor3A_384, %shift_right_logical3A_386 : vector<16xi32>
        %xor3A_388 = arith.xori %xor3A_384, %shift_right_logical3A_387 : vector<16xi32>
        %and3A_389 = arith.constant 1 : i32
        %and3A_390 = vector.broadcast %and3A_389 : i32 to vector<16xi32>
        %and3A_391 = arith.andi %xor3A_388, %and3A_390 : vector<16xi32>
        %swap3A = arith.index_cast %scan3A_17 : i32 to index
        %swap3A_392 = arith.index_cast %mul3A_335 : i32 to index
        %swap3A_393 = tpu.vector_load %arg8[%swap3A, %swap3A_392] {strides = array<i32>} : memref<8x256xi32, #tpu.memory_space<vmem>>, vector<16xi32>,
        tpu.vector_store %arg8[%swap3A, %swap3A_392], %and3A_391 {strides = array<i32>} : memref<8x256xi32, #tpu.memory_space<vmem>>, vector<16xi32>,
      }
      %scan3A_332 = arith.constant 16 : i32
    }
    %scan3A_16 = arith.constant 8 : i32
    "tpu.region"() ({
      %run_scoped3A = tpu.sem_alloc : memref<!tpu.dma_semaphore, #tpu.memory_space<semaphore_mem>>
      %dma_start3A_17 = arith.constant 0 : i32
      %dma_start3A_18 = tpu.memref_slice %arg4[%mul3A_0, %dma_start3A_17] : memref<128x256xi32, #tpu.memory_space<hbm>> -> memref<8x256xi32, #tpu.memory_space<hbm>>
      %dma_start3A_19 = arith.constant 0 : i32
      %dma_start3A_20 = tpu.memref_slice %arg4[%mul3A_0, %dma_start3A_19] : memref<128x256xi32, #tpu.memory_space<hbm>> -> memref<8x256xi32, #tpu.memory_space<hbm>>
      tpu.enqueue_dma source(%arg8 : memref<8x256xi32, #tpu.memory_space<vmem>>) target(%dma_start3A_20 : memref<8x256xi32, #tpu.memory_space<hbm>>) target_semaphore(%run_scoped3A : memref<!tpu.dma_semaphore, #tpu.memory_space<semaphore_mem>>)
      %dma_wait3A_21 = arith.constant 0 : i32
      %dma_wait3A_22 = tpu.memref_slice %arg4[%mul3A_0, %dma_wait3A_21] : memref<128x256xi32, #tpu.memory_space<hbm>> -> memref<8x256xi32, #tpu.memory_space<hbm>>
      %dma_wait3A_23 = arith.constant 0 : i32
      %dma_wait3A_24 = tpu.memref_slice %arg4[%mul3A_0, %dma_wait3A_23] : memref<128x256xi32, #tpu.memory_space<hbm>> -> memref<8x256xi32, #tpu.memory_space<hbm>>
      tpu.wait_dma2 semaphore(%run_scoped3A : memref<!tpu.dma_semaphore, #tpu.memory_space<semaphore_mem>>) src(%arg8 : memref<8x256xi32, #tpu.memory_space<vmem>>) dst(%dma_wait3A_24 : memref<8x256xi32, #tpu.memory_space<hbm>>)
      tpu.yield
    }) : () -> ()
    return
  }
}

module attributes {stable_mosaic.version = 14 : i64} {
  func.func @_prep_body(%arg0: memref<128x256xi32, #tpu.memory_space<vmem>>, %arg1: memref<8x12xi32, #tpu.memory_space<smem>>, %arg2: memref<8x4096xi32, #tpu.memory_space<vmem>>, %arg3: memref<128x8x128xi32, #tpu.memory_space<vmem>>, %arg4: memref<8x384xi32, #tpu.memory_space<vmem>>) attributes {dimension_semantics = [], scalar_prefetch = 0 : i64, scratch_operands = 0 : i64, tpu.core_type = #tpu.core_type<tc>} {
    %get3A = arith.constant 0 : index
    %get3A_0 = arith.constant 0 : index
    %get3A_1 = vector.load %arg0[%get3A, %get3A_0] : memref<128x256xi32, #tpu.memory_space<vmem>>, vector<128x256xi32>
    %convert_element_type3A = arith.sitofp %get3A_1 : vector<128x256xi32> to vector<128x256xf32>
    %iota3A = tpu.iota {dimensions = array<i32: 1>} : vector<1x256xi32>
    %iota3A_2 = tpu.iota {dimensions = array<i32: 0>} : vector<128x128xi32>
    %iota3A_3 = tpu.iota {dimensions = array<i32: 1>} : vector<128x128xi32>
    %sub3A = arith.subi %iota3A_2, %iota3A_3 : vector<128x128xi32>
    %broadcast_in_dim3A = arith.constant 0.000000e+00 : f32
    %broadcast_in_dim3A_4 = vector.broadcast %broadcast_in_dim3A : f32 to vector<1x256xf32>
    %broadcast_in_dim3A_5 = arith.constant 0.000000e+00 : f32
    %broadcast_in_dim3A_6 = vector.broadcast %broadcast_in_dim3A_5 : f32 to vector<1x256xf32>
    %broadcast_in_dim3A_7 = arith.constant 0 : i32
    %broadcast_in_dim3A_8 = vector.broadcast %broadcast_in_dim3A_7 : i32 to vector<128x128xi32>
    %get3A_9 = arith.constant 0 : index
    %get3A_10 = arith.constant 0 : index
    %get3A_11 = memref.load %arg1[%get3A_9, %get3A_10] : memref<8x12xi32, #tpu.memory_space<smem>>
    %eq3A = vector.broadcast %get3A_11 : i32 to vector<1x256xi32>
    %eq3A_12 = arith.cmpi eq, %iota3A, %eq3A : vector<1x256xi32>
    %jit3A = arith.constant 1.000000e+00 : f32
    %jit3A_13 = arith.constant 0.000000e+00 : f32
    %broadcast_in_dim3A_14 = vector.broadcast %jit3A : f32 to vector<1x256xf32>
    %broadcast_in_dim3A_15 = vector.broadcast %jit3A_13 : f32 to vector<1x256xf32>
    %select_n3A = arith.select %eq3A_12, %broadcast_in_dim3A_14, %broadcast_in_dim3A_15 : vector<1x256xi1>, vector<1x256xf32>
    %add3A = arith.addf %broadcast_in_dim3A_4, %select_n3A : vector<1x256xf32>
    %sub3A_16 = arith.constant 256 : i32
    %sub3A_17 = arith.subi %get3A_11, %sub3A_16 : i32
    %eq3A_18 = vector.broadcast %sub3A_17 : i32 to vector<1x256xi32>
    %eq3A_19 = arith.cmpi eq, %iota3A, %eq3A_18 : vector<1x256xi32>
    %jit3A_20 = arith.constant 1.000000e+00 : f32
    %jit3A_21 = arith.constant 0.000000e+00 : f32
    %broadcast_in_dim3A_22 = vector.broadcast %jit3A_20 : f32 to vector<1x256xf32>
    %broadcast_in_dim3A_23 = vector.broadcast %jit3A_21 : f32 to vector<1x256xf32>
    %select_n3A_24 = arith.select %eq3A_19, %broadcast_in_dim3A_22, %broadcast_in_dim3A_23 : vector<1x256xi1>, vector<1x256xf32>
    %add3A_25 = arith.addf %broadcast_in_dim3A_6, %select_n3A_24 : vector<1x256xf32>
    %ge3A = arith.constant 512 : i32
    %ge3A_26 = arith.cmpi sge, %get3A_11, %ge3A : i32
    %jit3A_27 = arith.constant 1 : i32
    %jit3A_28 = arith.constant 0 : i32
    %select_n3A_29 = arith.select %ge3A_26, %jit3A_27, %jit3A_28 : i32
    %sub3A_30 = arith.constant 512 : i32
    %sub3A_31 = arith.subi %get3A_11, %sub3A_30 : i32
    %gt3A = vector.broadcast %sub3A_31 : i32 to vector<128x128xi32>
    %gt3A_32 = arith.cmpi sgt, %sub3A, %gt3A : vector<128x128xi32>
    %jit3A_33 = arith.constant 0 : i32
    %broadcast_in_dim3A_34 = vector.broadcast %select_n3A_29 : i32 to vector<128x128xi32>
    %broadcast_in_dim3A_35 = vector.broadcast %jit3A_33 : i32 to vector<128x128xi32>
    %select_n3A_36 = arith.select %gt3A_32, %broadcast_in_dim3A_34, %broadcast_in_dim3A_35 : vector<128x128xi1>, vector<128x128xi32>
    %add3A_37 = arith.addi %broadcast_in_dim3A_8, %select_n3A_36 : vector<128x128xi32>
    %get3A_38 = arith.constant 0 : index
    %get3A_39 = arith.constant 1 : index
    %get3A_40 = memref.load %arg1[%get3A_38, %get3A_39] : memref<8x12xi32, #tpu.memory_space<smem>>
    %eq3A_41 = vector.broadcast %get3A_40 : i32 to vector<1x256xi32>
    %eq3A_42 = arith.cmpi eq, %iota3A, %eq3A_41 : vector<1x256xi32>
    %jit3A_43 = arith.constant 2.000000e+00 : f32
    %jit3A_44 = arith.constant 0.000000e+00 : f32
    %broadcast_in_dim3A_45 = vector.broadcast %jit3A_43 : f32 to vector<1x256xf32>
    %broadcast_in_dim3A_46 = vector.broadcast %jit3A_44 : f32 to vector<1x256xf32>
    %select_n3A_47 = arith.select %eq3A_42, %broadcast_in_dim3A_45, %broadcast_in_dim3A_46 : vector<1x256xi1>, vector<1x256xf32>
    %add3A_48 = arith.addf %add3A, %select_n3A_47 : vector<1x256xf32>
    %sub3A_49 = arith.constant 256 : i32
    %sub3A_50 = arith.subi %get3A_40, %sub3A_49 : i32
    %eq3A_51 = vector.broadcast %sub3A_50 : i32 to vector<1x256xi32>
    %eq3A_52 = arith.cmpi eq, %iota3A, %eq3A_51 : vector<1x256xi32>
    %jit3A_53 = arith.constant 2.000000e+00 : f32
    %jit3A_54 = arith.constant 0.000000e+00 : f32
    %broadcast_in_dim3A_55 = vector.broadcast %jit3A_53 : f32 to vector<1x256xf32>
    %broadcast_in_dim3A_56 = vector.broadcast %jit3A_54 : f32 to vector<1x256xf32>
    %select_n3A_57 = arith.select %eq3A_52, %broadcast_in_dim3A_55, %broadcast_in_dim3A_56 : vector<1x256xi1>, vector<1x256xf32>
    %add3A_58 = arith.addf %add3A_25, %select_n3A_57 : vector<1x256xf32>
    %ge3A_59 = arith.constant 512 : i32
    %ge3A_60 = arith.cmpi sge, %get3A_40, %ge3A_59 : i32
    %jit3A_61 = arith.constant 2 : i32
    %jit3A_62 = arith.constant 0 : i32
    %select_n3A_63 = arith.select %ge3A_60, %jit3A_61, %jit3A_62 : i32
    %sub3A_64 = arith.constant 512 : i32
    %sub3A_65 = arith.subi %get3A_40, %sub3A_64 : i32
    %gt3A_66 = vector.broadcast %sub3A_65 : i32 to vector<128x128xi32>
    %gt3A_67 = arith.cmpi sgt, %sub3A, %gt3A_66 : vector<128x128xi32>
    %jit3A_68 = arith.constant 0 : i32
    %broadcast_in_dim3A_69 = vector.broadcast %select_n3A_63 : i32 to vector<128x128xi32>
    %broadcast_in_dim3A_70 = vector.broadcast %jit3A_68 : i32 to vector<128x128xi32>
    %select_n3A_71 = arith.select %gt3A_67, %broadcast_in_dim3A_69, %broadcast_in_dim3A_70 : vector<128x128xi1>, vector<128x128xi32>
    %add3A_72 = arith.addi %add3A_37, %select_n3A_71 : vector<128x128xi32>
    %get3A_73 = arith.constant 0 : index
    %get3A_74 = arith.constant 2 : index
    %get3A_75 = memref.load %arg1[%get3A_73, %get3A_74] : memref<8x12xi32, #tpu.memory_space<smem>>
    %eq3A_76 = vector.broadcast %get3A_75 : i32 to vector<1x256xi32>
    %eq3A_77 = arith.cmpi eq, %iota3A, %eq3A_76 : vector<1x256xi32>
    %jit3A_78 = arith.constant 4.000000e+00 : f32
    %jit3A_79 = arith.constant 0.000000e+00 : f32
    %broadcast_in_dim3A_80 = vector.broadcast %jit3A_78 : f32 to vector<1x256xf32>
    %broadcast_in_dim3A_81 = vector.broadcast %jit3A_79 : f32 to vector<1x256xf32>
    %select_n3A_82 = arith.select %eq3A_77, %broadcast_in_dim3A_80, %broadcast_in_dim3A_81 : vector<1x256xi1>, vector<1x256xf32>
    %add3A_83 = arith.addf %add3A_48, %select_n3A_82 : vector<1x256xf32>
    %sub3A_84 = arith.constant 256 : i32
    %sub3A_85 = arith.subi %get3A_75, %sub3A_84 : i32
    %eq3A_86 = vector.broadcast %sub3A_85 : i32 to vector<1x256xi32>
    %eq3A_87 = arith.cmpi eq, %iota3A, %eq3A_86 : vector<1x256xi32>
    %jit3A_88 = arith.constant 4.000000e+00 : f32
    %jit3A_89 = arith.constant 0.000000e+00 : f32
    %broadcast_in_dim3A_90 = vector.broadcast %jit3A_88 : f32 to vector<1x256xf32>
    %broadcast_in_dim3A_91 = vector.broadcast %jit3A_89 : f32 to vector<1x256xf32>
    %select_n3A_92 = arith.select %eq3A_87, %broadcast_in_dim3A_90, %broadcast_in_dim3A_91 : vector<1x256xi1>, vector<1x256xf32>
    %add3A_93 = arith.addf %add3A_58, %select_n3A_92 : vector<1x256xf32>
    %ge3A_94 = arith.constant 512 : i32
    %ge3A_95 = arith.cmpi sge, %get3A_75, %ge3A_94 : i32
    %jit3A_96 = arith.constant 4 : i32
    %jit3A_97 = arith.constant 0 : i32
    %select_n3A_98 = arith.select %ge3A_95, %jit3A_96, %jit3A_97 : i32
    %sub3A_99 = arith.constant 512 : i32
    %sub3A_100 = arith.subi %get3A_75, %sub3A_99 : i32
    %gt3A_101 = vector.broadcast %sub3A_100 : i32 to vector<128x128xi32>
    %gt3A_102 = arith.cmpi sgt, %sub3A, %gt3A_101 : vector<128x128xi32>
    %jit3A_103 = arith.constant 0 : i32
    %broadcast_in_dim3A_104 = vector.broadcast %select_n3A_98 : i32 to vector<128x128xi32>
    %broadcast_in_dim3A_105 = vector.broadcast %jit3A_103 : i32 to vector<128x128xi32>
    %select_n3A_106 = arith.select %gt3A_102, %broadcast_in_dim3A_104, %broadcast_in_dim3A_105 : vector<128x128xi1>, vector<128x128xi32>
    %add3A_107 = arith.addi %add3A_72, %select_n3A_106 : vector<128x128xi32>
    %get3A_108 = arith.constant 0 : index
    %get3A_109 = arith.constant 3 : index
    %get3A_110 = memref.load %arg1[%get3A_108, %get3A_109] : memref<8x12xi32, #tpu.memory_space<smem>>
    %eq3A_111 = vector.broadcast %get3A_110 : i32 to vector<1x256xi32>
    %eq3A_112 = arith.cmpi eq, %iota3A, %eq3A_111 : vector<1x256xi32>
    %jit3A_113 = arith.constant 8.000000e+00 : f32
    %jit3A_114 = arith.constant 0.000000e+00 : f32
    %broadcast_in_dim3A_115 = vector.broadcast %jit3A_113 : f32 to vector<1x256xf32>
    %broadcast_in_dim3A_116 = vector.broadcast %jit3A_114 : f32 to vector<1x256xf32>
    %select_n3A_117 = arith.select %eq3A_112, %broadcast_in_dim3A_115, %broadcast_in_dim3A_116 : vector<1x256xi1>, vector<1x256xf32>
    %add3A_118 = arith.addf %add3A_83, %select_n3A_117 : vector<1x256xf32>
    %sub3A_119 = arith.constant 256 : i32
    %sub3A_120 = arith.subi %get3A_110, %sub3A_119 : i32
    %eq3A_121 = vector.broadcast %sub3A_120 : i32 to vector<1x256xi32>
    %eq3A_122 = arith.cmpi eq, %iota3A, %eq3A_121 : vector<1x256xi32>
    %jit3A_123 = arith.constant 8.000000e+00 : f32
    %jit3A_124 = arith.constant 0.000000e+00 : f32
    %broadcast_in_dim3A_125 = vector.broadcast %jit3A_123 : f32 to vector<1x256xf32>
    %broadcast_in_dim3A_126 = vector.broadcast %jit3A_124 : f32 to vector<1x256xf32>
    %select_n3A_127 = arith.select %eq3A_122, %broadcast_in_dim3A_125, %broadcast_in_dim3A_126 : vector<1x256xi1>, vector<1x256xf32>
    %add3A_128 = arith.addf %add3A_93, %select_n3A_127 : vector<1x256xf32>
    %ge3A_129 = arith.constant 512 : i32
    %ge3A_130 = arith.cmpi sge, %get3A_110, %ge3A_129 : i32
    %jit3A_131 = arith.constant 8 : i32
    %jit3A_132 = arith.constant 0 : i32
    %select_n3A_133 = arith.select %ge3A_130, %jit3A_131, %jit3A_132 : i32
    %sub3A_134 = arith.constant 512 : i32
    %sub3A_135 = arith.subi %get3A_110, %sub3A_134 : i32
    %gt3A_136 = vector.broadcast %sub3A_135 : i32 to vector<128x128xi32>
    %gt3A_137 = arith.cmpi sgt, %sub3A, %gt3A_136 : vector<128x128xi32>
    %jit3A_138 = arith.constant 0 : i32
    %broadcast_in_dim3A_139 = vector.broadcast %select_n3A_133 : i32 to vector<128x128xi32>
    %broadcast_in_dim3A_140 = vector.broadcast %jit3A_138 : i32 to vector<128x128xi32>
    %select_n3A_141 = arith.select %gt3A_137, %broadcast_in_dim3A_139, %broadcast_in_dim3A_140 : vector<128x128xi1>, vector<128x128xi32>
    %add3A_142 = arith.addi %add3A_107, %select_n3A_141 : vector<128x128xi32>
    %get3A_143 = arith.constant 0 : index
    %get3A_144 = arith.constant 4 : index
    %get3A_145 = memref.load %arg1[%get3A_143, %get3A_144] : memref<8x12xi32, #tpu.memory_space<smem>>
    %eq3A_146 = vector.broadcast %get3A_145 : i32 to vector<1x256xi32>
    %eq3A_147 = arith.cmpi eq, %iota3A, %eq3A_146 : vector<1x256xi32>
    %jit3A_148 = arith.constant 1.600000e+01 : f32
    %jit3A_149 = arith.constant 0.000000e+00 : f32
    %broadcast_in_dim3A_150 = vector.broadcast %jit3A_148 : f32 to vector<1x256xf32>
    %broadcast_in_dim3A_151 = vector.broadcast %jit3A_149 : f32 to vector<1x256xf32>
    %select_n3A_152 = arith.select %eq3A_147, %broadcast_in_dim3A_150, %broadcast_in_dim3A_151 : vector<1x256xi1>, vector<1x256xf32>
    %add3A_153 = arith.addf %add3A_118, %select_n3A_152 : vector<1x256xf32>
    %sub3A_154 = arith.constant 256 : i32
    %sub3A_155 = arith.subi %get3A_145, %sub3A_154 : i32
    %eq3A_156 = vector.broadcast %sub3A_155 : i32 to vector<1x256xi32>
    %eq3A_157 = arith.cmpi eq, %iota3A, %eq3A_156 : vector<1x256xi32>
    %jit3A_158 = arith.constant 1.600000e+01 : f32
    %jit3A_159 = arith.constant 0.000000e+00 : f32
    %broadcast_in_dim3A_160 = vector.broadcast %jit3A_158 : f32 to vector<1x256xf32>
    %broadcast_in_dim3A_161 = vector.broadcast %jit3A_159 : f32 to vector<1x256xf32>
    %select_n3A_162 = arith.select %eq3A_157, %broadcast_in_dim3A_160, %broadcast_in_dim3A_161 : vector<1x256xi1>, vector<1x256xf32>
    %add3A_163 = arith.addf %add3A_128, %select_n3A_162 : vector<1x256xf32>
    %ge3A_164 = arith.constant 512 : i32
    %ge3A_165 = arith.cmpi sge, %get3A_145, %ge3A_164 : i32
    %jit3A_166 = arith.constant 16 : i32
    %jit3A_167 = arith.constant 0 : i32
    %select_n3A_168 = arith.select %ge3A_165, %jit3A_166, %jit3A_167 : i32
    %sub3A_169 = arith.constant 512 : i32
    %sub3A_170 = arith.subi %get3A_145, %sub3A_169 : i32
    %gt3A_171 = vector.broadcast %sub3A_170 : i32 to vector<128x128xi32>
    %gt3A_172 = arith.cmpi sgt, %sub3A, %gt3A_171 : vector<128x128xi32>
    %jit3A_173 = arith.constant 0 : i32
    %broadcast_in_dim3A_174 = vector.broadcast %select_n3A_168 : i32 to vector<128x128xi32>
    %broadcast_in_dim3A_175 = vector.broadcast %jit3A_173 : i32 to vector<128x128xi32>
    %select_n3A_176 = arith.select %gt3A_172, %broadcast_in_dim3A_174, %broadcast_in_dim3A_175 : vector<128x128xi1>, vector<128x128xi32>
    %add3A_177 = arith.addi %add3A_142, %select_n3A_176 : vector<128x128xi32>
    %get3A_178 = arith.constant 0 : index
    %get3A_179 = arith.constant 5 : index
    %get3A_180 = memref.load %arg1[%get3A_178, %get3A_179] : memref<8x12xi32, #tpu.memory_space<smem>>
    %eq3A_181 = vector.broadcast %get3A_180 : i32 to vector<1x256xi32>
    %eq3A_182 = arith.cmpi eq, %iota3A, %eq3A_181 : vector<1x256xi32>
    %jit3A_183 = arith.constant 3.200000e+01 : f32
    %jit3A_184 = arith.constant 0.000000e+00 : f32
    %broadcast_in_dim3A_185 = vector.broadcast %jit3A_183 : f32 to vector<1x256xf32>
    %broadcast_in_dim3A_186 = vector.broadcast %jit3A_184 : f32 to vector<1x256xf32>
    %select_n3A_187 = arith.select %eq3A_182, %broadcast_in_dim3A_185, %broadcast_in_dim3A_186 : vector<1x256xi1>, vector<1x256xf32>
    %add3A_188 = arith.addf %add3A_153, %select_n3A_187 : vector<1x256xf32>
    %sub3A_189 = arith.constant 256 : i32
    %sub3A_190 = arith.subi %get3A_180, %sub3A_189 : i32
    %eq3A_191 = vector.broadcast %sub3A_190 : i32 to vector<1x256xi32>
    %eq3A_192 = arith.cmpi eq, %iota3A, %eq3A_191 : vector<1x256xi32>
    %jit3A_193 = arith.constant 3.200000e+01 : f32
    %jit3A_194 = arith.constant 0.000000e+00 : f32
    %broadcast_in_dim3A_195 = vector.broadcast %jit3A_193 : f32 to vector<1x256xf32>
    %broadcast_in_dim3A_196 = vector.broadcast %jit3A_194 : f32 to vector<1x256xf32>
    %select_n3A_197 = arith.select %eq3A_192, %broadcast_in_dim3A_195, %broadcast_in_dim3A_196 : vector<1x256xi1>, vector<1x256xf32>
    %add3A_198 = arith.addf %add3A_163, %select_n3A_197 : vector<1x256xf32>
    %ge3A_199 = arith.constant 512 : i32
    %ge3A_200 = arith.cmpi sge, %get3A_180, %ge3A_199 : i32
    %jit3A_201 = arith.constant 32 : i32
    %jit3A_202 = arith.constant 0 : i32
    %select_n3A_203 = arith.select %ge3A_200, %jit3A_201, %jit3A_202 : i32
    %sub3A_204 = arith.constant 512 : i32
    %sub3A_205 = arith.subi %get3A_180, %sub3A_204 : i32
    %gt3A_206 = vector.broadcast %sub3A_205 : i32 to vector<128x128xi32>
    %gt3A_207 = arith.cmpi sgt, %sub3A, %gt3A_206 : vector<128x128xi32>
    %jit3A_208 = arith.constant 0 : i32
    %broadcast_in_dim3A_209 = vector.broadcast %select_n3A_203 : i32 to vector<128x128xi32>
    %broadcast_in_dim3A_210 = vector.broadcast %jit3A_208 : i32 to vector<128x128xi32>
    %select_n3A_211 = arith.select %gt3A_207, %broadcast_in_dim3A_209, %broadcast_in_dim3A_210 : vector<128x128xi1>, vector<128x128xi32>
    %add3A_212 = arith.addi %add3A_177, %select_n3A_211 : vector<128x128xi32>
    %get3A_213 = arith.constant 0 : index
    %get3A_214 = arith.constant 6 : index
    %get3A_215 = memref.load %arg1[%get3A_213, %get3A_214] : memref<8x12xi32, #tpu.memory_space<smem>>
    %eq3A_216 = vector.broadcast %get3A_215 : i32 to vector<1x256xi32>
    %eq3A_217 = arith.cmpi eq, %iota3A, %eq3A_216 : vector<1x256xi32>
    %jit3A_218 = arith.constant 6.400000e+01 : f32
    %jit3A_219 = arith.constant 0.000000e+00 : f32
    %broadcast_in_dim3A_220 = vector.broadcast %jit3A_218 : f32 to vector<1x256xf32>
    %broadcast_in_dim3A_221 = vector.broadcast %jit3A_219 : f32 to vector<1x256xf32>
    %select_n3A_222 = arith.select %eq3A_217, %broadcast_in_dim3A_220, %broadcast_in_dim3A_221 : vector<1x256xi1>, vector<1x256xf32>
    %add3A_223 = arith.addf %add3A_188, %select_n3A_222 : vector<1x256xf32>
    %sub3A_224 = arith.constant 256 : i32
    %sub3A_225 = arith.subi %get3A_215, %sub3A_224 : i32
    %eq3A_226 = vector.broadcast %sub3A_225 : i32 to vector<1x256xi32>
    %eq3A_227 = arith.cmpi eq, %iota3A, %eq3A_226 : vector<1x256xi32>
    %jit3A_228 = arith.constant 6.400000e+01 : f32
    %jit3A_229 = arith.constant 0.000000e+00 : f32
    %broadcast_in_dim3A_230 = vector.broadcast %jit3A_228 : f32 to vector<1x256xf32>
    %broadcast_in_dim3A_231 = vector.broadcast %jit3A_229 : f32 to vector<1x256xf32>
    %select_n3A_232 = arith.select %eq3A_227, %broadcast_in_dim3A_230, %broadcast_in_dim3A_231 : vector<1x256xi1>, vector<1x256xf32>
    %add3A_233 = arith.addf %add3A_198, %select_n3A_232 : vector<1x256xf32>
    %ge3A_234 = arith.constant 512 : i32
    %ge3A_235 = arith.cmpi sge, %get3A_215, %ge3A_234 : i32
    %jit3A_236 = arith.constant 64 : i32
    %jit3A_237 = arith.constant 0 : i32
    %select_n3A_238 = arith.select %ge3A_235, %jit3A_236, %jit3A_237 : i32
    %sub3A_239 = arith.constant 512 : i32
    %sub3A_240 = arith.subi %get3A_215, %sub3A_239 : i32
    %gt3A_241 = vector.broadcast %sub3A_240 : i32 to vector<128x128xi32>
    %gt3A_242 = arith.cmpi sgt, %sub3A, %gt3A_241 : vector<128x128xi32>
    %jit3A_243 = arith.constant 0 : i32
    %broadcast_in_dim3A_244 = vector.broadcast %select_n3A_238 : i32 to vector<128x128xi32>
    %broadcast_in_dim3A_245 = vector.broadcast %jit3A_243 : i32 to vector<128x128xi32>
    %select_n3A_246 = arith.select %gt3A_242, %broadcast_in_dim3A_244, %broadcast_in_dim3A_245 : vector<128x128xi1>, vector<128x128xi32>
    %add3A_247 = arith.addi %add3A_212, %select_n3A_246 : vector<128x128xi32>
    %get3A_248 = arith.constant 0 : index
    %get3A_249 = arith.constant 7 : index
    %get3A_250 = memref.load %arg1[%get3A_248, %get3A_249] : memref<8x12xi32, #tpu.memory_space<smem>>
    %eq3A_251 = vector.broadcast %get3A_250 : i32 to vector<1x256xi32>
    %eq3A_252 = arith.cmpi eq, %iota3A, %eq3A_251 : vector<1x256xi32>
    %jit3A_253 = arith.constant 1.280000e+02 : f32
    %jit3A_254 = arith.constant 0.000000e+00 : f32
    %broadcast_in_dim3A_255 = vector.broadcast %jit3A_253 : f32 to vector<1x256xf32>
    %broadcast_in_dim3A_256 = vector.broadcast %jit3A_254 : f32 to vector<1x256xf32>
    %select_n3A_257 = arith.select %eq3A_252, %broadcast_in_dim3A_255, %broadcast_in_dim3A_256 : vector<1x256xi1>, vector<1x256xf32>
    %add3A_258 = arith.addf %add3A_223, %select_n3A_257 : vector<1x256xf32>
    %sub3A_259 = arith.constant 256 : i32
    %sub3A_260 = arith.subi %get3A_250, %sub3A_259 : i32
    %eq3A_261 = vector.broadcast %sub3A_260 : i32 to vector<1x256xi32>
    %eq3A_262 = arith.cmpi eq, %iota3A, %eq3A_261 : vector<1x256xi32>
    %jit3A_263 = arith.constant 1.280000e+02 : f32
    %jit3A_264 = arith.constant 0.000000e+00 : f32
    %broadcast_in_dim3A_265 = vector.broadcast %jit3A_263 : f32 to vector<1x256xf32>
    %broadcast_in_dim3A_266 = vector.broadcast %jit3A_264 : f32 to vector<1x256xf32>
    %select_n3A_267 = arith.select %eq3A_262, %broadcast_in_dim3A_265, %broadcast_in_dim3A_266 : vector<1x256xi1>, vector<1x256xf32>
    %add3A_268 = arith.addf %add3A_233, %select_n3A_267 : vector<1x256xf32>
    %ge3A_269 = arith.constant 512 : i32
    %ge3A_270 = arith.cmpi sge, %get3A_250, %ge3A_269 : i32
    %jit3A_271 = arith.constant 128 : i32
    %jit3A_272 = arith.constant 0 : i32
    %select_n3A_273 = arith.select %ge3A_270, %jit3A_271, %jit3A_272 : i32
    %sub3A_274 = arith.constant 512 : i32
    %sub3A_275 = arith.subi %get3A_250, %sub3A_274 : i32
    %gt3A_276 = vector.broadcast %sub3A_275 : i32 to vector<128x128xi32>
    %gt3A_277 = arith.cmpi sgt, %sub3A, %gt3A_276 : vector<128x128xi32>
    %jit3A_278 = arith.constant 0 : i32
    %broadcast_in_dim3A_279 = vector.broadcast %select_n3A_273 : i32 to vector<128x128xi32>
    %broadcast_in_dim3A_280 = vector.broadcast %jit3A_278 : i32 to vector<128x128xi32>
    %select_n3A_281 = arith.select %gt3A_277, %broadcast_in_dim3A_279, %broadcast_in_dim3A_280 : vector<128x128xi1>, vector<128x128xi32>
    %add3A_282 = arith.addi %add3A_247, %select_n3A_281 : vector<128x128xi32>
    %get3A_283 = arith.constant 0 : index
    %get3A_284 = arith.constant 8 : index
    %get3A_285 = memref.load %arg1[%get3A_283, %get3A_284] : memref<8x12xi32, #tpu.memory_space<smem>>
    %eq3A_286 = vector.broadcast %get3A_285 : i32 to vector<1x256xi32>
    %eq3A_287 = arith.cmpi eq, %iota3A, %eq3A_286 : vector<1x256xi32>
    %jit3A_288 = arith.constant 2.560000e+02 : f32
    %jit3A_289 = arith.constant 0.000000e+00 : f32
    %broadcast_in_dim3A_290 = vector.broadcast %jit3A_288 : f32 to vector<1x256xf32>
    %broadcast_in_dim3A_291 = vector.broadcast %jit3A_289 : f32 to vector<1x256xf32>
    %select_n3A_292 = arith.select %eq3A_287, %broadcast_in_dim3A_290, %broadcast_in_dim3A_291 : vector<1x256xi1>, vector<1x256xf32>
    %add3A_293 = arith.addf %add3A_258, %select_n3A_292 : vector<1x256xf32>
    %sub3A_294 = arith.constant 256 : i32
    %sub3A_295 = arith.subi %get3A_285, %sub3A_294 : i32
    %eq3A_296 = vector.broadcast %sub3A_295 : i32 to vector<1x256xi32>
    %eq3A_297 = arith.cmpi eq, %iota3A, %eq3A_296 : vector<1x256xi32>
    %jit3A_298 = arith.constant 2.560000e+02 : f32
    %jit3A_299 = arith.constant 0.000000e+00 : f32
    %broadcast_in_dim3A_300 = vector.broadcast %jit3A_298 : f32 to vector<1x256xf32>
    %broadcast_in_dim3A_301 = vector.broadcast %jit3A_299 : f32 to vector<1x256xf32>
    %select_n3A_302 = arith.select %eq3A_297, %broadcast_in_dim3A_300, %broadcast_in_dim3A_301 : vector<1x256xi1>, vector<1x256xf32>
    %add3A_303 = arith.addf %add3A_268, %select_n3A_302 : vector<1x256xf32>
    %ge3A_304 = arith.constant 512 : i32
    %ge3A_305 = arith.cmpi sge, %get3A_285, %ge3A_304 : i32
    %jit3A_306 = arith.constant 256 : i32
    %jit3A_307 = arith.constant 0 : i32
    %select_n3A_308 = arith.select %ge3A_305, %jit3A_306, %jit3A_307 : i32
    %sub3A_309 = arith.constant 512 : i32
    %sub3A_310 = arith.subi %get3A_285, %sub3A_309 : i32
    %gt3A_311 = vector.broadcast %sub3A_310 : i32 to vector<128x128xi32>
    %gt3A_312 = arith.cmpi sgt, %sub3A, %gt3A_311 : vector<128x128xi32>
    %jit3A_313 = arith.constant 0 : i32
    %broadcast_in_dim3A_314 = vector.broadcast %select_n3A_308 : i32 to vector<128x128xi32>
    %broadcast_in_dim3A_315 = vector.broadcast %jit3A_313 : i32 to vector<128x128xi32>
    %select_n3A_316 = arith.select %gt3A_312, %broadcast_in_dim3A_314, %broadcast_in_dim3A_315 : vector<128x128xi1>, vector<128x128xi32>
    %add3A_317 = arith.addi %add3A_282, %select_n3A_316 : vector<128x128xi32>
    %get3A_318 = arith.constant 0 : index
    %get3A_319 = arith.constant 9 : index
    %get3A_320 = memref.load %arg1[%get3A_318, %get3A_319] : memref<8x12xi32, #tpu.memory_space<smem>>
    %eq3A_321 = vector.broadcast %get3A_320 : i32 to vector<1x256xi32>
    %eq3A_322 = arith.cmpi eq, %iota3A, %eq3A_321 : vector<1x256xi32>
    %jit3A_323 = arith.constant 5.120000e+02 : f32
    %jit3A_324 = arith.constant 0.000000e+00 : f32
    %broadcast_in_dim3A_325 = vector.broadcast %jit3A_323 : f32 to vector<1x256xf32>
    %broadcast_in_dim3A_326 = vector.broadcast %jit3A_324 : f32 to vector<1x256xf32>
    %select_n3A_327 = arith.select %eq3A_322, %broadcast_in_dim3A_325, %broadcast_in_dim3A_326 : vector<1x256xi1>, vector<1x256xf32>
    %add3A_328 = arith.addf %add3A_293, %select_n3A_327 : vector<1x256xf32>
    %sub3A_329 = arith.constant 256 : i32
    %sub3A_330 = arith.subi %get3A_320, %sub3A_329 : i32
    %eq3A_331 = vector.broadcast %sub3A_330 : i32 to vector<1x256xi32>
    %eq3A_332 = arith.cmpi eq, %iota3A, %eq3A_331 : vector<1x256xi32>
    %jit3A_333 = arith.constant 5.120000e+02 : f32
    %jit3A_334 = arith.constant 0.000000e+00 : f32
    %broadcast_in_dim3A_335 = vector.broadcast %jit3A_333 : f32 to vector<1x256xf32>
    %broadcast_in_dim3A_336 = vector.broadcast %jit3A_334 : f32 to vector<1x256xf32>
    %select_n3A_337 = arith.select %eq3A_332, %broadcast_in_dim3A_335, %broadcast_in_dim3A_336 : vector<1x256xi1>, vector<1x256xf32>
    %add3A_338 = arith.addf %add3A_303, %select_n3A_337 : vector<1x256xf32>
    %ge3A_339 = arith.constant 512 : i32
    %ge3A_340 = arith.cmpi sge, %get3A_320, %ge3A_339 : i32
    %jit3A_341 = arith.constant 512 : i32
    %jit3A_342 = arith.constant 0 : i32
    %select_n3A_343 = arith.select %ge3A_340, %jit3A_341, %jit3A_342 : i32
    %sub3A_344 = arith.constant 512 : i32
    %sub3A_345 = arith.subi %get3A_320, %sub3A_344 : i32
    %gt3A_346 = vector.broadcast %sub3A_345 : i32 to vector<128x128xi32>
    %gt3A_347 = arith.cmpi sgt, %sub3A, %gt3A_346 : vector<128x128xi32>
    %jit3A_348 = arith.constant 0 : i32
    %broadcast_in_dim3A_349 = vector.broadcast %select_n3A_343 : i32 to vector<128x128xi32>
    %broadcast_in_dim3A_350 = vector.broadcast %jit3A_348 : i32 to vector<128x128xi32>
    %select_n3A_351 = arith.select %gt3A_347, %broadcast_in_dim3A_349, %broadcast_in_dim3A_350 : vector<128x128xi1>, vector<128x128xi32>
    %add3A_352 = arith.addi %add3A_317, %select_n3A_351 : vector<128x128xi32>
    %get3A_353 = arith.constant 0 : index
    %get3A_354 = arith.constant 10 : index
    %get3A_355 = memref.load %arg1[%get3A_353, %get3A_354] : memref<8x12xi32, #tpu.memory_space<smem>>
    %eq3A_356 = vector.broadcast %get3A_355 : i32 to vector<1x256xi32>
    %eq3A_357 = arith.cmpi eq, %iota3A, %eq3A_356 : vector<1x256xi32>
    %jit3A_358 = arith.constant 1.024000e+03 : f32
    %jit3A_359 = arith.constant 0.000000e+00 : f32
    %broadcast_in_dim3A_360 = vector.broadcast %jit3A_358 : f32 to vector<1x256xf32>
    %broadcast_in_dim3A_361 = vector.broadcast %jit3A_359 : f32 to vector<1x256xf32>
    %select_n3A_362 = arith.select %eq3A_357, %broadcast_in_dim3A_360, %broadcast_in_dim3A_361 : vector<1x256xi1>, vector<1x256xf32>
    %add3A_363 = arith.addf %add3A_328, %select_n3A_362 : vector<1x256xf32>
    %sub3A_364 = arith.constant 256 : i32
    %sub3A_365 = arith.subi %get3A_355, %sub3A_364 : i32
    %eq3A_366 = vector.broadcast %sub3A_365 : i32 to vector<1x256xi32>
    %eq3A_367 = arith.cmpi eq, %iota3A, %eq3A_366 : vector<1x256xi32>
    %jit3A_368 = arith.constant 1.024000e+03 : f32
    %jit3A_369 = arith.constant 0.000000e+00 : f32
    %broadcast_in_dim3A_370 = vector.broadcast %jit3A_368 : f32 to vector<1x256xf32>
    %broadcast_in_dim3A_371 = vector.broadcast %jit3A_369 : f32 to vector<1x256xf32>
    %select_n3A_372 = arith.select %eq3A_367, %broadcast_in_dim3A_370, %broadcast_in_dim3A_371 : vector<1x256xi1>, vector<1x256xf32>
    %add3A_373 = arith.addf %add3A_338, %select_n3A_372 : vector<1x256xf32>
    %ge3A_374 = arith.constant 512 : i32
    %ge3A_375 = arith.cmpi sge, %get3A_355, %ge3A_374 : i32
    %jit3A_376 = arith.constant 1024 : i32
    %jit3A_377 = arith.constant 0 : i32
    %select_n3A_378 = arith.select %ge3A_375, %jit3A_376, %jit3A_377 : i32
    %sub3A_379 = arith.constant 512 : i32
    %sub3A_380 = arith.subi %get3A_355, %sub3A_379 : i32
    %gt3A_381 = vector.broadcast %sub3A_380 : i32 to vector<128x128xi32>
    %gt3A_382 = arith.cmpi sgt, %sub3A, %gt3A_381 : vector<128x128xi32>
    %jit3A_383 = arith.constant 0 : i32
    %broadcast_in_dim3A_384 = vector.broadcast %select_n3A_378 : i32 to vector<128x128xi32>
    %broadcast_in_dim3A_385 = vector.broadcast %jit3A_383 : i32 to vector<128x128xi32>
    %select_n3A_386 = arith.select %gt3A_382, %broadcast_in_dim3A_384, %broadcast_in_dim3A_385 : vector<128x128xi1>, vector<128x128xi32>
    %add3A_387 = arith.addi %add3A_352, %select_n3A_386 : vector<128x128xi32>
    %get3A_388 = arith.constant 0 : index
    %get3A_389 = arith.constant 11 : index
    %get3A_390 = memref.load %arg1[%get3A_388, %get3A_389] : memref<8x12xi32, #tpu.memory_space<smem>>
    %eq3A_391 = vector.broadcast %get3A_390 : i32 to vector<1x256xi32>
    %eq3A_392 = arith.cmpi eq, %iota3A, %eq3A_391 : vector<1x256xi32>
    %jit3A_393 = arith.constant 2.048000e+03 : f32
    %jit3A_394 = arith.constant 0.000000e+00 : f32
    %broadcast_in_dim3A_395 = vector.broadcast %jit3A_393 : f32 to vector<1x256xf32>
    %broadcast_in_dim3A_396 = vector.broadcast %jit3A_394 : f32 to vector<1x256xf32>
    %select_n3A_397 = arith.select %eq3A_392, %broadcast_in_dim3A_395, %broadcast_in_dim3A_396 : vector<1x256xi1>, vector<1x256xf32>
    %add3A_398 = arith.addf %add3A_363, %select_n3A_397 : vector<1x256xf32>
    %sub3A_399 = arith.constant 256 : i32
    %sub3A_400 = arith.subi %get3A_390, %sub3A_399 : i32
    %eq3A_401 = vector.broadcast %sub3A_400 : i32 to vector<1x256xi32>
    %eq3A_402 = arith.cmpi eq, %iota3A, %eq3A_401 : vector<1x256xi32>
    %jit3A_403 = arith.constant 2.048000e+03 : f32
    %jit3A_404 = arith.constant 0.000000e+00 : f32
    %broadcast_in_dim3A_405 = vector.broadcast %jit3A_403 : f32 to vector<1x256xf32>
    %broadcast_in_dim3A_406 = vector.broadcast %jit3A_404 : f32 to vector<1x256xf32>
    %select_n3A_407 = arith.select %eq3A_402, %broadcast_in_dim3A_405, %broadcast_in_dim3A_406 : vector<1x256xi1>, vector<1x256xf32>
    %add3A_408 = arith.addf %add3A_373, %select_n3A_407 : vector<1x256xf32>
    %ge3A_409 = arith.constant 512 : i32
    %ge3A_410 = arith.cmpi sge, %get3A_390, %ge3A_409 : i32
    %jit3A_411 = arith.constant 2048 : i32
    %jit3A_412 = arith.constant 0 : i32
    %select_n3A_413 = arith.select %ge3A_410, %jit3A_411, %jit3A_412 : i32
    %sub3A_414 = arith.constant 512 : i32
    %sub3A_415 = arith.subi %get3A_390, %sub3A_414 : i32
    %gt3A_416 = vector.broadcast %sub3A_415 : i32 to vector<128x128xi32>
    %gt3A_417 = arith.cmpi sgt, %sub3A, %gt3A_416 : vector<128x128xi32>
    %jit3A_418 = arith.constant 0 : i32
    %broadcast_in_dim3A_419 = vector.broadcast %select_n3A_413 : i32 to vector<128x128xi32>
    %broadcast_in_dim3A_420 = vector.broadcast %jit3A_418 : i32 to vector<128x128xi32>
    %select_n3A_421 = arith.select %gt3A_417, %broadcast_in_dim3A_419, %broadcast_in_dim3A_420 : vector<128x128xi1>, vector<128x128xi32>
    %add3A_422 = arith.addi %add3A_387, %select_n3A_421 : vector<128x128xi32>
    %dot_general3A = arith.constant dense<0.000000e+00> : vector<128x1xf32>
    %dot_general3A_423 = tpu.matmul %convert_element_type3A, %add3A_398, %dot_general3A {dimension_numbers = #tpu.dot_dimension_numbers<[1], [1], [0], [0], [0, 0, 1, 0], [], []>, transpose_lhs_hint = false} : vector<128x256xf32>, vector<1x256xf32>, vector<128x1xf32> -> vector<128x1xf32>
    %dot_general3A_424 = arith.constant dense<0.000000e+00> : vector<1x128xf32>
    %dot_general3A_425 = tpu.matmul %add3A_408, %convert_element_type3A, %dot_general3A_424 {dimension_numbers = #tpu.dot_dimension_numbers<[1], [1], [0], [0], [0, 0, 1, 0], [], []>, transpose_lhs_hint = false} : vector<1x256xf32>, vector<128x256xf32>, vector<1x128xf32> -> vector<1x128xf32>
    %convert_element_type3A_426 = arith.fptosi %dot_general3A_423 : vector<128x1xf32> to vector<128x1xi32>
    %convert_element_type3A_427 = arith.fptosi %dot_general3A_425 : vector<1x128xf32> to vector<1x128xi32>
    %add3A_428 = vector.broadcast %convert_element_type3A_426 : vector<128x1xi32> to vector<128x128xi32>
    %add3A_429 = vector.broadcast %convert_element_type3A_427 : vector<1x128xi32> to vector<128x128xi32>
    %add3A_430 = arith.addi %add3A_428, %add3A_429 : vector<128x128xi32>
    %add3A_431 = arith.addi %add3A_430, %add3A_422 : vector<128x128xi32>
    %swap3A = arith.constant 0 : index
    %swap3A_432 = arith.constant 0 : index
    %swap3A_433 = arith.constant 0 : index
    %swap3A_434 = vector.load %arg3[%swap3A, %swap3A_432, %swap3A_433] : memref<128x8x128xi32, #tpu.memory_space<vmem>>, vector<128x1x128xi32>
    %swap3A_435 = vector.shape_cast %swap3A_434 : vector<128x1x128xi32> to vector<128x128xi32>
    %swap3A_436 = vector.shape_cast %add3A_431 : vector<128x128xi32> to vector<128x1x128xi32>
    tpu.vector_store %arg3[%swap3A, %swap3A_432, %swap3A_433], %swap3A_436 {strides = array<i32>} : memref<128x8x128xi32, #tpu.memory_space<vmem>>, vector<128x1x128xi32>,
    %broadcast_in_dim3A_437 = arith.constant 0.000000e+00 : f32
    %broadcast_in_dim3A_438 = vector.broadcast %broadcast_in_dim3A_437 : f32 to vector<1x256xf32>
    %broadcast_in_dim3A_439 = arith.constant 0.000000e+00 : f32
    %broadcast_in_dim3A_440 = vector.broadcast %broadcast_in_dim3A_439 : f32 to vector<1x256xf32>
    %broadcast_in_dim3A_441 = arith.constant 0 : i32
    %broadcast_in_dim3A_442 = vector.broadcast %broadcast_in_dim3A_441 : i32 to vector<128x128xi32>
    %get3A_443 = arith.constant 1 : index
    %get3A_444 = arith.constant 0 : index
    %get3A_445 = memref.load %arg1[%get3A_443, %get3A_444] : memref<8x12xi32, #tpu.memory_space<smem>>
    %eq3A_446 = vector.broadcast %get3A_445 : i32 to vector<1x256xi32>
    %eq3A_447 = arith.cmpi eq, %iota3A, %eq3A_446 : vector<1x256xi32>
    %jit3A_448 = arith.constant 1.000000e+00 : f32
    %jit3A_449 = arith.constant 0.000000e+00 : f32
    %broadcast_in_dim3A_450 = vector.broadcast %jit3A_448 : f32 to vector<1x256xf32>
    %broadcast_in_dim3A_451 = vector.broadcast %jit3A_449 : f32 to vector<1x256xf32>
    %select_n3A_452 = arith.select %eq3A_447, %broadcast_in_dim3A_450, %broadcast_in_dim3A_451 : vector<1x256xi1>, vector<1x256xf32>
    %add3A_453 = arith.addf %broadcast_in_dim3A_438, %select_n3A_452 : vector<1x256xf32>
    %sub3A_454 = arith.constant 256 : i32
    %sub3A_455 = arith.subi %get3A_445, %sub3A_454 : i32
    %eq3A_456 = vector.broadcast %sub3A_455 : i32 to vector<1x256xi32>
    %eq3A_457 = arith.cmpi eq, %iota3A, %eq3A_456 : vector<1x256xi32>
    %jit3A_458 = arith.constant 1.000000e+00 : f32
    %jit3A_459 = arith.constant 0.000000e+00 : f32
    %broadcast_in_dim3A_460 = vector.broadcast %jit3A_458 : f32 to vector<1x256xf32>
    %broadcast_in_dim3A_461 = vector.broadcast %jit3A_459 : f32 to vector<1x256xf32>
    %select_n3A_462 = arith.select %eq3A_457, %broadcast_in_dim3A_460, %broadcast_in_dim3A_461 : vector<1x256xi1>, vector<1x256xf32>
    %add3A_463 = arith.addf %broadcast_in_dim3A_440, %select_n3A_462 : vector<1x256xf32>
    %ge3A_464 = arith.constant 512 : i32
    %ge3A_465 = arith.cmpi sge, %get3A_445, %ge3A_464 : i32
    %jit3A_466 = arith.constant 1 : i32
    %jit3A_467 = arith.constant 0 : i32
    %select_n3A_468 = arith.select %ge3A_465, %jit3A_466, %jit3A_467 : i32
    %sub3A_469 = arith.constant 512 : i32
    %sub3A_470 = arith.subi %get3A_445, %sub3A_469 : i32
    %gt3A_471 = vector.broadcast %sub3A_470 : i32 to vector<128x128xi32>
    %gt3A_472 = arith.cmpi sgt, %sub3A, %gt3A_471 : vector<128x128xi32>
    %jit3A_473 = arith.constant 0 : i32
    %broadcast_in_dim3A_474 = vector.broadcast %select_n3A_468 : i32 to vector<128x128xi32>
    %broadcast_in_dim3A_475 = vector.broadcast %jit3A_473 : i32 to vector<128x128xi32>
    %select_n3A_476 = arith.select %gt3A_472, %broadcast_in_dim3A_474, %broadcast_in_dim3A_475 : vector<128x128xi1>, vector<128x128xi32>
    %add3A_477 = arith.addi %broadcast_in_dim3A_442, %select_n3A_476 : vector<128x128xi32>
    %get3A_478 = arith.constant 1 : index
    %get3A_479 = arith.constant 1 : index
    %get3A_480 = memref.load %arg1[%get3A_478, %get3A_479] : memref<8x12xi32, #tpu.memory_space<smem>>
    %eq3A_481 = vector.broadcast %get3A_480 : i32 to vector<1x256xi32>
    %eq3A_482 = arith.cmpi eq, %iota3A, %eq3A_481 : vector<1x256xi32>
    %jit3A_483 = arith.constant 2.000000e+00 : f32
    %jit3A_484 = arith.constant 0.000000e+00 : f32
    %broadcast_in_dim3A_485 = vector.broadcast %jit3A_483 : f32 to vector<1x256xf32>
    %broadcast_in_dim3A_486 = vector.broadcast %jit3A_484 : f32 to vector<1x256xf32>
    %select_n3A_487 = arith.select %eq3A_482, %broadcast_in_dim3A_485, %broadcast_in_dim3A_486 : vector<1x256xi1>, vector<1x256xf32>
    %add3A_488 = arith.addf %add3A_453, %select_n3A_487 : vector<1x256xf32>
    %sub3A_489 = arith.constant 256 : i32
    %sub3A_490 = arith.subi %get3A_480, %sub3A_489 : i32
    %eq3A_491 = vector.broadcast %sub3A_490 : i32 to vector<1x256xi32>
    %eq3A_492 = arith.cmpi eq, %iota3A, %eq3A_491 : vector<1x256xi32>
    %jit3A_493 = arith.constant 2.000000e+00 : f32
    %jit3A_494 = arith.constant 0.000000e+00 : f32
    %broadcast_in_dim3A_495 = vector.broadcast %jit3A_493 : f32 to vector<1x256xf32>
    %broadcast_in_dim3A_496 = vector.broadcast %jit3A_494 : f32 to vector<1x256xf32>
    %select_n3A_497 = arith.select %eq3A_492, %broadcast_in_dim3A_495, %broadcast_in_dim3A_496 : vector<1x256xi1>, vector<1x256xf32>
    %add3A_498 = arith.addf %add3A_463, %select_n3A_497 : vector<1x256xf32>
    %ge3A_499 = arith.constant 512 : i32
    %ge3A_500 = arith.cmpi sge, %get3A_480, %ge3A_499 : i32
    %jit3A_501 = arith.constant 2 : i32
    %jit3A_502 = arith.constant 0 : i32
    %select_n3A_503 = arith.select %ge3A_500, %jit3A_501, %jit3A_502 : i32
    %sub3A_504 = arith.constant 512 : i32
    %sub3A_505 = arith.subi %get3A_480, %sub3A_504 : i32
    %gt3A_506 = vector.broadcast %sub3A_505 : i32 to vector<128x128xi32>
    %gt3A_507 = arith.cmpi sgt, %sub3A, %gt3A_506 : vector<128x128xi32>
    %jit3A_508 = arith.constant 0 : i32
    %broadcast_in_dim3A_509 = vector.broadcast %select_n3A_503 : i32 to vector<128x128xi32>
    %broadcast_in_dim3A_510 = vector.broadcast %jit3A_508 : i32 to vector<128x128xi32>
    %select_n3A_511 = arith.select %gt3A_507, %broadcast_in_dim3A_509, %broadcast_in_dim3A_510 : vector<128x128xi1>, vector<128x128xi32>
    %add3A_512 = arith.addi %add3A_477, %select_n3A_511 : vector<128x128xi32>
    %get3A_513 = arith.constant 1 : index
    %get3A_514 = arith.constant 2 : index
    %get3A_515 = memref.load %arg1[%get3A_513, %get3A_514] : memref<8x12xi32, #tpu.memory_space<smem>>
    %eq3A_516 = vector.broadcast %get3A_515 : i32 to vector<1x256xi32>
    %eq3A_517 = arith.cmpi eq, %iota3A, %eq3A_516 : vector<1x256xi32>
    %jit3A_518 = arith.constant 4.000000e+00 : f32
    %jit3A_519 = arith.constant 0.000000e+00 : f32
    %broadcast_in_dim3A_520 = vector.broadcast %jit3A_518 : f32 to vector<1x256xf32>
    %broadcast_in_dim3A_521 = vector.broadcast %jit3A_519 : f32 to vector<1x256xf32>
    %select_n3A_522 = arith.select %eq3A_517, %broadcast_in_dim3A_520, %broadcast_in_dim3A_521 : vector<1x256xi1>, vector<1x256xf32>
    %add3A_523 = arith.addf %add3A_488, %select_n3A_522 : vector<1x256xf32>
    %sub3A_524 = arith.constant 256 : i32
    %sub3A_525 = arith.subi %get3A_515, %sub3A_524 : i32
    %eq3A_526 = vector.broadcast %sub3A_525 : i32 to vector<1x256xi32>
    %eq3A_527 = arith.cmpi eq, %iota3A, %eq3A_526 : vector<1x256xi32>
    %jit3A_528 = arith.constant 4.000000e+00 : f32
    %jit3A_529 = arith.constant 0.000000e+00 : f32
    %broadcast_in_dim3A_530 = vector.broadcast %jit3A_528 : f32 to vector<1x256xf32>
    %broadcast_in_dim3A_531 = vector.broadcast %jit3A_529 : f32 to vector<1x256xf32>
    %select_n3A_532 = arith.select %eq3A_527, %broadcast_in_dim3A_530, %broadcast_in_dim3A_531 : vector<1x256xi1>, vector<1x256xf32>
    %add3A_533 = arith.addf %add3A_498, %select_n3A_532 : vector<1x256xf32>
    %ge3A_534 = arith.constant 512 : i32
    %ge3A_535 = arith.cmpi sge, %get3A_515, %ge3A_534 : i32
    %jit3A_536 = arith.constant 4 : i32
    %jit3A_537 = arith.constant 0 : i32
    %select_n3A_538 = arith.select %ge3A_535, %jit3A_536, %jit3A_537 : i32
    %sub3A_539 = arith.constant 512 : i32
    %sub3A_540 = arith.subi %get3A_515, %sub3A_539 : i32
    %gt3A_541 = vector.broadcast %sub3A_540 : i32 to vector<128x128xi32>
    %gt3A_542 = arith.cmpi sgt, %sub3A, %gt3A_541 : vector<128x128xi32>
    %jit3A_543 = arith.constant 0 : i32
    %broadcast_in_dim3A_544 = vector.broadcast %select_n3A_538 : i32 to vector<128x128xi32>
    %broadcast_in_dim3A_545 = vector.broadcast %jit3A_543 : i32 to vector<128x128xi32>
    %select_n3A_546 = arith.select %gt3A_542, %broadcast_in_dim3A_544, %broadcast_in_dim3A_545 : vector<128x128xi1>, vector<128x128xi32>
    %add3A_547 = arith.addi %add3A_512, %select_n3A_546 : vector<128x128xi32>
    %get3A_548 = arith.constant 1 : index
    %get3A_549 = arith.constant 3 : index
    %get3A_550 = memref.load %arg1[%get3A_548, %get3A_549] : memref<8x12xi32, #tpu.memory_space<smem>>
    %eq3A_551 = vector.broadcast %get3A_550 : i32 to vector<1x256xi32>
    %eq3A_552 = arith.cmpi eq, %iota3A, %eq3A_551 : vector<1x256xi32>
    %jit3A_553 = arith.constant 8.000000e+00 : f32
    %jit3A_554 = arith.constant 0.000000e+00 : f32
    %broadcast_in_dim3A_555 = vector.broadcast %jit3A_553 : f32 to vector<1x256xf32>
    %broadcast_in_dim3A_556 = vector.broadcast %jit3A_554 : f32 to vector<1x256xf32>
    %select_n3A_557 = arith.select %eq3A_552, %broadcast_in_dim3A_555, %broadcast_in_dim3A_556 : vector<1x256xi1>, vector<1x256xf32>
    %add3A_558 = arith.addf %add3A_523, %select_n3A_557 : vector<1x256xf32>
    %sub3A_559 = arith.constant 256 : i32
    %sub3A_560 = arith.subi %get3A_550, %sub3A_559 : i32
    %eq3A_561 = vector.broadcast %sub3A_560 : i32 to vector<1x256xi32>
    %eq3A_562 = arith.cmpi eq, %iota3A, %eq3A_561 : vector<1x256xi32>
    %jit3A_563 = arith.constant 8.000000e+00 : f32
    %jit3A_564 = arith.constant 0.000000e+00 : f32
    %broadcast_in_dim3A_565 = vector.broadcast %jit3A_563 : f32 to vector<1x256xf32>
    %broadcast_in_dim3A_566 = vector.broadcast %jit3A_564 : f32 to vector<1x256xf32>
    %select_n3A_567 = arith.select %eq3A_562, %broadcast_in_dim3A_565, %broadcast_in_dim3A_566 : vector<1x256xi1>, vector<1x256xf32>
    %add3A_568 = arith.addf %add3A_533, %select_n3A_567 : vector<1x256xf32>
    %ge3A_569 = arith.constant 512 : i32
    %ge3A_570 = arith.cmpi sge, %get3A_550, %ge3A_569 : i32
    %jit3A_571 = arith.constant 8 : i32
    %jit3A_572 = arith.constant 0 : i32
    %select_n3A_573 = arith.select %ge3A_570, %jit3A_571, %jit3A_572 : i32
    %sub3A_574 = arith.constant 512 : i32
    %sub3A_575 = arith.subi %get3A_550, %sub3A_574 : i32
    %gt3A_576 = vector.broadcast %sub3A_575 : i32 to vector<128x128xi32>
    %gt3A_577 = arith.cmpi sgt, %sub3A, %gt3A_576 : vector<128x128xi32>
    %jit3A_578 = arith.constant 0 : i32
    %broadcast_in_dim3A_579 = vector.broadcast %select_n3A_573 : i32 to vector<128x128xi32>
    %broadcast_in_dim3A_580 = vector.broadcast %jit3A_578 : i32 to vector<128x128xi32>
    %select_n3A_581 = arith.select %gt3A_577, %broadcast_in_dim3A_579, %broadcast_in_dim3A_580 : vector<128x128xi1>, vector<128x128xi32>
    %add3A_582 = arith.addi %add3A_547, %select_n3A_581 : vector<128x128xi32>
    %get3A_583 = arith.constant 1 : index
    %get3A_584 = arith.constant 4 : index
    %get3A_585 = memref.load %arg1[%get3A_583, %get3A_584] : memref<8x12xi32, #tpu.memory_space<smem>>
    %eq3A_586 = vector.broadcast %get3A_585 : i32 to vector<1x256xi32>
    %eq3A_587 = arith.cmpi eq, %iota3A, %eq3A_586 : vector<1x256xi32>
    %jit3A_588 = arith.constant 1.600000e+01 : f32
    %jit3A_589 = arith.constant 0.000000e+00 : f32
    %broadcast_in_dim3A_590 = vector.broadcast %jit3A_588 : f32 to vector<1x256xf32>
    %broadcast_in_dim3A_591 = vector.broadcast %jit3A_589 : f32 to vector<1x256xf32>
    %select_n3A_592 = arith.select %eq3A_587, %broadcast_in_dim3A_590, %broadcast_in_dim3A_591 : vector<1x256xi1>, vector<1x256xf32>
    %add3A_593 = arith.addf %add3A_558, %select_n3A_592 : vector<1x256xf32>
    %sub3A_594 = arith.constant 256 : i32
    %sub3A_595 = arith.subi %get3A_585, %sub3A_594 : i32
    %eq3A_596 = vector.broadcast %sub3A_595 : i32 to vector<1x256xi32>
    %eq3A_597 = arith.cmpi eq, %iota3A, %eq3A_596 : vector<1x256xi32>
    %jit3A_598 = arith.constant 1.600000e+01 : f32
    %jit3A_599 = arith.constant 0.000000e+00 : f32
    %broadcast_in_dim3A_600 = vector.broadcast %jit3A_598 : f32 to vector<1x256xf32>
    %broadcast_in_dim3A_601 = vector.broadcast %jit3A_599 : f32 to vector<1x256xf32>
    %select_n3A_602 = arith.select %eq3A_597, %broadcast_in_dim3A_600, %broadcast_in_dim3A_601 : vector<1x256xi1>, vector<1x256xf32>
    %add3A_603 = arith.addf %add3A_568, %select_n3A_602 : vector<1x256xf32>
    %ge3A_604 = arith.constant 512 : i32
    %ge3A_605 = arith.cmpi sge, %get3A_585, %ge3A_604 : i32
    %jit3A_606 = arith.constant 16 : i32
    %jit3A_607 = arith.constant 0 : i32
    %select_n3A_608 = arith.select %ge3A_605, %jit3A_606, %jit3A_607 : i32
    %sub3A_609 = arith.constant 512 : i32
    %sub3A_610 = arith.subi %get3A_585, %sub3A_609 : i32
    %gt3A_611 = vector.broadcast %sub3A_610 : i32 to vector<128x128xi32>
    %gt3A_612 = arith.cmpi sgt, %sub3A, %gt3A_611 : vector<128x128xi32>
    %jit3A_613 = arith.constant 0 : i32
    %broadcast_in_dim3A_614 = vector.broadcast %select_n3A_608 : i32 to vector<128x128xi32>
    %broadcast_in_dim3A_615 = vector.broadcast %jit3A_613 : i32 to vector<128x128xi32>
    %select_n3A_616 = arith.select %gt3A_612, %broadcast_in_dim3A_614, %broadcast_in_dim3A_615 : vector<128x128xi1>, vector<128x128xi32>
    %add3A_617 = arith.addi %add3A_582, %select_n3A_616 : vector<128x128xi32>
    %get3A_618 = arith.constant 1 : index
    %get3A_619 = arith.constant 5 : index
    %get3A_620 = memref.load %arg1[%get3A_618, %get3A_619] : memref<8x12xi32, #tpu.memory_space<smem>>
    %eq3A_621 = vector.broadcast %get3A_620 : i32 to vector<1x256xi32>
    %eq3A_622 = arith.cmpi eq, %iota3A, %eq3A_621 : vector<1x256xi32>
    %jit3A_623 = arith.constant 3.200000e+01 : f32
    %jit3A_624 = arith.constant 0.000000e+00 : f32
    %broadcast_in_dim3A_625 = vector.broadcast %jit3A_623 : f32 to vector<1x256xf32>
    %broadcast_in_dim3A_626 = vector.broadcast %jit3A_624 : f32 to vector<1x256xf32>
    %select_n3A_627 = arith.select %eq3A_622, %broadcast_in_dim3A_625, %broadcast_in_dim3A_626 : vector<1x256xi1>, vector<1x256xf32>
    %add3A_628 = arith.addf %add3A_593, %select_n3A_627 : vector<1x256xf32>
    %sub3A_629 = arith.constant 256 : i32
    %sub3A_630 = arith.subi %get3A_620, %sub3A_629 : i32
    %eq3A_631 = vector.broadcast %sub3A_630 : i32 to vector<1x256xi32>
    %eq3A_632 = arith.cmpi eq, %iota3A, %eq3A_631 : vector<1x256xi32>
    %jit3A_633 = arith.constant 3.200000e+01 : f32
    %jit3A_634 = arith.constant 0.000000e+00 : f32
    %broadcast_in_dim3A_635 = vector.broadcast %jit3A_633 : f32 to vector<1x256xf32>
    %broadcast_in_dim3A_636 = vector.broadcast %jit3A_634 : f32 to vector<1x256xf32>
    %select_n3A_637 = arith.select %eq3A_632, %broadcast_in_dim3A_635, %broadcast_in_dim3A_636 : vector<1x256xi1>, vector<1x256xf32>
    %add3A_638 = arith.addf %add3A_603, %select_n3A_637 : vector<1x256xf32>
    %ge3A_639 = arith.constant 512 : i32
    %ge3A_640 = arith.cmpi sge, %get3A_620, %ge3A_639 : i32
    %jit3A_641 = arith.constant 32 : i32
    %jit3A_642 = arith.constant 0 : i32
    %select_n3A_643 = arith.select %ge3A_640, %jit3A_641, %jit3A_642 : i32
    %sub3A_644 = arith.constant 512 : i32
    %sub3A_645 = arith.subi %get3A_620, %sub3A_644 : i32
    %gt3A_646 = vector.broadcast %sub3A_645 : i32 to vector<128x128xi32>
    %gt3A_647 = arith.cmpi sgt, %sub3A, %gt3A_646 : vector<128x128xi32>
    %jit3A_648 = arith.constant 0 : i32
    %broadcast_in_dim3A_649 = vector.broadcast %select_n3A_643 : i32 to vector<128x128xi32>
    %broadcast_in_dim3A_650 = vector.broadcast %jit3A_648 : i32 to vector<128x128xi32>
    %select_n3A_651 = arith.select %gt3A_647, %broadcast_in_dim3A_649, %broadcast_in_dim3A_650 : vector<128x128xi1>, vector<128x128xi32>
    %add3A_652 = arith.addi %add3A_617, %select_n3A_651 : vector<128x128xi32>
    %get3A_653 = arith.constant 1 : index
    %get3A_654 = arith.constant 6 : index
    %get3A_655 = memref.load %arg1[%get3A_653, %get3A_654] : memref<8x12xi32, #tpu.memory_space<smem>>
    %eq3A_656 = vector.broadcast %get3A_655 : i32 to vector<1x256xi32>
    %eq3A_657 = arith.cmpi eq, %iota3A, %eq3A_656 : vector<1x256xi32>
    %jit3A_658 = arith.constant 6.400000e+01 : f32
    %jit3A_659 = arith.constant 0.000000e+00 : f32
    %broadcast_in_dim3A_660 = vector.broadcast %jit3A_658 : f32 to vector<1x256xf32>
    %broadcast_in_dim3A_661 = vector.broadcast %jit3A_659 : f32 to vector<1x256xf32>
    %select_n3A_662 = arith.select %eq3A_657, %broadcast_in_dim3A_660, %broadcast_in_dim3A_661 : vector<1x256xi1>, vector<1x256xf32>
    %add3A_663 = arith.addf %add3A_628, %select_n3A_662 : vector<1x256xf32>
    %sub3A_664 = arith.constant 256 : i32
    %sub3A_665 = arith.subi %get3A_655, %sub3A_664 : i32
    %eq3A_666 = vector.broadcast %sub3A_665 : i32 to vector<1x256xi32>
    %eq3A_667 = arith.cmpi eq, %iota3A, %eq3A_666 : vector<1x256xi32>
    %jit3A_668 = arith.constant 6.400000e+01 : f32
    %jit3A_669 = arith.constant 0.000000e+00 : f32
    %broadcast_in_dim3A_670 = vector.broadcast %jit3A_668 : f32 to vector<1x256xf32>
    %broadcast_in_dim3A_671 = vector.broadcast %jit3A_669 : f32 to vector<1x256xf32>
    %select_n3A_672 = arith.select %eq3A_667, %broadcast_in_dim3A_670, %broadcast_in_dim3A_671 : vector<1x256xi1>, vector<1x256xf32>
    %add3A_673 = arith.addf %add3A_638, %select_n3A_672 : vector<1x256xf32>
    %ge3A_674 = arith.constant 512 : i32
    %ge3A_675 = arith.cmpi sge, %get3A_655, %ge3A_674 : i32
    %jit3A_676 = arith.constant 64 : i32
    %jit3A_677 = arith.constant 0 : i32
    %select_n3A_678 = arith.select %ge3A_675, %jit3A_676, %jit3A_677 : i32
    %sub3A_679 = arith.constant 512 : i32
    %sub3A_680 = arith.subi %get3A_655, %sub3A_679 : i32
    %gt3A_681 = vector.broadcast %sub3A_680 : i32 to vector<128x128xi32>
    %gt3A_682 = arith.cmpi sgt, %sub3A, %gt3A_681 : vector<128x128xi32>
    %jit3A_683 = arith.constant 0 : i32
    %broadcast_in_dim3A_684 = vector.broadcast %select_n3A_678 : i32 to vector<128x128xi32>
    %broadcast_in_dim3A_685 = vector.broadcast %jit3A_683 : i32 to vector<128x128xi32>
    %select_n3A_686 = arith.select %gt3A_682, %broadcast_in_dim3A_684, %broadcast_in_dim3A_685 : vector<128x128xi1>, vector<128x128xi32>
    %add3A_687 = arith.addi %add3A_652, %select_n3A_686 : vector<128x128xi32>
    %get3A_688 = arith.constant 1 : index
    %get3A_689 = arith.constant 7 : index
    %get3A_690 = memref.load %arg1[%get3A_688, %get3A_689] : memref<8x12xi32, #tpu.memory_space<smem>>
    %eq3A_691 = vector.broadcast %get3A_690 : i32 to vector<1x256xi32>
    %eq3A_692 = arith.cmpi eq, %iota3A, %eq3A_691 : vector<1x256xi32>
    %jit3A_693 = arith.constant 1.280000e+02 : f32
    %jit3A_694 = arith.constant 0.000000e+00 : f32
    %broadcast_in_dim3A_695 = vector.broadcast %jit3A_693 : f32 to vector<1x256xf32>
    %broadcast_in_dim3A_696 = vector.broadcast %jit3A_694 : f32 to vector<1x256xf32>
    %select_n3A_697 = arith.select %eq3A_692, %broadcast_in_dim3A_695, %broadcast_in_dim3A_696 : vector<1x256xi1>, vector<1x256xf32>
    %add3A_698 = arith.addf %add3A_663, %select_n3A_697 : vector<1x256xf32>
    %sub3A_699 = arith.constant 256 : i32
    %sub3A_700 = arith.subi %get3A_690, %sub3A_699 : i32
    %eq3A_701 = vector.broadcast %sub3A_700 : i32 to vector<1x256xi32>
    %eq3A_702 = arith.cmpi eq, %iota3A, %eq3A_701 : vector<1x256xi32>
    %jit3A_703 = arith.constant 1.280000e+02 : f32
    %jit3A_704 = arith.constant 0.000000e+00 : f32
    %broadcast_in_dim3A_705 = vector.broadcast %jit3A_703 : f32 to vector<1x256xf32>
    %broadcast_in_dim3A_706 = vector.broadcast %jit3A_704 : f32 to vector<1x256xf32>
    %select_n3A_707 = arith.select %eq3A_702, %broadcast_in_dim3A_705, %broadcast_in_dim3A_706 : vector<1x256xi1>, vector<1x256xf32>
    %add3A_708 = arith.addf %add3A_673, %select_n3A_707 : vector<1x256xf32>
    %ge3A_709 = arith.constant 512 : i32
    %ge3A_710 = arith.cmpi sge, %get3A_690, %ge3A_709 : i32
    %jit3A_711 = arith.constant 128 : i32
    %jit3A_712 = arith.constant 0 : i32
    %select_n3A_713 = arith.select %ge3A_710, %jit3A_711, %jit3A_712 : i32
    %sub3A_714 = arith.constant 512 : i32
    %sub3A_715 = arith.subi %get3A_690, %sub3A_714 : i32
    %gt3A_716 = vector.broadcast %sub3A_715 : i32 to vector<128x128xi32>
    %gt3A_717 = arith.cmpi sgt, %sub3A, %gt3A_716 : vector<128x128xi32>
    %jit3A_718 = arith.constant 0 : i32
    %broadcast_in_dim3A_719 = vector.broadcast %select_n3A_713 : i32 to vector<128x128xi32>
    %broadcast_in_dim3A_720 = vector.broadcast %jit3A_718 : i32 to vector<128x128xi32>
    %select_n3A_721 = arith.select %gt3A_717, %broadcast_in_dim3A_719, %broadcast_in_dim3A_720 : vector<128x128xi1>, vector<128x128xi32>
    %add3A_722 = arith.addi %add3A_687, %select_n3A_721 : vector<128x128xi32>
    %get3A_723 = arith.constant 1 : index
    %get3A_724 = arith.constant 8 : index
    %get3A_725 = memref.load %arg1[%get3A_723, %get3A_724] : memref<8x12xi32, #tpu.memory_space<smem>>
    %eq3A_726 = vector.broadcast %get3A_725 : i32 to vector<1x256xi32>
    %eq3A_727 = arith.cmpi eq, %iota3A, %eq3A_726 : vector<1x256xi32>
    %jit3A_728 = arith.constant 2.560000e+02 : f32
    %jit3A_729 = arith.constant 0.000000e+00 : f32
    %broadcast_in_dim3A_730 = vector.broadcast %jit3A_728 : f32 to vector<1x256xf32>
    %broadcast_in_dim3A_731 = vector.broadcast %jit3A_729 : f32 to vector<1x256xf32>
    %select_n3A_732 = arith.select %eq3A_727, %broadcast_in_dim3A_730, %broadcast_in_dim3A_731 : vector<1x256xi1>, vector<1x256xf32>
    %add3A_733 = arith.addf %add3A_698, %select_n3A_732 : vector<1x256xf32>
    %sub3A_734 = arith.constant 256 : i32
    %sub3A_735 = arith.subi %get3A_725, %sub3A_734 : i32
    %eq3A_736 = vector.broadcast %sub3A_735 : i32 to vector<1x256xi32>
    %eq3A_737 = arith.cmpi eq, %iota3A, %eq3A_736 : vector<1x256xi32>
    %jit3A_738 = arith.constant 2.560000e+02 : f32
    %jit3A_739 = arith.constant 0.000000e+00 : f32
    %broadcast_in_dim3A_740 = vector.broadcast %jit3A_738 : f32 to vector<1x256xf32>
    %broadcast_in_dim3A_741 = vector.broadcast %jit3A_739 : f32 to vector<1x256xf32>
    %select_n3A_742 = arith.select %eq3A_737, %broadcast_in_dim3A_740, %broadcast_in_dim3A_741 : vector<1x256xi1>, vector<1x256xf32>
    %add3A_743 = arith.addf %add3A_708, %select_n3A_742 : vector<1x256xf32>
    %ge3A_744 = arith.constant 512 : i32
    %ge3A_745 = arith.cmpi sge, %get3A_725, %ge3A_744 : i32
    %jit3A_746 = arith.constant 256 : i32
    %jit3A_747 = arith.constant 0 : i32
    %select_n3A_748 = arith.select %ge3A_745, %jit3A_746, %jit3A_747 : i32
    %sub3A_749 = arith.constant 512 : i32
    %sub3A_750 = arith.subi %get3A_725, %sub3A_749 : i32
    %gt3A_751 = vector.broadcast %sub3A_750 : i32 to vector<128x128xi32>
    %gt3A_752 = arith.cmpi sgt, %sub3A, %gt3A_751 : vector<128x128xi32>
    %jit3A_753 = arith.constant 0 : i32
    %broadcast_in_dim3A_754 = vector.broadcast %select_n3A_748 : i32 to vector<128x128xi32>
    %broadcast_in_dim3A_755 = vector.broadcast %jit3A_753 : i32 to vector<128x128xi32>
    %select_n3A_756 = arith.select %gt3A_752, %broadcast_in_dim3A_754, %broadcast_in_dim3A_755 : vector<128x128xi1>, vector<128x128xi32>
    %add3A_757 = arith.addi %add3A_722, %select_n3A_756 : vector<128x128xi32>
    %get3A_758 = arith.constant 1 : index
    %get3A_759 = arith.constant 9 : index
    %get3A_760 = memref.load %arg1[%get3A_758, %get3A_759] : memref<8x12xi32, #tpu.memory_space<smem>>
    %eq3A_761 = vector.broadcast %get3A_760 : i32 to vector<1x256xi32>
    %eq3A_762 = arith.cmpi eq, %iota3A, %eq3A_761 : vector<1x256xi32>
    %jit3A_763 = arith.constant 5.120000e+02 : f32
    %jit3A_764 = arith.constant 0.000000e+00 : f32
    %broadcast_in_dim3A_765 = vector.broadcast %jit3A_763 : f32 to vector<1x256xf32>
    %broadcast_in_dim3A_766 = vector.broadcast %jit3A_764 : f32 to vector<1x256xf32>
    %select_n3A_767 = arith.select %eq3A_762, %broadcast_in_dim3A_765, %broadcast_in_dim3A_766 : vector<1x256xi1>, vector<1x256xf32>
    %add3A_768 = arith.addf %add3A_733, %select_n3A_767 : vector<1x256xf32>
    %sub3A_769 = arith.constant 256 : i32
    %sub3A_770 = arith.subi %get3A_760, %sub3A_769 : i32
    %eq3A_771 = vector.broadcast %sub3A_770 : i32 to vector<1x256xi32>
    %eq3A_772 = arith.cmpi eq, %iota3A, %eq3A_771 : vector<1x256xi32>
    %jit3A_773 = arith.constant 5.120000e+02 : f32
    %jit3A_774 = arith.constant 0.000000e+00 : f32
    %broadcast_in_dim3A_775 = vector.broadcast %jit3A_773 : f32 to vector<1x256xf32>
    %broadcast_in_dim3A_776 = vector.broadcast %jit3A_774 : f32 to vector<1x256xf32>
    %select_n3A_777 = arith.select %eq3A_772, %broadcast_in_dim3A_775, %broadcast_in_dim3A_776 : vector<1x256xi1>, vector<1x256xf32>
    %add3A_778 = arith.addf %add3A_743, %select_n3A_777 : vector<1x256xf32>
    %ge3A_779 = arith.constant 512 : i32
    %ge3A_780 = arith.cmpi sge, %get3A_760, %ge3A_779 : i32
    %jit3A_781 = arith.constant 512 : i32
    %jit3A_782 = arith.constant 0 : i32
    %select_n3A_783 = arith.select %ge3A_780, %jit3A_781, %jit3A_782 : i32
    %sub3A_784 = arith.constant 512 : i32
    %sub3A_785 = arith.subi %get3A_760, %sub3A_784 : i32
    %gt3A_786 = vector.broadcast %sub3A_785 : i32 to vector<128x128xi32>
    %gt3A_787 = arith.cmpi sgt, %sub3A, %gt3A_786 : vector<128x128xi32>
    %jit3A_788 = arith.constant 0 : i32
    %broadcast_in_dim3A_789 = vector.broadcast %select_n3A_783 : i32 to vector<128x128xi32>
    %broadcast_in_dim3A_790 = vector.broadcast %jit3A_788 : i32 to vector<128x128xi32>
    %select_n3A_791 = arith.select %gt3A_787, %broadcast_in_dim3A_789, %broadcast_in_dim3A_790 : vector<128x128xi1>, vector<128x128xi32>
    %add3A_792 = arith.addi %add3A_757, %select_n3A_791 : vector<128x128xi32>
    %get3A_793 = arith.constant 1 : index
    %get3A_794 = arith.constant 10 : index
    %get3A_795 = memref.load %arg1[%get3A_793, %get3A_794] : memref<8x12xi32, #tpu.memory_space<smem>>
    %eq3A_796 = vector.broadcast %get3A_795 : i32 to vector<1x256xi32>
    %eq3A_797 = arith.cmpi eq, %iota3A, %eq3A_796 : vector<1x256xi32>
    %jit3A_798 = arith.constant 1.024000e+03 : f32
    %jit3A_799 = arith.constant 0.000000e+00 : f32
    %broadcast_in_dim3A_800 = vector.broadcast %jit3A_798 : f32 to vector<1x256xf32>
    %broadcast_in_dim3A_801 = vector.broadcast %jit3A_799 : f32 to vector<1x256xf32>
    %select_n3A_802 = arith.select %eq3A_797, %broadcast_in_dim3A_800, %broadcast_in_dim3A_801 : vector<1x256xi1>, vector<1x256xf32>
    %add3A_803 = arith.addf %add3A_768, %select_n3A_802 : vector<1x256xf32>
    %sub3A_804 = arith.constant 256 : i32
    %sub3A_805 = arith.subi %get3A_795, %sub3A_804 : i32
    %eq3A_806 = vector.broadcast %sub3A_805 : i32 to vector<1x256xi32>
    %eq3A_807 = arith.cmpi eq, %iota3A, %eq3A_806 : vector<1x256xi32>
    %jit3A_808 = arith.constant 1.024000e+03 : f32
    %jit3A_809 = arith.constant 0.000000e+00 : f32
    %broadcast_in_dim3A_810 = vector.broadcast %jit3A_808 : f32 to vector<1x256xf32>
    %broadcast_in_dim3A_811 = vector.broadcast %jit3A_809 : f32 to vector<1x256xf32>
    %select_n3A_812 = arith.select %eq3A_807, %broadcast_in_dim3A_810, %broadcast_in_dim3A_811 : vector<1x256xi1>, vector<1x256xf32>
    %add3A_813 = arith.addf %add3A_778, %select_n3A_812 : vector<1x256xf32>
    %ge3A_814 = arith.constant 512 : i32
    %ge3A_815 = arith.cmpi sge, %get3A_795, %ge3A_814 : i32
    %jit3A_816 = arith.constant 1024 : i32
    %jit3A_817 = arith.constant 0 : i32
    %select_n3A_818 = arith.select %ge3A_815, %jit3A_816, %jit3A_817 : i32
    %sub3A_819 = arith.constant 512 : i32
    %sub3A_820 = arith.subi %get3A_795, %sub3A_819 : i32
    %gt3A_821 = vector.broadcast %sub3A_820 : i32 to vector<128x128xi32>
    %gt3A_822 = arith.cmpi sgt, %sub3A, %gt3A_821 : vector<128x128xi32>
    %jit3A_823 = arith.constant 0 : i32
    %broadcast_in_dim3A_824 = vector.broadcast %select_n3A_818 : i32 to vector<128x128xi32>
    %broadcast_in_dim3A_825 = vector.broadcast %jit3A_823 : i32 to vector<128x128xi32>
    %select_n3A_826 = arith.select %gt3A_822, %broadcast_in_dim3A_824, %broadcast_in_dim3A_825 : vector<128x128xi1>, vector<128x128xi32>
    %add3A_827 = arith.addi %add3A_792, %select_n3A_826 : vector<128x128xi32>
    %get3A_828 = arith.constant 1 : index
    %get3A_829 = arith.constant 11 : index
    %get3A_830 = memref.load %arg1[%get3A_828, %get3A_829] : memref<8x12xi32, #tpu.memory_space<smem>>
    %eq3A_831 = vector.broadcast %get3A_830 : i32 to vector<1x256xi32>
    %eq3A_832 = arith.cmpi eq, %iota3A, %eq3A_831 : vector<1x256xi32>
    %jit3A_833 = arith.constant 2.048000e+03 : f32
    %jit3A_834 = arith.constant 0.000000e+00 : f32
    %broadcast_in_dim3A_835 = vector.broadcast %jit3A_833 : f32 to vector<1x256xf32>
    %broadcast_in_dim3A_836 = vector.broadcast %jit3A_834 : f32 to vector<1x256xf32>
    %select_n3A_837 = arith.select %eq3A_832, %broadcast_in_dim3A_835, %broadcast_in_dim3A_836 : vector<1x256xi1>, vector<1x256xf32>
    %add3A_838 = arith.addf %add3A_803, %select_n3A_837 : vector<1x256xf32>
    %sub3A_839 = arith.constant 256 : i32
    %sub3A_840 = arith.subi %get3A_830, %sub3A_839 : i32
    %eq3A_841 = vector.broadcast %sub3A_840 : i32 to vector<1x256xi32>
    %eq3A_842 = arith.cmpi eq, %iota3A, %eq3A_841 : vector<1x256xi32>
    %jit3A_843 = arith.constant 2.048000e+03 : f32
    %jit3A_844 = arith.constant 0.000000e+00 : f32
    %broadcast_in_dim3A_845 = vector.broadcast %jit3A_843 : f32 to vector<1x256xf32>
    %broadcast_in_dim3A_846 = vector.broadcast %jit3A_844 : f32 to vector<1x256xf32>
    %select_n3A_847 = arith.select %eq3A_842, %broadcast_in_dim3A_845, %broadcast_in_dim3A_846 : vector<1x256xi1>, vector<1x256xf32>
    %add3A_848 = arith.addf %add3A_813, %select_n3A_847 : vector<1x256xf32>
    %ge3A_849 = arith.constant 512 : i32
    %ge3A_850 = arith.cmpi sge, %get3A_830, %ge3A_849 : i32
    %jit3A_851 = arith.constant 2048 : i32
    %jit3A_852 = arith.constant 0 : i32
    %select_n3A_853 = arith.select %ge3A_850, %jit3A_851, %jit3A_852 : i32
    %sub3A_854 = arith.constant 512 : i32
    %sub3A_855 = arith.subi %get3A_830, %sub3A_854 : i32
    %gt3A_856 = vector.broadcast %sub3A_855 : i32 to vector<128x128xi32>
    %gt3A_857 = arith.cmpi sgt, %sub3A, %gt3A_856 : vector<128x128xi32>
    %jit3A_858 = arith.constant 0 : i32
    %broadcast_in_dim3A_859 = vector.broadcast %select_n3A_853 : i32 to vector<128x128xi32>
    %broadcast_in_dim3A_860 = vector.broadcast %jit3A_858 : i32 to vector<128x128xi32>
    %select_n3A_861 = arith.select %gt3A_857, %broadcast_in_dim3A_859, %broadcast_in_dim3A_860 : vector<128x128xi1>, vector<128x128xi32>
    %add3A_862 = arith.addi %add3A_827, %select_n3A_861 : vector<128x128xi32>
    %dot_general3A_863 = arith.constant dense<0.000000e+00> : vector<128x1xf32>
    %dot_general3A_864 = tpu.matmul %convert_element_type3A, %add3A_838, %dot_general3A_863 {dimension_numbers = #tpu.dot_dimension_numbers<[1], [1], [0], [0], [0, 0, 1, 0], [], []>, transpose_lhs_hint = false} : vector<128x256xf32>, vector<1x256xf32>, vector<128x1xf32> -> vector<128x1xf32>
    %dot_general3A_865 = arith.constant dense<0.000000e+00> : vector<1x128xf32>
    %dot_general3A_866 = tpu.matmul %add3A_848, %convert_element_type3A, %dot_general3A_865 {dimension_numbers = #tpu.dot_dimension_numbers<[1], [1], [0], [0], [0, 0, 1, 0], [], []>, transpose_lhs_hint = false} : vector<1x256xf32>, vector<128x256xf32>, vector<1x128xf32> -> vector<1x128xf32>
    %convert_element_type3A_867 = arith.fptosi %dot_general3A_864 : vector<128x1xf32> to vector<128x1xi32>
    %convert_element_type3A_868 = arith.fptosi %dot_general3A_866 : vector<1x128xf32> to vector<1x128xi32>
    %add3A_869 = vector.broadcast %convert_element_type3A_867 : vector<128x1xi32> to vector<128x128xi32>
    %add3A_870 = vector.broadcast %convert_element_type3A_868 : vector<1x128xi32> to vector<128x128xi32>
    %add3A_871 = arith.addi %add3A_869, %add3A_870 : vector<128x128xi32>
    %add3A_872 = arith.addi %add3A_871, %add3A_862 : vector<128x128xi32>
    %swap3A_873 = arith.constant 0 : index
    %swap3A_874 = arith.constant 1 : index
    %swap3A_875 = arith.constant 0 : index
    %swap3A_876 = vector.load %arg3[%swap3A_873, %swap3A_874, %swap3A_875] : memref<128x8x128xi32, #tpu.memory_space<vmem>>, vector<128x1x128xi32>
    %swap3A_877 = vector.shape_cast %swap3A_876 : vector<128x1x128xi32> to vector<128x128xi32>
    %swap3A_878 = vector.shape_cast %add3A_872 : vector<128x128xi32> to vector<128x1x128xi32>
    tpu.vector_store %arg3[%swap3A_873, %swap3A_874, %swap3A_875], %swap3A_878 {strides = array<i32>} : memref<128x8x128xi32, #tpu.memory_space<vmem>>, vector<128x1x128xi32>,
    %broadcast_in_dim3A_879 = arith.constant 0.000000e+00 : f32
    %broadcast_in_dim3A_880 = vector.broadcast %broadcast_in_dim3A_879 : f32 to vector<1x256xf32>
    %broadcast_in_dim3A_881 = arith.constant 0.000000e+00 : f32
    %broadcast_in_dim3A_882 = vector.broadcast %broadcast_in_dim3A_881 : f32 to vector<1x256xf32>
    %broadcast_in_dim3A_883 = arith.constant 0 : i32
    %broadcast_in_dim3A_884 = vector.broadcast %broadcast_in_dim3A_883 : i32 to vector<128x128xi32>
    %get3A_885 = arith.constant 2 : index
    %get3A_886 = arith.constant 0 : index
    %get3A_887 = memref.load %arg1[%get3A_885, %get3A_886] : memref<8x12xi32, #tpu.memory_space<smem>>
    %eq3A_888 = vector.broadcast %get3A_887 : i32 to vector<1x256xi32>
    %eq3A_889 = arith.cmpi eq, %iota3A, %eq3A_888 : vector<1x256xi32>
    %jit3A_890 = arith.constant 1.000000e+00 : f32
    %jit3A_891 = arith.constant 0.000000e+00 : f32
    %broadcast_in_dim3A_892 = vector.broadcast %jit3A_890 : f32 to vector<1x256xf32>
    %broadcast_in_dim3A_893 = vector.broadcast %jit3A_891 : f32 to vector<1x256xf32>
    %select_n3A_894 = arith.select %eq3A_889, %broadcast_in_dim3A_892, %broadcast_in_dim3A_893 : vector<1x256xi1>, vector<1x256xf32>
    %add3A_895 = arith.addf %broadcast_in_dim3A_880, %select_n3A_894 : vector<1x256xf32>
    %sub3A_896 = arith.constant 256 : i32
    %sub3A_897 = arith.subi %get3A_887, %sub3A_896 : i32
    %eq3A_898 = vector.broadcast %sub3A_897 : i32 to vector<1x256xi32>
    %eq3A_899 = arith.cmpi eq, %iota3A, %eq3A_898 : vector<1x256xi32>
    %jit3A_900 = arith.constant 1.000000e+00 : f32
    %jit3A_901 = arith.constant 0.000000e+00 : f32
    %broadcast_in_dim3A_902 = vector.broadcast %jit3A_900 : f32 to vector<1x256xf32>
    %broadcast_in_dim3A_903 = vector.broadcast %jit3A_901 : f32 to vector<1x256xf32>
    %select_n3A_904 = arith.select %eq3A_899, %broadcast_in_dim3A_902, %broadcast_in_dim3A_903 : vector<1x256xi1>, vector<1x256xf32>
    %add3A_905 = arith.addf %broadcast_in_dim3A_882, %select_n3A_904 : vector<1x256xf32>
    %ge3A_906 = arith.constant 512 : i32
    %ge3A_907 = arith.cmpi sge, %get3A_887, %ge3A_906 : i32
    %jit3A_908 = arith.constant 1 : i32
    %jit3A_909 = arith.constant 0 : i32
    %select_n3A_910 = arith.select %ge3A_907, %jit3A_908, %jit3A_909 : i32
    %sub3A_911 = arith.constant 512 : i32
    %sub3A_912 = arith.subi %get3A_887, %sub3A_911 : i32
    %gt3A_913 = vector.broadcast %sub3A_912 : i32 to vector<128x128xi32>
    %gt3A_914 = arith.cmpi sgt, %sub3A, %gt3A_913 : vector<128x128xi32>
    %jit3A_915 = arith.constant 0 : i32
    %broadcast_in_dim3A_916 = vector.broadcast %select_n3A_910 : i32 to vector<128x128xi32>
    %broadcast_in_dim3A_917 = vector.broadcast %jit3A_915 : i32 to vector<128x128xi32>
    %select_n3A_918 = arith.select %gt3A_914, %broadcast_in_dim3A_916, %broadcast_in_dim3A_917 : vector<128x128xi1>, vector<128x128xi32>
    %add3A_919 = arith.addi %broadcast_in_dim3A_884, %select_n3A_918 : vector<128x128xi32>
    %get3A_920 = arith.constant 2 : index
    %get3A_921 = arith.constant 1 : index
    %get3A_922 = memref.load %arg1[%get3A_920, %get3A_921] : memref<8x12xi32, #tpu.memory_space<smem>>
    %eq3A_923 = vector.broadcast %get3A_922 : i32 to vector<1x256xi32>
    %eq3A_924 = arith.cmpi eq, %iota3A, %eq3A_923 : vector<1x256xi32>
    %jit3A_925 = arith.constant 2.000000e+00 : f32
    %jit3A_926 = arith.constant 0.000000e+00 : f32
    %broadcast_in_dim3A_927 = vector.broadcast %jit3A_925 : f32 to vector<1x256xf32>
    %broadcast_in_dim3A_928 = vector.broadcast %jit3A_926 : f32 to vector<1x256xf32>
    %select_n3A_929 = arith.select %eq3A_924, %broadcast_in_dim3A_927, %broadcast_in_dim3A_928 : vector<1x256xi1>, vector<1x256xf32>
    %add3A_930 = arith.addf %add3A_895, %select_n3A_929 : vector<1x256xf32>
    %sub3A_931 = arith.constant 256 : i32
    %sub3A_932 = arith.subi %get3A_922, %sub3A_931 : i32
    %eq3A_933 = vector.broadcast %sub3A_932 : i32 to vector<1x256xi32>
    %eq3A_934 = arith.cmpi eq, %iota3A, %eq3A_933 : vector<1x256xi32>
    %jit3A_935 = arith.constant 2.000000e+00 : f32
    %jit3A_936 = arith.constant 0.000000e+00 : f32
    %broadcast_in_dim3A_937 = vector.broadcast %jit3A_935 : f32 to vector<1x256xf32>
    %broadcast_in_dim3A_938 = vector.broadcast %jit3A_936 : f32 to vector<1x256xf32>
    %select_n3A_939 = arith.select %eq3A_934, %broadcast_in_dim3A_937, %broadcast_in_dim3A_938 : vector<1x256xi1>, vector<1x256xf32>
    %add3A_940 = arith.addf %add3A_905, %select_n3A_939 : vector<1x256xf32>
    %ge3A_941 = arith.constant 512 : i32
    %ge3A_942 = arith.cmpi sge, %get3A_922, %ge3A_941 : i32
    %jit3A_943 = arith.constant 2 : i32
    %jit3A_944 = arith.constant 0 : i32
    %select_n3A_945 = arith.select %ge3A_942, %jit3A_943, %jit3A_944 : i32
    %sub3A_946 = arith.constant 512 : i32
    %sub3A_947 = arith.subi %get3A_922, %sub3A_946 : i32
    %gt3A_948 = vector.broadcast %sub3A_947 : i32 to vector<128x128xi32>
    %gt3A_949 = arith.cmpi sgt, %sub3A, %gt3A_948 : vector<128x128xi32>
    %jit3A_950 = arith.constant 0 : i32
    %broadcast_in_dim3A_951 = vector.broadcast %select_n3A_945 : i32 to vector<128x128xi32>
    %broadcast_in_dim3A_952 = vector.broadcast %jit3A_950 : i32 to vector<128x128xi32>
    %select_n3A_953 = arith.select %gt3A_949, %broadcast_in_dim3A_951, %broadcast_in_dim3A_952 : vector<128x128xi1>, vector<128x128xi32>
    %add3A_954 = arith.addi %add3A_919, %select_n3A_953 : vector<128x128xi32>
    %get3A_955 = arith.constant 2 : index
    %get3A_956 = arith.constant 2 : index
    %get3A_957 = memref.load %arg1[%get3A_955, %get3A_956] : memref<8x12xi32, #tpu.memory_space<smem>>
    %eq3A_958 = vector.broadcast %get3A_957 : i32 to vector<1x256xi32>
    %eq3A_959 = arith.cmpi eq, %iota3A, %eq3A_958 : vector<1x256xi32>
    %jit3A_960 = arith.constant 4.000000e+00 : f32
    %jit3A_961 = arith.constant 0.000000e+00 : f32
    %broadcast_in_dim3A_962 = vector.broadcast %jit3A_960 : f32 to vector<1x256xf32>
    %broadcast_in_dim3A_963 = vector.broadcast %jit3A_961 : f32 to vector<1x256xf32>
    %select_n3A_964 = arith.select %eq3A_959, %broadcast_in_dim3A_962, %broadcast_in_dim3A_963 : vector<1x256xi1>, vector<1x256xf32>
    %add3A_965 = arith.addf %add3A_930, %select_n3A_964 : vector<1x256xf32>
    %sub3A_966 = arith.constant 256 : i32
    %sub3A_967 = arith.subi %get3A_957, %sub3A_966 : i32
    %eq3A_968 = vector.broadcast %sub3A_967 : i32 to vector<1x256xi32>
    %eq3A_969 = arith.cmpi eq, %iota3A, %eq3A_968 : vector<1x256xi32>
    %jit3A_970 = arith.constant 4.000000e+00 : f32
    %jit3A_971 = arith.constant 0.000000e+00 : f32
    %broadcast_in_dim3A_972 = vector.broadcast %jit3A_970 : f32 to vector<1x256xf32>
    %broadcast_in_dim3A_973 = vector.broadcast %jit3A_971 : f32 to vector<1x256xf32>
    %select_n3A_974 = arith.select %eq3A_969, %broadcast_in_dim3A_972, %broadcast_in_dim3A_973 : vector<1x256xi1>, vector<1x256xf32>
    %add3A_975 = arith.addf %add3A_940, %select_n3A_974 : vector<1x256xf32>
    %ge3A_976 = arith.constant 512 : i32
    %ge3A_977 = arith.cmpi sge, %get3A_957, %ge3A_976 : i32
    %jit3A_978 = arith.constant 4 : i32
    %jit3A_979 = arith.constant 0 : i32
    %select_n3A_980 = arith.select %ge3A_977, %jit3A_978, %jit3A_979 : i32
    %sub3A_981 = arith.constant 512 : i32
    %sub3A_982 = arith.subi %get3A_957, %sub3A_981 : i32
    %gt3A_983 = vector.broadcast %sub3A_982 : i32 to vector<128x128xi32>
    %gt3A_984 = arith.cmpi sgt, %sub3A, %gt3A_983 : vector<128x128xi32>
    %jit3A_985 = arith.constant 0 : i32
    %broadcast_in_dim3A_986 = vector.broadcast %select_n3A_980 : i32 to vector<128x128xi32>
    %broadcast_in_dim3A_987 = vector.broadcast %jit3A_985 : i32 to vector<128x128xi32>
    %select_n3A_988 = arith.select %gt3A_984, %broadcast_in_dim3A_986, %broadcast_in_dim3A_987 : vector<128x128xi1>, vector<128x128xi32>
    %add3A_989 = arith.addi %add3A_954, %select_n3A_988 : vector<128x128xi32>
    %get3A_990 = arith.constant 2 : index
    %get3A_991 = arith.constant 3 : index
    %get3A_992 = memref.load %arg1[%get3A_990, %get3A_991] : memref<8x12xi32, #tpu.memory_space<smem>>
    %eq3A_993 = vector.broadcast %get3A_992 : i32 to vector<1x256xi32>
    %eq3A_994 = arith.cmpi eq, %iota3A, %eq3A_993 : vector<1x256xi32>
    %jit3A_995 = arith.constant 8.000000e+00 : f32
    %jit3A_996 = arith.constant 0.000000e+00 : f32
    %broadcast_in_dim3A_997 = vector.broadcast %jit3A_995 : f32 to vector<1x256xf32>
    %broadcast_in_dim3A_998 = vector.broadcast %jit3A_996 : f32 to vector<1x256xf32>
    %select_n3A_999 = arith.select %eq3A_994, %broadcast_in_dim3A_997, %broadcast_in_dim3A_998 : vector<1x256xi1>, vector<1x256xf32>
    %add3A_1000 = arith.addf %add3A_965, %select_n3A_999 : vector<1x256xf32>
    %sub3A_1001 = arith.constant 256 : i32
    %sub3A_1002 = arith.subi %get3A_992, %sub3A_1001 : i32
    %eq3A_1003 = vector.broadcast %sub3A_1002 : i32 to vector<1x256xi32>
    %eq3A_1004 = arith.cmpi eq, %iota3A, %eq3A_1003 : vector<1x256xi32>
    %jit3A_1005 = arith.constant 8.000000e+00 : f32
    %jit3A_1006 = arith.constant 0.000000e+00 : f32
    %broadcast_in_dim3A_1007 = vector.broadcast %jit3A_1005 : f32 to vector<1x256xf32>
    %broadcast_in_dim3A_1008 = vector.broadcast %jit3A_1006 : f32 to vector<1x256xf32>
    %select_n3A_1009 = arith.select %eq3A_1004, %broadcast_in_dim3A_1007, %broadcast_in_dim3A_1008 : vector<1x256xi1>, vector<1x256xf32>
    %add3A_1010 = arith.addf %add3A_975, %select_n3A_1009 : vector<1x256xf32>
    %ge3A_1011 = arith.constant 512 : i32
    %ge3A_1012 = arith.cmpi sge, %get3A_992, %ge3A_1011 : i32
    %jit3A_1013 = arith.constant 8 : i32
    %jit3A_1014 = arith.constant 0 : i32
    %select_n3A_1015 = arith.select %ge3A_1012, %jit3A_1013, %jit3A_1014 : i32
    %sub3A_1016 = arith.constant 512 : i32
    %sub3A_1017 = arith.subi %get3A_992, %sub3A_1016 : i32
    %gt3A_1018 = vector.broadcast %sub3A_1017 : i32 to vector<128x128xi32>
    %gt3A_1019 = arith.cmpi sgt, %sub3A, %gt3A_1018 : vector<128x128xi32>
    %jit3A_1020 = arith.constant 0 : i32
    %broadcast_in_dim3A_1021 = vector.broadcast %select_n3A_1015 : i32 to vector<128x128xi32>
    %broadcast_in_dim3A_1022 = vector.broadcast %jit3A_1020 : i32 to vector<128x128xi32>
    %select_n3A_1023 = arith.select %gt3A_1019, %broadcast_in_dim3A_1021, %broadcast_in_dim3A_1022 : vector<128x128xi1>, vector<128x128xi32>
    %add3A_1024 = arith.addi %add3A_989, %select_n3A_1023 : vector<128x128xi32>
    %get3A_1025 = arith.constant 2 : index
    %get3A_1026 = arith.constant 4 : index
    %get3A_1027 = memref.load %arg1[%get3A_1025, %get3A_1026] : memref<8x12xi32, #tpu.memory_space<smem>>
    %eq3A_1028 = vector.broadcast %get3A_1027 : i32 to vector<1x256xi32>
    %eq3A_1029 = arith.cmpi eq, %iota3A, %eq3A_1028 : vector<1x256xi32>
    %jit3A_1030 = arith.constant 1.600000e+01 : f32
    %jit3A_1031 = arith.constant 0.000000e+00 : f32
    %broadcast_in_dim3A_1032 = vector.broadcast %jit3A_1030 : f32 to vector<1x256xf32>
    %broadcast_in_dim3A_1033 = vector.broadcast %jit3A_1031 : f32 to vector<1x256xf32>
    %select_n3A_1034 = arith.select %eq3A_1029, %broadcast_in_dim3A_1032, %broadcast_in_dim3A_1033 : vector<1x256xi1>, vector<1x256xf32>
    %add3A_1035 = arith.addf %add3A_1000, %select_n3A_1034 : vector<1x256xf32>
    %sub3A_1036 = arith.constant 256 : i32
    %sub3A_1037 = arith.subi %get3A_1027, %sub3A_1036 : i32
    %eq3A_1038 = vector.broadcast %sub3A_1037 : i32 to vector<1x256xi32>
    %eq3A_1039 = arith.cmpi eq, %iota3A, %eq3A_1038 : vector<1x256xi32>
    %jit3A_1040 = arith.constant 1.600000e+01 : f32
    %jit3A_1041 = arith.constant 0.000000e+00 : f32
    %broadcast_in_dim3A_1042 = vector.broadcast %jit3A_1040 : f32 to vector<1x256xf32>
    %broadcast_in_dim3A_1043 = vector.broadcast %jit3A_1041 : f32 to vector<1x256xf32>
    %select_n3A_1044 = arith.select %eq3A_1039, %broadcast_in_dim3A_1042, %broadcast_in_dim3A_1043 : vector<1x256xi1>, vector<1x256xf32>
    %add3A_1045 = arith.addf %add3A_1010, %select_n3A_1044 : vector<1x256xf32>
    %ge3A_1046 = arith.constant 512 : i32
    %ge3A_1047 = arith.cmpi sge, %get3A_1027, %ge3A_1046 : i32
    %jit3A_1048 = arith.constant 16 : i32
    %jit3A_1049 = arith.constant 0 : i32
    %select_n3A_1050 = arith.select %ge3A_1047, %jit3A_1048, %jit3A_1049 : i32
    %sub3A_1051 = arith.constant 512 : i32
    %sub3A_1052 = arith.subi %get3A_1027, %sub3A_1051 : i32
    %gt3A_1053 = vector.broadcast %sub3A_1052 : i32 to vector<128x128xi32>
    %gt3A_1054 = arith.cmpi sgt, %sub3A, %gt3A_1053 : vector<128x128xi32>
    %jit3A_1055 = arith.constant 0 : i32
    %broadcast_in_dim3A_1056 = vector.broadcast %select_n3A_1050 : i32 to vector<128x128xi32>
    %broadcast_in_dim3A_1057 = vector.broadcast %jit3A_1055 : i32 to vector<128x128xi32>
    %select_n3A_1058 = arith.select %gt3A_1054, %broadcast_in_dim3A_1056, %broadcast_in_dim3A_1057 : vector<128x128xi1>, vector<128x128xi32>
    %add3A_1059 = arith.addi %add3A_1024, %select_n3A_1058 : vector<128x128xi32>
    %get3A_1060 = arith.constant 2 : index
    %get3A_1061 = arith.constant 5 : index
    %get3A_1062 = memref.load %arg1[%get3A_1060, %get3A_1061] : memref<8x12xi32, #tpu.memory_space<smem>>
    %eq3A_1063 = vector.broadcast %get3A_1062 : i32 to vector<1x256xi32>
    %eq3A_1064 = arith.cmpi eq, %iota3A, %eq3A_1063 : vector<1x256xi32>
    %jit3A_1065 = arith.constant 3.200000e+01 : f32
    %jit3A_1066 = arith.constant 0.000000e+00 : f32
    %broadcast_in_dim3A_1067 = vector.broadcast %jit3A_1065 : f32 to vector<1x256xf32>
    %broadcast_in_dim3A_1068 = vector.broadcast %jit3A_1066 : f32 to vector<1x256xf32>
    %select_n3A_1069 = arith.select %eq3A_1064, %broadcast_in_dim3A_1067, %broadcast_in_dim3A_1068 : vector<1x256xi1>, vector<1x256xf32>
    %add3A_1070 = arith.addf %add3A_1035, %select_n3A_1069 : vector<1x256xf32>
    %sub3A_1071 = arith.constant 256 : i32
    %sub3A_1072 = arith.subi %get3A_1062, %sub3A_1071 : i32
    %eq3A_1073 = vector.broadcast %sub3A_1072 : i32 to vector<1x256xi32>
    %eq3A_1074 = arith.cmpi eq, %iota3A, %eq3A_1073 : vector<1x256xi32>
    %jit3A_1075 = arith.constant 3.200000e+01 : f32
    %jit3A_1076 = arith.constant 0.000000e+00 : f32
    %broadcast_in_dim3A_1077 = vector.broadcast %jit3A_1075 : f32 to vector<1x256xf32>
    %broadcast_in_dim3A_1078 = vector.broadcast %jit3A_1076 : f32 to vector<1x256xf32>
    %select_n3A_1079 = arith.select %eq3A_1074, %broadcast_in_dim3A_1077, %broadcast_in_dim3A_1078 : vector<1x256xi1>, vector<1x256xf32>
    %add3A_1080 = arith.addf %add3A_1045, %select_n3A_1079 : vector<1x256xf32>
    %ge3A_1081 = arith.constant 512 : i32
    %ge3A_1082 = arith.cmpi sge, %get3A_1062, %ge3A_1081 : i32
    %jit3A_1083 = arith.constant 32 : i32
    %jit3A_1084 = arith.constant 0 : i32
    %select_n3A_1085 = arith.select %ge3A_1082, %jit3A_1083, %jit3A_1084 : i32
    %sub3A_1086 = arith.constant 512 : i32
    %sub3A_1087 = arith.subi %get3A_1062, %sub3A_1086 : i32
    %gt3A_1088 = vector.broadcast %sub3A_1087 : i32 to vector<128x128xi32>
    %gt3A_1089 = arith.cmpi sgt, %sub3A, %gt3A_1088 : vector<128x128xi32>
    %jit3A_1090 = arith.constant 0 : i32
    %broadcast_in_dim3A_1091 = vector.broadcast %select_n3A_1085 : i32 to vector<128x128xi32>
    %broadcast_in_dim3A_1092 = vector.broadcast %jit3A_1090 : i32 to vector<128x128xi32>
    %select_n3A_1093 = arith.select %gt3A_1089, %broadcast_in_dim3A_1091, %broadcast_in_dim3A_1092 : vector<128x128xi1>, vector<128x128xi32>
    %add3A_1094 = arith.addi %add3A_1059, %select_n3A_1093 : vector<128x128xi32>
    %get3A_1095 = arith.constant 2 : index
    %get3A_1096 = arith.constant 6 : index
    %get3A_1097 = memref.load %arg1[%get3A_1095, %get3A_1096] : memref<8x12xi32, #tpu.memory_space<smem>>
    %eq3A_1098 = vector.broadcast %get3A_1097 : i32 to vector<1x256xi32>
    %eq3A_1099 = arith.cmpi eq, %iota3A, %eq3A_1098 : vector<1x256xi32>
    %jit3A_1100 = arith.constant 6.400000e+01 : f32
    %jit3A_1101 = arith.constant 0.000000e+00 : f32
    %broadcast_in_dim3A_1102 = vector.broadcast %jit3A_1100 : f32 to vector<1x256xf32>
    %broadcast_in_dim3A_1103 = vector.broadcast %jit3A_1101 : f32 to vector<1x256xf32>
    %select_n3A_1104 = arith.select %eq3A_1099, %broadcast_in_dim3A_1102, %broadcast_in_dim3A_1103 : vector<1x256xi1>, vector<1x256xf32>
    %add3A_1105 = arith.addf %add3A_1070, %select_n3A_1104 : vector<1x256xf32>
    %sub3A_1106 = arith.constant 256 : i32
    %sub3A_1107 = arith.subi %get3A_1097, %sub3A_1106 : i32
    %eq3A_1108 = vector.broadcast %sub3A_1107 : i32 to vector<1x256xi32>
    %eq3A_1109 = arith.cmpi eq, %iota3A, %eq3A_1108 : vector<1x256xi32>
    %jit3A_1110 = arith.constant 6.400000e+01 : f32
    %jit3A_1111 = arith.constant 0.000000e+00 : f32
    %broadcast_in_dim3A_1112 = vector.broadcast %jit3A_1110 : f32 to vector<1x256xf32>
    %broadcast_in_dim3A_1113 = vector.broadcast %jit3A_1111 : f32 to vector<1x256xf32>
    %select_n3A_1114 = arith.select %eq3A_1109, %broadcast_in_dim3A_1112, %broadcast_in_dim3A_1113 : vector<1x256xi1>, vector<1x256xf32>
    %add3A_1115 = arith.addf %add3A_1080, %select_n3A_1114 : vector<1x256xf32>
    %ge3A_1116 = arith.constant 512 : i32
    %ge3A_1117 = arith.cmpi sge, %get3A_1097, %ge3A_1116 : i32
    %jit3A_1118 = arith.constant 64 : i32
    %jit3A_1119 = arith.constant 0 : i32
    %select_n3A_1120 = arith.select %ge3A_1117, %jit3A_1118, %jit3A_1119 : i32
    %sub3A_1121 = arith.constant 512 : i32
    %sub3A_1122 = arith.subi %get3A_1097, %sub3A_1121 : i32
    %gt3A_1123 = vector.broadcast %sub3A_1122 : i32 to vector<128x128xi32>
    %gt3A_1124 = arith.cmpi sgt, %sub3A, %gt3A_1123 : vector<128x128xi32>
    %jit3A_1125 = arith.constant 0 : i32
    %broadcast_in_dim3A_1126 = vector.broadcast %select_n3A_1120 : i32 to vector<128x128xi32>
    %broadcast_in_dim3A_1127 = vector.broadcast %jit3A_1125 : i32 to vector<128x128xi32>
    %select_n3A_1128 = arith.select %gt3A_1124, %broadcast_in_dim3A_1126, %broadcast_in_dim3A_1127 : vector<128x128xi1>, vector<128x128xi32>
    %add3A_1129 = arith.addi %add3A_1094, %select_n3A_1128 : vector<128x128xi32>
    %get3A_1130 = arith.constant 2 : index
    %get3A_1131 = arith.constant 7 : index
    %get3A_1132 = memref.load %arg1[%get3A_1130, %get3A_1131] : memref<8x12xi32, #tpu.memory_space<smem>>
    %eq3A_1133 = vector.broadcast %get3A_1132 : i32 to vector<1x256xi32>
    %eq3A_1134 = arith.cmpi eq, %iota3A, %eq3A_1133 : vector<1x256xi32>
    %jit3A_1135 = arith.constant 1.280000e+02 : f32
    %jit3A_1136 = arith.constant 0.000000e+00 : f32
    %broadcast_in_dim3A_1137 = vector.broadcast %jit3A_1135 : f32 to vector<1x256xf32>
    %broadcast_in_dim3A_1138 = vector.broadcast %jit3A_1136 : f32 to vector<1x256xf32>
    %select_n3A_1139 = arith.select %eq3A_1134, %broadcast_in_dim3A_1137, %broadcast_in_dim3A_1138 : vector<1x256xi1>, vector<1x256xf32>
    %add3A_1140 = arith.addf %add3A_1105, %select_n3A_1139 : vector<1x256xf32>
    %sub3A_1141 = arith.constant 256 : i32
    %sub3A_1142 = arith.subi %get3A_1132, %sub3A_1141 : i32
    %eq3A_1143 = vector.broadcast %sub3A_1142 : i32 to vector<1x256xi32>
    %eq3A_1144 = arith.cmpi eq, %iota3A, %eq3A_1143 : vector<1x256xi32>
    %jit3A_1145 = arith.constant 1.280000e+02 : f32
    %jit3A_1146 = arith.constant 0.000000e+00 : f32
    %broadcast_in_dim3A_1147 = vector.broadcast %jit3A_1145 : f32 to vector<1x256xf32>
    %broadcast_in_dim3A_1148 = vector.broadcast %jit3A_1146 : f32 to vector<1x256xf32>
    %select_n3A_1149 = arith.select %eq3A_1144, %broadcast_in_dim3A_1147, %broadcast_in_dim3A_1148 : vector<1x256xi1>, vector<1x256xf32>
    %add3A_1150 = arith.addf %add3A_1115, %select_n3A_1149 : vector<1x256xf32>
    %ge3A_1151 = arith.constant 512 : i32
    %ge3A_1152 = arith.cmpi sge, %get3A_1132, %ge3A_1151 : i32
    %jit3A_1153 = arith.constant 128 : i32
    %jit3A_1154 = arith.constant 0 : i32
    %select_n3A_1155 = arith.select %ge3A_1152, %jit3A_1153, %jit3A_1154 : i32
    %sub3A_1156 = arith.constant 512 : i32
    %sub3A_1157 = arith.subi %get3A_1132, %sub3A_1156 : i32
    %gt3A_1158 = vector.broadcast %sub3A_1157 : i32 to vector<128x128xi32>
    %gt3A_1159 = arith.cmpi sgt, %sub3A, %gt3A_1158 : vector<128x128xi32>
    %jit3A_1160 = arith.constant 0 : i32
    %broadcast_in_dim3A_1161 = vector.broadcast %select_n3A_1155 : i32 to vector<128x128xi32>
    %broadcast_in_dim3A_1162 = vector.broadcast %jit3A_1160 : i32 to vector<128x128xi32>
    %select_n3A_1163 = arith.select %gt3A_1159, %broadcast_in_dim3A_1161, %broadcast_in_dim3A_1162 : vector<128x128xi1>, vector<128x128xi32>
    %add3A_1164 = arith.addi %add3A_1129, %select_n3A_1163 : vector<128x128xi32>
    %get3A_1165 = arith.constant 2 : index
    %get3A_1166 = arith.constant 8 : index
    %get3A_1167 = memref.load %arg1[%get3A_1165, %get3A_1166] : memref<8x12xi32, #tpu.memory_space<smem>>
    %eq3A_1168 = vector.broadcast %get3A_1167 : i32 to vector<1x256xi32>
    %eq3A_1169 = arith.cmpi eq, %iota3A, %eq3A_1168 : vector<1x256xi32>
    %jit3A_1170 = arith.constant 2.560000e+02 : f32
    %jit3A_1171 = arith.constant 0.000000e+00 : f32
    %broadcast_in_dim3A_1172 = vector.broadcast %jit3A_1170 : f32 to vector<1x256xf32>
    %broadcast_in_dim3A_1173 = vector.broadcast %jit3A_1171 : f32 to vector<1x256xf32>
    %select_n3A_1174 = arith.select %eq3A_1169, %broadcast_in_dim3A_1172, %broadcast_in_dim3A_1173 : vector<1x256xi1>, vector<1x256xf32>
    %add3A_1175 = arith.addf %add3A_1140, %select_n3A_1174 : vector<1x256xf32>
    %sub3A_1176 = arith.constant 256 : i32
    %sub3A_1177 = arith.subi %get3A_1167, %sub3A_1176 : i32
    %eq3A_1178 = vector.broadcast %sub3A_1177 : i32 to vector<1x256xi32>
    %eq3A_1179 = arith.cmpi eq, %iota3A, %eq3A_1178 : vector<1x256xi32>
    %jit3A_1180 = arith.constant 2.560000e+02 : f32
    %jit3A_1181 = arith.constant 0.000000e+00 : f32
    %broadcast_in_dim3A_1182 = vector.broadcast %jit3A_1180 : f32 to vector<1x256xf32>
    %broadcast_in_dim3A_1183 = vector.broadcast %jit3A_1181 : f32 to vector<1x256xf32>
    %select_n3A_1184 = arith.select %eq3A_1179, %broadcast_in_dim3A_1182, %broadcast_in_dim3A_1183 : vector<1x256xi1>, vector<1x256xf32>
    %add3A_1185 = arith.addf %add3A_1150, %select_n3A_1184 : vector<1x256xf32>
    %ge3A_1186 = arith.constant 512 : i32
    %ge3A_1187 = arith.cmpi sge, %get3A_1167, %ge3A_1186 : i32
    %jit3A_1188 = arith.constant 256 : i32
    %jit3A_1189 = arith.constant 0 : i32
    %select_n3A_1190 = arith.select %ge3A_1187, %jit3A_1188, %jit3A_1189 : i32
    %sub3A_1191 = arith.constant 512 : i32
    %sub3A_1192 = arith.subi %get3A_1167, %sub3A_1191 : i32
    %gt3A_1193 = vector.broadcast %sub3A_1192 : i32 to vector<128x128xi32>
    %gt3A_1194 = arith.cmpi sgt, %sub3A, %gt3A_1193 : vector<128x128xi32>
    %jit3A_1195 = arith.constant 0 : i32
    %broadcast_in_dim3A_1196 = vector.broadcast %select_n3A_1190 : i32 to vector<128x128xi32>
    %broadcast_in_dim3A_1197 = vector.broadcast %jit3A_1195 : i32 to vector<128x128xi32>
    %select_n3A_1198 = arith.select %gt3A_1194, %broadcast_in_dim3A_1196, %broadcast_in_dim3A_1197 : vector<128x128xi1>, vector<128x128xi32>
    %add3A_1199 = arith.addi %add3A_1164, %select_n3A_1198 : vector<128x128xi32>
    %get3A_1200 = arith.constant 2 : index
    %get3A_1201 = arith.constant 9 : index
    %get3A_1202 = memref.load %arg1[%get3A_1200, %get3A_1201] : memref<8x12xi32, #tpu.memory_space<smem>>
    %eq3A_1203 = vector.broadcast %get3A_1202 : i32 to vector<1x256xi32>
    %eq3A_1204 = arith.cmpi eq, %iota3A, %eq3A_1203 : vector<1x256xi32>
    %jit3A_1205 = arith.constant 5.120000e+02 : f32
    %jit3A_1206 = arith.constant 0.000000e+00 : f32
    %broadcast_in_dim3A_1207 = vector.broadcast %jit3A_1205 : f32 to vector<1x256xf32>
    %broadcast_in_dim3A_1208 = vector.broadcast %jit3A_1206 : f32 to vector<1x256xf32>
    %select_n3A_1209 = arith.select %eq3A_1204, %broadcast_in_dim3A_1207, %broadcast_in_dim3A_1208 : vector<1x256xi1>, vector<1x256xf32>
    %add3A_1210 = arith.addf %add3A_1175, %select_n3A_1209 : vector<1x256xf32>
    %sub3A_1211 = arith.constant 256 : i32
    %sub3A_1212 = arith.subi %get3A_1202, %sub3A_1211 : i32
    %eq3A_1213 = vector.broadcast %sub3A_1212 : i32 to vector<1x256xi32>
    %eq3A_1214 = arith.cmpi eq, %iota3A, %eq3A_1213 : vector<1x256xi32>
    %jit3A_1215 = arith.constant 5.120000e+02 : f32
    %jit3A_1216 = arith.constant 0.000000e+00 : f32
    %broadcast_in_dim3A_1217 = vector.broadcast %jit3A_1215 : f32 to vector<1x256xf32>
    %broadcast_in_dim3A_1218 = vector.broadcast %jit3A_1216 : f32 to vector<1x256xf32>
    %select_n3A_1219 = arith.select %eq3A_1214, %broadcast_in_dim3A_1217, %broadcast_in_dim3A_1218 : vector<1x256xi1>, vector<1x256xf32>
    %add3A_1220 = arith.addf %add3A_1185, %select_n3A_1219 : vector<1x256xf32>
    %ge3A_1221 = arith.constant 512 : i32
    %ge3A_1222 = arith.cmpi sge, %get3A_1202, %ge3A_1221 : i32
    %jit3A_1223 = arith.constant 512 : i32
    %jit3A_1224 = arith.constant 0 : i32
    %select_n3A_1225 = arith.select %ge3A_1222, %jit3A_1223, %jit3A_1224 : i32
    %sub3A_1226 = arith.constant 512 : i32
    %sub3A_1227 = arith.subi %get3A_1202, %sub3A_1226 : i32
    %gt3A_1228 = vector.broadcast %sub3A_1227 : i32 to vector<128x128xi32>
    %gt3A_1229 = arith.cmpi sgt, %sub3A, %gt3A_1228 : vector<128x128xi32>
    %jit3A_1230 = arith.constant 0 : i32
    %broadcast_in_dim3A_1231 = vector.broadcast %select_n3A_1225 : i32 to vector<128x128xi32>
    %broadcast_in_dim3A_1232 = vector.broadcast %jit3A_1230 : i32 to vector<128x128xi32>
    %select_n3A_1233 = arith.select %gt3A_1229, %broadcast_in_dim3A_1231, %broadcast_in_dim3A_1232 : vector<128x128xi1>, vector<128x128xi32>
    %add3A_1234 = arith.addi %add3A_1199, %select_n3A_1233 : vector<128x128xi32>
    %get3A_1235 = arith.constant 2 : index
    %get3A_1236 = arith.constant 10 : index
    %get3A_1237 = memref.load %arg1[%get3A_1235, %get3A_1236] : memref<8x12xi32, #tpu.memory_space<smem>>
    %eq3A_1238 = vector.broadcast %get3A_1237 : i32 to vector<1x256xi32>
    %eq3A_1239 = arith.cmpi eq, %iota3A, %eq3A_1238 : vector<1x256xi32>
    %jit3A_1240 = arith.constant 1.024000e+03 : f32
    %jit3A_1241 = arith.constant 0.000000e+00 : f32
    %broadcast_in_dim3A_1242 = vector.broadcast %jit3A_1240 : f32 to vector<1x256xf32>
    %broadcast_in_dim3A_1243 = vector.broadcast %jit3A_1241 : f32 to vector<1x256xf32>
    %select_n3A_1244 = arith.select %eq3A_1239, %broadcast_in_dim3A_1242, %broadcast_in_dim3A_1243 : vector<1x256xi1>, vector<1x256xf32>
    %add3A_1245 = arith.addf %add3A_1210, %select_n3A_1244 : vector<1x256xf32>
    %sub3A_1246 = arith.constant 256 : i32
    %sub3A_1247 = arith.subi %get3A_1237, %sub3A_1246 : i32
    %eq3A_1248 = vector.broadcast %sub3A_1247 : i32 to vector<1x256xi32>
    %eq3A_1249 = arith.cmpi eq, %iota3A, %eq3A_1248 : vector<1x256xi32>
    %jit3A_1250 = arith.constant 1.024000e+03 : f32
    %jit3A_1251 = arith.constant 0.000000e+00 : f32
    %broadcast_in_dim3A_1252 = vector.broadcast %jit3A_1250 : f32 to vector<1x256xf32>
    %broadcast_in_dim3A_1253 = vector.broadcast %jit3A_1251 : f32 to vector<1x256xf32>
    %select_n3A_1254 = arith.select %eq3A_1249, %broadcast_in_dim3A_1252, %broadcast_in_dim3A_1253 : vector<1x256xi1>, vector<1x256xf32>
    %add3A_1255 = arith.addf %add3A_1220, %select_n3A_1254 : vector<1x256xf32>
    %ge3A_1256 = arith.constant 512 : i32
    %ge3A_1257 = arith.cmpi sge, %get3A_1237, %ge3A_1256 : i32
    %jit3A_1258 = arith.constant 1024 : i32
    %jit3A_1259 = arith.constant 0 : i32
    %select_n3A_1260 = arith.select %ge3A_1257, %jit3A_1258, %jit3A_1259 : i32
    %sub3A_1261 = arith.constant 512 : i32
    %sub3A_1262 = arith.subi %get3A_1237, %sub3A_1261 : i32
    %gt3A_1263 = vector.broadcast %sub3A_1262 : i32 to vector<128x128xi32>
    %gt3A_1264 = arith.cmpi sgt, %sub3A, %gt3A_1263 : vector<128x128xi32>
    %jit3A_1265 = arith.constant 0 : i32
    %broadcast_in_dim3A_1266 = vector.broadcast %select_n3A_1260 : i32 to vector<128x128xi32>
    %broadcast_in_dim3A_1267 = vector.broadcast %jit3A_1265 : i32 to vector<128x128xi32>
    %select_n3A_1268 = arith.select %gt3A_1264, %broadcast_in_dim3A_1266, %broadcast_in_dim3A_1267 : vector<128x128xi1>, vector<128x128xi32>
    %add3A_1269 = arith.addi %add3A_1234, %select_n3A_1268 : vector<128x128xi32>
    %get3A_1270 = arith.constant 2 : index
    %get3A_1271 = arith.constant 11 : index
    %get3A_1272 = memref.load %arg1[%get3A_1270, %get3A_1271] : memref<8x12xi32, #tpu.memory_space<smem>>
    %eq3A_1273 = vector.broadcast %get3A_1272 : i32 to vector<1x256xi32>
    %eq3A_1274 = arith.cmpi eq, %iota3A, %eq3A_1273 : vector<1x256xi32>
    %jit3A_1275 = arith.constant 2.048000e+03 : f32
    %jit3A_1276 = arith.constant 0.000000e+00 : f32
    %broadcast_in_dim3A_1277 = vector.broadcast %jit3A_1275 : f32 to vector<1x256xf32>
    %broadcast_in_dim3A_1278 = vector.broadcast %jit3A_1276 : f32 to vector<1x256xf32>
    %select_n3A_1279 = arith.select %eq3A_1274, %broadcast_in_dim3A_1277, %broadcast_in_dim3A_1278 : vector<1x256xi1>, vector<1x256xf32>
    %add3A_1280 = arith.addf %add3A_1245, %select_n3A_1279 : vector<1x256xf32>
    %sub3A_1281 = arith.constant 256 : i32
    %sub3A_1282 = arith.subi %get3A_1272, %sub3A_1281 : i32
    %eq3A_1283 = vector.broadcast %sub3A_1282 : i32 to vector<1x256xi32>
    %eq3A_1284 = arith.cmpi eq, %iota3A, %eq3A_1283 : vector<1x256xi32>
    %jit3A_1285 = arith.constant 2.048000e+03 : f32
    %jit3A_1286 = arith.constant 0.000000e+00 : f32
    %broadcast_in_dim3A_1287 = vector.broadcast %jit3A_1285 : f32 to vector<1x256xf32>
    %broadcast_in_dim3A_1288 = vector.broadcast %jit3A_1286 : f32 to vector<1x256xf32>
    %select_n3A_1289 = arith.select %eq3A_1284, %broadcast_in_dim3A_1287, %broadcast_in_dim3A_1288 : vector<1x256xi1>, vector<1x256xf32>
    %add3A_1290 = arith.addf %add3A_1255, %select_n3A_1289 : vector<1x256xf32>
    %ge3A_1291 = arith.constant 512 : i32
    %ge3A_1292 = arith.cmpi sge, %get3A_1272, %ge3A_1291 : i32
    %jit3A_1293 = arith.constant 2048 : i32
    %jit3A_1294 = arith.constant 0 : i32
    %select_n3A_1295 = arith.select %ge3A_1292, %jit3A_1293, %jit3A_1294 : i32
    %sub3A_1296 = arith.constant 512 : i32
    %sub3A_1297 = arith.subi %get3A_1272, %sub3A_1296 : i32
    %gt3A_1298 = vector.broadcast %sub3A_1297 : i32 to vector<128x128xi32>
    %gt3A_1299 = arith.cmpi sgt, %sub3A, %gt3A_1298 : vector<128x128xi32>
    %jit3A_1300 = arith.constant 0 : i32
    %broadcast_in_dim3A_1301 = vector.broadcast %select_n3A_1295 : i32 to vector<128x128xi32>
    %broadcast_in_dim3A_1302 = vector.broadcast %jit3A_1300 : i32 to vector<128x128xi32>
    %select_n3A_1303 = arith.select %gt3A_1299, %broadcast_in_dim3A_1301, %broadcast_in_dim3A_1302 : vector<128x128xi1>, vector<128x128xi32>
    %add3A_1304 = arith.addi %add3A_1269, %select_n3A_1303 : vector<128x128xi32>
    %dot_general3A_1305 = arith.constant dense<0.000000e+00> : vector<128x1xf32>
    %dot_general3A_1306 = tpu.matmul %convert_element_type3A, %add3A_1280, %dot_general3A_1305 {dimension_numbers = #tpu.dot_dimension_numbers<[1], [1], [0], [0], [0, 0, 1, 0], [], []>, transpose_lhs_hint = false} : vector<128x256xf32>, vector<1x256xf32>, vector<128x1xf32> -> vector<128x1xf32>
    %dot_general3A_1307 = arith.constant dense<0.000000e+00> : vector<1x128xf32>
    %dot_general3A_1308 = tpu.matmul %add3A_1290, %convert_element_type3A, %dot_general3A_1307 {dimension_numbers = #tpu.dot_dimension_numbers<[1], [1], [0], [0], [0, 0, 1, 0], [], []>, transpose_lhs_hint = false} : vector<1x256xf32>, vector<128x256xf32>, vector<1x128xf32> -> vector<1x128xf32>
    %convert_element_type3A_1309 = arith.fptosi %dot_general3A_1306 : vector<128x1xf32> to vector<128x1xi32>
    %convert_element_type3A_1310 = arith.fptosi %dot_general3A_1308 : vector<1x128xf32> to vector<1x128xi32>
    %add3A_1311 = vector.broadcast %convert_element_type3A_1309 : vector<128x1xi32> to vector<128x128xi32>
    %add3A_1312 = vector.broadcast %convert_element_type3A_1310 : vector<1x128xi32> to vector<128x128xi32>
    %add3A_1313 = arith.addi %add3A_1311, %add3A_1312 : vector<128x128xi32>
    %add3A_1314 = arith.addi %add3A_1313, %add3A_1304 : vector<128x128xi32>
    %swap3A_1315 = arith.constant 0 : index
    %swap3A_1316 = arith.constant 2 : index
    %swap3A_1317 = arith.constant 0 : index
    %swap3A_1318 = vector.load %arg3[%swap3A_1315, %swap3A_1316, %swap3A_1317] : memref<128x8x128xi32, #tpu.memory_space<vmem>>, vector<128x1x128xi32>
    %swap3A_1319 = vector.shape_cast %swap3A_1318 : vector<128x1x128xi32> to vector<128x128xi32>
    %swap3A_1320 = vector.shape_cast %add3A_1314 : vector<128x128xi32> to vector<128x1x128xi32>
    tpu.vector_store %arg3[%swap3A_1315, %swap3A_1316, %swap3A_1317], %swap3A_1320 {strides = array<i32>} : memref<128x8x128xi32, #tpu.memory_space<vmem>>, vector<128x1x128xi32>,
    %broadcast_in_dim3A_1321 = arith.constant 0.000000e+00 : f32
    %broadcast_in_dim3A_1322 = vector.broadcast %broadcast_in_dim3A_1321 : f32 to vector<1x256xf32>
    %broadcast_in_dim3A_1323 = arith.constant 0.000000e+00 : f32
    %broadcast_in_dim3A_1324 = vector.broadcast %broadcast_in_dim3A_1323 : f32 to vector<1x256xf32>
    %broadcast_in_dim3A_1325 = arith.constant 0 : i32
    %broadcast_in_dim3A_1326 = vector.broadcast %broadcast_in_dim3A_1325 : i32 to vector<128x128xi32>
    %get3A_1327 = arith.constant 3 : index
    %get3A_1328 = arith.constant 0 : index
    %get3A_1329 = memref.load %arg1[%get3A_1327, %get3A_1328] : memref<8x12xi32, #tpu.memory_space<smem>>
    %eq3A_1330 = vector.broadcast %get3A_1329 : i32 to vector<1x256xi32>
    %eq3A_1331 = arith.cmpi eq, %iota3A, %eq3A_1330 : vector<1x256xi32>
    %jit3A_1332 = arith.constant 1.000000e+00 : f32
    %jit3A_1333 = arith.constant 0.000000e+00 : f32
    %broadcast_in_dim3A_1334 = vector.broadcast %jit3A_1332 : f32 to vector<1x256xf32>
    %broadcast_in_dim3A_1335 = vector.broadcast %jit3A_1333 : f32 to vector<1x256xf32>
    %select_n3A_1336 = arith.select %eq3A_1331, %broadcast_in_dim3A_1334, %broadcast_in_dim3A_1335 : vector<1x256xi1>, vector<1x256xf32>
    %add3A_1337 = arith.addf %broadcast_in_dim3A_1322, %select_n3A_1336 : vector<1x256xf32>
    %sub3A_1338 = arith.constant 256 : i32
    %sub3A_1339 = arith.subi %get3A_1329, %sub3A_1338 : i32
    %eq3A_1340 = vector.broadcast %sub3A_1339 : i32 to vector<1x256xi32>
    %eq3A_1341 = arith.cmpi eq, %iota3A, %eq3A_1340 : vector<1x256xi32>
    %jit3A_1342 = arith.constant 1.000000e+00 : f32
    %jit3A_1343 = arith.constant 0.000000e+00 : f32
    %broadcast_in_dim3A_1344 = vector.broadcast %jit3A_1342 : f32 to vector<1x256xf32>
    %broadcast_in_dim3A_1345 = vector.broadcast %jit3A_1343 : f32 to vector<1x256xf32>
    %select_n3A_1346 = arith.select %eq3A_1341, %broadcast_in_dim3A_1344, %broadcast_in_dim3A_1345 : vector<1x256xi1>, vector<1x256xf32>
    %add3A_1347 = arith.addf %broadcast_in_dim3A_1324, %select_n3A_1346 : vector<1x256xf32>
    %ge3A_1348 = arith.constant 512 : i32
    %ge3A_1349 = arith.cmpi sge, %get3A_1329, %ge3A_1348 : i32
    %jit3A_1350 = arith.constant 1 : i32
    %jit3A_1351 = arith.constant 0 : i32
    %select_n3A_1352 = arith.select %ge3A_1349, %jit3A_1350, %jit3A_1351 : i32
    %sub3A_1353 = arith.constant 512 : i32
    %sub3A_1354 = arith.subi %get3A_1329, %sub3A_1353 : i32
    %gt3A_1355 = vector.broadcast %sub3A_1354 : i32 to vector<128x128xi32>
    %gt3A_1356 = arith.cmpi sgt, %sub3A, %gt3A_1355 : vector<128x128xi32>
    %jit3A_1357 = arith.constant 0 : i32
    %broadcast_in_dim3A_1358 = vector.broadcast %select_n3A_1352 : i32 to vector<128x128xi32>
    %broadcast_in_dim3A_1359 = vector.broadcast %jit3A_1357 : i32 to vector<128x128xi32>
    %select_n3A_1360 = arith.select %gt3A_1356, %broadcast_in_dim3A_1358, %broadcast_in_dim3A_1359 : vector<128x128xi1>, vector<128x128xi32>
    %add3A_1361 = arith.addi %broadcast_in_dim3A_1326, %select_n3A_1360 : vector<128x128xi32>
    %get3A_1362 = arith.constant 3 : index
    %get3A_1363 = arith.constant 1 : index
    %get3A_1364 = memref.load %arg1[%get3A_1362, %get3A_1363] : memref<8x12xi32, #tpu.memory_space<smem>>
    %eq3A_1365 = vector.broadcast %get3A_1364 : i32 to vector<1x256xi32>
    %eq3A_1366 = arith.cmpi eq, %iota3A, %eq3A_1365 : vector<1x256xi32>
    %jit3A_1367 = arith.constant 2.000000e+00 : f32
    %jit3A_1368 = arith.constant 0.000000e+00 : f32
    %broadcast_in_dim3A_1369 = vector.broadcast %jit3A_1367 : f32 to vector<1x256xf32>
    %broadcast_in_dim3A_1370 = vector.broadcast %jit3A_1368 : f32 to vector<1x256xf32>
    %select_n3A_1371 = arith.select %eq3A_1366, %broadcast_in_dim3A_1369, %broadcast_in_dim3A_1370 : vector<1x256xi1>, vector<1x256xf32>
    %add3A_1372 = arith.addf %add3A_1337, %select_n3A_1371 : vector<1x256xf32>
    %sub3A_1373 = arith.constant 256 : i32
    %sub3A_1374 = arith.subi %get3A_1364, %sub3A_1373 : i32
    %eq3A_1375 = vector.broadcast %sub3A_1374 : i32 to vector<1x256xi32>
    %eq3A_1376 = arith.cmpi eq, %iota3A, %eq3A_1375 : vector<1x256xi32>
    %jit3A_1377 = arith.constant 2.000000e+00 : f32
    %jit3A_1378 = arith.constant 0.000000e+00 : f32
    %broadcast_in_dim3A_1379 = vector.broadcast %jit3A_1377 : f32 to vector<1x256xf32>
    %broadcast_in_dim3A_1380 = vector.broadcast %jit3A_1378 : f32 to vector<1x256xf32>
    %select_n3A_1381 = arith.select %eq3A_1376, %broadcast_in_dim3A_1379, %broadcast_in_dim3A_1380 : vector<1x256xi1>, vector<1x256xf32>
    %add3A_1382 = arith.addf %add3A_1347, %select_n3A_1381 : vector<1x256xf32>
    %ge3A_1383 = arith.constant 512 : i32
    %ge3A_1384 = arith.cmpi sge, %get3A_1364, %ge3A_1383 : i32
    %jit3A_1385 = arith.constant 2 : i32
    %jit3A_1386 = arith.constant 0 : i32
    %select_n3A_1387 = arith.select %ge3A_1384, %jit3A_1385, %jit3A_1386 : i32
    %sub3A_1388 = arith.constant 512 : i32
    %sub3A_1389 = arith.subi %get3A_1364, %sub3A_1388 : i32
    %gt3A_1390 = vector.broadcast %sub3A_1389 : i32 to vector<128x128xi32>
    %gt3A_1391 = arith.cmpi sgt, %sub3A, %gt3A_1390 : vector<128x128xi32>
    %jit3A_1392 = arith.constant 0 : i32
    %broadcast_in_dim3A_1393 = vector.broadcast %select_n3A_1387 : i32 to vector<128x128xi32>
    %broadcast_in_dim3A_1394 = vector.broadcast %jit3A_1392 : i32 to vector<128x128xi32>
    %select_n3A_1395 = arith.select %gt3A_1391, %broadcast_in_dim3A_1393, %broadcast_in_dim3A_1394 : vector<128x128xi1>, vector<128x128xi32>
    %add3A_1396 = arith.addi %add3A_1361, %select_n3A_1395 : vector<128x128xi32>
    %get3A_1397 = arith.constant 3 : index
    %get3A_1398 = arith.constant 2 : index
    %get3A_1399 = memref.load %arg1[%get3A_1397, %get3A_1398] : memref<8x12xi32, #tpu.memory_space<smem>>
    %eq3A_1400 = vector.broadcast %get3A_1399 : i32 to vector<1x256xi32>
    %eq3A_1401 = arith.cmpi eq, %iota3A, %eq3A_1400 : vector<1x256xi32>
    %jit3A_1402 = arith.constant 4.000000e+00 : f32
    %jit3A_1403 = arith.constant 0.000000e+00 : f32
    %broadcast_in_dim3A_1404 = vector.broadcast %jit3A_1402 : f32 to vector<1x256xf32>
    %broadcast_in_dim3A_1405 = vector.broadcast %jit3A_1403 : f32 to vector<1x256xf32>
    %select_n3A_1406 = arith.select %eq3A_1401, %broadcast_in_dim3A_1404, %broadcast_in_dim3A_1405 : vector<1x256xi1>, vector<1x256xf32>
    %add3A_1407 = arith.addf %add3A_1372, %select_n3A_1406 : vector<1x256xf32>
    %sub3A_1408 = arith.constant 256 : i32
    %sub3A_1409 = arith.subi %get3A_1399, %sub3A_1408 : i32
    %eq3A_1410 = vector.broadcast %sub3A_1409 : i32 to vector<1x256xi32>
    %eq3A_1411 = arith.cmpi eq, %iota3A, %eq3A_1410 : vector<1x256xi32>
    %jit3A_1412 = arith.constant 4.000000e+00 : f32
    %jit3A_1413 = arith.constant 0.000000e+00 : f32
    %broadcast_in_dim3A_1414 = vector.broadcast %jit3A_1412 : f32 to vector<1x256xf32>
    %broadcast_in_dim3A_1415 = vector.broadcast %jit3A_1413 : f32 to vector<1x256xf32>
    %select_n3A_1416 = arith.select %eq3A_1411, %broadcast_in_dim3A_1414, %broadcast_in_dim3A_1415 : vector<1x256xi1>, vector<1x256xf32>
    %add3A_1417 = arith.addf %add3A_1382, %select_n3A_1416 : vector<1x256xf32>
    %ge3A_1418 = arith.constant 512 : i32
    %ge3A_1419 = arith.cmpi sge, %get3A_1399, %ge3A_1418 : i32
    %jit3A_1420 = arith.constant 4 : i32
    %jit3A_1421 = arith.constant 0 : i32
    %select_n3A_1422 = arith.select %ge3A_1419, %jit3A_1420, %jit3A_1421 : i32
    %sub3A_1423 = arith.constant 512 : i32
    %sub3A_1424 = arith.subi %get3A_1399, %sub3A_1423 : i32
    %gt3A_1425 = vector.broadcast %sub3A_1424 : i32 to vector<128x128xi32>
    %gt3A_1426 = arith.cmpi sgt, %sub3A, %gt3A_1425 : vector<128x128xi32>
    %jit3A_1427 = arith.constant 0 : i32
    %broadcast_in_dim3A_1428 = vector.broadcast %select_n3A_1422 : i32 to vector<128x128xi32>
    %broadcast_in_dim3A_1429 = vector.broadcast %jit3A_1427 : i32 to vector<128x128xi32>
    %select_n3A_1430 = arith.select %gt3A_1426, %broadcast_in_dim3A_1428, %broadcast_in_dim3A_1429 : vector<128x128xi1>, vector<128x128xi32>
    %add3A_1431 = arith.addi %add3A_1396, %select_n3A_1430 : vector<128x128xi32>
    %get3A_1432 = arith.constant 3 : index
    %get3A_1433 = arith.constant 3 : index
    %get3A_1434 = memref.load %arg1[%get3A_1432, %get3A_1433] : memref<8x12xi32, #tpu.memory_space<smem>>
    %eq3A_1435 = vector.broadcast %get3A_1434 : i32 to vector<1x256xi32>
    %eq3A_1436 = arith.cmpi eq, %iota3A, %eq3A_1435 : vector<1x256xi32>
    %jit3A_1437 = arith.constant 8.000000e+00 : f32
    %jit3A_1438 = arith.constant 0.000000e+00 : f32
    %broadcast_in_dim3A_1439 = vector.broadcast %jit3A_1437 : f32 to vector<1x256xf32>
    %broadcast_in_dim3A_1440 = vector.broadcast %jit3A_1438 : f32 to vector<1x256xf32>
    %select_n3A_1441 = arith.select %eq3A_1436, %broadcast_in_dim3A_1439, %broadcast_in_dim3A_1440 : vector<1x256xi1>, vector<1x256xf32>
    %add3A_1442 = arith.addf %add3A_1407, %select_n3A_1441 : vector<1x256xf32>
    %sub3A_1443 = arith.constant 256 : i32
    %sub3A_1444 = arith.subi %get3A_1434, %sub3A_1443 : i32
    %eq3A_1445 = vector.broadcast %sub3A_1444 : i32 to vector<1x256xi32>
    %eq3A_1446 = arith.cmpi eq, %iota3A, %eq3A_1445 : vector<1x256xi32>
    %jit3A_1447 = arith.constant 8.000000e+00 : f32
    %jit3A_1448 = arith.constant 0.000000e+00 : f32
    %broadcast_in_dim3A_1449 = vector.broadcast %jit3A_1447 : f32 to vector<1x256xf32>
    %broadcast_in_dim3A_1450 = vector.broadcast %jit3A_1448 : f32 to vector<1x256xf32>
    %select_n3A_1451 = arith.select %eq3A_1446, %broadcast_in_dim3A_1449, %broadcast_in_dim3A_1450 : vector<1x256xi1>, vector<1x256xf32>
    %add3A_1452 = arith.addf %add3A_1417, %select_n3A_1451 : vector<1x256xf32>
    %ge3A_1453 = arith.constant 512 : i32
    %ge3A_1454 = arith.cmpi sge, %get3A_1434, %ge3A_1453 : i32
    %jit3A_1455 = arith.constant 8 : i32
    %jit3A_1456 = arith.constant 0 : i32
    %select_n3A_1457 = arith.select %ge3A_1454, %jit3A_1455, %jit3A_1456 : i32
    %sub3A_1458 = arith.constant 512 : i32
    %sub3A_1459 = arith.subi %get3A_1434, %sub3A_1458 : i32
    %gt3A_1460 = vector.broadcast %sub3A_1459 : i32 to vector<128x128xi32>
    %gt3A_1461 = arith.cmpi sgt, %sub3A, %gt3A_1460 : vector<128x128xi32>
    %jit3A_1462 = arith.constant 0 : i32
    %broadcast_in_dim3A_1463 = vector.broadcast %select_n3A_1457 : i32 to vector<128x128xi32>
    %broadcast_in_dim3A_1464 = vector.broadcast %jit3A_1462 : i32 to vector<128x128xi32>
    %select_n3A_1465 = arith.select %gt3A_1461, %broadcast_in_dim3A_1463, %broadcast_in_dim3A_1464 : vector<128x128xi1>, vector<128x128xi32>
    %add3A_1466 = arith.addi %add3A_1431, %select_n3A_1465 : vector<128x128xi32>
    %get3A_1467 = arith.constant 3 : index
    %get3A_1468 = arith.constant 4 : index
    %get3A_1469 = memref.load %arg1[%get3A_1467, %get3A_1468] : memref<8x12xi32, #tpu.memory_space<smem>>
    %eq3A_1470 = vector.broadcast %get3A_1469 : i32 to vector<1x256xi32>
    %eq3A_1471 = arith.cmpi eq, %iota3A, %eq3A_1470 : vector<1x256xi32>
    %jit3A_1472 = arith.constant 1.600000e+01 : f32
    %jit3A_1473 = arith.constant 0.000000e+00 : f32
    %broadcast_in_dim3A_1474 = vector.broadcast %jit3A_1472 : f32 to vector<1x256xf32>
    %broadcast_in_dim3A_1475 = vector.broadcast %jit3A_1473 : f32 to vector<1x256xf32>
    %select_n3A_1476 = arith.select %eq3A_1471, %broadcast_in_dim3A_1474, %broadcast_in_dim3A_1475 : vector<1x256xi1>, vector<1x256xf32>
    %add3A_1477 = arith.addf %add3A_1442, %select_n3A_1476 : vector<1x256xf32>
    %sub3A_1478 = arith.constant 256 : i32
    %sub3A_1479 = arith.subi %get3A_1469, %sub3A_1478 : i32
    %eq3A_1480 = vector.broadcast %sub3A_1479 : i32 to vector<1x256xi32>
    %eq3A_1481 = arith.cmpi eq, %iota3A, %eq3A_1480 : vector<1x256xi32>
    %jit3A_1482 = arith.constant 1.600000e+01 : f32
    %jit3A_1483 = arith.constant 0.000000e+00 : f32
    %broadcast_in_dim3A_1484 = vector.broadcast %jit3A_1482 : f32 to vector<1x256xf32>
    %broadcast_in_dim3A_1485 = vector.broadcast %jit3A_1483 : f32 to vector<1x256xf32>
    %select_n3A_1486 = arith.select %eq3A_1481, %broadcast_in_dim3A_1484, %broadcast_in_dim3A_1485 : vector<1x256xi1>, vector<1x256xf32>
    %add3A_1487 = arith.addf %add3A_1452, %select_n3A_1486 : vector<1x256xf32>
    %ge3A_1488 = arith.constant 512 : i32
    %ge3A_1489 = arith.cmpi sge, %get3A_1469, %ge3A_1488 : i32
    %jit3A_1490 = arith.constant 16 : i32
    %jit3A_1491 = arith.constant 0 : i32
    %select_n3A_1492 = arith.select %ge3A_1489, %jit3A_1490, %jit3A_1491 : i32
    %sub3A_1493 = arith.constant 512 : i32
    %sub3A_1494 = arith.subi %get3A_1469, %sub3A_1493 : i32
    %gt3A_1495 = vector.broadcast %sub3A_1494 : i32 to vector<128x128xi32>
    %gt3A_1496 = arith.cmpi sgt, %sub3A, %gt3A_1495 : vector<128x128xi32>
    %jit3A_1497 = arith.constant 0 : i32
    %broadcast_in_dim3A_1498 = vector.broadcast %select_n3A_1492 : i32 to vector<128x128xi32>
    %broadcast_in_dim3A_1499 = vector.broadcast %jit3A_1497 : i32 to vector<128x128xi32>
    %select_n3A_1500 = arith.select %gt3A_1496, %broadcast_in_dim3A_1498, %broadcast_in_dim3A_1499 : vector<128x128xi1>, vector<128x128xi32>
    %add3A_1501 = arith.addi %add3A_1466, %select_n3A_1500 : vector<128x128xi32>
    %get3A_1502 = arith.constant 3 : index
    %get3A_1503 = arith.constant 5 : index
    %get3A_1504 = memref.load %arg1[%get3A_1502, %get3A_1503] : memref<8x12xi32, #tpu.memory_space<smem>>
    %eq3A_1505 = vector.broadcast %get3A_1504 : i32 to vector<1x256xi32>
    %eq3A_1506 = arith.cmpi eq, %iota3A, %eq3A_1505 : vector<1x256xi32>
    %jit3A_1507 = arith.constant 3.200000e+01 : f32
    %jit3A_1508 = arith.constant 0.000000e+00 : f32
    %broadcast_in_dim3A_1509 = vector.broadcast %jit3A_1507 : f32 to vector<1x256xf32>
    %broadcast_in_dim3A_1510 = vector.broadcast %jit3A_1508 : f32 to vector<1x256xf32>
    %select_n3A_1511 = arith.select %eq3A_1506, %broadcast_in_dim3A_1509, %broadcast_in_dim3A_1510 : vector<1x256xi1>, vector<1x256xf32>
    %add3A_1512 = arith.addf %add3A_1477, %select_n3A_1511 : vector<1x256xf32>
    %sub3A_1513 = arith.constant 256 : i32
    %sub3A_1514 = arith.subi %get3A_1504, %sub3A_1513 : i32
    %eq3A_1515 = vector.broadcast %sub3A_1514 : i32 to vector<1x256xi32>
    %eq3A_1516 = arith.cmpi eq, %iota3A, %eq3A_1515 : vector<1x256xi32>
    %jit3A_1517 = arith.constant 3.200000e+01 : f32
    %jit3A_1518 = arith.constant 0.000000e+00 : f32
    %broadcast_in_dim3A_1519 = vector.broadcast %jit3A_1517 : f32 to vector<1x256xf32>
    %broadcast_in_dim3A_1520 = vector.broadcast %jit3A_1518 : f32 to vector<1x256xf32>
    %select_n3A_1521 = arith.select %eq3A_1516, %broadcast_in_dim3A_1519, %broadcast_in_dim3A_1520 : vector<1x256xi1>, vector<1x256xf32>
    %add3A_1522 = arith.addf %add3A_1487, %select_n3A_1521 : vector<1x256xf32>
    %ge3A_1523 = arith.constant 512 : i32
    %ge3A_1524 = arith.cmpi sge, %get3A_1504, %ge3A_1523 : i32
    %jit3A_1525 = arith.constant 32 : i32
    %jit3A_1526 = arith.constant 0 : i32
    %select_n3A_1527 = arith.select %ge3A_1524, %jit3A_1525, %jit3A_1526 : i32
    %sub3A_1528 = arith.constant 512 : i32
    %sub3A_1529 = arith.subi %get3A_1504, %sub3A_1528 : i32
    %gt3A_1530 = vector.broadcast %sub3A_1529 : i32 to vector<128x128xi32>
    %gt3A_1531 = arith.cmpi sgt, %sub3A, %gt3A_1530 : vector<128x128xi32>
    %jit3A_1532 = arith.constant 0 : i32
    %broadcast_in_dim3A_1533 = vector.broadcast %select_n3A_1527 : i32 to vector<128x128xi32>
    %broadcast_in_dim3A_1534 = vector.broadcast %jit3A_1532 : i32 to vector<128x128xi32>
    %select_n3A_1535 = arith.select %gt3A_1531, %broadcast_in_dim3A_1533, %broadcast_in_dim3A_1534 : vector<128x128xi1>, vector<128x128xi32>
    %add3A_1536 = arith.addi %add3A_1501, %select_n3A_1535 : vector<128x128xi32>
    %get3A_1537 = arith.constant 3 : index
    %get3A_1538 = arith.constant 6 : index
    %get3A_1539 = memref.load %arg1[%get3A_1537, %get3A_1538] : memref<8x12xi32, #tpu.memory_space<smem>>
    %eq3A_1540 = vector.broadcast %get3A_1539 : i32 to vector<1x256xi32>
    %eq3A_1541 = arith.cmpi eq, %iota3A, %eq3A_1540 : vector<1x256xi32>
    %jit3A_1542 = arith.constant 6.400000e+01 : f32
    %jit3A_1543 = arith.constant 0.000000e+00 : f32
    %broadcast_in_dim3A_1544 = vector.broadcast %jit3A_1542 : f32 to vector<1x256xf32>
    %broadcast_in_dim3A_1545 = vector.broadcast %jit3A_1543 : f32 to vector<1x256xf32>
    %select_n3A_1546 = arith.select %eq3A_1541, %broadcast_in_dim3A_1544, %broadcast_in_dim3A_1545 : vector<1x256xi1>, vector<1x256xf32>
    %add3A_1547 = arith.addf %add3A_1512, %select_n3A_1546 : vector<1x256xf32>
    %sub3A_1548 = arith.constant 256 : i32
    %sub3A_1549 = arith.subi %get3A_1539, %sub3A_1548 : i32
    %eq3A_1550 = vector.broadcast %sub3A_1549 : i32 to vector<1x256xi32>
    %eq3A_1551 = arith.cmpi eq, %iota3A, %eq3A_1550 : vector<1x256xi32>
    %jit3A_1552 = arith.constant 6.400000e+01 : f32
    %jit3A_1553 = arith.constant 0.000000e+00 : f32
    %broadcast_in_dim3A_1554 = vector.broadcast %jit3A_1552 : f32 to vector<1x256xf32>
    %broadcast_in_dim3A_1555 = vector.broadcast %jit3A_1553 : f32 to vector<1x256xf32>
    %select_n3A_1556 = arith.select %eq3A_1551, %broadcast_in_dim3A_1554, %broadcast_in_dim3A_1555 : vector<1x256xi1>, vector<1x256xf32>
    %add3A_1557 = arith.addf %add3A_1522, %select_n3A_1556 : vector<1x256xf32>
    %ge3A_1558 = arith.constant 512 : i32
    %ge3A_1559 = arith.cmpi sge, %get3A_1539, %ge3A_1558 : i32
    %jit3A_1560 = arith.constant 64 : i32
    %jit3A_1561 = arith.constant 0 : i32
    %select_n3A_1562 = arith.select %ge3A_1559, %jit3A_1560, %jit3A_1561 : i32
    %sub3A_1563 = arith.constant 512 : i32
    %sub3A_1564 = arith.subi %get3A_1539, %sub3A_1563 : i32
    %gt3A_1565 = vector.broadcast %sub3A_1564 : i32 to vector<128x128xi32>
    %gt3A_1566 = arith.cmpi sgt, %sub3A, %gt3A_1565 : vector<128x128xi32>
    %jit3A_1567 = arith.constant 0 : i32
    %broadcast_in_dim3A_1568 = vector.broadcast %select_n3A_1562 : i32 to vector<128x128xi32>
    %broadcast_in_dim3A_1569 = vector.broadcast %jit3A_1567 : i32 to vector<128x128xi32>
    %select_n3A_1570 = arith.select %gt3A_1566, %broadcast_in_dim3A_1568, %broadcast_in_dim3A_1569 : vector<128x128xi1>, vector<128x128xi32>
    %add3A_1571 = arith.addi %add3A_1536, %select_n3A_1570 : vector<128x128xi32>
    %get3A_1572 = arith.constant 3 : index
    %get3A_1573 = arith.constant 7 : index
    %get3A_1574 = memref.load %arg1[%get3A_1572, %get3A_1573] : memref<8x12xi32, #tpu.memory_space<smem>>
    %eq3A_1575 = vector.broadcast %get3A_1574 : i32 to vector<1x256xi32>
    %eq3A_1576 = arith.cmpi eq, %iota3A, %eq3A_1575 : vector<1x256xi32>
    %jit3A_1577 = arith.constant 1.280000e+02 : f32
    %jit3A_1578 = arith.constant 0.000000e+00 : f32
    %broadcast_in_dim3A_1579 = vector.broadcast %jit3A_1577 : f32 to vector<1x256xf32>
    %broadcast_in_dim3A_1580 = vector.broadcast %jit3A_1578 : f32 to vector<1x256xf32>
    %select_n3A_1581 = arith.select %eq3A_1576, %broadcast_in_dim3A_1579, %broadcast_in_dim3A_1580 : vector<1x256xi1>, vector<1x256xf32>
    %add3A_1582 = arith.addf %add3A_1547, %select_n3A_1581 : vector<1x256xf32>
    %sub3A_1583 = arith.constant 256 : i32
    %sub3A_1584 = arith.subi %get3A_1574, %sub3A_1583 : i32
    %eq3A_1585 = vector.broadcast %sub3A_1584 : i32 to vector<1x256xi32>
    %eq3A_1586 = arith.cmpi eq, %iota3A, %eq3A_1585 : vector<1x256xi32>
    %jit3A_1587 = arith.constant 1.280000e+02 : f32
    %jit3A_1588 = arith.constant 0.000000e+00 : f32
    %broadcast_in_dim3A_1589 = vector.broadcast %jit3A_1587 : f32 to vector<1x256xf32>
    %broadcast_in_dim3A_1590 = vector.broadcast %jit3A_1588 : f32 to vector<1x256xf32>
    %select_n3A_1591 = arith.select %eq3A_1586, %broadcast_in_dim3A_1589, %broadcast_in_dim3A_1590 : vector<1x256xi1>, vector<1x256xf32>
    %add3A_1592 = arith.addf %add3A_1557, %select_n3A_1591 : vector<1x256xf32>
    %ge3A_1593 = arith.constant 512 : i32
    %ge3A_1594 = arith.cmpi sge, %get3A_1574, %ge3A_1593 : i32
    %jit3A_1595 = arith.constant 128 : i32
    %jit3A_1596 = arith.constant 0 : i32
    %select_n3A_1597 = arith.select %ge3A_1594, %jit3A_1595, %jit3A_1596 : i32
    %sub3A_1598 = arith.constant 512 : i32
    %sub3A_1599 = arith.subi %get3A_1574, %sub3A_1598 : i32
    %gt3A_1600 = vector.broadcast %sub3A_1599 : i32 to vector<128x128xi32>
    %gt3A_1601 = arith.cmpi sgt, %sub3A, %gt3A_1600 : vector<128x128xi32>
    %jit3A_1602 = arith.constant 0 : i32
    %broadcast_in_dim3A_1603 = vector.broadcast %select_n3A_1597 : i32 to vector<128x128xi32>
    %broadcast_in_dim3A_1604 = vector.broadcast %jit3A_1602 : i32 to vector<128x128xi32>
    %select_n3A_1605 = arith.select %gt3A_1601, %broadcast_in_dim3A_1603, %broadcast_in_dim3A_1604 : vector<128x128xi1>, vector<128x128xi32>
    %add3A_1606 = arith.addi %add3A_1571, %select_n3A_1605 : vector<128x128xi32>
    %get3A_1607 = arith.constant 3 : index
    %get3A_1608 = arith.constant 8 : index
    %get3A_1609 = memref.load %arg1[%get3A_1607, %get3A_1608] : memref<8x12xi32, #tpu.memory_space<smem>>
    %eq3A_1610 = vector.broadcast %get3A_1609 : i32 to vector<1x256xi32>
    %eq3A_1611 = arith.cmpi eq, %iota3A, %eq3A_1610 : vector<1x256xi32>
    %jit3A_1612 = arith.constant 2.560000e+02 : f32
    %jit3A_1613 = arith.constant 0.000000e+00 : f32
    %broadcast_in_dim3A_1614 = vector.broadcast %jit3A_1612 : f32 to vector<1x256xf32>
    %broadcast_in_dim3A_1615 = vector.broadcast %jit3A_1613 : f32 to vector<1x256xf32>
    %select_n3A_1616 = arith.select %eq3A_1611, %broadcast_in_dim3A_1614, %broadcast_in_dim3A_1615 : vector<1x256xi1>, vector<1x256xf32>
    %add3A_1617 = arith.addf %add3A_1582, %select_n3A_1616 : vector<1x256xf32>
    %sub3A_1618 = arith.constant 256 : i32
    %sub3A_1619 = arith.subi %get3A_1609, %sub3A_1618 : i32
    %eq3A_1620 = vector.broadcast %sub3A_1619 : i32 to vector<1x256xi32>
    %eq3A_1621 = arith.cmpi eq, %iota3A, %eq3A_1620 : vector<1x256xi32>
    %jit3A_1622 = arith.constant 2.560000e+02 : f32
    %jit3A_1623 = arith.constant 0.000000e+00 : f32
    %broadcast_in_dim3A_1624 = vector.broadcast %jit3A_1622 : f32 to vector<1x256xf32>
    %broadcast_in_dim3A_1625 = vector.broadcast %jit3A_1623 : f32 to vector<1x256xf32>
    %select_n3A_1626 = arith.select %eq3A_1621, %broadcast_in_dim3A_1624, %broadcast_in_dim3A_1625 : vector<1x256xi1>, vector<1x256xf32>
    %add3A_1627 = arith.addf %add3A_1592, %select_n3A_1626 : vector<1x256xf32>
    %ge3A_1628 = arith.constant 512 : i32
    %ge3A_1629 = arith.cmpi sge, %get3A_1609, %ge3A_1628 : i32
    %jit3A_1630 = arith.constant 256 : i32
    %jit3A_1631 = arith.constant 0 : i32
    %select_n3A_1632 = arith.select %ge3A_1629, %jit3A_1630, %jit3A_1631 : i32
    %sub3A_1633 = arith.constant 512 : i32
    %sub3A_1634 = arith.subi %get3A_1609, %sub3A_1633 : i32
    %gt3A_1635 = vector.broadcast %sub3A_1634 : i32 to vector<128x128xi32>
    %gt3A_1636 = arith.cmpi sgt, %sub3A, %gt3A_1635 : vector<128x128xi32>
    %jit3A_1637 = arith.constant 0 : i32
    %broadcast_in_dim3A_1638 = vector.broadcast %select_n3A_1632 : i32 to vector<128x128xi32>
    %broadcast_in_dim3A_1639 = vector.broadcast %jit3A_1637 : i32 to vector<128x128xi32>
    %select_n3A_1640 = arith.select %gt3A_1636, %broadcast_in_dim3A_1638, %broadcast_in_dim3A_1639 : vector<128x128xi1>, vector<128x128xi32>
    %add3A_1641 = arith.addi %add3A_1606, %select_n3A_1640 : vector<128x128xi32>
    %get3A_1642 = arith.constant 3 : index
    %get3A_1643 = arith.constant 9 : index
    %get3A_1644 = memref.load %arg1[%get3A_1642, %get3A_1643] : memref<8x12xi32, #tpu.memory_space<smem>>
    %eq3A_1645 = vector.broadcast %get3A_1644 : i32 to vector<1x256xi32>
    %eq3A_1646 = arith.cmpi eq, %iota3A, %eq3A_1645 : vector<1x256xi32>
    %jit3A_1647 = arith.constant 5.120000e+02 : f32
    %jit3A_1648 = arith.constant 0.000000e+00 : f32
    %broadcast_in_dim3A_1649 = vector.broadcast %jit3A_1647 : f32 to vector<1x256xf32>
    %broadcast_in_dim3A_1650 = vector.broadcast %jit3A_1648 : f32 to vector<1x256xf32>
    %select_n3A_1651 = arith.select %eq3A_1646, %broadcast_in_dim3A_1649, %broadcast_in_dim3A_1650 : vector<1x256xi1>, vector<1x256xf32>
    %add3A_1652 = arith.addf %add3A_1617, %select_n3A_1651 : vector<1x256xf32>
    %sub3A_1653 = arith.constant 256 : i32
    %sub3A_1654 = arith.subi %get3A_1644, %sub3A_1653 : i32
    %eq3A_1655 = vector.broadcast %sub3A_1654 : i32 to vector<1x256xi32>
    %eq3A_1656 = arith.cmpi eq, %iota3A, %eq3A_1655 : vector<1x256xi32>
    %jit3A_1657 = arith.constant 5.120000e+02 : f32
    %jit3A_1658 = arith.constant 0.000000e+00 : f32
    %broadcast_in_dim3A_1659 = vector.broadcast %jit3A_1657 : f32 to vector<1x256xf32>
    %broadcast_in_dim3A_1660 = vector.broadcast %jit3A_1658 : f32 to vector<1x256xf32>
    %select_n3A_1661 = arith.select %eq3A_1656, %broadcast_in_dim3A_1659, %broadcast_in_dim3A_1660 : vector<1x256xi1>, vector<1x256xf32>
    %add3A_1662 = arith.addf %add3A_1627, %select_n3A_1661 : vector<1x256xf32>
    %ge3A_1663 = arith.constant 512 : i32
    %ge3A_1664 = arith.cmpi sge, %get3A_1644, %ge3A_1663 : i32
    %jit3A_1665 = arith.constant 512 : i32
    %jit3A_1666 = arith.constant 0 : i32
    %select_n3A_1667 = arith.select %ge3A_1664, %jit3A_1665, %jit3A_1666 : i32
    %sub3A_1668 = arith.constant 512 : i32
    %sub3A_1669 = arith.subi %get3A_1644, %sub3A_1668 : i32
    %gt3A_1670 = vector.broadcast %sub3A_1669 : i32 to vector<128x128xi32>
    %gt3A_1671 = arith.cmpi sgt, %sub3A, %gt3A_1670 : vector<128x128xi32>
    %jit3A_1672 = arith.constant 0 : i32
    %broadcast_in_dim3A_1673 = vector.broadcast %select_n3A_1667 : i32 to vector<128x128xi32>
    %broadcast_in_dim3A_1674 = vector.broadcast %jit3A_1672 : i32 to vector<128x128xi32>
    %select_n3A_1675 = arith.select %gt3A_1671, %broadcast_in_dim3A_1673, %broadcast_in_dim3A_1674 : vector<128x128xi1>, vector<128x128xi32>
    %add3A_1676 = arith.addi %add3A_1641, %select_n3A_1675 : vector<128x128xi32>
    %get3A_1677 = arith.constant 3 : index
    %get3A_1678 = arith.constant 10 : index
    %get3A_1679 = memref.load %arg1[%get3A_1677, %get3A_1678] : memref<8x12xi32, #tpu.memory_space<smem>>
    %eq3A_1680 = vector.broadcast %get3A_1679 : i32 to vector<1x256xi32>
    %eq3A_1681 = arith.cmpi eq, %iota3A, %eq3A_1680 : vector<1x256xi32>
    %jit3A_1682 = arith.constant 1.024000e+03 : f32
    %jit3A_1683 = arith.constant 0.000000e+00 : f32
    %broadcast_in_dim3A_1684 = vector.broadcast %jit3A_1682 : f32 to vector<1x256xf32>
    %broadcast_in_dim3A_1685 = vector.broadcast %jit3A_1683 : f32 to vector<1x256xf32>
    %select_n3A_1686 = arith.select %eq3A_1681, %broadcast_in_dim3A_1684, %broadcast_in_dim3A_1685 : vector<1x256xi1>, vector<1x256xf32>
    %add3A_1687 = arith.addf %add3A_1652, %select_n3A_1686 : vector<1x256xf32>
    %sub3A_1688 = arith.constant 256 : i32
    %sub3A_1689 = arith.subi %get3A_1679, %sub3A_1688 : i32
    %eq3A_1690 = vector.broadcast %sub3A_1689 : i32 to vector<1x256xi32>
    %eq3A_1691 = arith.cmpi eq, %iota3A, %eq3A_1690 : vector<1x256xi32>
    %jit3A_1692 = arith.constant 1.024000e+03 : f32
    %jit3A_1693 = arith.constant 0.000000e+00 : f32
    %broadcast_in_dim3A_1694 = vector.broadcast %jit3A_1692 : f32 to vector<1x256xf32>
    %broadcast_in_dim3A_1695 = vector.broadcast %jit3A_1693 : f32 to vector<1x256xf32>
    %select_n3A_1696 = arith.select %eq3A_1691, %broadcast_in_dim3A_1694, %broadcast_in_dim3A_1695 : vector<1x256xi1>, vector<1x256xf32>
    %add3A_1697 = arith.addf %add3A_1662, %select_n3A_1696 : vector<1x256xf32>
    %ge3A_1698 = arith.constant 512 : i32
    %ge3A_1699 = arith.cmpi sge, %get3A_1679, %ge3A_1698 : i32
    %jit3A_1700 = arith.constant 1024 : i32
    %jit3A_1701 = arith.constant 0 : i32
    %select_n3A_1702 = arith.select %ge3A_1699, %jit3A_1700, %jit3A_1701 : i32
    %sub3A_1703 = arith.constant 512 : i32
    %sub3A_1704 = arith.subi %get3A_1679, %sub3A_1703 : i32
    %gt3A_1705 = vector.broadcast %sub3A_1704 : i32 to vector<128x128xi32>
    %gt3A_1706 = arith.cmpi sgt, %sub3A, %gt3A_1705 : vector<128x128xi32>
    %jit3A_1707 = arith.constant 0 : i32
    %broadcast_in_dim3A_1708 = vector.broadcast %select_n3A_1702 : i32 to vector<128x128xi32>
    %broadcast_in_dim3A_1709 = vector.broadcast %jit3A_1707 : i32 to vector<128x128xi32>
    %select_n3A_1710 = arith.select %gt3A_1706, %broadcast_in_dim3A_1708, %broadcast_in_dim3A_1709 : vector<128x128xi1>, vector<128x128xi32>
    %add3A_1711 = arith.addi %add3A_1676, %select_n3A_1710 : vector<128x128xi32>
    %get3A_1712 = arith.constant 3 : index
    %get3A_1713 = arith.constant 11 : index
    %get3A_1714 = memref.load %arg1[%get3A_1712, %get3A_1713] : memref<8x12xi32, #tpu.memory_space<smem>>
    %eq3A_1715 = vector.broadcast %get3A_1714 : i32 to vector<1x256xi32>
    %eq3A_1716 = arith.cmpi eq, %iota3A, %eq3A_1715 : vector<1x256xi32>
    %jit3A_1717 = arith.constant 2.048000e+03 : f32
    %jit3A_1718 = arith.constant 0.000000e+00 : f32
    %broadcast_in_dim3A_1719 = vector.broadcast %jit3A_1717 : f32 to vector<1x256xf32>
    %broadcast_in_dim3A_1720 = vector.broadcast %jit3A_1718 : f32 to vector<1x256xf32>
    %select_n3A_1721 = arith.select %eq3A_1716, %broadcast_in_dim3A_1719, %broadcast_in_dim3A_1720 : vector<1x256xi1>, vector<1x256xf32>
    %add3A_1722 = arith.addf %add3A_1687, %select_n3A_1721 : vector<1x256xf32>
    %sub3A_1723 = arith.constant 256 : i32
    %sub3A_1724 = arith.subi %get3A_1714, %sub3A_1723 : i32
    %eq3A_1725 = vector.broadcast %sub3A_1724 : i32 to vector<1x256xi32>
    %eq3A_1726 = arith.cmpi eq, %iota3A, %eq3A_1725 : vector<1x256xi32>
    %jit3A_1727 = arith.constant 2.048000e+03 : f32
    %jit3A_1728 = arith.constant 0.000000e+00 : f32
    %broadcast_in_dim3A_1729 = vector.broadcast %jit3A_1727 : f32 to vector<1x256xf32>
    %broadcast_in_dim3A_1730 = vector.broadcast %jit3A_1728 : f32 to vector<1x256xf32>
    %select_n3A_1731 = arith.select %eq3A_1726, %broadcast_in_dim3A_1729, %broadcast_in_dim3A_1730 : vector<1x256xi1>, vector<1x256xf32>
    %add3A_1732 = arith.addf %add3A_1697, %select_n3A_1731 : vector<1x256xf32>
    %ge3A_1733 = arith.constant 512 : i32
    %ge3A_1734 = arith.cmpi sge, %get3A_1714, %ge3A_1733 : i32
    %jit3A_1735 = arith.constant 2048 : i32
    %jit3A_1736 = arith.constant 0 : i32
    %select_n3A_1737 = arith.select %ge3A_1734, %jit3A_1735, %jit3A_1736 : i32
    %sub3A_1738 = arith.constant 512 : i32
    %sub3A_1739 = arith.subi %get3A_1714, %sub3A_1738 : i32
    %gt3A_1740 = vector.broadcast %sub3A_1739 : i32 to vector<128x128xi32>
    %gt3A_1741 = arith.cmpi sgt, %sub3A, %gt3A_1740 : vector<128x128xi32>
    %jit3A_1742 = arith.constant 0 : i32
    %broadcast_in_dim3A_1743 = vector.broadcast %select_n3A_1737 : i32 to vector<128x128xi32>
    %broadcast_in_dim3A_1744 = vector.broadcast %jit3A_1742 : i32 to vector<128x128xi32>
    %select_n3A_1745 = arith.select %gt3A_1741, %broadcast_in_dim3A_1743, %broadcast_in_dim3A_1744 : vector<128x128xi1>, vector<128x128xi32>
    %add3A_1746 = arith.addi %add3A_1711, %select_n3A_1745 : vector<128x128xi32>
    %dot_general3A_1747 = arith.constant dense<0.000000e+00> : vector<128x1xf32>
    %dot_general3A_1748 = tpu.matmul %convert_element_type3A, %add3A_1722, %dot_general3A_1747 {dimension_numbers = #tpu.dot_dimension_numbers<[1], [1], [0], [0], [0, 0, 1, 0], [], []>, transpose_lhs_hint = false} : vector<128x256xf32>, vector<1x256xf32>, vector<128x1xf32> -> vector<128x1xf32>
    %dot_general3A_1749 = arith.constant dense<0.000000e+00> : vector<1x128xf32>
    %dot_general3A_1750 = tpu.matmul %add3A_1732, %convert_element_type3A, %dot_general3A_1749 {dimension_numbers = #tpu.dot_dimension_numbers<[1], [1], [0], [0], [0, 0, 1, 0], [], []>, transpose_lhs_hint = false} : vector<1x256xf32>, vector<128x256xf32>, vector<1x128xf32> -> vector<1x128xf32>
    %convert_element_type3A_1751 = arith.fptosi %dot_general3A_1748 : vector<128x1xf32> to vector<128x1xi32>
    %convert_element_type3A_1752 = arith.fptosi %dot_general3A_1750 : vector<1x128xf32> to vector<1x128xi32>
    %add3A_1753 = vector.broadcast %convert_element_type3A_1751 : vector<128x1xi32> to vector<128x128xi32>
    %add3A_1754 = vector.broadcast %convert_element_type3A_1752 : vector<1x128xi32> to vector<128x128xi32>
    %add3A_1755 = arith.addi %add3A_1753, %add3A_1754 : vector<128x128xi32>
    %add3A_1756 = arith.addi %add3A_1755, %add3A_1746 : vector<128x128xi32>
    %swap3A_1757 = arith.constant 0 : index
    %swap3A_1758 = arith.constant 3 : index
    %swap3A_1759 = arith.constant 0 : index
    %swap3A_1760 = vector.load %arg3[%swap3A_1757, %swap3A_1758, %swap3A_1759] : memref<128x8x128xi32, #tpu.memory_space<vmem>>, vector<128x1x128xi32>
    %swap3A_1761 = vector.shape_cast %swap3A_1760 : vector<128x1x128xi32> to vector<128x128xi32>
    %swap3A_1762 = vector.shape_cast %add3A_1756 : vector<128x128xi32> to vector<128x1x128xi32>
    tpu.vector_store %arg3[%swap3A_1757, %swap3A_1758, %swap3A_1759], %swap3A_1762 {strides = array<i32>} : memref<128x8x128xi32, #tpu.memory_space<vmem>>, vector<128x1x128xi32>,
    %broadcast_in_dim3A_1763 = arith.constant 0.000000e+00 : f32
    %broadcast_in_dim3A_1764 = vector.broadcast %broadcast_in_dim3A_1763 : f32 to vector<1x256xf32>
    %broadcast_in_dim3A_1765 = arith.constant 0.000000e+00 : f32
    %broadcast_in_dim3A_1766 = vector.broadcast %broadcast_in_dim3A_1765 : f32 to vector<1x256xf32>
    %broadcast_in_dim3A_1767 = arith.constant 0 : i32
    %broadcast_in_dim3A_1768 = vector.broadcast %broadcast_in_dim3A_1767 : i32 to vector<128x128xi32>
    %get3A_1769 = arith.constant 4 : index
    %get3A_1770 = arith.constant 0 : index
    %get3A_1771 = memref.load %arg1[%get3A_1769, %get3A_1770] : memref<8x12xi32, #tpu.memory_space<smem>>
    %eq3A_1772 = vector.broadcast %get3A_1771 : i32 to vector<1x256xi32>
    %eq3A_1773 = arith.cmpi eq, %iota3A, %eq3A_1772 : vector<1x256xi32>
    %jit3A_1774 = arith.constant 1.000000e+00 : f32
    %jit3A_1775 = arith.constant 0.000000e+00 : f32
    %broadcast_in_dim3A_1776 = vector.broadcast %jit3A_1774 : f32 to vector<1x256xf32>
    %broadcast_in_dim3A_1777 = vector.broadcast %jit3A_1775 : f32 to vector<1x256xf32>
    %select_n3A_1778 = arith.select %eq3A_1773, %broadcast_in_dim3A_1776, %broadcast_in_dim3A_1777 : vector<1x256xi1>, vector<1x256xf32>
    %add3A_1779 = arith.addf %broadcast_in_dim3A_1764, %select_n3A_1778 : vector<1x256xf32>
    %sub3A_1780 = arith.constant 256 : i32
    %sub3A_1781 = arith.subi %get3A_1771, %sub3A_1780 : i32
    %eq3A_1782 = vector.broadcast %sub3A_1781 : i32 to vector<1x256xi32>
    %eq3A_1783 = arith.cmpi eq, %iota3A, %eq3A_1782 : vector<1x256xi32>
    %jit3A_1784 = arith.constant 1.000000e+00 : f32
    %jit3A_1785 = arith.constant 0.000000e+00 : f32
    %broadcast_in_dim3A_1786 = vector.broadcast %jit3A_1784 : f32 to vector<1x256xf32>
    %broadcast_in_dim3A_1787 = vector.broadcast %jit3A_1785 : f32 to vector<1x256xf32>
    %select_n3A_1788 = arith.select %eq3A_1783, %broadcast_in_dim3A_1786, %broadcast_in_dim3A_1787 : vector<1x256xi1>, vector<1x256xf32>
    %add3A_1789 = arith.addf %broadcast_in_dim3A_1766, %select_n3A_1788 : vector<1x256xf32>
    %ge3A_1790 = arith.constant 512 : i32
    %ge3A_1791 = arith.cmpi sge, %get3A_1771, %ge3A_1790 : i32
    %jit3A_1792 = arith.constant 1 : i32
    %jit3A_1793 = arith.constant 0 : i32
    %select_n3A_1794 = arith.select %ge3A_1791, %jit3A_1792, %jit3A_1793 : i32
    %sub3A_1795 = arith.constant 512 : i32
    %sub3A_1796 = arith.subi %get3A_1771, %sub3A_1795 : i32
    %gt3A_1797 = vector.broadcast %sub3A_1796 : i32 to vector<128x128xi32>
    %gt3A_1798 = arith.cmpi sgt, %sub3A, %gt3A_1797 : vector<128x128xi32>
    %jit3A_1799 = arith.constant 0 : i32
    %broadcast_in_dim3A_1800 = vector.broadcast %select_n3A_1794 : i32 to vector<128x128xi32>
    %broadcast_in_dim3A_1801 = vector.broadcast %jit3A_1799 : i32 to vector<128x128xi32>
    %select_n3A_1802 = arith.select %gt3A_1798, %broadcast_in_dim3A_1800, %broadcast_in_dim3A_1801 : vector<128x128xi1>, vector<128x128xi32>
    %add3A_1803 = arith.addi %broadcast_in_dim3A_1768, %select_n3A_1802 : vector<128x128xi32>
    %get3A_1804 = arith.constant 4 : index
    %get3A_1805 = arith.constant 1 : index
    %get3A_1806 = memref.load %arg1[%get3A_1804, %get3A_1805] : memref<8x12xi32, #tpu.memory_space<smem>>
    %eq3A_1807 = vector.broadcast %get3A_1806 : i32 to vector<1x256xi32>
    %eq3A_1808 = arith.cmpi eq, %iota3A, %eq3A_1807 : vector<1x256xi32>
    %jit3A_1809 = arith.constant 2.000000e+00 : f32
    %jit3A_1810 = arith.constant 0.000000e+00 : f32
    %broadcast_in_dim3A_1811 = vector.broadcast %jit3A_1809 : f32 to vector<1x256xf32>
    %broadcast_in_dim3A_1812 = vector.broadcast %jit3A_1810 : f32 to vector<1x256xf32>
    %select_n3A_1813 = arith.select %eq3A_1808, %broadcast_in_dim3A_1811, %broadcast_in_dim3A_1812 : vector<1x256xi1>, vector<1x256xf32>
    %add3A_1814 = arith.addf %add3A_1779, %select_n3A_1813 : vector<1x256xf32>
    %sub3A_1815 = arith.constant 256 : i32
    %sub3A_1816 = arith.subi %get3A_1806, %sub3A_1815 : i32
    %eq3A_1817 = vector.broadcast %sub3A_1816 : i32 to vector<1x256xi32>
    %eq3A_1818 = arith.cmpi eq, %iota3A, %eq3A_1817 : vector<1x256xi32>
    %jit3A_1819 = arith.constant 2.000000e+00 : f32
    %jit3A_1820 = arith.constant 0.000000e+00 : f32
    %broadcast_in_dim3A_1821 = vector.broadcast %jit3A_1819 : f32 to vector<1x256xf32>
    %broadcast_in_dim3A_1822 = vector.broadcast %jit3A_1820 : f32 to vector<1x256xf32>
    %select_n3A_1823 = arith.select %eq3A_1818, %broadcast_in_dim3A_1821, %broadcast_in_dim3A_1822 : vector<1x256xi1>, vector<1x256xf32>
    %add3A_1824 = arith.addf %add3A_1789, %select_n3A_1823 : vector<1x256xf32>
    %ge3A_1825 = arith.constant 512 : i32
    %ge3A_1826 = arith.cmpi sge, %get3A_1806, %ge3A_1825 : i32
    %jit3A_1827 = arith.constant 2 : i32
    %jit3A_1828 = arith.constant 0 : i32
    %select_n3A_1829 = arith.select %ge3A_1826, %jit3A_1827, %jit3A_1828 : i32
    %sub3A_1830 = arith.constant 512 : i32
    %sub3A_1831 = arith.subi %get3A_1806, %sub3A_1830 : i32
    %gt3A_1832 = vector.broadcast %sub3A_1831 : i32 to vector<128x128xi32>
    %gt3A_1833 = arith.cmpi sgt, %sub3A, %gt3A_1832 : vector<128x128xi32>
    %jit3A_1834 = arith.constant 0 : i32
    %broadcast_in_dim3A_1835 = vector.broadcast %select_n3A_1829 : i32 to vector<128x128xi32>
    %broadcast_in_dim3A_1836 = vector.broadcast %jit3A_1834 : i32 to vector<128x128xi32>
    %select_n3A_1837 = arith.select %gt3A_1833, %broadcast_in_dim3A_1835, %broadcast_in_dim3A_1836 : vector<128x128xi1>, vector<128x128xi32>
    %add3A_1838 = arith.addi %add3A_1803, %select_n3A_1837 : vector<128x128xi32>
    %get3A_1839 = arith.constant 4 : index
    %get3A_1840 = arith.constant 2 : index
    %get3A_1841 = memref.load %arg1[%get3A_1839, %get3A_1840] : memref<8x12xi32, #tpu.memory_space<smem>>
    %eq3A_1842 = vector.broadcast %get3A_1841 : i32 to vector<1x256xi32>
    %eq3A_1843 = arith.cmpi eq, %iota3A, %eq3A_1842 : vector<1x256xi32>
    %jit3A_1844 = arith.constant 4.000000e+00 : f32
    %jit3A_1845 = arith.constant 0.000000e+00 : f32
    %broadcast_in_dim3A_1846 = vector.broadcast %jit3A_1844 : f32 to vector<1x256xf32>
    %broadcast_in_dim3A_1847 = vector.broadcast %jit3A_1845 : f32 to vector<1x256xf32>
    %select_n3A_1848 = arith.select %eq3A_1843, %broadcast_in_dim3A_1846, %broadcast_in_dim3A_1847 : vector<1x256xi1>, vector<1x256xf32>
    %add3A_1849 = arith.addf %add3A_1814, %select_n3A_1848 : vector<1x256xf32>
    %sub3A_1850 = arith.constant 256 : i32
    %sub3A_1851 = arith.subi %get3A_1841, %sub3A_1850 : i32
    %eq3A_1852 = vector.broadcast %sub3A_1851 : i32 to vector<1x256xi32>
    %eq3A_1853 = arith.cmpi eq, %iota3A, %eq3A_1852 : vector<1x256xi32>
    %jit3A_1854 = arith.constant 4.000000e+00 : f32
    %jit3A_1855 = arith.constant 0.000000e+00 : f32
    %broadcast_in_dim3A_1856 = vector.broadcast %jit3A_1854 : f32 to vector<1x256xf32>
    %broadcast_in_dim3A_1857 = vector.broadcast %jit3A_1855 : f32 to vector<1x256xf32>
    %select_n3A_1858 = arith.select %eq3A_1853, %broadcast_in_dim3A_1856, %broadcast_in_dim3A_1857 : vector<1x256xi1>, vector<1x256xf32>
    %add3A_1859 = arith.addf %add3A_1824, %select_n3A_1858 : vector<1x256xf32>
    %ge3A_1860 = arith.constant 512 : i32
    %ge3A_1861 = arith.cmpi sge, %get3A_1841, %ge3A_1860 : i32
    %jit3A_1862 = arith.constant 4 : i32
    %jit3A_1863 = arith.constant 0 : i32
    %select_n3A_1864 = arith.select %ge3A_1861, %jit3A_1862, %jit3A_1863 : i32
    %sub3A_1865 = arith.constant 512 : i32
    %sub3A_1866 = arith.subi %get3A_1841, %sub3A_1865 : i32
    %gt3A_1867 = vector.broadcast %sub3A_1866 : i32 to vector<128x128xi32>
    %gt3A_1868 = arith.cmpi sgt, %sub3A, %gt3A_1867 : vector<128x128xi32>
    %jit3A_1869 = arith.constant 0 : i32
    %broadcast_in_dim3A_1870 = vector.broadcast %select_n3A_1864 : i32 to vector<128x128xi32>
    %broadcast_in_dim3A_1871 = vector.broadcast %jit3A_1869 : i32 to vector<128x128xi32>
    %select_n3A_1872 = arith.select %gt3A_1868, %broadcast_in_dim3A_1870, %broadcast_in_dim3A_1871 : vector<128x128xi1>, vector<128x128xi32>
    %add3A_1873 = arith.addi %add3A_1838, %select_n3A_1872 : vector<128x128xi32>
    %get3A_1874 = arith.constant 4 : index
    %get3A_1875 = arith.constant 3 : index
    %get3A_1876 = memref.load %arg1[%get3A_1874, %get3A_1875] : memref<8x12xi32, #tpu.memory_space<smem>>
    %eq3A_1877 = vector.broadcast %get3A_1876 : i32 to vector<1x256xi32>
    %eq3A_1878 = arith.cmpi eq, %iota3A, %eq3A_1877 : vector<1x256xi32>
    %jit3A_1879 = arith.constant 8.000000e+00 : f32
    %jit3A_1880 = arith.constant 0.000000e+00 : f32
    %broadcast_in_dim3A_1881 = vector.broadcast %jit3A_1879 : f32 to vector<1x256xf32>
    %broadcast_in_dim3A_1882 = vector.broadcast %jit3A_1880 : f32 to vector<1x256xf32>
    %select_n3A_1883 = arith.select %eq3A_1878, %broadcast_in_dim3A_1881, %broadcast_in_dim3A_1882 : vector<1x256xi1>, vector<1x256xf32>
    %add3A_1884 = arith.addf %add3A_1849, %select_n3A_1883 : vector<1x256xf32>
    %sub3A_1885 = arith.constant 256 : i32
    %sub3A_1886 = arith.subi %get3A_1876, %sub3A_1885 : i32
    %eq3A_1887 = vector.broadcast %sub3A_1886 : i32 to vector<1x256xi32>
    %eq3A_1888 = arith.cmpi eq, %iota3A, %eq3A_1887 : vector<1x256xi32>
    %jit3A_1889 = arith.constant 8.000000e+00 : f32
    %jit3A_1890 = arith.constant 0.000000e+00 : f32
    %broadcast_in_dim3A_1891 = vector.broadcast %jit3A_1889 : f32 to vector<1x256xf32>
    %broadcast_in_dim3A_1892 = vector.broadcast %jit3A_1890 : f32 to vector<1x256xf32>
    %select_n3A_1893 = arith.select %eq3A_1888, %broadcast_in_dim3A_1891, %broadcast_in_dim3A_1892 : vector<1x256xi1>, vector<1x256xf32>
    %add3A_1894 = arith.addf %add3A_1859, %select_n3A_1893 : vector<1x256xf32>
    %ge3A_1895 = arith.constant 512 : i32
    %ge3A_1896 = arith.cmpi sge, %get3A_1876, %ge3A_1895 : i32
    %jit3A_1897 = arith.constant 8 : i32
    %jit3A_1898 = arith.constant 0 : i32
    %select_n3A_1899 = arith.select %ge3A_1896, %jit3A_1897, %jit3A_1898 : i32
    %sub3A_1900 = arith.constant 512 : i32
    %sub3A_1901 = arith.subi %get3A_1876, %sub3A_1900 : i32
    %gt3A_1902 = vector.broadcast %sub3A_1901 : i32 to vector<128x128xi32>
    %gt3A_1903 = arith.cmpi sgt, %sub3A, %gt3A_1902 : vector<128x128xi32>
    %jit3A_1904 = arith.constant 0 : i32
    %broadcast_in_dim3A_1905 = vector.broadcast %select_n3A_1899 : i32 to vector<128x128xi32>
    %broadcast_in_dim3A_1906 = vector.broadcast %jit3A_1904 : i32 to vector<128x128xi32>
    %select_n3A_1907 = arith.select %gt3A_1903, %broadcast_in_dim3A_1905, %broadcast_in_dim3A_1906 : vector<128x128xi1>, vector<128x128xi32>
    %add3A_1908 = arith.addi %add3A_1873, %select_n3A_1907 : vector<128x128xi32>
    %get3A_1909 = arith.constant 4 : index
    %get3A_1910 = arith.constant 4 : index
    %get3A_1911 = memref.load %arg1[%get3A_1909, %get3A_1910] : memref<8x12xi32, #tpu.memory_space<smem>>
    %eq3A_1912 = vector.broadcast %get3A_1911 : i32 to vector<1x256xi32>
    %eq3A_1913 = arith.cmpi eq, %iota3A, %eq3A_1912 : vector<1x256xi32>
    %jit3A_1914 = arith.constant 1.600000e+01 : f32
    %jit3A_1915 = arith.constant 0.000000e+00 : f32
    %broadcast_in_dim3A_1916 = vector.broadcast %jit3A_1914 : f32 to vector<1x256xf32>
    %broadcast_in_dim3A_1917 = vector.broadcast %jit3A_1915 : f32 to vector<1x256xf32>
    %select_n3A_1918 = arith.select %eq3A_1913, %broadcast_in_dim3A_1916, %broadcast_in_dim3A_1917 : vector<1x256xi1>, vector<1x256xf32>
    %add3A_1919 = arith.addf %add3A_1884, %select_n3A_1918 : vector<1x256xf32>
    %sub3A_1920 = arith.constant 256 : i32
    %sub3A_1921 = arith.subi %get3A_1911, %sub3A_1920 : i32
    %eq3A_1922 = vector.broadcast %sub3A_1921 : i32 to vector<1x256xi32>
    %eq3A_1923 = arith.cmpi eq, %iota3A, %eq3A_1922 : vector<1x256xi32>
    %jit3A_1924 = arith.constant 1.600000e+01 : f32
    %jit3A_1925 = arith.constant 0.000000e+00 : f32
    %broadcast_in_dim3A_1926 = vector.broadcast %jit3A_1924 : f32 to vector<1x256xf32>
    %broadcast_in_dim3A_1927 = vector.broadcast %jit3A_1925 : f32 to vector<1x256xf32>
    %select_n3A_1928 = arith.select %eq3A_1923, %broadcast_in_dim3A_1926, %broadcast_in_dim3A_1927 : vector<1x256xi1>, vector<1x256xf32>
    %add3A_1929 = arith.addf %add3A_1894, %select_n3A_1928 : vector<1x256xf32>
    %ge3A_1930 = arith.constant 512 : i32
    %ge3A_1931 = arith.cmpi sge, %get3A_1911, %ge3A_1930 : i32
    %jit3A_1932 = arith.constant 16 : i32
    %jit3A_1933 = arith.constant 0 : i32
    %select_n3A_1934 = arith.select %ge3A_1931, %jit3A_1932, %jit3A_1933 : i32
    %sub3A_1935 = arith.constant 512 : i32
    %sub3A_1936 = arith.subi %get3A_1911, %sub3A_1935 : i32
    %gt3A_1937 = vector.broadcast %sub3A_1936 : i32 to vector<128x128xi32>
    %gt3A_1938 = arith.cmpi sgt, %sub3A, %gt3A_1937 : vector<128x128xi32>
    %jit3A_1939 = arith.constant 0 : i32
    %broadcast_in_dim3A_1940 = vector.broadcast %select_n3A_1934 : i32 to vector<128x128xi32>
    %broadcast_in_dim3A_1941 = vector.broadcast %jit3A_1939 : i32 to vector<128x128xi32>
    %select_n3A_1942 = arith.select %gt3A_1938, %broadcast_in_dim3A_1940, %broadcast_in_dim3A_1941 : vector<128x128xi1>, vector<128x128xi32>
    %add3A_1943 = arith.addi %add3A_1908, %select_n3A_1942 : vector<128x128xi32>
    %get3A_1944 = arith.constant 4 : index
    %get3A_1945 = arith.constant 5 : index
    %get3A_1946 = memref.load %arg1[%get3A_1944, %get3A_1945] : memref<8x12xi32, #tpu.memory_space<smem>>
    %eq3A_1947 = vector.broadcast %get3A_1946 : i32 to vector<1x256xi32>
    %eq3A_1948 = arith.cmpi eq, %iota3A, %eq3A_1947 : vector<1x256xi32>
    %jit3A_1949 = arith.constant 3.200000e+01 : f32
    %jit3A_1950 = arith.constant 0.000000e+00 : f32
    %broadcast_in_dim3A_1951 = vector.broadcast %jit3A_1949 : f32 to vector<1x256xf32>
    %broadcast_in_dim3A_1952 = vector.broadcast %jit3A_1950 : f32 to vector<1x256xf32>
    %select_n3A_1953 = arith.select %eq3A_1948, %broadcast_in_dim3A_1951, %broadcast_in_dim3A_1952 : vector<1x256xi1>, vector<1x256xf32>
    %add3A_1954 = arith.addf %add3A_1919, %select_n3A_1953 : vector<1x256xf32>
    %sub3A_1955 = arith.constant 256 : i32
    %sub3A_1956 = arith.subi %get3A_1946, %sub3A_1955 : i32
    %eq3A_1957 = vector.broadcast %sub3A_1956 : i32 to vector<1x256xi32>
    %eq3A_1958 = arith.cmpi eq, %iota3A, %eq3A_1957 : vector<1x256xi32>
    %jit3A_1959 = arith.constant 3.200000e+01 : f32
    %jit3A_1960 = arith.constant 0.000000e+00 : f32
    %broadcast_in_dim3A_1961 = vector.broadcast %jit3A_1959 : f32 to vector<1x256xf32>
    %broadcast_in_dim3A_1962 = vector.broadcast %jit3A_1960 : f32 to vector<1x256xf32>
    %select_n3A_1963 = arith.select %eq3A_1958, %broadcast_in_dim3A_1961, %broadcast_in_dim3A_1962 : vector<1x256xi1>, vector<1x256xf32>
    %add3A_1964 = arith.addf %add3A_1929, %select_n3A_1963 : vector<1x256xf32>
    %ge3A_1965 = arith.constant 512 : i32
    %ge3A_1966 = arith.cmpi sge, %get3A_1946, %ge3A_1965 : i32
    %jit3A_1967 = arith.constant 32 : i32
    %jit3A_1968 = arith.constant 0 : i32
    %select_n3A_1969 = arith.select %ge3A_1966, %jit3A_1967, %jit3A_1968 : i32
    %sub3A_1970 = arith.constant 512 : i32
    %sub3A_1971 = arith.subi %get3A_1946, %sub3A_1970 : i32
    %gt3A_1972 = vector.broadcast %sub3A_1971 : i32 to vector<128x128xi32>
    %gt3A_1973 = arith.cmpi sgt, %sub3A, %gt3A_1972 : vector<128x128xi32>
    %jit3A_1974 = arith.constant 0 : i32
    %broadcast_in_dim3A_1975 = vector.broadcast %select_n3A_1969 : i32 to vector<128x128xi32>
    %broadcast_in_dim3A_1976 = vector.broadcast %jit3A_1974 : i32 to vector<128x128xi32>
    %select_n3A_1977 = arith.select %gt3A_1973, %broadcast_in_dim3A_1975, %broadcast_in_dim3A_1976 : vector<128x128xi1>, vector<128x128xi32>
    %add3A_1978 = arith.addi %add3A_1943, %select_n3A_1977 : vector<128x128xi32>
    %get3A_1979 = arith.constant 4 : index
    %get3A_1980 = arith.constant 6 : index
    %get3A_1981 = memref.load %arg1[%get3A_1979, %get3A_1980] : memref<8x12xi32, #tpu.memory_space<smem>>
    %eq3A_1982 = vector.broadcast %get3A_1981 : i32 to vector<1x256xi32>
    %eq3A_1983 = arith.cmpi eq, %iota3A, %eq3A_1982 : vector<1x256xi32>
    %jit3A_1984 = arith.constant 6.400000e+01 : f32
    %jit3A_1985 = arith.constant 0.000000e+00 : f32
    %broadcast_in_dim3A_1986 = vector.broadcast %jit3A_1984 : f32 to vector<1x256xf32>
    %broadcast_in_dim3A_1987 = vector.broadcast %jit3A_1985 : f32 to vector<1x256xf32>
    %select_n3A_1988 = arith.select %eq3A_1983, %broadcast_in_dim3A_1986, %broadcast_in_dim3A_1987 : vector<1x256xi1>, vector<1x256xf32>
    %add3A_1989 = arith.addf %add3A_1954, %select_n3A_1988 : vector<1x256xf32>
    %sub3A_1990 = arith.constant 256 : i32
    %sub3A_1991 = arith.subi %get3A_1981, %sub3A_1990 : i32
    %eq3A_1992 = vector.broadcast %sub3A_1991 : i32 to vector<1x256xi32>
    %eq3A_1993 = arith.cmpi eq, %iota3A, %eq3A_1992 : vector<1x256xi32>
    %jit3A_1994 = arith.constant 6.400000e+01 : f32
    %jit3A_1995 = arith.constant 0.000000e+00 : f32
    %broadcast_in_dim3A_1996 = vector.broadcast %jit3A_1994 : f32 to vector<1x256xf32>
    %broadcast_in_dim3A_1997 = vector.broadcast %jit3A_1995 : f32 to vector<1x256xf32>
    %select_n3A_1998 = arith.select %eq3A_1993, %broadcast_in_dim3A_1996, %broadcast_in_dim3A_1997 : vector<1x256xi1>, vector<1x256xf32>
    %add3A_1999 = arith.addf %add3A_1964, %select_n3A_1998 : vector<1x256xf32>
    %ge3A_2000 = arith.constant 512 : i32
    %ge3A_2001 = arith.cmpi sge, %get3A_1981, %ge3A_2000 : i32
    %jit3A_2002 = arith.constant 64 : i32
    %jit3A_2003 = arith.constant 0 : i32
    %select_n3A_2004 = arith.select %ge3A_2001, %jit3A_2002, %jit3A_2003 : i32
    %sub3A_2005 = arith.constant 512 : i32
    %sub3A_2006 = arith.subi %get3A_1981, %sub3A_2005 : i32
    %gt3A_2007 = vector.broadcast %sub3A_2006 : i32 to vector<128x128xi32>
    %gt3A_2008 = arith.cmpi sgt, %sub3A, %gt3A_2007 : vector<128x128xi32>
    %jit3A_2009 = arith.constant 0 : i32
    %broadcast_in_dim3A_2010 = vector.broadcast %select_n3A_2004 : i32 to vector<128x128xi32>
    %broadcast_in_dim3A_2011 = vector.broadcast %jit3A_2009 : i32 to vector<128x128xi32>
    %select_n3A_2012 = arith.select %gt3A_2008, %broadcast_in_dim3A_2010, %broadcast_in_dim3A_2011 : vector<128x128xi1>, vector<128x128xi32>
    %add3A_2013 = arith.addi %add3A_1978, %select_n3A_2012 : vector<128x128xi32>
    %get3A_2014 = arith.constant 4 : index
    %get3A_2015 = arith.constant 7 : index
    %get3A_2016 = memref.load %arg1[%get3A_2014, %get3A_2015] : memref<8x12xi32, #tpu.memory_space<smem>>
    %eq3A_2017 = vector.broadcast %get3A_2016 : i32 to vector<1x256xi32>
    %eq3A_2018 = arith.cmpi eq, %iota3A, %eq3A_2017 : vector<1x256xi32>
    %jit3A_2019 = arith.constant 1.280000e+02 : f32
    %jit3A_2020 = arith.constant 0.000000e+00 : f32
    %broadcast_in_dim3A_2021 = vector.broadcast %jit3A_2019 : f32 to vector<1x256xf32>
    %broadcast_in_dim3A_2022 = vector.broadcast %jit3A_2020 : f32 to vector<1x256xf32>
    %select_n3A_2023 = arith.select %eq3A_2018, %broadcast_in_dim3A_2021, %broadcast_in_dim3A_2022 : vector<1x256xi1>, vector<1x256xf32>
    %add3A_2024 = arith.addf %add3A_1989, %select_n3A_2023 : vector<1x256xf32>
    %sub3A_2025 = arith.constant 256 : i32
    %sub3A_2026 = arith.subi %get3A_2016, %sub3A_2025 : i32
    %eq3A_2027 = vector.broadcast %sub3A_2026 : i32 to vector<1x256xi32>
    %eq3A_2028 = arith.cmpi eq, %iota3A, %eq3A_2027 : vector<1x256xi32>
    %jit3A_2029 = arith.constant 1.280000e+02 : f32
    %jit3A_2030 = arith.constant 0.000000e+00 : f32
    %broadcast_in_dim3A_2031 = vector.broadcast %jit3A_2029 : f32 to vector<1x256xf32>
    %broadcast_in_dim3A_2032 = vector.broadcast %jit3A_2030 : f32 to vector<1x256xf32>
    %select_n3A_2033 = arith.select %eq3A_2028, %broadcast_in_dim3A_2031, %broadcast_in_dim3A_2032 : vector<1x256xi1>, vector<1x256xf32>
    %add3A_2034 = arith.addf %add3A_1999, %select_n3A_2033 : vector<1x256xf32>
    %ge3A_2035 = arith.constant 512 : i32
    %ge3A_2036 = arith.cmpi sge, %get3A_2016, %ge3A_2035 : i32
    %jit3A_2037 = arith.constant 128 : i32
    %jit3A_2038 = arith.constant 0 : i32
    %select_n3A_2039 = arith.select %ge3A_2036, %jit3A_2037, %jit3A_2038 : i32
    %sub3A_2040 = arith.constant 512 : i32
    %sub3A_2041 = arith.subi %get3A_2016, %sub3A_2040 : i32
    %gt3A_2042 = vector.broadcast %sub3A_2041 : i32 to vector<128x128xi32>
    %gt3A_2043 = arith.cmpi sgt, %sub3A, %gt3A_2042 : vector<128x128xi32>
    %jit3A_2044 = arith.constant 0 : i32
    %broadcast_in_dim3A_2045 = vector.broadcast %select_n3A_2039 : i32 to vector<128x128xi32>
    %broadcast_in_dim3A_2046 = vector.broadcast %jit3A_2044 : i32 to vector<128x128xi32>
    %select_n3A_2047 = arith.select %gt3A_2043, %broadcast_in_dim3A_2045, %broadcast_in_dim3A_2046 : vector<128x128xi1>, vector<128x128xi32>
    %add3A_2048 = arith.addi %add3A_2013, %select_n3A_2047 : vector<128x128xi32>
    %get3A_2049 = arith.constant 4 : index
    %get3A_2050 = arith.constant 8 : index
    %get3A_2051 = memref.load %arg1[%get3A_2049, %get3A_2050] : memref<8x12xi32, #tpu.memory_space<smem>>
    %eq3A_2052 = vector.broadcast %get3A_2051 : i32 to vector<1x256xi32>
    %eq3A_2053 = arith.cmpi eq, %iota3A, %eq3A_2052 : vector<1x256xi32>
    %jit3A_2054 = arith.constant 2.560000e+02 : f32
    %jit3A_2055 = arith.constant 0.000000e+00 : f32
    %broadcast_in_dim3A_2056 = vector.broadcast %jit3A_2054 : f32 to vector<1x256xf32>
    %broadcast_in_dim3A_2057 = vector.broadcast %jit3A_2055 : f32 to vector<1x256xf32>
    %select_n3A_2058 = arith.select %eq3A_2053, %broadcast_in_dim3A_2056, %broadcast_in_dim3A_2057 : vector<1x256xi1>, vector<1x256xf32>
    %add3A_2059 = arith.addf %add3A_2024, %select_n3A_2058 : vector<1x256xf32>
    %sub3A_2060 = arith.constant 256 : i32
    %sub3A_2061 = arith.subi %get3A_2051, %sub3A_2060 : i32
    %eq3A_2062 = vector.broadcast %sub3A_2061 : i32 to vector<1x256xi32>
    %eq3A_2063 = arith.cmpi eq, %iota3A, %eq3A_2062 : vector<1x256xi32>
    %jit3A_2064 = arith.constant 2.560000e+02 : f32
    %jit3A_2065 = arith.constant 0.000000e+00 : f32
    %broadcast_in_dim3A_2066 = vector.broadcast %jit3A_2064 : f32 to vector<1x256xf32>
    %broadcast_in_dim3A_2067 = vector.broadcast %jit3A_2065 : f32 to vector<1x256xf32>
    %select_n3A_2068 = arith.select %eq3A_2063, %broadcast_in_dim3A_2066, %broadcast_in_dim3A_2067 : vector<1x256xi1>, vector<1x256xf32>
    %add3A_2069 = arith.addf %add3A_2034, %select_n3A_2068 : vector<1x256xf32>
    %ge3A_2070 = arith.constant 512 : i32
    %ge3A_2071 = arith.cmpi sge, %get3A_2051, %ge3A_2070 : i32
    %jit3A_2072 = arith.constant 256 : i32
    %jit3A_2073 = arith.constant 0 : i32
    %select_n3A_2074 = arith.select %ge3A_2071, %jit3A_2072, %jit3A_2073 : i32
    %sub3A_2075 = arith.constant 512 : i32
    %sub3A_2076 = arith.subi %get3A_2051, %sub3A_2075 : i32
    %gt3A_2077 = vector.broadcast %sub3A_2076 : i32 to vector<128x128xi32>
    %gt3A_2078 = arith.cmpi sgt, %sub3A, %gt3A_2077 : vector<128x128xi32>
    %jit3A_2079 = arith.constant 0 : i32
    %broadcast_in_dim3A_2080 = vector.broadcast %select_n3A_2074 : i32 to vector<128x128xi32>
    %broadcast_in_dim3A_2081 = vector.broadcast %jit3A_2079 : i32 to vector<128x128xi32>
    %select_n3A_2082 = arith.select %gt3A_2078, %broadcast_in_dim3A_2080, %broadcast_in_dim3A_2081 : vector<128x128xi1>, vector<128x128xi32>
    %add3A_2083 = arith.addi %add3A_2048, %select_n3A_2082 : vector<128x128xi32>
    %get3A_2084 = arith.constant 4 : index
    %get3A_2085 = arith.constant 9 : index
    %get3A_2086 = memref.load %arg1[%get3A_2084, %get3A_2085] : memref<8x12xi32, #tpu.memory_space<smem>>
    %eq3A_2087 = vector.broadcast %get3A_2086 : i32 to vector<1x256xi32>
    %eq3A_2088 = arith.cmpi eq, %iota3A, %eq3A_2087 : vector<1x256xi32>
    %jit3A_2089 = arith.constant 5.120000e+02 : f32
    %jit3A_2090 = arith.constant 0.000000e+00 : f32
    %broadcast_in_dim3A_2091 = vector.broadcast %jit3A_2089 : f32 to vector<1x256xf32>
    %broadcast_in_dim3A_2092 = vector.broadcast %jit3A_2090 : f32 to vector<1x256xf32>
    %select_n3A_2093 = arith.select %eq3A_2088, %broadcast_in_dim3A_2091, %broadcast_in_dim3A_2092 : vector<1x256xi1>, vector<1x256xf32>
    %add3A_2094 = arith.addf %add3A_2059, %select_n3A_2093 : vector<1x256xf32>
    %sub3A_2095 = arith.constant 256 : i32
    %sub3A_2096 = arith.subi %get3A_2086, %sub3A_2095 : i32
    %eq3A_2097 = vector.broadcast %sub3A_2096 : i32 to vector<1x256xi32>
    %eq3A_2098 = arith.cmpi eq, %iota3A, %eq3A_2097 : vector<1x256xi32>
    %jit3A_2099 = arith.constant 5.120000e+02 : f32
    %jit3A_2100 = arith.constant 0.000000e+00 : f32
    %broadcast_in_dim3A_2101 = vector.broadcast %jit3A_2099 : f32 to vector<1x256xf32>
    %broadcast_in_dim3A_2102 = vector.broadcast %jit3A_2100 : f32 to vector<1x256xf32>
    %select_n3A_2103 = arith.select %eq3A_2098, %broadcast_in_dim3A_2101, %broadcast_in_dim3A_2102 : vector<1x256xi1>, vector<1x256xf32>
    %add3A_2104 = arith.addf %add3A_2069, %select_n3A_2103 : vector<1x256xf32>
    %ge3A_2105 = arith.constant 512 : i32
    %ge3A_2106 = arith.cmpi sge, %get3A_2086, %ge3A_2105 : i32
    %jit3A_2107 = arith.constant 512 : i32
    %jit3A_2108 = arith.constant 0 : i32
    %select_n3A_2109 = arith.select %ge3A_2106, %jit3A_2107, %jit3A_2108 : i32
    %sub3A_2110 = arith.constant 512 : i32
    %sub3A_2111 = arith.subi %get3A_2086, %sub3A_2110 : i32
    %gt3A_2112 = vector.broadcast %sub3A_2111 : i32 to vector<128x128xi32>
    %gt3A_2113 = arith.cmpi sgt, %sub3A, %gt3A_2112 : vector<128x128xi32>
    %jit3A_2114 = arith.constant 0 : i32
    %broadcast_in_dim3A_2115 = vector.broadcast %select_n3A_2109 : i32 to vector<128x128xi32>
    %broadcast_in_dim3A_2116 = vector.broadcast %jit3A_2114 : i32 to vector<128x128xi32>
    %select_n3A_2117 = arith.select %gt3A_2113, %broadcast_in_dim3A_2115, %broadcast_in_dim3A_2116 : vector<128x128xi1>, vector<128x128xi32>
    %add3A_2118 = arith.addi %add3A_2083, %select_n3A_2117 : vector<128x128xi32>
    %get3A_2119 = arith.constant 4 : index
    %get3A_2120 = arith.constant 10 : index
    %get3A_2121 = memref.load %arg1[%get3A_2119, %get3A_2120] : memref<8x12xi32, #tpu.memory_space<smem>>
    %eq3A_2122 = vector.broadcast %get3A_2121 : i32 to vector<1x256xi32>
    %eq3A_2123 = arith.cmpi eq, %iota3A, %eq3A_2122 : vector<1x256xi32>
    %jit3A_2124 = arith.constant 1.024000e+03 : f32
    %jit3A_2125 = arith.constant 0.000000e+00 : f32
    %broadcast_in_dim3A_2126 = vector.broadcast %jit3A_2124 : f32 to vector<1x256xf32>
    %broadcast_in_dim3A_2127 = vector.broadcast %jit3A_2125 : f32 to vector<1x256xf32>
    %select_n3A_2128 = arith.select %eq3A_2123, %broadcast_in_dim3A_2126, %broadcast_in_dim3A_2127 : vector<1x256xi1>, vector<1x256xf32>
    %add3A_2129 = arith.addf %add3A_2094, %select_n3A_2128 : vector<1x256xf32>
    %sub3A_2130 = arith.constant 256 : i32
    %sub3A_2131 = arith.subi %get3A_2121, %sub3A_2130 : i32
    %eq3A_2132 = vector.broadcast %sub3A_2131 : i32 to vector<1x256xi32>
    %eq3A_2133 = arith.cmpi eq, %iota3A, %eq3A_2132 : vector<1x256xi32>
    %jit3A_2134 = arith.constant 1.024000e+03 : f32
    %jit3A_2135 = arith.constant 0.000000e+00 : f32
    %broadcast_in_dim3A_2136 = vector.broadcast %jit3A_2134 : f32 to vector<1x256xf32>
    %broadcast_in_dim3A_2137 = vector.broadcast %jit3A_2135 : f32 to vector<1x256xf32>
    %select_n3A_2138 = arith.select %eq3A_2133, %broadcast_in_dim3A_2136, %broadcast_in_dim3A_2137 : vector<1x256xi1>, vector<1x256xf32>
    %add3A_2139 = arith.addf %add3A_2104, %select_n3A_2138 : vector<1x256xf32>
    %ge3A_2140 = arith.constant 512 : i32
    %ge3A_2141 = arith.cmpi sge, %get3A_2121, %ge3A_2140 : i32
    %jit3A_2142 = arith.constant 1024 : i32
    %jit3A_2143 = arith.constant 0 : i32
    %select_n3A_2144 = arith.select %ge3A_2141, %jit3A_2142, %jit3A_2143 : i32
    %sub3A_2145 = arith.constant 512 : i32
    %sub3A_2146 = arith.subi %get3A_2121, %sub3A_2145 : i32
    %gt3A_2147 = vector.broadcast %sub3A_2146 : i32 to vector<128x128xi32>
    %gt3A_2148 = arith.cmpi sgt, %sub3A, %gt3A_2147 : vector<128x128xi32>
    %jit3A_2149 = arith.constant 0 : i32
    %broadcast_in_dim3A_2150 = vector.broadcast %select_n3A_2144 : i32 to vector<128x128xi32>
    %broadcast_in_dim3A_2151 = vector.broadcast %jit3A_2149 : i32 to vector<128x128xi32>
    %select_n3A_2152 = arith.select %gt3A_2148, %broadcast_in_dim3A_2150, %broadcast_in_dim3A_2151 : vector<128x128xi1>, vector<128x128xi32>
    %add3A_2153 = arith.addi %add3A_2118, %select_n3A_2152 : vector<128x128xi32>
    %get3A_2154 = arith.constant 4 : index
    %get3A_2155 = arith.constant 11 : index
    %get3A_2156 = memref.load %arg1[%get3A_2154, %get3A_2155] : memref<8x12xi32, #tpu.memory_space<smem>>
    %eq3A_2157 = vector.broadcast %get3A_2156 : i32 to vector<1x256xi32>
    %eq3A_2158 = arith.cmpi eq, %iota3A, %eq3A_2157 : vector<1x256xi32>
    %jit3A_2159 = arith.constant 2.048000e+03 : f32
    %jit3A_2160 = arith.constant 0.000000e+00 : f32
    %broadcast_in_dim3A_2161 = vector.broadcast %jit3A_2159 : f32 to vector<1x256xf32>
    %broadcast_in_dim3A_2162 = vector.broadcast %jit3A_2160 : f32 to vector<1x256xf32>
    %select_n3A_2163 = arith.select %eq3A_2158, %broadcast_in_dim3A_2161, %broadcast_in_dim3A_2162 : vector<1x256xi1>, vector<1x256xf32>
    %add3A_2164 = arith.addf %add3A_2129, %select_n3A_2163 : vector<1x256xf32>
    %sub3A_2165 = arith.constant 256 : i32
    %sub3A_2166 = arith.subi %get3A_2156, %sub3A_2165 : i32
    %eq3A_2167 = vector.broadcast %sub3A_2166 : i32 to vector<1x256xi32>
    %eq3A_2168 = arith.cmpi eq, %iota3A, %eq3A_2167 : vector<1x256xi32>
    %jit3A_2169 = arith.constant 2.048000e+03 : f32
    %jit3A_2170 = arith.constant 0.000000e+00 : f32
    %broadcast_in_dim3A_2171 = vector.broadcast %jit3A_2169 : f32 to vector<1x256xf32>
    %broadcast_in_dim3A_2172 = vector.broadcast %jit3A_2170 : f32 to vector<1x256xf32>
    %select_n3A_2173 = arith.select %eq3A_2168, %broadcast_in_dim3A_2171, %broadcast_in_dim3A_2172 : vector<1x256xi1>, vector<1x256xf32>
    %add3A_2174 = arith.addf %add3A_2139, %select_n3A_2173 : vector<1x256xf32>
    %ge3A_2175 = arith.constant 512 : i32
    %ge3A_2176 = arith.cmpi sge, %get3A_2156, %ge3A_2175 : i32
    %jit3A_2177 = arith.constant 2048 : i32
    %jit3A_2178 = arith.constant 0 : i32
    %select_n3A_2179 = arith.select %ge3A_2176, %jit3A_2177, %jit3A_2178 : i32
    %sub3A_2180 = arith.constant 512 : i32
    %sub3A_2181 = arith.subi %get3A_2156, %sub3A_2180 : i32
    %gt3A_2182 = vector.broadcast %sub3A_2181 : i32 to vector<128x128xi32>
    %gt3A_2183 = arith.cmpi sgt, %sub3A, %gt3A_2182 : vector<128x128xi32>
    %jit3A_2184 = arith.constant 0 : i32
    %broadcast_in_dim3A_2185 = vector.broadcast %select_n3A_2179 : i32 to vector<128x128xi32>
    %broadcast_in_dim3A_2186 = vector.broadcast %jit3A_2184 : i32 to vector<128x128xi32>
    %select_n3A_2187 = arith.select %gt3A_2183, %broadcast_in_dim3A_2185, %broadcast_in_dim3A_2186 : vector<128x128xi1>, vector<128x128xi32>
    %add3A_2188 = arith.addi %add3A_2153, %select_n3A_2187 : vector<128x128xi32>
    %dot_general3A_2189 = arith.constant dense<0.000000e+00> : vector<128x1xf32>
    %dot_general3A_2190 = tpu.matmul %convert_element_type3A, %add3A_2164, %dot_general3A_2189 {dimension_numbers = #tpu.dot_dimension_numbers<[1], [1], [0], [0], [0, 0, 1, 0], [], []>, transpose_lhs_hint = false} : vector<128x256xf32>, vector<1x256xf32>, vector<128x1xf32> -> vector<128x1xf32>
    %dot_general3A_2191 = arith.constant dense<0.000000e+00> : vector<1x128xf32>
    %dot_general3A_2192 = tpu.matmul %add3A_2174, %convert_element_type3A, %dot_general3A_2191 {dimension_numbers = #tpu.dot_dimension_numbers<[1], [1], [0], [0], [0, 0, 1, 0], [], []>, transpose_lhs_hint = false} : vector<1x256xf32>, vector<128x256xf32>, vector<1x128xf32> -> vector<1x128xf32>
    %convert_element_type3A_2193 = arith.fptosi %dot_general3A_2190 : vector<128x1xf32> to vector<128x1xi32>
    %convert_element_type3A_2194 = arith.fptosi %dot_general3A_2192 : vector<1x128xf32> to vector<1x128xi32>
    %add3A_2195 = vector.broadcast %convert_element_type3A_2193 : vector<128x1xi32> to vector<128x128xi32>
    %add3A_2196 = vector.broadcast %convert_element_type3A_2194 : vector<1x128xi32> to vector<128x128xi32>
    %add3A_2197 = arith.addi %add3A_2195, %add3A_2196 : vector<128x128xi32>
    %add3A_2198 = arith.addi %add3A_2197, %add3A_2188 : vector<128x128xi32>
    %swap3A_2199 = arith.constant 0 : index
    %swap3A_2200 = arith.constant 4 : index
    %swap3A_2201 = arith.constant 0 : index
    %swap3A_2202 = vector.load %arg3[%swap3A_2199, %swap3A_2200, %swap3A_2201] : memref<128x8x128xi32, #tpu.memory_space<vmem>>, vector<128x1x128xi32>
    %swap3A_2203 = vector.shape_cast %swap3A_2202 : vector<128x1x128xi32> to vector<128x128xi32>
    %swap3A_2204 = vector.shape_cast %add3A_2198 : vector<128x128xi32> to vector<128x1x128xi32>
    tpu.vector_store %arg3[%swap3A_2199, %swap3A_2200, %swap3A_2201], %swap3A_2204 {strides = array<i32>} : memref<128x8x128xi32, #tpu.memory_space<vmem>>, vector<128x1x128xi32>,
    %broadcast_in_dim3A_2205 = arith.constant 0.000000e+00 : f32
    %broadcast_in_dim3A_2206 = vector.broadcast %broadcast_in_dim3A_2205 : f32 to vector<1x256xf32>
    %broadcast_in_dim3A_2207 = arith.constant 0.000000e+00 : f32
    %broadcast_in_dim3A_2208 = vector.broadcast %broadcast_in_dim3A_2207 : f32 to vector<1x256xf32>
    %broadcast_in_dim3A_2209 = arith.constant 0 : i32
    %broadcast_in_dim3A_2210 = vector.broadcast %broadcast_in_dim3A_2209 : i32 to vector<128x128xi32>
    %get3A_2211 = arith.constant 5 : index
    %get3A_2212 = arith.constant 0 : index
    %get3A_2213 = memref.load %arg1[%get3A_2211, %get3A_2212] : memref<8x12xi32, #tpu.memory_space<smem>>
    %eq3A_2214 = vector.broadcast %get3A_2213 : i32 to vector<1x256xi32>
    %eq3A_2215 = arith.cmpi eq, %iota3A, %eq3A_2214 : vector<1x256xi32>
    %jit3A_2216 = arith.constant 1.000000e+00 : f32
    %jit3A_2217 = arith.constant 0.000000e+00 : f32
    %broadcast_in_dim3A_2218 = vector.broadcast %jit3A_2216 : f32 to vector<1x256xf32>
    %broadcast_in_dim3A_2219 = vector.broadcast %jit3A_2217 : f32 to vector<1x256xf32>
    %select_n3A_2220 = arith.select %eq3A_2215, %broadcast_in_dim3A_2218, %broadcast_in_dim3A_2219 : vector<1x256xi1>, vector<1x256xf32>
    %add3A_2221 = arith.addf %broadcast_in_dim3A_2206, %select_n3A_2220 : vector<1x256xf32>
    %sub3A_2222 = arith.constant 256 : i32
    %sub3A_2223 = arith.subi %get3A_2213, %sub3A_2222 : i32
    %eq3A_2224 = vector.broadcast %sub3A_2223 : i32 to vector<1x256xi32>
    %eq3A_2225 = arith.cmpi eq, %iota3A, %eq3A_2224 : vector<1x256xi32>
    %jit3A_2226 = arith.constant 1.000000e+00 : f32
    %jit3A_2227 = arith.constant 0.000000e+00 : f32
    %broadcast_in_dim3A_2228 = vector.broadcast %jit3A_2226 : f32 to vector<1x256xf32>
    %broadcast_in_dim3A_2229 = vector.broadcast %jit3A_2227 : f32 to vector<1x256xf32>
    %select_n3A_2230 = arith.select %eq3A_2225, %broadcast_in_dim3A_2228, %broadcast_in_dim3A_2229 : vector<1x256xi1>, vector<1x256xf32>
    %add3A_2231 = arith.addf %broadcast_in_dim3A_2208, %select_n3A_2230 : vector<1x256xf32>
    %ge3A_2232 = arith.constant 512 : i32
    %ge3A_2233 = arith.cmpi sge, %get3A_2213, %ge3A_2232 : i32
    %jit3A_2234 = arith.constant 1 : i32
    %jit3A_2235 = arith.constant 0 : i32
    %select_n3A_2236 = arith.select %ge3A_2233, %jit3A_2234, %jit3A_2235 : i32
    %sub3A_2237 = arith.constant 512 : i32
    %sub3A_2238 = arith.subi %get3A_2213, %sub3A_2237 : i32
    %gt3A_2239 = vector.broadcast %sub3A_2238 : i32 to vector<128x128xi32>
    %gt3A_2240 = arith.cmpi sgt, %sub3A, %gt3A_2239 : vector<128x128xi32>
    %jit3A_2241 = arith.constant 0 : i32
    %broadcast_in_dim3A_2242 = vector.broadcast %select_n3A_2236 : i32 to vector<128x128xi32>
    %broadcast_in_dim3A_2243 = vector.broadcast %jit3A_2241 : i32 to vector<128x128xi32>
    %select_n3A_2244 = arith.select %gt3A_2240, %broadcast_in_dim3A_2242, %broadcast_in_dim3A_2243 : vector<128x128xi1>, vector<128x128xi32>
    %add3A_2245 = arith.addi %broadcast_in_dim3A_2210, %select_n3A_2244 : vector<128x128xi32>
    %get3A_2246 = arith.constant 5 : index
    %get3A_2247 = arith.constant 1 : index
    %get3A_2248 = memref.load %arg1[%get3A_2246, %get3A_2247] : memref<8x12xi32, #tpu.memory_space<smem>>
    %eq3A_2249 = vector.broadcast %get3A_2248 : i32 to vector<1x256xi32>
    %eq3A_2250 = arith.cmpi eq, %iota3A, %eq3A_2249 : vector<1x256xi32>
    %jit3A_2251 = arith.constant 2.000000e+00 : f32
    %jit3A_2252 = arith.constant 0.000000e+00 : f32
    %broadcast_in_dim3A_2253 = vector.broadcast %jit3A_2251 : f32 to vector<1x256xf32>
    %broadcast_in_dim3A_2254 = vector.broadcast %jit3A_2252 : f32 to vector<1x256xf32>
    %select_n3A_2255 = arith.select %eq3A_2250, %broadcast_in_dim3A_2253, %broadcast_in_dim3A_2254 : vector<1x256xi1>, vector<1x256xf32>
    %add3A_2256 = arith.addf %add3A_2221, %select_n3A_2255 : vector<1x256xf32>
    %sub3A_2257 = arith.constant 256 : i32
    %sub3A_2258 = arith.subi %get3A_2248, %sub3A_2257 : i32
    %eq3A_2259 = vector.broadcast %sub3A_2258 : i32 to vector<1x256xi32>
    %eq3A_2260 = arith.cmpi eq, %iota3A, %eq3A_2259 : vector<1x256xi32>
    %jit3A_2261 = arith.constant 2.000000e+00 : f32
    %jit3A_2262 = arith.constant 0.000000e+00 : f32
    %broadcast_in_dim3A_2263 = vector.broadcast %jit3A_2261 : f32 to vector<1x256xf32>
    %broadcast_in_dim3A_2264 = vector.broadcast %jit3A_2262 : f32 to vector<1x256xf32>
    %select_n3A_2265 = arith.select %eq3A_2260, %broadcast_in_dim3A_2263, %broadcast_in_dim3A_2264 : vector<1x256xi1>, vector<1x256xf32>
    %add3A_2266 = arith.addf %add3A_2231, %select_n3A_2265 : vector<1x256xf32>
    %ge3A_2267 = arith.constant 512 : i32
    %ge3A_2268 = arith.cmpi sge, %get3A_2248, %ge3A_2267 : i32
    %jit3A_2269 = arith.constant 2 : i32
    %jit3A_2270 = arith.constant 0 : i32
    %select_n3A_2271 = arith.select %ge3A_2268, %jit3A_2269, %jit3A_2270 : i32
    %sub3A_2272 = arith.constant 512 : i32
    %sub3A_2273 = arith.subi %get3A_2248, %sub3A_2272 : i32
    %gt3A_2274 = vector.broadcast %sub3A_2273 : i32 to vector<128x128xi32>
    %gt3A_2275 = arith.cmpi sgt, %sub3A, %gt3A_2274 : vector<128x128xi32>
    %jit3A_2276 = arith.constant 0 : i32
    %broadcast_in_dim3A_2277 = vector.broadcast %select_n3A_2271 : i32 to vector<128x128xi32>
    %broadcast_in_dim3A_2278 = vector.broadcast %jit3A_2276 : i32 to vector<128x128xi32>
    %select_n3A_2279 = arith.select %gt3A_2275, %broadcast_in_dim3A_2277, %broadcast_in_dim3A_2278 : vector<128x128xi1>, vector<128x128xi32>
    %add3A_2280 = arith.addi %add3A_2245, %select_n3A_2279 : vector<128x128xi32>
    %get3A_2281 = arith.constant 5 : index
    %get3A_2282 = arith.constant 2 : index
    %get3A_2283 = memref.load %arg1[%get3A_2281, %get3A_2282] : memref<8x12xi32, #tpu.memory_space<smem>>
    %eq3A_2284 = vector.broadcast %get3A_2283 : i32 to vector<1x256xi32>
    %eq3A_2285 = arith.cmpi eq, %iota3A, %eq3A_2284 : vector<1x256xi32>
    %jit3A_2286 = arith.constant 4.000000e+00 : f32
    %jit3A_2287 = arith.constant 0.000000e+00 : f32
    %broadcast_in_dim3A_2288 = vector.broadcast %jit3A_2286 : f32 to vector<1x256xf32>
    %broadcast_in_dim3A_2289 = vector.broadcast %jit3A_2287 : f32 to vector<1x256xf32>
    %select_n3A_2290 = arith.select %eq3A_2285, %broadcast_in_dim3A_2288, %broadcast_in_dim3A_2289 : vector<1x256xi1>, vector<1x256xf32>
    %add3A_2291 = arith.addf %add3A_2256, %select_n3A_2290 : vector<1x256xf32>
    %sub3A_2292 = arith.constant 256 : i32
    %sub3A_2293 = arith.subi %get3A_2283, %sub3A_2292 : i32
    %eq3A_2294 = vector.broadcast %sub3A_2293 : i32 to vector<1x256xi32>
    %eq3A_2295 = arith.cmpi eq, %iota3A, %eq3A_2294 : vector<1x256xi32>
    %jit3A_2296 = arith.constant 4.000000e+00 : f32
    %jit3A_2297 = arith.constant 0.000000e+00 : f32
    %broadcast_in_dim3A_2298 = vector.broadcast %jit3A_2296 : f32 to vector<1x256xf32>
    %broadcast_in_dim3A_2299 = vector.broadcast %jit3A_2297 : f32 to vector<1x256xf32>
    %select_n3A_2300 = arith.select %eq3A_2295, %broadcast_in_dim3A_2298, %broadcast_in_dim3A_2299 : vector<1x256xi1>, vector<1x256xf32>
    %add3A_2301 = arith.addf %add3A_2266, %select_n3A_2300 : vector<1x256xf32>
    %ge3A_2302 = arith.constant 512 : i32
    %ge3A_2303 = arith.cmpi sge, %get3A_2283, %ge3A_2302 : i32
    %jit3A_2304 = arith.constant 4 : i32
    %jit3A_2305 = arith.constant 0 : i32
    %select_n3A_2306 = arith.select %ge3A_2303, %jit3A_2304, %jit3A_2305 : i32
    %sub3A_2307 = arith.constant 512 : i32
    %sub3A_2308 = arith.subi %get3A_2283, %sub3A_2307 : i32
    %gt3A_2309 = vector.broadcast %sub3A_2308 : i32 to vector<128x128xi32>
    %gt3A_2310 = arith.cmpi sgt, %sub3A, %gt3A_2309 : vector<128x128xi32>
    %jit3A_2311 = arith.constant 0 : i32
    %broadcast_in_dim3A_2312 = vector.broadcast %select_n3A_2306 : i32 to vector<128x128xi32>
    %broadcast_in_dim3A_2313 = vector.broadcast %jit3A_2311 : i32 to vector<128x128xi32>
    %select_n3A_2314 = arith.select %gt3A_2310, %broadcast_in_dim3A_2312, %broadcast_in_dim3A_2313 : vector<128x128xi1>, vector<128x128xi32>
    %add3A_2315 = arith.addi %add3A_2280, %select_n3A_2314 : vector<128x128xi32>
    %get3A_2316 = arith.constant 5 : index
    %get3A_2317 = arith.constant 3 : index
    %get3A_2318 = memref.load %arg1[%get3A_2316, %get3A_2317] : memref<8x12xi32, #tpu.memory_space<smem>>
    %eq3A_2319 = vector.broadcast %get3A_2318 : i32 to vector<1x256xi32>
    %eq3A_2320 = arith.cmpi eq, %iota3A, %eq3A_2319 : vector<1x256xi32>
    %jit3A_2321 = arith.constant 8.000000e+00 : f32
    %jit3A_2322 = arith.constant 0.000000e+00 : f32
    %broadcast_in_dim3A_2323 = vector.broadcast %jit3A_2321 : f32 to vector<1x256xf32>
    %broadcast_in_dim3A_2324 = vector.broadcast %jit3A_2322 : f32 to vector<1x256xf32>
    %select_n3A_2325 = arith.select %eq3A_2320, %broadcast_in_dim3A_2323, %broadcast_in_dim3A_2324 : vector<1x256xi1>, vector<1x256xf32>
    %add3A_2326 = arith.addf %add3A_2291, %select_n3A_2325 : vector<1x256xf32>
    %sub3A_2327 = arith.constant 256 : i32
    %sub3A_2328 = arith.subi %get3A_2318, %sub3A_2327 : i32
    %eq3A_2329 = vector.broadcast %sub3A_2328 : i32 to vector<1x256xi32>
    %eq3A_2330 = arith.cmpi eq, %iota3A, %eq3A_2329 : vector<1x256xi32>
    %jit3A_2331 = arith.constant 8.000000e+00 : f32
    %jit3A_2332 = arith.constant 0.000000e+00 : f32
    %broadcast_in_dim3A_2333 = vector.broadcast %jit3A_2331 : f32 to vector<1x256xf32>
    %broadcast_in_dim3A_2334 = vector.broadcast %jit3A_2332 : f32 to vector<1x256xf32>
    %select_n3A_2335 = arith.select %eq3A_2330, %broadcast_in_dim3A_2333, %broadcast_in_dim3A_2334 : vector<1x256xi1>, vector<1x256xf32>
    %add3A_2336 = arith.addf %add3A_2301, %select_n3A_2335 : vector<1x256xf32>
    %ge3A_2337 = arith.constant 512 : i32
    %ge3A_2338 = arith.cmpi sge, %get3A_2318, %ge3A_2337 : i32
    %jit3A_2339 = arith.constant 8 : i32
    %jit3A_2340 = arith.constant 0 : i32
    %select_n3A_2341 = arith.select %ge3A_2338, %jit3A_2339, %jit3A_2340 : i32
    %sub3A_2342 = arith.constant 512 : i32
    %sub3A_2343 = arith.subi %get3A_2318, %sub3A_2342 : i32
    %gt3A_2344 = vector.broadcast %sub3A_2343 : i32 to vector<128x128xi32>
    %gt3A_2345 = arith.cmpi sgt, %sub3A, %gt3A_2344 : vector<128x128xi32>
    %jit3A_2346 = arith.constant 0 : i32
    %broadcast_in_dim3A_2347 = vector.broadcast %select_n3A_2341 : i32 to vector<128x128xi32>
    %broadcast_in_dim3A_2348 = vector.broadcast %jit3A_2346 : i32 to vector<128x128xi32>
    %select_n3A_2349 = arith.select %gt3A_2345, %broadcast_in_dim3A_2347, %broadcast_in_dim3A_2348 : vector<128x128xi1>, vector<128x128xi32>
    %add3A_2350 = arith.addi %add3A_2315, %select_n3A_2349 : vector<128x128xi32>
    %get3A_2351 = arith.constant 5 : index
    %get3A_2352 = arith.constant 4 : index
    %get3A_2353 = memref.load %arg1[%get3A_2351, %get3A_2352] : memref<8x12xi32, #tpu.memory_space<smem>>
    %eq3A_2354 = vector.broadcast %get3A_2353 : i32 to vector<1x256xi32>
    %eq3A_2355 = arith.cmpi eq, %iota3A, %eq3A_2354 : vector<1x256xi32>
    %jit3A_2356 = arith.constant 1.600000e+01 : f32
    %jit3A_2357 = arith.constant 0.000000e+00 : f32
    %broadcast_in_dim3A_2358 = vector.broadcast %jit3A_2356 : f32 to vector<1x256xf32>
    %broadcast_in_dim3A_2359 = vector.broadcast %jit3A_2357 : f32 to vector<1x256xf32>
    %select_n3A_2360 = arith.select %eq3A_2355, %broadcast_in_dim3A_2358, %broadcast_in_dim3A_2359 : vector<1x256xi1>, vector<1x256xf32>
    %add3A_2361 = arith.addf %add3A_2326, %select_n3A_2360 : vector<1x256xf32>
    %sub3A_2362 = arith.constant 256 : i32
    %sub3A_2363 = arith.subi %get3A_2353, %sub3A_2362 : i32
    %eq3A_2364 = vector.broadcast %sub3A_2363 : i32 to vector<1x256xi32>
    %eq3A_2365 = arith.cmpi eq, %iota3A, %eq3A_2364 : vector<1x256xi32>
    %jit3A_2366 = arith.constant 1.600000e+01 : f32
    %jit3A_2367 = arith.constant 0.000000e+00 : f32
    %broadcast_in_dim3A_2368 = vector.broadcast %jit3A_2366 : f32 to vector<1x256xf32>
    %broadcast_in_dim3A_2369 = vector.broadcast %jit3A_2367 : f32 to vector<1x256xf32>
    %select_n3A_2370 = arith.select %eq3A_2365, %broadcast_in_dim3A_2368, %broadcast_in_dim3A_2369 : vector<1x256xi1>, vector<1x256xf32>
    %add3A_2371 = arith.addf %add3A_2336, %select_n3A_2370 : vector<1x256xf32>
    %ge3A_2372 = arith.constant 512 : i32
    %ge3A_2373 = arith.cmpi sge, %get3A_2353, %ge3A_2372 : i32
    %jit3A_2374 = arith.constant 16 : i32
    %jit3A_2375 = arith.constant 0 : i32
    %select_n3A_2376 = arith.select %ge3A_2373, %jit3A_2374, %jit3A_2375 : i32
    %sub3A_2377 = arith.constant 512 : i32
    %sub3A_2378 = arith.subi %get3A_2353, %sub3A_2377 : i32
    %gt3A_2379 = vector.broadcast %sub3A_2378 : i32 to vector<128x128xi32>
    %gt3A_2380 = arith.cmpi sgt, %sub3A, %gt3A_2379 : vector<128x128xi32>
    %jit3A_2381 = arith.constant 0 : i32
    %broadcast_in_dim3A_2382 = vector.broadcast %select_n3A_2376 : i32 to vector<128x128xi32>
    %broadcast_in_dim3A_2383 = vector.broadcast %jit3A_2381 : i32 to vector<128x128xi32>
    %select_n3A_2384 = arith.select %gt3A_2380, %broadcast_in_dim3A_2382, %broadcast_in_dim3A_2383 : vector<128x128xi1>, vector<128x128xi32>
    %add3A_2385 = arith.addi %add3A_2350, %select_n3A_2384 : vector<128x128xi32>
    %get3A_2386 = arith.constant 5 : index
    %get3A_2387 = arith.constant 5 : index
    %get3A_2388 = memref.load %arg1[%get3A_2386, %get3A_2387] : memref<8x12xi32, #tpu.memory_space<smem>>
    %eq3A_2389 = vector.broadcast %get3A_2388 : i32 to vector<1x256xi32>
    %eq3A_2390 = arith.cmpi eq, %iota3A, %eq3A_2389 : vector<1x256xi32>
    %jit3A_2391 = arith.constant 3.200000e+01 : f32
    %jit3A_2392 = arith.constant 0.000000e+00 : f32
    %broadcast_in_dim3A_2393 = vector.broadcast %jit3A_2391 : f32 to vector<1x256xf32>
    %broadcast_in_dim3A_2394 = vector.broadcast %jit3A_2392 : f32 to vector<1x256xf32>
    %select_n3A_2395 = arith.select %eq3A_2390, %broadcast_in_dim3A_2393, %broadcast_in_dim3A_2394 : vector<1x256xi1>, vector<1x256xf32>
    %add3A_2396 = arith.addf %add3A_2361, %select_n3A_2395 : vector<1x256xf32>
    %sub3A_2397 = arith.constant 256 : i32
    %sub3A_2398 = arith.subi %get3A_2388, %sub3A_2397 : i32
    %eq3A_2399 = vector.broadcast %sub3A_2398 : i32 to vector<1x256xi32>
    %eq3A_2400 = arith.cmpi eq, %iota3A, %eq3A_2399 : vector<1x256xi32>
    %jit3A_2401 = arith.constant 3.200000e+01 : f32
    %jit3A_2402 = arith.constant 0.000000e+00 : f32
    %broadcast_in_dim3A_2403 = vector.broadcast %jit3A_2401 : f32 to vector<1x256xf32>
    %broadcast_in_dim3A_2404 = vector.broadcast %jit3A_2402 : f32 to vector<1x256xf32>
    %select_n3A_2405 = arith.select %eq3A_2400, %broadcast_in_dim3A_2403, %broadcast_in_dim3A_2404 : vector<1x256xi1>, vector<1x256xf32>
    %add3A_2406 = arith.addf %add3A_2371, %select_n3A_2405 : vector<1x256xf32>
    %ge3A_2407 = arith.constant 512 : i32
    %ge3A_2408 = arith.cmpi sge, %get3A_2388, %ge3A_2407 : i32
    %jit3A_2409 = arith.constant 32 : i32
    %jit3A_2410 = arith.constant 0 : i32
    %select_n3A_2411 = arith.select %ge3A_2408, %jit3A_2409, %jit3A_2410 : i32
    %sub3A_2412 = arith.constant 512 : i32
    %sub3A_2413 = arith.subi %get3A_2388, %sub3A_2412 : i32
    %gt3A_2414 = vector.broadcast %sub3A_2413 : i32 to vector<128x128xi32>
    %gt3A_2415 = arith.cmpi sgt, %sub3A, %gt3A_2414 : vector<128x128xi32>
    %jit3A_2416 = arith.constant 0 : i32
    %broadcast_in_dim3A_2417 = vector.broadcast %select_n3A_2411 : i32 to vector<128x128xi32>
    %broadcast_in_dim3A_2418 = vector.broadcast %jit3A_2416 : i32 to vector<128x128xi32>
    %select_n3A_2419 = arith.select %gt3A_2415, %broadcast_in_dim3A_2417, %broadcast_in_dim3A_2418 : vector<128x128xi1>, vector<128x128xi32>
    %add3A_2420 = arith.addi %add3A_2385, %select_n3A_2419 : vector<128x128xi32>
    %get3A_2421 = arith.constant 5 : index
    %get3A_2422 = arith.constant 6 : index
    %get3A_2423 = memref.load %arg1[%get3A_2421, %get3A_2422] : memref<8x12xi32, #tpu.memory_space<smem>>
    %eq3A_2424 = vector.broadcast %get3A_2423 : i32 to vector<1x256xi32>
    %eq3A_2425 = arith.cmpi eq, %iota3A, %eq3A_2424 : vector<1x256xi32>
    %jit3A_2426 = arith.constant 6.400000e+01 : f32
    %jit3A_2427 = arith.constant 0.000000e+00 : f32
    %broadcast_in_dim3A_2428 = vector.broadcast %jit3A_2426 : f32 to vector<1x256xf32>
    %broadcast_in_dim3A_2429 = vector.broadcast %jit3A_2427 : f32 to vector<1x256xf32>
    %select_n3A_2430 = arith.select %eq3A_2425, %broadcast_in_dim3A_2428, %broadcast_in_dim3A_2429 : vector<1x256xi1>, vector<1x256xf32>
    %add3A_2431 = arith.addf %add3A_2396, %select_n3A_2430 : vector<1x256xf32>
    %sub3A_2432 = arith.constant 256 : i32
    %sub3A_2433 = arith.subi %get3A_2423, %sub3A_2432 : i32
    %eq3A_2434 = vector.broadcast %sub3A_2433 : i32 to vector<1x256xi32>
    %eq3A_2435 = arith.cmpi eq, %iota3A, %eq3A_2434 : vector<1x256xi32>
    %jit3A_2436 = arith.constant 6.400000e+01 : f32
    %jit3A_2437 = arith.constant 0.000000e+00 : f32
    %broadcast_in_dim3A_2438 = vector.broadcast %jit3A_2436 : f32 to vector<1x256xf32>
    %broadcast_in_dim3A_2439 = vector.broadcast %jit3A_2437 : f32 to vector<1x256xf32>
    %select_n3A_2440 = arith.select %eq3A_2435, %broadcast_in_dim3A_2438, %broadcast_in_dim3A_2439 : vector<1x256xi1>, vector<1x256xf32>
    %add3A_2441 = arith.addf %add3A_2406, %select_n3A_2440 : vector<1x256xf32>
    %ge3A_2442 = arith.constant 512 : i32
    %ge3A_2443 = arith.cmpi sge, %get3A_2423, %ge3A_2442 : i32
    %jit3A_2444 = arith.constant 64 : i32
    %jit3A_2445 = arith.constant 0 : i32
    %select_n3A_2446 = arith.select %ge3A_2443, %jit3A_2444, %jit3A_2445 : i32
    %sub3A_2447 = arith.constant 512 : i32
    %sub3A_2448 = arith.subi %get3A_2423, %sub3A_2447 : i32
    %gt3A_2449 = vector.broadcast %sub3A_2448 : i32 to vector<128x128xi32>
    %gt3A_2450 = arith.cmpi sgt, %sub3A, %gt3A_2449 : vector<128x128xi32>
    %jit3A_2451 = arith.constant 0 : i32
    %broadcast_in_dim3A_2452 = vector.broadcast %select_n3A_2446 : i32 to vector<128x128xi32>
    %broadcast_in_dim3A_2453 = vector.broadcast %jit3A_2451 : i32 to vector<128x128xi32>
    %select_n3A_2454 = arith.select %gt3A_2450, %broadcast_in_dim3A_2452, %broadcast_in_dim3A_2453 : vector<128x128xi1>, vector<128x128xi32>
    %add3A_2455 = arith.addi %add3A_2420, %select_n3A_2454 : vector<128x128xi32>
    %get3A_2456 = arith.constant 5 : index
    %get3A_2457 = arith.constant 7 : index
    %get3A_2458 = memref.load %arg1[%get3A_2456, %get3A_2457] : memref<8x12xi32, #tpu.memory_space<smem>>
    %eq3A_2459 = vector.broadcast %get3A_2458 : i32 to vector<1x256xi32>
    %eq3A_2460 = arith.cmpi eq, %iota3A, %eq3A_2459 : vector<1x256xi32>
    %jit3A_2461 = arith.constant 1.280000e+02 : f32
    %jit3A_2462 = arith.constant 0.000000e+00 : f32
    %broadcast_in_dim3A_2463 = vector.broadcast %jit3A_2461 : f32 to vector<1x256xf32>
    %broadcast_in_dim3A_2464 = vector.broadcast %jit3A_2462 : f32 to vector<1x256xf32>
    %select_n3A_2465 = arith.select %eq3A_2460, %broadcast_in_dim3A_2463, %broadcast_in_dim3A_2464 : vector<1x256xi1>, vector<1x256xf32>
    %add3A_2466 = arith.addf %add3A_2431, %select_n3A_2465 : vector<1x256xf32>
    %sub3A_2467 = arith.constant 256 : i32
    %sub3A_2468 = arith.subi %get3A_2458, %sub3A_2467 : i32
    %eq3A_2469 = vector.broadcast %sub3A_2468 : i32 to vector<1x256xi32>
    %eq3A_2470 = arith.cmpi eq, %iota3A, %eq3A_2469 : vector<1x256xi32>
    %jit3A_2471 = arith.constant 1.280000e+02 : f32
    %jit3A_2472 = arith.constant 0.000000e+00 : f32
    %broadcast_in_dim3A_2473 = vector.broadcast %jit3A_2471 : f32 to vector<1x256xf32>
    %broadcast_in_dim3A_2474 = vector.broadcast %jit3A_2472 : f32 to vector<1x256xf32>
    %select_n3A_2475 = arith.select %eq3A_2470, %broadcast_in_dim3A_2473, %broadcast_in_dim3A_2474 : vector<1x256xi1>, vector<1x256xf32>
    %add3A_2476 = arith.addf %add3A_2441, %select_n3A_2475 : vector<1x256xf32>
    %ge3A_2477 = arith.constant 512 : i32
    %ge3A_2478 = arith.cmpi sge, %get3A_2458, %ge3A_2477 : i32
    %jit3A_2479 = arith.constant 128 : i32
    %jit3A_2480 = arith.constant 0 : i32
    %select_n3A_2481 = arith.select %ge3A_2478, %jit3A_2479, %jit3A_2480 : i32
    %sub3A_2482 = arith.constant 512 : i32
    %sub3A_2483 = arith.subi %get3A_2458, %sub3A_2482 : i32
    %gt3A_2484 = vector.broadcast %sub3A_2483 : i32 to vector<128x128xi32>
    %gt3A_2485 = arith.cmpi sgt, %sub3A, %gt3A_2484 : vector<128x128xi32>
    %jit3A_2486 = arith.constant 0 : i32
    %broadcast_in_dim3A_2487 = vector.broadcast %select_n3A_2481 : i32 to vector<128x128xi32>
    %broadcast_in_dim3A_2488 = vector.broadcast %jit3A_2486 : i32 to vector<128x128xi32>
    %select_n3A_2489 = arith.select %gt3A_2485, %broadcast_in_dim3A_2487, %broadcast_in_dim3A_2488 : vector<128x128xi1>, vector<128x128xi32>
    %add3A_2490 = arith.addi %add3A_2455, %select_n3A_2489 : vector<128x128xi32>
    %get3A_2491 = arith.constant 5 : index
    %get3A_2492 = arith.constant 8 : index
    %get3A_2493 = memref.load %arg1[%get3A_2491, %get3A_2492] : memref<8x12xi32, #tpu.memory_space<smem>>
    %eq3A_2494 = vector.broadcast %get3A_2493 : i32 to vector<1x256xi32>
    %eq3A_2495 = arith.cmpi eq, %iota3A, %eq3A_2494 : vector<1x256xi32>
    %jit3A_2496 = arith.constant 2.560000e+02 : f32
    %jit3A_2497 = arith.constant 0.000000e+00 : f32
    %broadcast_in_dim3A_2498 = vector.broadcast %jit3A_2496 : f32 to vector<1x256xf32>
    %broadcast_in_dim3A_2499 = vector.broadcast %jit3A_2497 : f32 to vector<1x256xf32>
    %select_n3A_2500 = arith.select %eq3A_2495, %broadcast_in_dim3A_2498, %broadcast_in_dim3A_2499 : vector<1x256xi1>, vector<1x256xf32>
    %add3A_2501 = arith.addf %add3A_2466, %select_n3A_2500 : vector<1x256xf32>
    %sub3A_2502 = arith.constant 256 : i32
    %sub3A_2503 = arith.subi %get3A_2493, %sub3A_2502 : i32
    %eq3A_2504 = vector.broadcast %sub3A_2503 : i32 to vector<1x256xi32>
    %eq3A_2505 = arith.cmpi eq, %iota3A, %eq3A_2504 : vector<1x256xi32>
    %jit3A_2506 = arith.constant 2.560000e+02 : f32
    %jit3A_2507 = arith.constant 0.000000e+00 : f32
    %broadcast_in_dim3A_2508 = vector.broadcast %jit3A_2506 : f32 to vector<1x256xf32>
    %broadcast_in_dim3A_2509 = vector.broadcast %jit3A_2507 : f32 to vector<1x256xf32>
    %select_n3A_2510 = arith.select %eq3A_2505, %broadcast_in_dim3A_2508, %broadcast_in_dim3A_2509 : vector<1x256xi1>, vector<1x256xf32>
    %add3A_2511 = arith.addf %add3A_2476, %select_n3A_2510 : vector<1x256xf32>
    %ge3A_2512 = arith.constant 512 : i32
    %ge3A_2513 = arith.cmpi sge, %get3A_2493, %ge3A_2512 : i32
    %jit3A_2514 = arith.constant 256 : i32
    %jit3A_2515 = arith.constant 0 : i32
    %select_n3A_2516 = arith.select %ge3A_2513, %jit3A_2514, %jit3A_2515 : i32
    %sub3A_2517 = arith.constant 512 : i32
    %sub3A_2518 = arith.subi %get3A_2493, %sub3A_2517 : i32
    %gt3A_2519 = vector.broadcast %sub3A_2518 : i32 to vector<128x128xi32>
    %gt3A_2520 = arith.cmpi sgt, %sub3A, %gt3A_2519 : vector<128x128xi32>
    %jit3A_2521 = arith.constant 0 : i32
    %broadcast_in_dim3A_2522 = vector.broadcast %select_n3A_2516 : i32 to vector<128x128xi32>
    %broadcast_in_dim3A_2523 = vector.broadcast %jit3A_2521 : i32 to vector<128x128xi32>
    %select_n3A_2524 = arith.select %gt3A_2520, %broadcast_in_dim3A_2522, %broadcast_in_dim3A_2523 : vector<128x128xi1>, vector<128x128xi32>
    %add3A_2525 = arith.addi %add3A_2490, %select_n3A_2524 : vector<128x128xi32>
    %get3A_2526 = arith.constant 5 : index
    %get3A_2527 = arith.constant 9 : index
    %get3A_2528 = memref.load %arg1[%get3A_2526, %get3A_2527] : memref<8x12xi32, #tpu.memory_space<smem>>
    %eq3A_2529 = vector.broadcast %get3A_2528 : i32 to vector<1x256xi32>
    %eq3A_2530 = arith.cmpi eq, %iota3A, %eq3A_2529 : vector<1x256xi32>
    %jit3A_2531 = arith.constant 5.120000e+02 : f32
    %jit3A_2532 = arith.constant 0.000000e+00 : f32
    %broadcast_in_dim3A_2533 = vector.broadcast %jit3A_2531 : f32 to vector<1x256xf32>
    %broadcast_in_dim3A_2534 = vector.broadcast %jit3A_2532 : f32 to vector<1x256xf32>
    %select_n3A_2535 = arith.select %eq3A_2530, %broadcast_in_dim3A_2533, %broadcast_in_dim3A_2534 : vector<1x256xi1>, vector<1x256xf32>
    %add3A_2536 = arith.addf %add3A_2501, %select_n3A_2535 : vector<1x256xf32>
    %sub3A_2537 = arith.constant 256 : i32
    %sub3A_2538 = arith.subi %get3A_2528, %sub3A_2537 : i32
    %eq3A_2539 = vector.broadcast %sub3A_2538 : i32 to vector<1x256xi32>
    %eq3A_2540 = arith.cmpi eq, %iota3A, %eq3A_2539 : vector<1x256xi32>
    %jit3A_2541 = arith.constant 5.120000e+02 : f32
    %jit3A_2542 = arith.constant 0.000000e+00 : f32
    %broadcast_in_dim3A_2543 = vector.broadcast %jit3A_2541 : f32 to vector<1x256xf32>
    %broadcast_in_dim3A_2544 = vector.broadcast %jit3A_2542 : f32 to vector<1x256xf32>
    %select_n3A_2545 = arith.select %eq3A_2540, %broadcast_in_dim3A_2543, %broadcast_in_dim3A_2544 : vector<1x256xi1>, vector<1x256xf32>
    %add3A_2546 = arith.addf %add3A_2511, %select_n3A_2545 : vector<1x256xf32>
    %ge3A_2547 = arith.constant 512 : i32
    %ge3A_2548 = arith.cmpi sge, %get3A_2528, %ge3A_2547 : i32
    %jit3A_2549 = arith.constant 512 : i32
    %jit3A_2550 = arith.constant 0 : i32
    %select_n3A_2551 = arith.select %ge3A_2548, %jit3A_2549, %jit3A_2550 : i32
    %sub3A_2552 = arith.constant 512 : i32
    %sub3A_2553 = arith.subi %get3A_2528, %sub3A_2552 : i32
    %gt3A_2554 = vector.broadcast %sub3A_2553 : i32 to vector<128x128xi32>
    %gt3A_2555 = arith.cmpi sgt, %sub3A, %gt3A_2554 : vector<128x128xi32>
    %jit3A_2556 = arith.constant 0 : i32
    %broadcast_in_dim3A_2557 = vector.broadcast %select_n3A_2551 : i32 to vector<128x128xi32>
    %broadcast_in_dim3A_2558 = vector.broadcast %jit3A_2556 : i32 to vector<128x128xi32>
    %select_n3A_2559 = arith.select %gt3A_2555, %broadcast_in_dim3A_2557, %broadcast_in_dim3A_2558 : vector<128x128xi1>, vector<128x128xi32>
    %add3A_2560 = arith.addi %add3A_2525, %select_n3A_2559 : vector<128x128xi32>
    %get3A_2561 = arith.constant 5 : index
    %get3A_2562 = arith.constant 10 : index
    %get3A_2563 = memref.load %arg1[%get3A_2561, %get3A_2562] : memref<8x12xi32, #tpu.memory_space<smem>>
    %eq3A_2564 = vector.broadcast %get3A_2563 : i32 to vector<1x256xi32>
    %eq3A_2565 = arith.cmpi eq, %iota3A, %eq3A_2564 : vector<1x256xi32>
    %jit3A_2566 = arith.constant 1.024000e+03 : f32
    %jit3A_2567 = arith.constant 0.000000e+00 : f32
    %broadcast_in_dim3A_2568 = vector.broadcast %jit3A_2566 : f32 to vector<1x256xf32>
    %broadcast_in_dim3A_2569 = vector.broadcast %jit3A_2567 : f32 to vector<1x256xf32>
    %select_n3A_2570 = arith.select %eq3A_2565, %broadcast_in_dim3A_2568, %broadcast_in_dim3A_2569 : vector<1x256xi1>, vector<1x256xf32>
    %add3A_2571 = arith.addf %add3A_2536, %select_n3A_2570 : vector<1x256xf32>
    %sub3A_2572 = arith.constant 256 : i32
    %sub3A_2573 = arith.subi %get3A_2563, %sub3A_2572 : i32
    %eq3A_2574 = vector.broadcast %sub3A_2573 : i32 to vector<1x256xi32>
    %eq3A_2575 = arith.cmpi eq, %iota3A, %eq3A_2574 : vector<1x256xi32>
    %jit3A_2576 = arith.constant 1.024000e+03 : f32
    %jit3A_2577 = arith.constant 0.000000e+00 : f32
    %broadcast_in_dim3A_2578 = vector.broadcast %jit3A_2576 : f32 to vector<1x256xf32>
    %broadcast_in_dim3A_2579 = vector.broadcast %jit3A_2577 : f32 to vector<1x256xf32>
    %select_n3A_2580 = arith.select %eq3A_2575, %broadcast_in_dim3A_2578, %broadcast_in_dim3A_2579 : vector<1x256xi1>, vector<1x256xf32>
    %add3A_2581 = arith.addf %add3A_2546, %select_n3A_2580 : vector<1x256xf32>
    %ge3A_2582 = arith.constant 512 : i32
    %ge3A_2583 = arith.cmpi sge, %get3A_2563, %ge3A_2582 : i32
    %jit3A_2584 = arith.constant 1024 : i32
    %jit3A_2585 = arith.constant 0 : i32
    %select_n3A_2586 = arith.select %ge3A_2583, %jit3A_2584, %jit3A_2585 : i32
    %sub3A_2587 = arith.constant 512 : i32
    %sub3A_2588 = arith.subi %get3A_2563, %sub3A_2587 : i32
    %gt3A_2589 = vector.broadcast %sub3A_2588 : i32 to vector<128x128xi32>
    %gt3A_2590 = arith.cmpi sgt, %sub3A, %gt3A_2589 : vector<128x128xi32>
    %jit3A_2591 = arith.constant 0 : i32
    %broadcast_in_dim3A_2592 = vector.broadcast %select_n3A_2586 : i32 to vector<128x128xi32>
    %broadcast_in_dim3A_2593 = vector.broadcast %jit3A_2591 : i32 to vector<128x128xi32>
    %select_n3A_2594 = arith.select %gt3A_2590, %broadcast_in_dim3A_2592, %broadcast_in_dim3A_2593 : vector<128x128xi1>, vector<128x128xi32>
    %add3A_2595 = arith.addi %add3A_2560, %select_n3A_2594 : vector<128x128xi32>
    %get3A_2596 = arith.constant 5 : index
    %get3A_2597 = arith.constant 11 : index
    %get3A_2598 = memref.load %arg1[%get3A_2596, %get3A_2597] : memref<8x12xi32, #tpu.memory_space<smem>>
    %eq3A_2599 = vector.broadcast %get3A_2598 : i32 to vector<1x256xi32>
    %eq3A_2600 = arith.cmpi eq, %iota3A, %eq3A_2599 : vector<1x256xi32>
    %jit3A_2601 = arith.constant 2.048000e+03 : f32
    %jit3A_2602 = arith.constant 0.000000e+00 : f32
    %broadcast_in_dim3A_2603 = vector.broadcast %jit3A_2601 : f32 to vector<1x256xf32>
    %broadcast_in_dim3A_2604 = vector.broadcast %jit3A_2602 : f32 to vector<1x256xf32>
    %select_n3A_2605 = arith.select %eq3A_2600, %broadcast_in_dim3A_2603, %broadcast_in_dim3A_2604 : vector<1x256xi1>, vector<1x256xf32>
    %add3A_2606 = arith.addf %add3A_2571, %select_n3A_2605 : vector<1x256xf32>
    %sub3A_2607 = arith.constant 256 : i32
    %sub3A_2608 = arith.subi %get3A_2598, %sub3A_2607 : i32
    %eq3A_2609 = vector.broadcast %sub3A_2608 : i32 to vector<1x256xi32>
    %eq3A_2610 = arith.cmpi eq, %iota3A, %eq3A_2609 : vector<1x256xi32>
    %jit3A_2611 = arith.constant 2.048000e+03 : f32
    %jit3A_2612 = arith.constant 0.000000e+00 : f32
    %broadcast_in_dim3A_2613 = vector.broadcast %jit3A_2611 : f32 to vector<1x256xf32>
    %broadcast_in_dim3A_2614 = vector.broadcast %jit3A_2612 : f32 to vector<1x256xf32>
    %select_n3A_2615 = arith.select %eq3A_2610, %broadcast_in_dim3A_2613, %broadcast_in_dim3A_2614 : vector<1x256xi1>, vector<1x256xf32>
    %add3A_2616 = arith.addf %add3A_2581, %select_n3A_2615 : vector<1x256xf32>
    %ge3A_2617 = arith.constant 512 : i32
    %ge3A_2618 = arith.cmpi sge, %get3A_2598, %ge3A_2617 : i32
    %jit3A_2619 = arith.constant 2048 : i32
    %jit3A_2620 = arith.constant 0 : i32
    %select_n3A_2621 = arith.select %ge3A_2618, %jit3A_2619, %jit3A_2620 : i32
    %sub3A_2622 = arith.constant 512 : i32
    %sub3A_2623 = arith.subi %get3A_2598, %sub3A_2622 : i32
    %gt3A_2624 = vector.broadcast %sub3A_2623 : i32 to vector<128x128xi32>
    %gt3A_2625 = arith.cmpi sgt, %sub3A, %gt3A_2624 : vector<128x128xi32>
    %jit3A_2626 = arith.constant 0 : i32
    %broadcast_in_dim3A_2627 = vector.broadcast %select_n3A_2621 : i32 to vector<128x128xi32>
    %broadcast_in_dim3A_2628 = vector.broadcast %jit3A_2626 : i32 to vector<128x128xi32>
    %select_n3A_2629 = arith.select %gt3A_2625, %broadcast_in_dim3A_2627, %broadcast_in_dim3A_2628 : vector<128x128xi1>, vector<128x128xi32>
    %add3A_2630 = arith.addi %add3A_2595, %select_n3A_2629 : vector<128x128xi32>
    %dot_general3A_2631 = arith.constant dense<0.000000e+00> : vector<128x1xf32>
    %dot_general3A_2632 = tpu.matmul %convert_element_type3A, %add3A_2606, %dot_general3A_2631 {dimension_numbers = #tpu.dot_dimension_numbers<[1], [1], [0], [0], [0, 0, 1, 0], [], []>, transpose_lhs_hint = false} : vector<128x256xf32>, vector<1x256xf32>, vector<128x1xf32> -> vector<128x1xf32>
    %dot_general3A_2633 = arith.constant dense<0.000000e+00> : vector<1x128xf32>
    %dot_general3A_2634 = tpu.matmul %add3A_2616, %convert_element_type3A, %dot_general3A_2633 {dimension_numbers = #tpu.dot_dimension_numbers<[1], [1], [0], [0], [0, 0, 1, 0], [], []>, transpose_lhs_hint = false} : vector<1x256xf32>, vector<128x256xf32>, vector<1x128xf32> -> vector<1x128xf32>
    %convert_element_type3A_2635 = arith.fptosi %dot_general3A_2632 : vector<128x1xf32> to vector<128x1xi32>
    %convert_element_type3A_2636 = arith.fptosi %dot_general3A_2634 : vector<1x128xf32> to vector<1x128xi32>
    %add3A_2637 = vector.broadcast %convert_element_type3A_2635 : vector<128x1xi32> to vector<128x128xi32>
    %add3A_2638 = vector.broadcast %convert_element_type3A_2636 : vector<1x128xi32> to vector<128x128xi32>
    %add3A_2639 = arith.addi %add3A_2637, %add3A_2638 : vector<128x128xi32>
    %add3A_2640 = arith.addi %add3A_2639, %add3A_2630 : vector<128x128xi32>
    %swap3A_2641 = arith.constant 0 : index
    %swap3A_2642 = arith.constant 5 : index
    %swap3A_2643 = arith.constant 0 : index
    %swap3A_2644 = vector.load %arg3[%swap3A_2641, %swap3A_2642, %swap3A_2643] : memref<128x8x128xi32, #tpu.memory_space<vmem>>, vector<128x1x128xi32>
    %swap3A_2645 = vector.shape_cast %swap3A_2644 : vector<128x1x128xi32> to vector<128x128xi32>
    %swap3A_2646 = vector.shape_cast %add3A_2640 : vector<128x128xi32> to vector<128x1x128xi32>
    tpu.vector_store %arg3[%swap3A_2641, %swap3A_2642, %swap3A_2643], %swap3A_2646 {strides = array<i32>} : memref<128x8x128xi32, #tpu.memory_space<vmem>>, vector<128x1x128xi32>,
    %broadcast_in_dim3A_2647 = arith.constant 0.000000e+00 : f32
    %broadcast_in_dim3A_2648 = vector.broadcast %broadcast_in_dim3A_2647 : f32 to vector<1x256xf32>
    %broadcast_in_dim3A_2649 = arith.constant 0.000000e+00 : f32
    %broadcast_in_dim3A_2650 = vector.broadcast %broadcast_in_dim3A_2649 : f32 to vector<1x256xf32>
    %broadcast_in_dim3A_2651 = arith.constant 0 : i32
    %broadcast_in_dim3A_2652 = vector.broadcast %broadcast_in_dim3A_2651 : i32 to vector<128x128xi32>
    %get3A_2653 = arith.constant 6 : index
    %get3A_2654 = arith.constant 0 : index
    %get3A_2655 = memref.load %arg1[%get3A_2653, %get3A_2654] : memref<8x12xi32, #tpu.memory_space<smem>>
    %eq3A_2656 = vector.broadcast %get3A_2655 : i32 to vector<1x256xi32>
    %eq3A_2657 = arith.cmpi eq, %iota3A, %eq3A_2656 : vector<1x256xi32>
    %jit3A_2658 = arith.constant 1.000000e+00 : f32
    %jit3A_2659 = arith.constant 0.000000e+00 : f32
    %broadcast_in_dim3A_2660 = vector.broadcast %jit3A_2658 : f32 to vector<1x256xf32>
    %broadcast_in_dim3A_2661 = vector.broadcast %jit3A_2659 : f32 to vector<1x256xf32>
    %select_n3A_2662 = arith.select %eq3A_2657, %broadcast_in_dim3A_2660, %broadcast_in_dim3A_2661 : vector<1x256xi1>, vector<1x256xf32>
    %add3A_2663 = arith.addf %broadcast_in_dim3A_2648, %select_n3A_2662 : vector<1x256xf32>
    %sub3A_2664 = arith.constant 256 : i32
    %sub3A_2665 = arith.subi %get3A_2655, %sub3A_2664 : i32
    %eq3A_2666 = vector.broadcast %sub3A_2665 : i32 to vector<1x256xi32>
    %eq3A_2667 = arith.cmpi eq, %iota3A, %eq3A_2666 : vector<1x256xi32>
    %jit3A_2668 = arith.constant 1.000000e+00 : f32
    %jit3A_2669 = arith.constant 0.000000e+00 : f32
    %broadcast_in_dim3A_2670 = vector.broadcast %jit3A_2668 : f32 to vector<1x256xf32>
    %broadcast_in_dim3A_2671 = vector.broadcast %jit3A_2669 : f32 to vector<1x256xf32>
    %select_n3A_2672 = arith.select %eq3A_2667, %broadcast_in_dim3A_2670, %broadcast_in_dim3A_2671 : vector<1x256xi1>, vector<1x256xf32>
    %add3A_2673 = arith.addf %broadcast_in_dim3A_2650, %select_n3A_2672 : vector<1x256xf32>
    %ge3A_2674 = arith.constant 512 : i32
    %ge3A_2675 = arith.cmpi sge, %get3A_2655, %ge3A_2674 : i32
    %jit3A_2676 = arith.constant 1 : i32
    %jit3A_2677 = arith.constant 0 : i32
    %select_n3A_2678 = arith.select %ge3A_2675, %jit3A_2676, %jit3A_2677 : i32
    %sub3A_2679 = arith.constant 512 : i32
    %sub3A_2680 = arith.subi %get3A_2655, %sub3A_2679 : i32
    %gt3A_2681 = vector.broadcast %sub3A_2680 : i32 to vector<128x128xi32>
    %gt3A_2682 = arith.cmpi sgt, %sub3A, %gt3A_2681 : vector<128x128xi32>
    %jit3A_2683 = arith.constant 0 : i32
    %broadcast_in_dim3A_2684 = vector.broadcast %select_n3A_2678 : i32 to vector<128x128xi32>
    %broadcast_in_dim3A_2685 = vector.broadcast %jit3A_2683 : i32 to vector<128x128xi32>
    %select_n3A_2686 = arith.select %gt3A_2682, %broadcast_in_dim3A_2684, %broadcast_in_dim3A_2685 : vector<128x128xi1>, vector<128x128xi32>
    %add3A_2687 = arith.addi %broadcast_in_dim3A_2652, %select_n3A_2686 : vector<128x128xi32>
    %get3A_2688 = arith.constant 6 : index
    %get3A_2689 = arith.constant 1 : index
    %get3A_2690 = memref.load %arg1[%get3A_2688, %get3A_2689] : memref<8x12xi32, #tpu.memory_space<smem>>
    %eq3A_2691 = vector.broadcast %get3A_2690 : i32 to vector<1x256xi32>
    %eq3A_2692 = arith.cmpi eq, %iota3A, %eq3A_2691 : vector<1x256xi32>
    %jit3A_2693 = arith.constant 2.000000e+00 : f32
    %jit3A_2694 = arith.constant 0.000000e+00 : f32
    %broadcast_in_dim3A_2695 = vector.broadcast %jit3A_2693 : f32 to vector<1x256xf32>
    %broadcast_in_dim3A_2696 = vector.broadcast %jit3A_2694 : f32 to vector<1x256xf32>
    %select_n3A_2697 = arith.select %eq3A_2692, %broadcast_in_dim3A_2695, %broadcast_in_dim3A_2696 : vector<1x256xi1>, vector<1x256xf32>
    %add3A_2698 = arith.addf %add3A_2663, %select_n3A_2697 : vector<1x256xf32>
    %sub3A_2699 = arith.constant 256 : i32
    %sub3A_2700 = arith.subi %get3A_2690, %sub3A_2699 : i32
    %eq3A_2701 = vector.broadcast %sub3A_2700 : i32 to vector<1x256xi32>
    %eq3A_2702 = arith.cmpi eq, %iota3A, %eq3A_2701 : vector<1x256xi32>
    %jit3A_2703 = arith.constant 2.000000e+00 : f32
    %jit3A_2704 = arith.constant 0.000000e+00 : f32
    %broadcast_in_dim3A_2705 = vector.broadcast %jit3A_2703 : f32 to vector<1x256xf32>
    %broadcast_in_dim3A_2706 = vector.broadcast %jit3A_2704 : f32 to vector<1x256xf32>
    %select_n3A_2707 = arith.select %eq3A_2702, %broadcast_in_dim3A_2705, %broadcast_in_dim3A_2706 : vector<1x256xi1>, vector<1x256xf32>
    %add3A_2708 = arith.addf %add3A_2673, %select_n3A_2707 : vector<1x256xf32>
    %ge3A_2709 = arith.constant 512 : i32
    %ge3A_2710 = arith.cmpi sge, %get3A_2690, %ge3A_2709 : i32
    %jit3A_2711 = arith.constant 2 : i32
    %jit3A_2712 = arith.constant 0 : i32
    %select_n3A_2713 = arith.select %ge3A_2710, %jit3A_2711, %jit3A_2712 : i32
    %sub3A_2714 = arith.constant 512 : i32
    %sub3A_2715 = arith.subi %get3A_2690, %sub3A_2714 : i32
    %gt3A_2716 = vector.broadcast %sub3A_2715 : i32 to vector<128x128xi32>
    %gt3A_2717 = arith.cmpi sgt, %sub3A, %gt3A_2716 : vector<128x128xi32>
    %jit3A_2718 = arith.constant 0 : i32
    %broadcast_in_dim3A_2719 = vector.broadcast %select_n3A_2713 : i32 to vector<128x128xi32>
    %broadcast_in_dim3A_2720 = vector.broadcast %jit3A_2718 : i32 to vector<128x128xi32>
    %select_n3A_2721 = arith.select %gt3A_2717, %broadcast_in_dim3A_2719, %broadcast_in_dim3A_2720 : vector<128x128xi1>, vector<128x128xi32>
    %add3A_2722 = arith.addi %add3A_2687, %select_n3A_2721 : vector<128x128xi32>
    %get3A_2723 = arith.constant 6 : index
    %get3A_2724 = arith.constant 2 : index
    %get3A_2725 = memref.load %arg1[%get3A_2723, %get3A_2724] : memref<8x12xi32, #tpu.memory_space<smem>>
    %eq3A_2726 = vector.broadcast %get3A_2725 : i32 to vector<1x256xi32>
    %eq3A_2727 = arith.cmpi eq, %iota3A, %eq3A_2726 : vector<1x256xi32>
    %jit3A_2728 = arith.constant 4.000000e+00 : f32
    %jit3A_2729 = arith.constant 0.000000e+00 : f32
    %broadcast_in_dim3A_2730 = vector.broadcast %jit3A_2728 : f32 to vector<1x256xf32>
    %broadcast_in_dim3A_2731 = vector.broadcast %jit3A_2729 : f32 to vector<1x256xf32>
    %select_n3A_2732 = arith.select %eq3A_2727, %broadcast_in_dim3A_2730, %broadcast_in_dim3A_2731 : vector<1x256xi1>, vector<1x256xf32>
    %add3A_2733 = arith.addf %add3A_2698, %select_n3A_2732 : vector<1x256xf32>
    %sub3A_2734 = arith.constant 256 : i32
    %sub3A_2735 = arith.subi %get3A_2725, %sub3A_2734 : i32
    %eq3A_2736 = vector.broadcast %sub3A_2735 : i32 to vector<1x256xi32>
    %eq3A_2737 = arith.cmpi eq, %iota3A, %eq3A_2736 : vector<1x256xi32>
    %jit3A_2738 = arith.constant 4.000000e+00 : f32
    %jit3A_2739 = arith.constant 0.000000e+00 : f32
    %broadcast_in_dim3A_2740 = vector.broadcast %jit3A_2738 : f32 to vector<1x256xf32>
    %broadcast_in_dim3A_2741 = vector.broadcast %jit3A_2739 : f32 to vector<1x256xf32>
    %select_n3A_2742 = arith.select %eq3A_2737, %broadcast_in_dim3A_2740, %broadcast_in_dim3A_2741 : vector<1x256xi1>, vector<1x256xf32>
    %add3A_2743 = arith.addf %add3A_2708, %select_n3A_2742 : vector<1x256xf32>
    %ge3A_2744 = arith.constant 512 : i32
    %ge3A_2745 = arith.cmpi sge, %get3A_2725, %ge3A_2744 : i32
    %jit3A_2746 = arith.constant 4 : i32
    %jit3A_2747 = arith.constant 0 : i32
    %select_n3A_2748 = arith.select %ge3A_2745, %jit3A_2746, %jit3A_2747 : i32
    %sub3A_2749 = arith.constant 512 : i32
    %sub3A_2750 = arith.subi %get3A_2725, %sub3A_2749 : i32
    %gt3A_2751 = vector.broadcast %sub3A_2750 : i32 to vector<128x128xi32>
    %gt3A_2752 = arith.cmpi sgt, %sub3A, %gt3A_2751 : vector<128x128xi32>
    %jit3A_2753 = arith.constant 0 : i32
    %broadcast_in_dim3A_2754 = vector.broadcast %select_n3A_2748 : i32 to vector<128x128xi32>
    %broadcast_in_dim3A_2755 = vector.broadcast %jit3A_2753 : i32 to vector<128x128xi32>
    %select_n3A_2756 = arith.select %gt3A_2752, %broadcast_in_dim3A_2754, %broadcast_in_dim3A_2755 : vector<128x128xi1>, vector<128x128xi32>
    %add3A_2757 = arith.addi %add3A_2722, %select_n3A_2756 : vector<128x128xi32>
    %get3A_2758 = arith.constant 6 : index
    %get3A_2759 = arith.constant 3 : index
    %get3A_2760 = memref.load %arg1[%get3A_2758, %get3A_2759] : memref<8x12xi32, #tpu.memory_space<smem>>
    %eq3A_2761 = vector.broadcast %get3A_2760 : i32 to vector<1x256xi32>
    %eq3A_2762 = arith.cmpi eq, %iota3A, %eq3A_2761 : vector<1x256xi32>
    %jit3A_2763 = arith.constant 8.000000e+00 : f32
    %jit3A_2764 = arith.constant 0.000000e+00 : f32
    %broadcast_in_dim3A_2765 = vector.broadcast %jit3A_2763 : f32 to vector<1x256xf32>
    %broadcast_in_dim3A_2766 = vector.broadcast %jit3A_2764 : f32 to vector<1x256xf32>
    %select_n3A_2767 = arith.select %eq3A_2762, %broadcast_in_dim3A_2765, %broadcast_in_dim3A_2766 : vector<1x256xi1>, vector<1x256xf32>
    %add3A_2768 = arith.addf %add3A_2733, %select_n3A_2767 : vector<1x256xf32>
    %sub3A_2769 = arith.constant 256 : i32
    %sub3A_2770 = arith.subi %get3A_2760, %sub3A_2769 : i32
    %eq3A_2771 = vector.broadcast %sub3A_2770 : i32 to vector<1x256xi32>
    %eq3A_2772 = arith.cmpi eq, %iota3A, %eq3A_2771 : vector<1x256xi32>
    %jit3A_2773 = arith.constant 8.000000e+00 : f32
    %jit3A_2774 = arith.constant 0.000000e+00 : f32
    %broadcast_in_dim3A_2775 = vector.broadcast %jit3A_2773 : f32 to vector<1x256xf32>
    %broadcast_in_dim3A_2776 = vector.broadcast %jit3A_2774 : f32 to vector<1x256xf32>
    %select_n3A_2777 = arith.select %eq3A_2772, %broadcast_in_dim3A_2775, %broadcast_in_dim3A_2776 : vector<1x256xi1>, vector<1x256xf32>
    %add3A_2778 = arith.addf %add3A_2743, %select_n3A_2777 : vector<1x256xf32>
    %ge3A_2779 = arith.constant 512 : i32
    %ge3A_2780 = arith.cmpi sge, %get3A_2760, %ge3A_2779 : i32
    %jit3A_2781 = arith.constant 8 : i32
    %jit3A_2782 = arith.constant 0 : i32
    %select_n3A_2783 = arith.select %ge3A_2780, %jit3A_2781, %jit3A_2782 : i32
    %sub3A_2784 = arith.constant 512 : i32
    %sub3A_2785 = arith.subi %get3A_2760, %sub3A_2784 : i32
    %gt3A_2786 = vector.broadcast %sub3A_2785 : i32 to vector<128x128xi32>
    %gt3A_2787 = arith.cmpi sgt, %sub3A, %gt3A_2786 : vector<128x128xi32>
    %jit3A_2788 = arith.constant 0 : i32
    %broadcast_in_dim3A_2789 = vector.broadcast %select_n3A_2783 : i32 to vector<128x128xi32>
    %broadcast_in_dim3A_2790 = vector.broadcast %jit3A_2788 : i32 to vector<128x128xi32>
    %select_n3A_2791 = arith.select %gt3A_2787, %broadcast_in_dim3A_2789, %broadcast_in_dim3A_2790 : vector<128x128xi1>, vector<128x128xi32>
    %add3A_2792 = arith.addi %add3A_2757, %select_n3A_2791 : vector<128x128xi32>
    %get3A_2793 = arith.constant 6 : index
    %get3A_2794 = arith.constant 4 : index
    %get3A_2795 = memref.load %arg1[%get3A_2793, %get3A_2794] : memref<8x12xi32, #tpu.memory_space<smem>>
    %eq3A_2796 = vector.broadcast %get3A_2795 : i32 to vector<1x256xi32>
    %eq3A_2797 = arith.cmpi eq, %iota3A, %eq3A_2796 : vector<1x256xi32>
    %jit3A_2798 = arith.constant 1.600000e+01 : f32
    %jit3A_2799 = arith.constant 0.000000e+00 : f32
    %broadcast_in_dim3A_2800 = vector.broadcast %jit3A_2798 : f32 to vector<1x256xf32>
    %broadcast_in_dim3A_2801 = vector.broadcast %jit3A_2799 : f32 to vector<1x256xf32>
    %select_n3A_2802 = arith.select %eq3A_2797, %broadcast_in_dim3A_2800, %broadcast_in_dim3A_2801 : vector<1x256xi1>, vector<1x256xf32>
    %add3A_2803 = arith.addf %add3A_2768, %select_n3A_2802 : vector<1x256xf32>
    %sub3A_2804 = arith.constant 256 : i32
    %sub3A_2805 = arith.subi %get3A_2795, %sub3A_2804 : i32
    %eq3A_2806 = vector.broadcast %sub3A_2805 : i32 to vector<1x256xi32>
    %eq3A_2807 = arith.cmpi eq, %iota3A, %eq3A_2806 : vector<1x256xi32>
    %jit3A_2808 = arith.constant 1.600000e+01 : f32
    %jit3A_2809 = arith.constant 0.000000e+00 : f32
    %broadcast_in_dim3A_2810 = vector.broadcast %jit3A_2808 : f32 to vector<1x256xf32>
    %broadcast_in_dim3A_2811 = vector.broadcast %jit3A_2809 : f32 to vector<1x256xf32>
    %select_n3A_2812 = arith.select %eq3A_2807, %broadcast_in_dim3A_2810, %broadcast_in_dim3A_2811 : vector<1x256xi1>, vector<1x256xf32>
    %add3A_2813 = arith.addf %add3A_2778, %select_n3A_2812 : vector<1x256xf32>
    %ge3A_2814 = arith.constant 512 : i32
    %ge3A_2815 = arith.cmpi sge, %get3A_2795, %ge3A_2814 : i32
    %jit3A_2816 = arith.constant 16 : i32
    %jit3A_2817 = arith.constant 0 : i32
    %select_n3A_2818 = arith.select %ge3A_2815, %jit3A_2816, %jit3A_2817 : i32
    %sub3A_2819 = arith.constant 512 : i32
    %sub3A_2820 = arith.subi %get3A_2795, %sub3A_2819 : i32
    %gt3A_2821 = vector.broadcast %sub3A_2820 : i32 to vector<128x128xi32>
    %gt3A_2822 = arith.cmpi sgt, %sub3A, %gt3A_2821 : vector<128x128xi32>
    %jit3A_2823 = arith.constant 0 : i32
    %broadcast_in_dim3A_2824 = vector.broadcast %select_n3A_2818 : i32 to vector<128x128xi32>
    %broadcast_in_dim3A_2825 = vector.broadcast %jit3A_2823 : i32 to vector<128x128xi32>
    %select_n3A_2826 = arith.select %gt3A_2822, %broadcast_in_dim3A_2824, %broadcast_in_dim3A_2825 : vector<128x128xi1>, vector<128x128xi32>
    %add3A_2827 = arith.addi %add3A_2792, %select_n3A_2826 : vector<128x128xi32>
    %get3A_2828 = arith.constant 6 : index
    %get3A_2829 = arith.constant 5 : index
    %get3A_2830 = memref.load %arg1[%get3A_2828, %get3A_2829] : memref<8x12xi32, #tpu.memory_space<smem>>
    %eq3A_2831 = vector.broadcast %get3A_2830 : i32 to vector<1x256xi32>
    %eq3A_2832 = arith.cmpi eq, %iota3A, %eq3A_2831 : vector<1x256xi32>
    %jit3A_2833 = arith.constant 3.200000e+01 : f32
    %jit3A_2834 = arith.constant 0.000000e+00 : f32
    %broadcast_in_dim3A_2835 = vector.broadcast %jit3A_2833 : f32 to vector<1x256xf32>
    %broadcast_in_dim3A_2836 = vector.broadcast %jit3A_2834 : f32 to vector<1x256xf32>
    %select_n3A_2837 = arith.select %eq3A_2832, %broadcast_in_dim3A_2835, %broadcast_in_dim3A_2836 : vector<1x256xi1>, vector<1x256xf32>
    %add3A_2838 = arith.addf %add3A_2803, %select_n3A_2837 : vector<1x256xf32>
    %sub3A_2839 = arith.constant 256 : i32
    %sub3A_2840 = arith.subi %get3A_2830, %sub3A_2839 : i32
    %eq3A_2841 = vector.broadcast %sub3A_2840 : i32 to vector<1x256xi32>
    %eq3A_2842 = arith.cmpi eq, %iota3A, %eq3A_2841 : vector<1x256xi32>
    %jit3A_2843 = arith.constant 3.200000e+01 : f32
    %jit3A_2844 = arith.constant 0.000000e+00 : f32
    %broadcast_in_dim3A_2845 = vector.broadcast %jit3A_2843 : f32 to vector<1x256xf32>
    %broadcast_in_dim3A_2846 = vector.broadcast %jit3A_2844 : f32 to vector<1x256xf32>
    %select_n3A_2847 = arith.select %eq3A_2842, %broadcast_in_dim3A_2845, %broadcast_in_dim3A_2846 : vector<1x256xi1>, vector<1x256xf32>
    %add3A_2848 = arith.addf %add3A_2813, %select_n3A_2847 : vector<1x256xf32>
    %ge3A_2849 = arith.constant 512 : i32
    %ge3A_2850 = arith.cmpi sge, %get3A_2830, %ge3A_2849 : i32
    %jit3A_2851 = arith.constant 32 : i32
    %jit3A_2852 = arith.constant 0 : i32
    %select_n3A_2853 = arith.select %ge3A_2850, %jit3A_2851, %jit3A_2852 : i32
    %sub3A_2854 = arith.constant 512 : i32
    %sub3A_2855 = arith.subi %get3A_2830, %sub3A_2854 : i32
    %gt3A_2856 = vector.broadcast %sub3A_2855 : i32 to vector<128x128xi32>
    %gt3A_2857 = arith.cmpi sgt, %sub3A, %gt3A_2856 : vector<128x128xi32>
    %jit3A_2858 = arith.constant 0 : i32
    %broadcast_in_dim3A_2859 = vector.broadcast %select_n3A_2853 : i32 to vector<128x128xi32>
    %broadcast_in_dim3A_2860 = vector.broadcast %jit3A_2858 : i32 to vector<128x128xi32>
    %select_n3A_2861 = arith.select %gt3A_2857, %broadcast_in_dim3A_2859, %broadcast_in_dim3A_2860 : vector<128x128xi1>, vector<128x128xi32>
    %add3A_2862 = arith.addi %add3A_2827, %select_n3A_2861 : vector<128x128xi32>
    %get3A_2863 = arith.constant 6 : index
    %get3A_2864 = arith.constant 6 : index
    %get3A_2865 = memref.load %arg1[%get3A_2863, %get3A_2864] : memref<8x12xi32, #tpu.memory_space<smem>>
    %eq3A_2866 = vector.broadcast %get3A_2865 : i32 to vector<1x256xi32>
    %eq3A_2867 = arith.cmpi eq, %iota3A, %eq3A_2866 : vector<1x256xi32>
    %jit3A_2868 = arith.constant 6.400000e+01 : f32
    %jit3A_2869 = arith.constant 0.000000e+00 : f32
    %broadcast_in_dim3A_2870 = vector.broadcast %jit3A_2868 : f32 to vector<1x256xf32>
    %broadcast_in_dim3A_2871 = vector.broadcast %jit3A_2869 : f32 to vector<1x256xf32>
    %select_n3A_2872 = arith.select %eq3A_2867, %broadcast_in_dim3A_2870, %broadcast_in_dim3A_2871 : vector<1x256xi1>, vector<1x256xf32>
    %add3A_2873 = arith.addf %add3A_2838, %select_n3A_2872 : vector<1x256xf32>
    %sub3A_2874 = arith.constant 256 : i32
    %sub3A_2875 = arith.subi %get3A_2865, %sub3A_2874 : i32
    %eq3A_2876 = vector.broadcast %sub3A_2875 : i32 to vector<1x256xi32>
    %eq3A_2877 = arith.cmpi eq, %iota3A, %eq3A_2876 : vector<1x256xi32>
    %jit3A_2878 = arith.constant 6.400000e+01 : f32
    %jit3A_2879 = arith.constant 0.000000e+00 : f32
    %broadcast_in_dim3A_2880 = vector.broadcast %jit3A_2878 : f32 to vector<1x256xf32>
    %broadcast_in_dim3A_2881 = vector.broadcast %jit3A_2879 : f32 to vector<1x256xf32>
    %select_n3A_2882 = arith.select %eq3A_2877, %broadcast_in_dim3A_2880, %broadcast_in_dim3A_2881 : vector<1x256xi1>, vector<1x256xf32>
    %add3A_2883 = arith.addf %add3A_2848, %select_n3A_2882 : vector<1x256xf32>
    %ge3A_2884 = arith.constant 512 : i32
    %ge3A_2885 = arith.cmpi sge, %get3A_2865, %ge3A_2884 : i32
    %jit3A_2886 = arith.constant 64 : i32
    %jit3A_2887 = arith.constant 0 : i32
    %select_n3A_2888 = arith.select %ge3A_2885, %jit3A_2886, %jit3A_2887 : i32
    %sub3A_2889 = arith.constant 512 : i32
    %sub3A_2890 = arith.subi %get3A_2865, %sub3A_2889 : i32
    %gt3A_2891 = vector.broadcast %sub3A_2890 : i32 to vector<128x128xi32>
    %gt3A_2892 = arith.cmpi sgt, %sub3A, %gt3A_2891 : vector<128x128xi32>
    %jit3A_2893 = arith.constant 0 : i32
    %broadcast_in_dim3A_2894 = vector.broadcast %select_n3A_2888 : i32 to vector<128x128xi32>
    %broadcast_in_dim3A_2895 = vector.broadcast %jit3A_2893 : i32 to vector<128x128xi32>
    %select_n3A_2896 = arith.select %gt3A_2892, %broadcast_in_dim3A_2894, %broadcast_in_dim3A_2895 : vector<128x128xi1>, vector<128x128xi32>
    %add3A_2897 = arith.addi %add3A_2862, %select_n3A_2896 : vector<128x128xi32>
    %get3A_2898 = arith.constant 6 : index
    %get3A_2899 = arith.constant 7 : index
    %get3A_2900 = memref.load %arg1[%get3A_2898, %get3A_2899] : memref<8x12xi32, #tpu.memory_space<smem>>
    %eq3A_2901 = vector.broadcast %get3A_2900 : i32 to vector<1x256xi32>
    %eq3A_2902 = arith.cmpi eq, %iota3A, %eq3A_2901 : vector<1x256xi32>
    %jit3A_2903 = arith.constant 1.280000e+02 : f32
    %jit3A_2904 = arith.constant 0.000000e+00 : f32
    %broadcast_in_dim3A_2905 = vector.broadcast %jit3A_2903 : f32 to vector<1x256xf32>
    %broadcast_in_dim3A_2906 = vector.broadcast %jit3A_2904 : f32 to vector<1x256xf32>
    %select_n3A_2907 = arith.select %eq3A_2902, %broadcast_in_dim3A_2905, %broadcast_in_dim3A_2906 : vector<1x256xi1>, vector<1x256xf32>
    %add3A_2908 = arith.addf %add3A_2873, %select_n3A_2907 : vector<1x256xf32>
    %sub3A_2909 = arith.constant 256 : i32
    %sub3A_2910 = arith.subi %get3A_2900, %sub3A_2909 : i32
    %eq3A_2911 = vector.broadcast %sub3A_2910 : i32 to vector<1x256xi32>
    %eq3A_2912 = arith.cmpi eq, %iota3A, %eq3A_2911 : vector<1x256xi32>
    %jit3A_2913 = arith.constant 1.280000e+02 : f32
    %jit3A_2914 = arith.constant 0.000000e+00 : f32
    %broadcast_in_dim3A_2915 = vector.broadcast %jit3A_2913 : f32 to vector<1x256xf32>
    %broadcast_in_dim3A_2916 = vector.broadcast %jit3A_2914 : f32 to vector<1x256xf32>
    %select_n3A_2917 = arith.select %eq3A_2912, %broadcast_in_dim3A_2915, %broadcast_in_dim3A_2916 : vector<1x256xi1>, vector<1x256xf32>
    %add3A_2918 = arith.addf %add3A_2883, %select_n3A_2917 : vector<1x256xf32>
    %ge3A_2919 = arith.constant 512 : i32
    %ge3A_2920 = arith.cmpi sge, %get3A_2900, %ge3A_2919 : i32
    %jit3A_2921 = arith.constant 128 : i32
    %jit3A_2922 = arith.constant 0 : i32
    %select_n3A_2923 = arith.select %ge3A_2920, %jit3A_2921, %jit3A_2922 : i32
    %sub3A_2924 = arith.constant 512 : i32
    %sub3A_2925 = arith.subi %get3A_2900, %sub3A_2924 : i32
    %gt3A_2926 = vector.broadcast %sub3A_2925 : i32 to vector<128x128xi32>
    %gt3A_2927 = arith.cmpi sgt, %sub3A, %gt3A_2926 : vector<128x128xi32>
    %jit3A_2928 = arith.constant 0 : i32
    %broadcast_in_dim3A_2929 = vector.broadcast %select_n3A_2923 : i32 to vector<128x128xi32>
    %broadcast_in_dim3A_2930 = vector.broadcast %jit3A_2928 : i32 to vector<128x128xi32>
    %select_n3A_2931 = arith.select %gt3A_2927, %broadcast_in_dim3A_2929, %broadcast_in_dim3A_2930 : vector<128x128xi1>, vector<128x128xi32>
    %add3A_2932 = arith.addi %add3A_2897, %select_n3A_2931 : vector<128x128xi32>
    %get3A_2933 = arith.constant 6 : index
    %get3A_2934 = arith.constant 8 : index
    %get3A_2935 = memref.load %arg1[%get3A_2933, %get3A_2934] : memref<8x12xi32, #tpu.memory_space<smem>>
    %eq3A_2936 = vector.broadcast %get3A_2935 : i32 to vector<1x256xi32>
    %eq3A_2937 = arith.cmpi eq, %iota3A, %eq3A_2936 : vector<1x256xi32>
    %jit3A_2938 = arith.constant 2.560000e+02 : f32
    %jit3A_2939 = arith.constant 0.000000e+00 : f32
    %broadcast_in_dim3A_2940 = vector.broadcast %jit3A_2938 : f32 to vector<1x256xf32>
    %broadcast_in_dim3A_2941 = vector.broadcast %jit3A_2939 : f32 to vector<1x256xf32>
    %select_n3A_2942 = arith.select %eq3A_2937, %broadcast_in_dim3A_2940, %broadcast_in_dim3A_2941 : vector<1x256xi1>, vector<1x256xf32>
    %add3A_2943 = arith.addf %add3A_2908, %select_n3A_2942 : vector<1x256xf32>
    %sub3A_2944 = arith.constant 256 : i32
    %sub3A_2945 = arith.subi %get3A_2935, %sub3A_2944 : i32
    %eq3A_2946 = vector.broadcast %sub3A_2945 : i32 to vector<1x256xi32>
    %eq3A_2947 = arith.cmpi eq, %iota3A, %eq3A_2946 : vector<1x256xi32>
    %jit3A_2948 = arith.constant 2.560000e+02 : f32
    %jit3A_2949 = arith.constant 0.000000e+00 : f32
    %broadcast_in_dim3A_2950 = vector.broadcast %jit3A_2948 : f32 to vector<1x256xf32>
    %broadcast_in_dim3A_2951 = vector.broadcast %jit3A_2949 : f32 to vector<1x256xf32>
    %select_n3A_2952 = arith.select %eq3A_2947, %broadcast_in_dim3A_2950, %broadcast_in_dim3A_2951 : vector<1x256xi1>, vector<1x256xf32>
    %add3A_2953 = arith.addf %add3A_2918, %select_n3A_2952 : vector<1x256xf32>
    %ge3A_2954 = arith.constant 512 : i32
    %ge3A_2955 = arith.cmpi sge, %get3A_2935, %ge3A_2954 : i32
    %jit3A_2956 = arith.constant 256 : i32
    %jit3A_2957 = arith.constant 0 : i32
    %select_n3A_2958 = arith.select %ge3A_2955, %jit3A_2956, %jit3A_2957 : i32
    %sub3A_2959 = arith.constant 512 : i32
    %sub3A_2960 = arith.subi %get3A_2935, %sub3A_2959 : i32
    %gt3A_2961 = vector.broadcast %sub3A_2960 : i32 to vector<128x128xi32>
    %gt3A_2962 = arith.cmpi sgt, %sub3A, %gt3A_2961 : vector<128x128xi32>
    %jit3A_2963 = arith.constant 0 : i32
    %broadcast_in_dim3A_2964 = vector.broadcast %select_n3A_2958 : i32 to vector<128x128xi32>
    %broadcast_in_dim3A_2965 = vector.broadcast %jit3A_2963 : i32 to vector<128x128xi32>
    %select_n3A_2966 = arith.select %gt3A_2962, %broadcast_in_dim3A_2964, %broadcast_in_dim3A_2965 : vector<128x128xi1>, vector<128x128xi32>
    %add3A_2967 = arith.addi %add3A_2932, %select_n3A_2966 : vector<128x128xi32>
    %get3A_2968 = arith.constant 6 : index
    %get3A_2969 = arith.constant 9 : index
    %get3A_2970 = memref.load %arg1[%get3A_2968, %get3A_2969] : memref<8x12xi32, #tpu.memory_space<smem>>
    %eq3A_2971 = vector.broadcast %get3A_2970 : i32 to vector<1x256xi32>
    %eq3A_2972 = arith.cmpi eq, %iota3A, %eq3A_2971 : vector<1x256xi32>
    %jit3A_2973 = arith.constant 5.120000e+02 : f32
    %jit3A_2974 = arith.constant 0.000000e+00 : f32
    %broadcast_in_dim3A_2975 = vector.broadcast %jit3A_2973 : f32 to vector<1x256xf32>
    %broadcast_in_dim3A_2976 = vector.broadcast %jit3A_2974 : f32 to vector<1x256xf32>
    %select_n3A_2977 = arith.select %eq3A_2972, %broadcast_in_dim3A_2975, %broadcast_in_dim3A_2976 : vector<1x256xi1>, vector<1x256xf32>
    %add3A_2978 = arith.addf %add3A_2943, %select_n3A_2977 : vector<1x256xf32>
    %sub3A_2979 = arith.constant 256 : i32
    %sub3A_2980 = arith.subi %get3A_2970, %sub3A_2979 : i32
    %eq3A_2981 = vector.broadcast %sub3A_2980 : i32 to vector<1x256xi32>
    %eq3A_2982 = arith.cmpi eq, %iota3A, %eq3A_2981 : vector<1x256xi32>
    %jit3A_2983 = arith.constant 5.120000e+02 : f32
    %jit3A_2984 = arith.constant 0.000000e+00 : f32
    %broadcast_in_dim3A_2985 = vector.broadcast %jit3A_2983 : f32 to vector<1x256xf32>
    %broadcast_in_dim3A_2986 = vector.broadcast %jit3A_2984 : f32 to vector<1x256xf32>
    %select_n3A_2987 = arith.select %eq3A_2982, %broadcast_in_dim3A_2985, %broadcast_in_dim3A_2986 : vector<1x256xi1>, vector<1x256xf32>
    %add3A_2988 = arith.addf %add3A_2953, %select_n3A_2987 : vector<1x256xf32>
    %ge3A_2989 = arith.constant 512 : i32
    %ge3A_2990 = arith.cmpi sge, %get3A_2970, %ge3A_2989 : i32
    %jit3A_2991 = arith.constant 512 : i32
    %jit3A_2992 = arith.constant 0 : i32
    %select_n3A_2993 = arith.select %ge3A_2990, %jit3A_2991, %jit3A_2992 : i32
    %sub3A_2994 = arith.constant 512 : i32
    %sub3A_2995 = arith.subi %get3A_2970, %sub3A_2994 : i32
    %gt3A_2996 = vector.broadcast %sub3A_2995 : i32 to vector<128x128xi32>
    %gt3A_2997 = arith.cmpi sgt, %sub3A, %gt3A_2996 : vector<128x128xi32>
    %jit3A_2998 = arith.constant 0 : i32
    %broadcast_in_dim3A_2999 = vector.broadcast %select_n3A_2993 : i32 to vector<128x128xi32>
    %broadcast_in_dim3A_3000 = vector.broadcast %jit3A_2998 : i32 to vector<128x128xi32>
    %select_n3A_3001 = arith.select %gt3A_2997, %broadcast_in_dim3A_2999, %broadcast_in_dim3A_3000 : vector<128x128xi1>, vector<128x128xi32>
    %add3A_3002 = arith.addi %add3A_2967, %select_n3A_3001 : vector<128x128xi32>
    %get3A_3003 = arith.constant 6 : index
    %get3A_3004 = arith.constant 10 : index
    %get3A_3005 = memref.load %arg1[%get3A_3003, %get3A_3004] : memref<8x12xi32, #tpu.memory_space<smem>>
    %eq3A_3006 = vector.broadcast %get3A_3005 : i32 to vector<1x256xi32>
    %eq3A_3007 = arith.cmpi eq, %iota3A, %eq3A_3006 : vector<1x256xi32>
    %jit3A_3008 = arith.constant 1.024000e+03 : f32
    %jit3A_3009 = arith.constant 0.000000e+00 : f32
    %broadcast_in_dim3A_3010 = vector.broadcast %jit3A_3008 : f32 to vector<1x256xf32>
    %broadcast_in_dim3A_3011 = vector.broadcast %jit3A_3009 : f32 to vector<1x256xf32>
    %select_n3A_3012 = arith.select %eq3A_3007, %broadcast_in_dim3A_3010, %broadcast_in_dim3A_3011 : vector<1x256xi1>, vector<1x256xf32>
    %add3A_3013 = arith.addf %add3A_2978, %select_n3A_3012 : vector<1x256xf32>
    %sub3A_3014 = arith.constant 256 : i32
    %sub3A_3015 = arith.subi %get3A_3005, %sub3A_3014 : i32
    %eq3A_3016 = vector.broadcast %sub3A_3015 : i32 to vector<1x256xi32>
    %eq3A_3017 = arith.cmpi eq, %iota3A, %eq3A_3016 : vector<1x256xi32>
    %jit3A_3018 = arith.constant 1.024000e+03 : f32
    %jit3A_3019 = arith.constant 0.000000e+00 : f32
    %broadcast_in_dim3A_3020 = vector.broadcast %jit3A_3018 : f32 to vector<1x256xf32>
    %broadcast_in_dim3A_3021 = vector.broadcast %jit3A_3019 : f32 to vector<1x256xf32>
    %select_n3A_3022 = arith.select %eq3A_3017, %broadcast_in_dim3A_3020, %broadcast_in_dim3A_3021 : vector<1x256xi1>, vector<1x256xf32>
    %add3A_3023 = arith.addf %add3A_2988, %select_n3A_3022 : vector<1x256xf32>
    %ge3A_3024 = arith.constant 512 : i32
    %ge3A_3025 = arith.cmpi sge, %get3A_3005, %ge3A_3024 : i32
    %jit3A_3026 = arith.constant 1024 : i32
    %jit3A_3027 = arith.constant 0 : i32
    %select_n3A_3028 = arith.select %ge3A_3025, %jit3A_3026, %jit3A_3027 : i32
    %sub3A_3029 = arith.constant 512 : i32
    %sub3A_3030 = arith.subi %get3A_3005, %sub3A_3029 : i32
    %gt3A_3031 = vector.broadcast %sub3A_3030 : i32 to vector<128x128xi32>
    %gt3A_3032 = arith.cmpi sgt, %sub3A, %gt3A_3031 : vector<128x128xi32>
    %jit3A_3033 = arith.constant 0 : i32
    %broadcast_in_dim3A_3034 = vector.broadcast %select_n3A_3028 : i32 to vector<128x128xi32>
    %broadcast_in_dim3A_3035 = vector.broadcast %jit3A_3033 : i32 to vector<128x128xi32>
    %select_n3A_3036 = arith.select %gt3A_3032, %broadcast_in_dim3A_3034, %broadcast_in_dim3A_3035 : vector<128x128xi1>, vector<128x128xi32>
    %add3A_3037 = arith.addi %add3A_3002, %select_n3A_3036 : vector<128x128xi32>
    %get3A_3038 = arith.constant 6 : index
    %get3A_3039 = arith.constant 11 : index
    %get3A_3040 = memref.load %arg1[%get3A_3038, %get3A_3039] : memref<8x12xi32, #tpu.memory_space<smem>>
    %eq3A_3041 = vector.broadcast %get3A_3040 : i32 to vector<1x256xi32>
    %eq3A_3042 = arith.cmpi eq, %iota3A, %eq3A_3041 : vector<1x256xi32>
    %jit3A_3043 = arith.constant 2.048000e+03 : f32
    %jit3A_3044 = arith.constant 0.000000e+00 : f32
    %broadcast_in_dim3A_3045 = vector.broadcast %jit3A_3043 : f32 to vector<1x256xf32>
    %broadcast_in_dim3A_3046 = vector.broadcast %jit3A_3044 : f32 to vector<1x256xf32>
    %select_n3A_3047 = arith.select %eq3A_3042, %broadcast_in_dim3A_3045, %broadcast_in_dim3A_3046 : vector<1x256xi1>, vector<1x256xf32>
    %add3A_3048 = arith.addf %add3A_3013, %select_n3A_3047 : vector<1x256xf32>
    %sub3A_3049 = arith.constant 256 : i32
    %sub3A_3050 = arith.subi %get3A_3040, %sub3A_3049 : i32
    %eq3A_3051 = vector.broadcast %sub3A_3050 : i32 to vector<1x256xi32>
    %eq3A_3052 = arith.cmpi eq, %iota3A, %eq3A_3051 : vector<1x256xi32>
    %jit3A_3053 = arith.constant 2.048000e+03 : f32
    %jit3A_3054 = arith.constant 0.000000e+00 : f32
    %broadcast_in_dim3A_3055 = vector.broadcast %jit3A_3053 : f32 to vector<1x256xf32>
    %broadcast_in_dim3A_3056 = vector.broadcast %jit3A_3054 : f32 to vector<1x256xf32>
    %select_n3A_3057 = arith.select %eq3A_3052, %broadcast_in_dim3A_3055, %broadcast_in_dim3A_3056 : vector<1x256xi1>, vector<1x256xf32>
    %add3A_3058 = arith.addf %add3A_3023, %select_n3A_3057 : vector<1x256xf32>
    %ge3A_3059 = arith.constant 512 : i32
    %ge3A_3060 = arith.cmpi sge, %get3A_3040, %ge3A_3059 : i32
    %jit3A_3061 = arith.constant 2048 : i32
    %jit3A_3062 = arith.constant 0 : i32
    %select_n3A_3063 = arith.select %ge3A_3060, %jit3A_3061, %jit3A_3062 : i32
    %sub3A_3064 = arith.constant 512 : i32
    %sub3A_3065 = arith.subi %get3A_3040, %sub3A_3064 : i32
    %gt3A_3066 = vector.broadcast %sub3A_3065 : i32 to vector<128x128xi32>
    %gt3A_3067 = arith.cmpi sgt, %sub3A, %gt3A_3066 : vector<128x128xi32>
    %jit3A_3068 = arith.constant 0 : i32
    %broadcast_in_dim3A_3069 = vector.broadcast %select_n3A_3063 : i32 to vector<128x128xi32>
    %broadcast_in_dim3A_3070 = vector.broadcast %jit3A_3068 : i32 to vector<128x128xi32>
    %select_n3A_3071 = arith.select %gt3A_3067, %broadcast_in_dim3A_3069, %broadcast_in_dim3A_3070 : vector<128x128xi1>, vector<128x128xi32>
    %add3A_3072 = arith.addi %add3A_3037, %select_n3A_3071 : vector<128x128xi32>
    %dot_general3A_3073 = arith.constant dense<0.000000e+00> : vector<128x1xf32>
    %dot_general3A_3074 = tpu.matmul %convert_element_type3A, %add3A_3048, %dot_general3A_3073 {dimension_numbers = #tpu.dot_dimension_numbers<[1], [1], [0], [0], [0, 0, 1, 0], [], []>, transpose_lhs_hint = false} : vector<128x256xf32>, vector<1x256xf32>, vector<128x1xf32> -> vector<128x1xf32>
    %dot_general3A_3075 = arith.constant dense<0.000000e+00> : vector<1x128xf32>
    %dot_general3A_3076 = tpu.matmul %add3A_3058, %convert_element_type3A, %dot_general3A_3075 {dimension_numbers = #tpu.dot_dimension_numbers<[1], [1], [0], [0], [0, 0, 1, 0], [], []>, transpose_lhs_hint = false} : vector<1x256xf32>, vector<128x256xf32>, vector<1x128xf32> -> vector<1x128xf32>
    %convert_element_type3A_3077 = arith.fptosi %dot_general3A_3074 : vector<128x1xf32> to vector<128x1xi32>
    %convert_element_type3A_3078 = arith.fptosi %dot_general3A_3076 : vector<1x128xf32> to vector<1x128xi32>
    %add3A_3079 = vector.broadcast %convert_element_type3A_3077 : vector<128x1xi32> to vector<128x128xi32>
    %add3A_3080 = vector.broadcast %convert_element_type3A_3078 : vector<1x128xi32> to vector<128x128xi32>
    %add3A_3081 = arith.addi %add3A_3079, %add3A_3080 : vector<128x128xi32>
    %add3A_3082 = arith.addi %add3A_3081, %add3A_3072 : vector<128x128xi32>
    %swap3A_3083 = arith.constant 0 : index
    %swap3A_3084 = arith.constant 6 : index
    %swap3A_3085 = arith.constant 0 : index
    %swap3A_3086 = vector.load %arg3[%swap3A_3083, %swap3A_3084, %swap3A_3085] : memref<128x8x128xi32, #tpu.memory_space<vmem>>, vector<128x1x128xi32>
    %swap3A_3087 = vector.shape_cast %swap3A_3086 : vector<128x1x128xi32> to vector<128x128xi32>
    %swap3A_3088 = vector.shape_cast %add3A_3082 : vector<128x128xi32> to vector<128x1x128xi32>
    tpu.vector_store %arg3[%swap3A_3083, %swap3A_3084, %swap3A_3085], %swap3A_3088 {strides = array<i32>} : memref<128x8x128xi32, #tpu.memory_space<vmem>>, vector<128x1x128xi32>,
    %broadcast_in_dim3A_3089 = arith.constant 0.000000e+00 : f32
    %broadcast_in_dim3A_3090 = vector.broadcast %broadcast_in_dim3A_3089 : f32 to vector<1x256xf32>
    %broadcast_in_dim3A_3091 = arith.constant 0.000000e+00 : f32
    %broadcast_in_dim3A_3092 = vector.broadcast %broadcast_in_dim3A_3091 : f32 to vector<1x256xf32>
    %broadcast_in_dim3A_3093 = arith.constant 0 : i32
    %broadcast_in_dim3A_3094 = vector.broadcast %broadcast_in_dim3A_3093 : i32 to vector<128x128xi32>
    %get3A_3095 = arith.constant 7 : index
    %get3A_3096 = arith.constant 0 : index
    %get3A_3097 = memref.load %arg1[%get3A_3095, %get3A_3096] : memref<8x12xi32, #tpu.memory_space<smem>>
    %eq3A_3098 = vector.broadcast %get3A_3097 : i32 to vector<1x256xi32>
    %eq3A_3099 = arith.cmpi eq, %iota3A, %eq3A_3098 : vector<1x256xi32>
    %jit3A_3100 = arith.constant 1.000000e+00 : f32
    %jit3A_3101 = arith.constant 0.000000e+00 : f32
    %broadcast_in_dim3A_3102 = vector.broadcast %jit3A_3100 : f32 to vector<1x256xf32>
    %broadcast_in_dim3A_3103 = vector.broadcast %jit3A_3101 : f32 to vector<1x256xf32>
    %select_n3A_3104 = arith.select %eq3A_3099, %broadcast_in_dim3A_3102, %broadcast_in_dim3A_3103 : vector<1x256xi1>, vector<1x256xf32>
    %add3A_3105 = arith.addf %broadcast_in_dim3A_3090, %select_n3A_3104 : vector<1x256xf32>
    %sub3A_3106 = arith.constant 256 : i32
    %sub3A_3107 = arith.subi %get3A_3097, %sub3A_3106 : i32
    %eq3A_3108 = vector.broadcast %sub3A_3107 : i32 to vector<1x256xi32>
    %eq3A_3109 = arith.cmpi eq, %iota3A, %eq3A_3108 : vector<1x256xi32>
    %jit3A_3110 = arith.constant 1.000000e+00 : f32
    %jit3A_3111 = arith.constant 0.000000e+00 : f32
    %broadcast_in_dim3A_3112 = vector.broadcast %jit3A_3110 : f32 to vector<1x256xf32>
    %broadcast_in_dim3A_3113 = vector.broadcast %jit3A_3111 : f32 to vector<1x256xf32>
    %select_n3A_3114 = arith.select %eq3A_3109, %broadcast_in_dim3A_3112, %broadcast_in_dim3A_3113 : vector<1x256xi1>, vector<1x256xf32>
    %add3A_3115 = arith.addf %broadcast_in_dim3A_3092, %select_n3A_3114 : vector<1x256xf32>
    %ge3A_3116 = arith.constant 512 : i32
    %ge3A_3117 = arith.cmpi sge, %get3A_3097, %ge3A_3116 : i32
    %jit3A_3118 = arith.constant 1 : i32
    %jit3A_3119 = arith.constant 0 : i32
    %select_n3A_3120 = arith.select %ge3A_3117, %jit3A_3118, %jit3A_3119 : i32
    %sub3A_3121 = arith.constant 512 : i32
    %sub3A_3122 = arith.subi %get3A_3097, %sub3A_3121 : i32
    %gt3A_3123 = vector.broadcast %sub3A_3122 : i32 to vector<128x128xi32>
    %gt3A_3124 = arith.cmpi sgt, %sub3A, %gt3A_3123 : vector<128x128xi32>
    %jit3A_3125 = arith.constant 0 : i32
    %broadcast_in_dim3A_3126 = vector.broadcast %select_n3A_3120 : i32 to vector<128x128xi32>
    %broadcast_in_dim3A_3127 = vector.broadcast %jit3A_3125 : i32 to vector<128x128xi32>
    %select_n3A_3128 = arith.select %gt3A_3124, %broadcast_in_dim3A_3126, %broadcast_in_dim3A_3127 : vector<128x128xi1>, vector<128x128xi32>
    %add3A_3129 = arith.addi %broadcast_in_dim3A_3094, %select_n3A_3128 : vector<128x128xi32>
    %get3A_3130 = arith.constant 7 : index
    %get3A_3131 = arith.constant 1 : index
    %get3A_3132 = memref.load %arg1[%get3A_3130, %get3A_3131] : memref<8x12xi32, #tpu.memory_space<smem>>
    %eq3A_3133 = vector.broadcast %get3A_3132 : i32 to vector<1x256xi32>
    %eq3A_3134 = arith.cmpi eq, %iota3A, %eq3A_3133 : vector<1x256xi32>
    %jit3A_3135 = arith.constant 2.000000e+00 : f32
    %jit3A_3136 = arith.constant 0.000000e+00 : f32
    %broadcast_in_dim3A_3137 = vector.broadcast %jit3A_3135 : f32 to vector<1x256xf32>
    %broadcast_in_dim3A_3138 = vector.broadcast %jit3A_3136 : f32 to vector<1x256xf32>
    %select_n3A_3139 = arith.select %eq3A_3134, %broadcast_in_dim3A_3137, %broadcast_in_dim3A_3138 : vector<1x256xi1>, vector<1x256xf32>
    %add3A_3140 = arith.addf %add3A_3105, %select_n3A_3139 : vector<1x256xf32>
    %sub3A_3141 = arith.constant 256 : i32
    %sub3A_3142 = arith.subi %get3A_3132, %sub3A_3141 : i32
    %eq3A_3143 = vector.broadcast %sub3A_3142 : i32 to vector<1x256xi32>
    %eq3A_3144 = arith.cmpi eq, %iota3A, %eq3A_3143 : vector<1x256xi32>
    %jit3A_3145 = arith.constant 2.000000e+00 : f32
    %jit3A_3146 = arith.constant 0.000000e+00 : f32
    %broadcast_in_dim3A_3147 = vector.broadcast %jit3A_3145 : f32 to vector<1x256xf32>
    %broadcast_in_dim3A_3148 = vector.broadcast %jit3A_3146 : f32 to vector<1x256xf32>
    %select_n3A_3149 = arith.select %eq3A_3144, %broadcast_in_dim3A_3147, %broadcast_in_dim3A_3148 : vector<1x256xi1>, vector<1x256xf32>
    %add3A_3150 = arith.addf %add3A_3115, %select_n3A_3149 : vector<1x256xf32>
    %ge3A_3151 = arith.constant 512 : i32
    %ge3A_3152 = arith.cmpi sge, %get3A_3132, %ge3A_3151 : i32
    %jit3A_3153 = arith.constant 2 : i32
    %jit3A_3154 = arith.constant 0 : i32
    %select_n3A_3155 = arith.select %ge3A_3152, %jit3A_3153, %jit3A_3154 : i32
    %sub3A_3156 = arith.constant 512 : i32
    %sub3A_3157 = arith.subi %get3A_3132, %sub3A_3156 : i32
    %gt3A_3158 = vector.broadcast %sub3A_3157 : i32 to vector<128x128xi32>
    %gt3A_3159 = arith.cmpi sgt, %sub3A, %gt3A_3158 : vector<128x128xi32>
    %jit3A_3160 = arith.constant 0 : i32
    %broadcast_in_dim3A_3161 = vector.broadcast %select_n3A_3155 : i32 to vector<128x128xi32>
    %broadcast_in_dim3A_3162 = vector.broadcast %jit3A_3160 : i32 to vector<128x128xi32>
    %select_n3A_3163 = arith.select %gt3A_3159, %broadcast_in_dim3A_3161, %broadcast_in_dim3A_3162 : vector<128x128xi1>, vector<128x128xi32>
    %add3A_3164 = arith.addi %add3A_3129, %select_n3A_3163 : vector<128x128xi32>
    %get3A_3165 = arith.constant 7 : index
    %get3A_3166 = arith.constant 2 : index
    %get3A_3167 = memref.load %arg1[%get3A_3165, %get3A_3166] : memref<8x12xi32, #tpu.memory_space<smem>>
    %eq3A_3168 = vector.broadcast %get3A_3167 : i32 to vector<1x256xi32>
    %eq3A_3169 = arith.cmpi eq, %iota3A, %eq3A_3168 : vector<1x256xi32>
    %jit3A_3170 = arith.constant 4.000000e+00 : f32
    %jit3A_3171 = arith.constant 0.000000e+00 : f32
    %broadcast_in_dim3A_3172 = vector.broadcast %jit3A_3170 : f32 to vector<1x256xf32>
    %broadcast_in_dim3A_3173 = vector.broadcast %jit3A_3171 : f32 to vector<1x256xf32>
    %select_n3A_3174 = arith.select %eq3A_3169, %broadcast_in_dim3A_3172, %broadcast_in_dim3A_3173 : vector<1x256xi1>, vector<1x256xf32>
    %add3A_3175 = arith.addf %add3A_3140, %select_n3A_3174 : vector<1x256xf32>
    %sub3A_3176 = arith.constant 256 : i32
    %sub3A_3177 = arith.subi %get3A_3167, %sub3A_3176 : i32
    %eq3A_3178 = vector.broadcast %sub3A_3177 : i32 to vector<1x256xi32>
    %eq3A_3179 = arith.cmpi eq, %iota3A, %eq3A_3178 : vector<1x256xi32>
    %jit3A_3180 = arith.constant 4.000000e+00 : f32
    %jit3A_3181 = arith.constant 0.000000e+00 : f32
    %broadcast_in_dim3A_3182 = vector.broadcast %jit3A_3180 : f32 to vector<1x256xf32>
    %broadcast_in_dim3A_3183 = vector.broadcast %jit3A_3181 : f32 to vector<1x256xf32>
    %select_n3A_3184 = arith.select %eq3A_3179, %broadcast_in_dim3A_3182, %broadcast_in_dim3A_3183 : vector<1x256xi1>, vector<1x256xf32>
    %add3A_3185 = arith.addf %add3A_3150, %select_n3A_3184 : vector<1x256xf32>
    %ge3A_3186 = arith.constant 512 : i32
    %ge3A_3187 = arith.cmpi sge, %get3A_3167, %ge3A_3186 : i32
    %jit3A_3188 = arith.constant 4 : i32
    %jit3A_3189 = arith.constant 0 : i32
    %select_n3A_3190 = arith.select %ge3A_3187, %jit3A_3188, %jit3A_3189 : i32
    %sub3A_3191 = arith.constant 512 : i32
    %sub3A_3192 = arith.subi %get3A_3167, %sub3A_3191 : i32
    %gt3A_3193 = vector.broadcast %sub3A_3192 : i32 to vector<128x128xi32>
    %gt3A_3194 = arith.cmpi sgt, %sub3A, %gt3A_3193 : vector<128x128xi32>
    %jit3A_3195 = arith.constant 0 : i32
    %broadcast_in_dim3A_3196 = vector.broadcast %select_n3A_3190 : i32 to vector<128x128xi32>
    %broadcast_in_dim3A_3197 = vector.broadcast %jit3A_3195 : i32 to vector<128x128xi32>
    %select_n3A_3198 = arith.select %gt3A_3194, %broadcast_in_dim3A_3196, %broadcast_in_dim3A_3197 : vector<128x128xi1>, vector<128x128xi32>
    %add3A_3199 = arith.addi %add3A_3164, %select_n3A_3198 : vector<128x128xi32>
    %get3A_3200 = arith.constant 7 : index
    %get3A_3201 = arith.constant 3 : index
    %get3A_3202 = memref.load %arg1[%get3A_3200, %get3A_3201] : memref<8x12xi32, #tpu.memory_space<smem>>
    %eq3A_3203 = vector.broadcast %get3A_3202 : i32 to vector<1x256xi32>
    %eq3A_3204 = arith.cmpi eq, %iota3A, %eq3A_3203 : vector<1x256xi32>
    %jit3A_3205 = arith.constant 8.000000e+00 : f32
    %jit3A_3206 = arith.constant 0.000000e+00 : f32
    %broadcast_in_dim3A_3207 = vector.broadcast %jit3A_3205 : f32 to vector<1x256xf32>
    %broadcast_in_dim3A_3208 = vector.broadcast %jit3A_3206 : f32 to vector<1x256xf32>
    %select_n3A_3209 = arith.select %eq3A_3204, %broadcast_in_dim3A_3207, %broadcast_in_dim3A_3208 : vector<1x256xi1>, vector<1x256xf32>
    %add3A_3210 = arith.addf %add3A_3175, %select_n3A_3209 : vector<1x256xf32>
    %sub3A_3211 = arith.constant 256 : i32
    %sub3A_3212 = arith.subi %get3A_3202, %sub3A_3211 : i32
    %eq3A_3213 = vector.broadcast %sub3A_3212 : i32 to vector<1x256xi32>
    %eq3A_3214 = arith.cmpi eq, %iota3A, %eq3A_3213 : vector<1x256xi32>
    %jit3A_3215 = arith.constant 8.000000e+00 : f32
    %jit3A_3216 = arith.constant 0.000000e+00 : f32
    %broadcast_in_dim3A_3217 = vector.broadcast %jit3A_3215 : f32 to vector<1x256xf32>
    %broadcast_in_dim3A_3218 = vector.broadcast %jit3A_3216 : f32 to vector<1x256xf32>
    %select_n3A_3219 = arith.select %eq3A_3214, %broadcast_in_dim3A_3217, %broadcast_in_dim3A_3218 : vector<1x256xi1>, vector<1x256xf32>
    %add3A_3220 = arith.addf %add3A_3185, %select_n3A_3219 : vector<1x256xf32>
    %ge3A_3221 = arith.constant 512 : i32
    %ge3A_3222 = arith.cmpi sge, %get3A_3202, %ge3A_3221 : i32
    %jit3A_3223 = arith.constant 8 : i32
    %jit3A_3224 = arith.constant 0 : i32
    %select_n3A_3225 = arith.select %ge3A_3222, %jit3A_3223, %jit3A_3224 : i32
    %sub3A_3226 = arith.constant 512 : i32
    %sub3A_3227 = arith.subi %get3A_3202, %sub3A_3226 : i32
    %gt3A_3228 = vector.broadcast %sub3A_3227 : i32 to vector<128x128xi32>
    %gt3A_3229 = arith.cmpi sgt, %sub3A, %gt3A_3228 : vector<128x128xi32>
    %jit3A_3230 = arith.constant 0 : i32
    %broadcast_in_dim3A_3231 = vector.broadcast %select_n3A_3225 : i32 to vector<128x128xi32>
    %broadcast_in_dim3A_3232 = vector.broadcast %jit3A_3230 : i32 to vector<128x128xi32>
    %select_n3A_3233 = arith.select %gt3A_3229, %broadcast_in_dim3A_3231, %broadcast_in_dim3A_3232 : vector<128x128xi1>, vector<128x128xi32>
    %add3A_3234 = arith.addi %add3A_3199, %select_n3A_3233 : vector<128x128xi32>
    %get3A_3235 = arith.constant 7 : index
    %get3A_3236 = arith.constant 4 : index
    %get3A_3237 = memref.load %arg1[%get3A_3235, %get3A_3236] : memref<8x12xi32, #tpu.memory_space<smem>>
    %eq3A_3238 = vector.broadcast %get3A_3237 : i32 to vector<1x256xi32>
    %eq3A_3239 = arith.cmpi eq, %iota3A, %eq3A_3238 : vector<1x256xi32>
    %jit3A_3240 = arith.constant 1.600000e+01 : f32
    %jit3A_3241 = arith.constant 0.000000e+00 : f32
    %broadcast_in_dim3A_3242 = vector.broadcast %jit3A_3240 : f32 to vector<1x256xf32>
    %broadcast_in_dim3A_3243 = vector.broadcast %jit3A_3241 : f32 to vector<1x256xf32>
    %select_n3A_3244 = arith.select %eq3A_3239, %broadcast_in_dim3A_3242, %broadcast_in_dim3A_3243 : vector<1x256xi1>, vector<1x256xf32>
    %add3A_3245 = arith.addf %add3A_3210, %select_n3A_3244 : vector<1x256xf32>
    %sub3A_3246 = arith.constant 256 : i32
    %sub3A_3247 = arith.subi %get3A_3237, %sub3A_3246 : i32
    %eq3A_3248 = vector.broadcast %sub3A_3247 : i32 to vector<1x256xi32>
    %eq3A_3249 = arith.cmpi eq, %iota3A, %eq3A_3248 : vector<1x256xi32>
    %jit3A_3250 = arith.constant 1.600000e+01 : f32
    %jit3A_3251 = arith.constant 0.000000e+00 : f32
    %broadcast_in_dim3A_3252 = vector.broadcast %jit3A_3250 : f32 to vector<1x256xf32>
    %broadcast_in_dim3A_3253 = vector.broadcast %jit3A_3251 : f32 to vector<1x256xf32>
    %select_n3A_3254 = arith.select %eq3A_3249, %broadcast_in_dim3A_3252, %broadcast_in_dim3A_3253 : vector<1x256xi1>, vector<1x256xf32>
    %add3A_3255 = arith.addf %add3A_3220, %select_n3A_3254 : vector<1x256xf32>
    %ge3A_3256 = arith.constant 512 : i32
    %ge3A_3257 = arith.cmpi sge, %get3A_3237, %ge3A_3256 : i32
    %jit3A_3258 = arith.constant 16 : i32
    %jit3A_3259 = arith.constant 0 : i32
    %select_n3A_3260 = arith.select %ge3A_3257, %jit3A_3258, %jit3A_3259 : i32
    %sub3A_3261 = arith.constant 512 : i32
    %sub3A_3262 = arith.subi %get3A_3237, %sub3A_3261 : i32
    %gt3A_3263 = vector.broadcast %sub3A_3262 : i32 to vector<128x128xi32>
    %gt3A_3264 = arith.cmpi sgt, %sub3A, %gt3A_3263 : vector<128x128xi32>
    %jit3A_3265 = arith.constant 0 : i32
    %broadcast_in_dim3A_3266 = vector.broadcast %select_n3A_3260 : i32 to vector<128x128xi32>
    %broadcast_in_dim3A_3267 = vector.broadcast %jit3A_3265 : i32 to vector<128x128xi32>
    %select_n3A_3268 = arith.select %gt3A_3264, %broadcast_in_dim3A_3266, %broadcast_in_dim3A_3267 : vector<128x128xi1>, vector<128x128xi32>
    %add3A_3269 = arith.addi %add3A_3234, %select_n3A_3268 : vector<128x128xi32>
    %get3A_3270 = arith.constant 7 : index
    %get3A_3271 = arith.constant 5 : index
    %get3A_3272 = memref.load %arg1[%get3A_3270, %get3A_3271] : memref<8x12xi32, #tpu.memory_space<smem>>
    %eq3A_3273 = vector.broadcast %get3A_3272 : i32 to vector<1x256xi32>
    %eq3A_3274 = arith.cmpi eq, %iota3A, %eq3A_3273 : vector<1x256xi32>
    %jit3A_3275 = arith.constant 3.200000e+01 : f32
    %jit3A_3276 = arith.constant 0.000000e+00 : f32
    %broadcast_in_dim3A_3277 = vector.broadcast %jit3A_3275 : f32 to vector<1x256xf32>
    %broadcast_in_dim3A_3278 = vector.broadcast %jit3A_3276 : f32 to vector<1x256xf32>
    %select_n3A_3279 = arith.select %eq3A_3274, %broadcast_in_dim3A_3277, %broadcast_in_dim3A_3278 : vector<1x256xi1>, vector<1x256xf32>
    %add3A_3280 = arith.addf %add3A_3245, %select_n3A_3279 : vector<1x256xf32>
    %sub3A_3281 = arith.constant 256 : i32
    %sub3A_3282 = arith.subi %get3A_3272, %sub3A_3281 : i32
    %eq3A_3283 = vector.broadcast %sub3A_3282 : i32 to vector<1x256xi32>
    %eq3A_3284 = arith.cmpi eq, %iota3A, %eq3A_3283 : vector<1x256xi32>
    %jit3A_3285 = arith.constant 3.200000e+01 : f32
    %jit3A_3286 = arith.constant 0.000000e+00 : f32
    %broadcast_in_dim3A_3287 = vector.broadcast %jit3A_3285 : f32 to vector<1x256xf32>
    %broadcast_in_dim3A_3288 = vector.broadcast %jit3A_3286 : f32 to vector<1x256xf32>
    %select_n3A_3289 = arith.select %eq3A_3284, %broadcast_in_dim3A_3287, %broadcast_in_dim3A_3288 : vector<1x256xi1>, vector<1x256xf32>
    %add3A_3290 = arith.addf %add3A_3255, %select_n3A_3289 : vector<1x256xf32>
    %ge3A_3291 = arith.constant 512 : i32
    %ge3A_3292 = arith.cmpi sge, %get3A_3272, %ge3A_3291 : i32
    %jit3A_3293 = arith.constant 32 : i32
    %jit3A_3294 = arith.constant 0 : i32
    %select_n3A_3295 = arith.select %ge3A_3292, %jit3A_3293, %jit3A_3294 : i32
    %sub3A_3296 = arith.constant 512 : i32
    %sub3A_3297 = arith.subi %get3A_3272, %sub3A_3296 : i32
    %gt3A_3298 = vector.broadcast %sub3A_3297 : i32 to vector<128x128xi32>
    %gt3A_3299 = arith.cmpi sgt, %sub3A, %gt3A_3298 : vector<128x128xi32>
    %jit3A_3300 = arith.constant 0 : i32
    %broadcast_in_dim3A_3301 = vector.broadcast %select_n3A_3295 : i32 to vector<128x128xi32>
    %broadcast_in_dim3A_3302 = vector.broadcast %jit3A_3300 : i32 to vector<128x128xi32>
    %select_n3A_3303 = arith.select %gt3A_3299, %broadcast_in_dim3A_3301, %broadcast_in_dim3A_3302 : vector<128x128xi1>, vector<128x128xi32>
    %add3A_3304 = arith.addi %add3A_3269, %select_n3A_3303 : vector<128x128xi32>
    %get3A_3305 = arith.constant 7 : index
    %get3A_3306 = arith.constant 6 : index
    %get3A_3307 = memref.load %arg1[%get3A_3305, %get3A_3306] : memref<8x12xi32, #tpu.memory_space<smem>>
    %eq3A_3308 = vector.broadcast %get3A_3307 : i32 to vector<1x256xi32>
    %eq3A_3309 = arith.cmpi eq, %iota3A, %eq3A_3308 : vector<1x256xi32>
    %jit3A_3310 = arith.constant 6.400000e+01 : f32
    %jit3A_3311 = arith.constant 0.000000e+00 : f32
    %broadcast_in_dim3A_3312 = vector.broadcast %jit3A_3310 : f32 to vector<1x256xf32>
    %broadcast_in_dim3A_3313 = vector.broadcast %jit3A_3311 : f32 to vector<1x256xf32>
    %select_n3A_3314 = arith.select %eq3A_3309, %broadcast_in_dim3A_3312, %broadcast_in_dim3A_3313 : vector<1x256xi1>, vector<1x256xf32>
    %add3A_3315 = arith.addf %add3A_3280, %select_n3A_3314 : vector<1x256xf32>
    %sub3A_3316 = arith.constant 256 : i32
    %sub3A_3317 = arith.subi %get3A_3307, %sub3A_3316 : i32
    %eq3A_3318 = vector.broadcast %sub3A_3317 : i32 to vector<1x256xi32>
    %eq3A_3319 = arith.cmpi eq, %iota3A, %eq3A_3318 : vector<1x256xi32>
    %jit3A_3320 = arith.constant 6.400000e+01 : f32
    %jit3A_3321 = arith.constant 0.000000e+00 : f32
    %broadcast_in_dim3A_3322 = vector.broadcast %jit3A_3320 : f32 to vector<1x256xf32>
    %broadcast_in_dim3A_3323 = vector.broadcast %jit3A_3321 : f32 to vector<1x256xf32>
    %select_n3A_3324 = arith.select %eq3A_3319, %broadcast_in_dim3A_3322, %broadcast_in_dim3A_3323 : vector<1x256xi1>, vector<1x256xf32>
    %add3A_3325 = arith.addf %add3A_3290, %select_n3A_3324 : vector<1x256xf32>
    %ge3A_3326 = arith.constant 512 : i32
    %ge3A_3327 = arith.cmpi sge, %get3A_3307, %ge3A_3326 : i32
    %jit3A_3328 = arith.constant 64 : i32
    %jit3A_3329 = arith.constant 0 : i32
    %select_n3A_3330 = arith.select %ge3A_3327, %jit3A_3328, %jit3A_3329 : i32
    %sub3A_3331 = arith.constant 512 : i32
    %sub3A_3332 = arith.subi %get3A_3307, %sub3A_3331 : i32
    %gt3A_3333 = vector.broadcast %sub3A_3332 : i32 to vector<128x128xi32>
    %gt3A_3334 = arith.cmpi sgt, %sub3A, %gt3A_3333 : vector<128x128xi32>
    %jit3A_3335 = arith.constant 0 : i32
    %broadcast_in_dim3A_3336 = vector.broadcast %select_n3A_3330 : i32 to vector<128x128xi32>
    %broadcast_in_dim3A_3337 = vector.broadcast %jit3A_3335 : i32 to vector<128x128xi32>
    %select_n3A_3338 = arith.select %gt3A_3334, %broadcast_in_dim3A_3336, %broadcast_in_dim3A_3337 : vector<128x128xi1>, vector<128x128xi32>
    %add3A_3339 = arith.addi %add3A_3304, %select_n3A_3338 : vector<128x128xi32>
    %get3A_3340 = arith.constant 7 : index
    %get3A_3341 = arith.constant 7 : index
    %get3A_3342 = memref.load %arg1[%get3A_3340, %get3A_3341] : memref<8x12xi32, #tpu.memory_space<smem>>
    %eq3A_3343 = vector.broadcast %get3A_3342 : i32 to vector<1x256xi32>
    %eq3A_3344 = arith.cmpi eq, %iota3A, %eq3A_3343 : vector<1x256xi32>
    %jit3A_3345 = arith.constant 1.280000e+02 : f32
    %jit3A_3346 = arith.constant 0.000000e+00 : f32
    %broadcast_in_dim3A_3347 = vector.broadcast %jit3A_3345 : f32 to vector<1x256xf32>
    %broadcast_in_dim3A_3348 = vector.broadcast %jit3A_3346 : f32 to vector<1x256xf32>
    %select_n3A_3349 = arith.select %eq3A_3344, %broadcast_in_dim3A_3347, %broadcast_in_dim3A_3348 : vector<1x256xi1>, vector<1x256xf32>
    %add3A_3350 = arith.addf %add3A_3315, %select_n3A_3349 : vector<1x256xf32>
    %sub3A_3351 = arith.constant 256 : i32
    %sub3A_3352 = arith.subi %get3A_3342, %sub3A_3351 : i32
    %eq3A_3353 = vector.broadcast %sub3A_3352 : i32 to vector<1x256xi32>
    %eq3A_3354 = arith.cmpi eq, %iota3A, %eq3A_3353 : vector<1x256xi32>
    %jit3A_3355 = arith.constant 1.280000e+02 : f32
    %jit3A_3356 = arith.constant 0.000000e+00 : f32
    %broadcast_in_dim3A_3357 = vector.broadcast %jit3A_3355 : f32 to vector<1x256xf32>
    %broadcast_in_dim3A_3358 = vector.broadcast %jit3A_3356 : f32 to vector<1x256xf32>
    %select_n3A_3359 = arith.select %eq3A_3354, %broadcast_in_dim3A_3357, %broadcast_in_dim3A_3358 : vector<1x256xi1>, vector<1x256xf32>
    %add3A_3360 = arith.addf %add3A_3325, %select_n3A_3359 : vector<1x256xf32>
    %ge3A_3361 = arith.constant 512 : i32
    %ge3A_3362 = arith.cmpi sge, %get3A_3342, %ge3A_3361 : i32
    %jit3A_3363 = arith.constant 128 : i32
    %jit3A_3364 = arith.constant 0 : i32
    %select_n3A_3365 = arith.select %ge3A_3362, %jit3A_3363, %jit3A_3364 : i32
    %sub3A_3366 = arith.constant 512 : i32
    %sub3A_3367 = arith.subi %get3A_3342, %sub3A_3366 : i32
    %gt3A_3368 = vector.broadcast %sub3A_3367 : i32 to vector<128x128xi32>
    %gt3A_3369 = arith.cmpi sgt, %sub3A, %gt3A_3368 : vector<128x128xi32>
    %jit3A_3370 = arith.constant 0 : i32
    %broadcast_in_dim3A_3371 = vector.broadcast %select_n3A_3365 : i32 to vector<128x128xi32>
    %broadcast_in_dim3A_3372 = vector.broadcast %jit3A_3370 : i32 to vector<128x128xi32>
    %select_n3A_3373 = arith.select %gt3A_3369, %broadcast_in_dim3A_3371, %broadcast_in_dim3A_3372 : vector<128x128xi1>, vector<128x128xi32>
    %add3A_3374 = arith.addi %add3A_3339, %select_n3A_3373 : vector<128x128xi32>
    %get3A_3375 = arith.constant 7 : index
    %get3A_3376 = arith.constant 8 : index
    %get3A_3377 = memref.load %arg1[%get3A_3375, %get3A_3376] : memref<8x12xi32, #tpu.memory_space<smem>>
    %eq3A_3378 = vector.broadcast %get3A_3377 : i32 to vector<1x256xi32>
    %eq3A_3379 = arith.cmpi eq, %iota3A, %eq3A_3378 : vector<1x256xi32>
    %jit3A_3380 = arith.constant 2.560000e+02 : f32
    %jit3A_3381 = arith.constant 0.000000e+00 : f32
    %broadcast_in_dim3A_3382 = vector.broadcast %jit3A_3380 : f32 to vector<1x256xf32>
    %broadcast_in_dim3A_3383 = vector.broadcast %jit3A_3381 : f32 to vector<1x256xf32>
    %select_n3A_3384 = arith.select %eq3A_3379, %broadcast_in_dim3A_3382, %broadcast_in_dim3A_3383 : vector<1x256xi1>, vector<1x256xf32>
    %add3A_3385 = arith.addf %add3A_3350, %select_n3A_3384 : vector<1x256xf32>
    %sub3A_3386 = arith.constant 256 : i32
    %sub3A_3387 = arith.subi %get3A_3377, %sub3A_3386 : i32
    %eq3A_3388 = vector.broadcast %sub3A_3387 : i32 to vector<1x256xi32>
    %eq3A_3389 = arith.cmpi eq, %iota3A, %eq3A_3388 : vector<1x256xi32>
    %jit3A_3390 = arith.constant 2.560000e+02 : f32
    %jit3A_3391 = arith.constant 0.000000e+00 : f32
    %broadcast_in_dim3A_3392 = vector.broadcast %jit3A_3390 : f32 to vector<1x256xf32>
    %broadcast_in_dim3A_3393 = vector.broadcast %jit3A_3391 : f32 to vector<1x256xf32>
    %select_n3A_3394 = arith.select %eq3A_3389, %broadcast_in_dim3A_3392, %broadcast_in_dim3A_3393 : vector<1x256xi1>, vector<1x256xf32>
    %add3A_3395 = arith.addf %add3A_3360, %select_n3A_3394 : vector<1x256xf32>
    %ge3A_3396 = arith.constant 512 : i32
    %ge3A_3397 = arith.cmpi sge, %get3A_3377, %ge3A_3396 : i32
    %jit3A_3398 = arith.constant 256 : i32
    %jit3A_3399 = arith.constant 0 : i32
    %select_n3A_3400 = arith.select %ge3A_3397, %jit3A_3398, %jit3A_3399 : i32
    %sub3A_3401 = arith.constant 512 : i32
    %sub3A_3402 = arith.subi %get3A_3377, %sub3A_3401 : i32
    %gt3A_3403 = vector.broadcast %sub3A_3402 : i32 to vector<128x128xi32>
    %gt3A_3404 = arith.cmpi sgt, %sub3A, %gt3A_3403 : vector<128x128xi32>
    %jit3A_3405 = arith.constant 0 : i32
    %broadcast_in_dim3A_3406 = vector.broadcast %select_n3A_3400 : i32 to vector<128x128xi32>
    %broadcast_in_dim3A_3407 = vector.broadcast %jit3A_3405 : i32 to vector<128x128xi32>
    %select_n3A_3408 = arith.select %gt3A_3404, %broadcast_in_dim3A_3406, %broadcast_in_dim3A_3407 : vector<128x128xi1>, vector<128x128xi32>
    %add3A_3409 = arith.addi %add3A_3374, %select_n3A_3408 : vector<128x128xi32>
    %get3A_3410 = arith.constant 7 : index
    %get3A_3411 = arith.constant 9 : index
    %get3A_3412 = memref.load %arg1[%get3A_3410, %get3A_3411] : memref<8x12xi32, #tpu.memory_space<smem>>
    %eq3A_3413 = vector.broadcast %get3A_3412 : i32 to vector<1x256xi32>
    %eq3A_3414 = arith.cmpi eq, %iota3A, %eq3A_3413 : vector<1x256xi32>
    %jit3A_3415 = arith.constant 5.120000e+02 : f32
    %jit3A_3416 = arith.constant 0.000000e+00 : f32
    %broadcast_in_dim3A_3417 = vector.broadcast %jit3A_3415 : f32 to vector<1x256xf32>
    %broadcast_in_dim3A_3418 = vector.broadcast %jit3A_3416 : f32 to vector<1x256xf32>
    %select_n3A_3419 = arith.select %eq3A_3414, %broadcast_in_dim3A_3417, %broadcast_in_dim3A_3418 : vector<1x256xi1>, vector<1x256xf32>
    %add3A_3420 = arith.addf %add3A_3385, %select_n3A_3419 : vector<1x256xf32>
    %sub3A_3421 = arith.constant 256 : i32
    %sub3A_3422 = arith.subi %get3A_3412, %sub3A_3421 : i32
    %eq3A_3423 = vector.broadcast %sub3A_3422 : i32 to vector<1x256xi32>
    %eq3A_3424 = arith.cmpi eq, %iota3A, %eq3A_3423 : vector<1x256xi32>
    %jit3A_3425 = arith.constant 5.120000e+02 : f32
    %jit3A_3426 = arith.constant 0.000000e+00 : f32
    %broadcast_in_dim3A_3427 = vector.broadcast %jit3A_3425 : f32 to vector<1x256xf32>
    %broadcast_in_dim3A_3428 = vector.broadcast %jit3A_3426 : f32 to vector<1x256xf32>
    %select_n3A_3429 = arith.select %eq3A_3424, %broadcast_in_dim3A_3427, %broadcast_in_dim3A_3428 : vector<1x256xi1>, vector<1x256xf32>
    %add3A_3430 = arith.addf %add3A_3395, %select_n3A_3429 : vector<1x256xf32>
    %ge3A_3431 = arith.constant 512 : i32
    %ge3A_3432 = arith.cmpi sge, %get3A_3412, %ge3A_3431 : i32
    %jit3A_3433 = arith.constant 512 : i32
    %jit3A_3434 = arith.constant 0 : i32
    %select_n3A_3435 = arith.select %ge3A_3432, %jit3A_3433, %jit3A_3434 : i32
    %sub3A_3436 = arith.constant 512 : i32
    %sub3A_3437 = arith.subi %get3A_3412, %sub3A_3436 : i32
    %gt3A_3438 = vector.broadcast %sub3A_3437 : i32 to vector<128x128xi32>
    %gt3A_3439 = arith.cmpi sgt, %sub3A, %gt3A_3438 : vector<128x128xi32>
    %jit3A_3440 = arith.constant 0 : i32
    %broadcast_in_dim3A_3441 = vector.broadcast %select_n3A_3435 : i32 to vector<128x128xi32>
    %broadcast_in_dim3A_3442 = vector.broadcast %jit3A_3440 : i32 to vector<128x128xi32>
    %select_n3A_3443 = arith.select %gt3A_3439, %broadcast_in_dim3A_3441, %broadcast_in_dim3A_3442 : vector<128x128xi1>, vector<128x128xi32>
    %add3A_3444 = arith.addi %add3A_3409, %select_n3A_3443 : vector<128x128xi32>
    %get3A_3445 = arith.constant 7 : index
    %get3A_3446 = arith.constant 10 : index
    %get3A_3447 = memref.load %arg1[%get3A_3445, %get3A_3446] : memref<8x12xi32, #tpu.memory_space<smem>>
    %eq3A_3448 = vector.broadcast %get3A_3447 : i32 to vector<1x256xi32>
    %eq3A_3449 = arith.cmpi eq, %iota3A, %eq3A_3448 : vector<1x256xi32>
    %jit3A_3450 = arith.constant 1.024000e+03 : f32
    %jit3A_3451 = arith.constant 0.000000e+00 : f32
    %broadcast_in_dim3A_3452 = vector.broadcast %jit3A_3450 : f32 to vector<1x256xf32>
    %broadcast_in_dim3A_3453 = vector.broadcast %jit3A_3451 : f32 to vector<1x256xf32>
    %select_n3A_3454 = arith.select %eq3A_3449, %broadcast_in_dim3A_3452, %broadcast_in_dim3A_3453 : vector<1x256xi1>, vector<1x256xf32>
    %add3A_3455 = arith.addf %add3A_3420, %select_n3A_3454 : vector<1x256xf32>
    %sub3A_3456 = arith.constant 256 : i32
    %sub3A_3457 = arith.subi %get3A_3447, %sub3A_3456 : i32
    %eq3A_3458 = vector.broadcast %sub3A_3457 : i32 to vector<1x256xi32>
    %eq3A_3459 = arith.cmpi eq, %iota3A, %eq3A_3458 : vector<1x256xi32>
    %jit3A_3460 = arith.constant 1.024000e+03 : f32
    %jit3A_3461 = arith.constant 0.000000e+00 : f32
    %broadcast_in_dim3A_3462 = vector.broadcast %jit3A_3460 : f32 to vector<1x256xf32>
    %broadcast_in_dim3A_3463 = vector.broadcast %jit3A_3461 : f32 to vector<1x256xf32>
    %select_n3A_3464 = arith.select %eq3A_3459, %broadcast_in_dim3A_3462, %broadcast_in_dim3A_3463 : vector<1x256xi1>, vector<1x256xf32>
    %add3A_3465 = arith.addf %add3A_3430, %select_n3A_3464 : vector<1x256xf32>
    %ge3A_3466 = arith.constant 512 : i32
    %ge3A_3467 = arith.cmpi sge, %get3A_3447, %ge3A_3466 : i32
    %jit3A_3468 = arith.constant 1024 : i32
    %jit3A_3469 = arith.constant 0 : i32
    %select_n3A_3470 = arith.select %ge3A_3467, %jit3A_3468, %jit3A_3469 : i32
    %sub3A_3471 = arith.constant 512 : i32
    %sub3A_3472 = arith.subi %get3A_3447, %sub3A_3471 : i32
    %gt3A_3473 = vector.broadcast %sub3A_3472 : i32 to vector<128x128xi32>
    %gt3A_3474 = arith.cmpi sgt, %sub3A, %gt3A_3473 : vector<128x128xi32>
    %jit3A_3475 = arith.constant 0 : i32
    %broadcast_in_dim3A_3476 = vector.broadcast %select_n3A_3470 : i32 to vector<128x128xi32>
    %broadcast_in_dim3A_3477 = vector.broadcast %jit3A_3475 : i32 to vector<128x128xi32>
    %select_n3A_3478 = arith.select %gt3A_3474, %broadcast_in_dim3A_3476, %broadcast_in_dim3A_3477 : vector<128x128xi1>, vector<128x128xi32>
    %add3A_3479 = arith.addi %add3A_3444, %select_n3A_3478 : vector<128x128xi32>
    %get3A_3480 = arith.constant 7 : index
    %get3A_3481 = arith.constant 11 : index
    %get3A_3482 = memref.load %arg1[%get3A_3480, %get3A_3481] : memref<8x12xi32, #tpu.memory_space<smem>>
    %eq3A_3483 = vector.broadcast %get3A_3482 : i32 to vector<1x256xi32>
    %eq3A_3484 = arith.cmpi eq, %iota3A, %eq3A_3483 : vector<1x256xi32>
    %jit3A_3485 = arith.constant 2.048000e+03 : f32
    %jit3A_3486 = arith.constant 0.000000e+00 : f32
    %broadcast_in_dim3A_3487 = vector.broadcast %jit3A_3485 : f32 to vector<1x256xf32>
    %broadcast_in_dim3A_3488 = vector.broadcast %jit3A_3486 : f32 to vector<1x256xf32>
    %select_n3A_3489 = arith.select %eq3A_3484, %broadcast_in_dim3A_3487, %broadcast_in_dim3A_3488 : vector<1x256xi1>, vector<1x256xf32>
    %add3A_3490 = arith.addf %add3A_3455, %select_n3A_3489 : vector<1x256xf32>
    %sub3A_3491 = arith.constant 256 : i32
    %sub3A_3492 = arith.subi %get3A_3482, %sub3A_3491 : i32
    %eq3A_3493 = vector.broadcast %sub3A_3492 : i32 to vector<1x256xi32>
    %eq3A_3494 = arith.cmpi eq, %iota3A, %eq3A_3493 : vector<1x256xi32>
    %jit3A_3495 = arith.constant 2.048000e+03 : f32
    %jit3A_3496 = arith.constant 0.000000e+00 : f32
    %broadcast_in_dim3A_3497 = vector.broadcast %jit3A_3495 : f32 to vector<1x256xf32>
    %broadcast_in_dim3A_3498 = vector.broadcast %jit3A_3496 : f32 to vector<1x256xf32>
    %select_n3A_3499 = arith.select %eq3A_3494, %broadcast_in_dim3A_3497, %broadcast_in_dim3A_3498 : vector<1x256xi1>, vector<1x256xf32>
    %add3A_3500 = arith.addf %add3A_3465, %select_n3A_3499 : vector<1x256xf32>
    %ge3A_3501 = arith.constant 512 : i32
    %ge3A_3502 = arith.cmpi sge, %get3A_3482, %ge3A_3501 : i32
    %jit3A_3503 = arith.constant 2048 : i32
    %jit3A_3504 = arith.constant 0 : i32
    %select_n3A_3505 = arith.select %ge3A_3502, %jit3A_3503, %jit3A_3504 : i32
    %sub3A_3506 = arith.constant 512 : i32
    %sub3A_3507 = arith.subi %get3A_3482, %sub3A_3506 : i32
    %gt3A_3508 = vector.broadcast %sub3A_3507 : i32 to vector<128x128xi32>
    %gt3A_3509 = arith.cmpi sgt, %sub3A, %gt3A_3508 : vector<128x128xi32>
    %jit3A_3510 = arith.constant 0 : i32
    %broadcast_in_dim3A_3511 = vector.broadcast %select_n3A_3505 : i32 to vector<128x128xi32>
    %broadcast_in_dim3A_3512 = vector.broadcast %jit3A_3510 : i32 to vector<128x128xi32>
    %select_n3A_3513 = arith.select %gt3A_3509, %broadcast_in_dim3A_3511, %broadcast_in_dim3A_3512 : vector<128x128xi1>, vector<128x128xi32>
    %add3A_3514 = arith.addi %add3A_3479, %select_n3A_3513 : vector<128x128xi32>
    %dot_general3A_3515 = arith.constant dense<0.000000e+00> : vector<128x1xf32>
    %dot_general3A_3516 = tpu.matmul %convert_element_type3A, %add3A_3490, %dot_general3A_3515 {dimension_numbers = #tpu.dot_dimension_numbers<[1], [1], [0], [0], [0, 0, 1, 0], [], []>, transpose_lhs_hint = false} : vector<128x256xf32>, vector<1x256xf32>, vector<128x1xf32> -> vector<128x1xf32>
    %dot_general3A_3517 = arith.constant dense<0.000000e+00> : vector<1x128xf32>
    %dot_general3A_3518 = tpu.matmul %add3A_3500, %convert_element_type3A, %dot_general3A_3517 {dimension_numbers = #tpu.dot_dimension_numbers<[1], [1], [0], [0], [0, 0, 1, 0], [], []>, transpose_lhs_hint = false} : vector<1x256xf32>, vector<128x256xf32>, vector<1x128xf32> -> vector<1x128xf32>
    %convert_element_type3A_3519 = arith.fptosi %dot_general3A_3516 : vector<128x1xf32> to vector<128x1xi32>
    %convert_element_type3A_3520 = arith.fptosi %dot_general3A_3518 : vector<1x128xf32> to vector<1x128xi32>
    %add3A_3521 = vector.broadcast %convert_element_type3A_3519 : vector<128x1xi32> to vector<128x128xi32>
    %add3A_3522 = vector.broadcast %convert_element_type3A_3520 : vector<1x128xi32> to vector<128x128xi32>
    %add3A_3523 = arith.addi %add3A_3521, %add3A_3522 : vector<128x128xi32>
    %add3A_3524 = arith.addi %add3A_3523, %add3A_3514 : vector<128x128xi32>
    %swap3A_3525 = arith.constant 0 : index
    %swap3A_3526 = arith.constant 7 : index
    %swap3A_3527 = arith.constant 0 : index
    %swap3A_3528 = vector.load %arg3[%swap3A_3525, %swap3A_3526, %swap3A_3527] : memref<128x8x128xi32, #tpu.memory_space<vmem>>, vector<128x1x128xi32>
    %swap3A_3529 = vector.shape_cast %swap3A_3528 : vector<128x1x128xi32> to vector<128x128xi32>
    %swap3A_3530 = vector.shape_cast %add3A_3524 : vector<128x128xi32> to vector<128x1x128xi32>
    tpu.vector_store %arg3[%swap3A_3525, %swap3A_3526, %swap3A_3527], %swap3A_3530 {strides = array<i32>} : memref<128x8x128xi32, #tpu.memory_space<vmem>>, vector<128x1x128xi32>,
    %broadcast_in_dim3A_3531 = arith.constant 0 : i32
    %broadcast_in_dim3A_3532 = vector.broadcast %broadcast_in_dim3A_3531 : i32 to vector<8x128xi32>
    %get3A_3533 = arith.constant 0 : index
    %get3A_3534 = arith.constant 0 : index
    %get3A_3535 = vector.load %arg2[%get3A_3533, %get3A_3534] : memref<8x4096xi32, #tpu.memory_space<vmem>>, vector<8x128xi32>
    %shift_left3A = arith.constant 0 : i32
    %shift_left3A_3536 = vector.broadcast %shift_left3A : i32 to vector<8x128xi32>
    %shift_left3A_3537 = arith.shli %get3A_3535, %shift_left3A_3536 : vector<8x128xi32>
    %or3A = arith.ori %broadcast_in_dim3A_3532, %shift_left3A_3537 : vector<8x128xi32>
    %get3A_3538 = arith.constant 0 : index
    %get3A_3539 = arith.constant 128 : index
    %get3A_3540 = vector.load %arg2[%get3A_3538, %get3A_3539] : memref<8x4096xi32, #tpu.memory_space<vmem>>, vector<8x128xi32>
    %shift_left3A_3541 = arith.constant 1 : i32
    %shift_left3A_3542 = vector.broadcast %shift_left3A_3541 : i32 to vector<8x128xi32>
    %shift_left3A_3543 = arith.shli %get3A_3540, %shift_left3A_3542 : vector<8x128xi32>
    %or3A_3544 = arith.ori %or3A, %shift_left3A_3543 : vector<8x128xi32>
    %get3A_3545 = arith.constant 0 : index
    %get3A_3546 = arith.constant 256 : index
    %get3A_3547 = vector.load %arg2[%get3A_3545, %get3A_3546] : memref<8x4096xi32, #tpu.memory_space<vmem>>, vector<8x128xi32>
    %shift_left3A_3548 = arith.constant 2 : i32
    %shift_left3A_3549 = vector.broadcast %shift_left3A_3548 : i32 to vector<8x128xi32>
    %shift_left3A_3550 = arith.shli %get3A_3547, %shift_left3A_3549 : vector<8x128xi32>
    %or3A_3551 = arith.ori %or3A_3544, %shift_left3A_3550 : vector<8x128xi32>
    %get3A_3552 = arith.constant 0 : index
    %get3A_3553 = arith.constant 384 : index
    %get3A_3554 = vector.load %arg2[%get3A_3552, %get3A_3553] : memref<8x4096xi32, #tpu.memory_space<vmem>>, vector<8x128xi32>
    %shift_left3A_3555 = arith.constant 3 : i32
    %shift_left3A_3556 = vector.broadcast %shift_left3A_3555 : i32 to vector<8x128xi32>
    %shift_left3A_3557 = arith.shli %get3A_3554, %shift_left3A_3556 : vector<8x128xi32>
    %or3A_3558 = arith.ori %or3A_3551, %shift_left3A_3557 : vector<8x128xi32>
    %get3A_3559 = arith.constant 0 : index
    %get3A_3560 = arith.constant 512 : index
    %get3A_3561 = vector.load %arg2[%get3A_3559, %get3A_3560] : memref<8x4096xi32, #tpu.memory_space<vmem>>, vector<8x128xi32>
    %shift_left3A_3562 = arith.constant 4 : i32
    %shift_left3A_3563 = vector.broadcast %shift_left3A_3562 : i32 to vector<8x128xi32>
    %shift_left3A_3564 = arith.shli %get3A_3561, %shift_left3A_3563 : vector<8x128xi32>
    %or3A_3565 = arith.ori %or3A_3558, %shift_left3A_3564 : vector<8x128xi32>
    %get3A_3566 = arith.constant 0 : index
    %get3A_3567 = arith.constant 640 : index
    %get3A_3568 = vector.load %arg2[%get3A_3566, %get3A_3567] : memref<8x4096xi32, #tpu.memory_space<vmem>>, vector<8x128xi32>
    %shift_left3A_3569 = arith.constant 5 : i32
    %shift_left3A_3570 = vector.broadcast %shift_left3A_3569 : i32 to vector<8x128xi32>
    %shift_left3A_3571 = arith.shli %get3A_3568, %shift_left3A_3570 : vector<8x128xi32>
    %or3A_3572 = arith.ori %or3A_3565, %shift_left3A_3571 : vector<8x128xi32>
    %get3A_3573 = arith.constant 0 : index
    %get3A_3574 = arith.constant 768 : index
    %get3A_3575 = vector.load %arg2[%get3A_3573, %get3A_3574] : memref<8x4096xi32, #tpu.memory_space<vmem>>, vector<8x128xi32>
    %shift_left3A_3576 = arith.constant 6 : i32
    %shift_left3A_3577 = vector.broadcast %shift_left3A_3576 : i32 to vector<8x128xi32>
    %shift_left3A_3578 = arith.shli %get3A_3575, %shift_left3A_3577 : vector<8x128xi32>
    %or3A_3579 = arith.ori %or3A_3572, %shift_left3A_3578 : vector<8x128xi32>
    %get3A_3580 = arith.constant 0 : index
    %get3A_3581 = arith.constant 896 : index
    %get3A_3582 = vector.load %arg2[%get3A_3580, %get3A_3581] : memref<8x4096xi32, #tpu.memory_space<vmem>>, vector<8x128xi32>
    %shift_left3A_3583 = arith.constant 7 : i32
    %shift_left3A_3584 = vector.broadcast %shift_left3A_3583 : i32 to vector<8x128xi32>
    %shift_left3A_3585 = arith.shli %get3A_3582, %shift_left3A_3584 : vector<8x128xi32>
    %or3A_3586 = arith.ori %or3A_3579, %shift_left3A_3585 : vector<8x128xi32>
    %get3A_3587 = arith.constant 0 : index
    %get3A_3588 = arith.constant 1024 : index
    %get3A_3589 = vector.load %arg2[%get3A_3587, %get3A_3588] : memref<8x4096xi32, #tpu.memory_space<vmem>>, vector<8x128xi32>
    %shift_left3A_3590 = arith.constant 8 : i32
    %shift_left3A_3591 = vector.broadcast %shift_left3A_3590 : i32 to vector<8x128xi32>
    %shift_left3A_3592 = arith.shli %get3A_3589, %shift_left3A_3591 : vector<8x128xi32>
    %or3A_3593 = arith.ori %or3A_3586, %shift_left3A_3592 : vector<8x128xi32>
    %get3A_3594 = arith.constant 0 : index
    %get3A_3595 = arith.constant 1152 : index
    %get3A_3596 = vector.load %arg2[%get3A_3594, %get3A_3595] : memref<8x4096xi32, #tpu.memory_space<vmem>>, vector<8x128xi32>
    %shift_left3A_3597 = arith.constant 9 : i32
    %shift_left3A_3598 = vector.broadcast %shift_left3A_3597 : i32 to vector<8x128xi32>
    %shift_left3A_3599 = arith.shli %get3A_3596, %shift_left3A_3598 : vector<8x128xi32>
    %or3A_3600 = arith.ori %or3A_3593, %shift_left3A_3599 : vector<8x128xi32>
    %get3A_3601 = arith.constant 0 : index
    %get3A_3602 = arith.constant 1280 : index
    %get3A_3603 = vector.load %arg2[%get3A_3601, %get3A_3602] : memref<8x4096xi32, #tpu.memory_space<vmem>>, vector<8x128xi32>
    %shift_left3A_3604 = arith.constant 10 : i32
    %shift_left3A_3605 = vector.broadcast %shift_left3A_3604 : i32 to vector<8x128xi32>
    %shift_left3A_3606 = arith.shli %get3A_3603, %shift_left3A_3605 : vector<8x128xi32>
    %or3A_3607 = arith.ori %or3A_3600, %shift_left3A_3606 : vector<8x128xi32>
    %get3A_3608 = arith.constant 0 : index
    %get3A_3609 = arith.constant 1408 : index
    %get3A_3610 = vector.load %arg2[%get3A_3608, %get3A_3609] : memref<8x4096xi32, #tpu.memory_space<vmem>>, vector<8x128xi32>
    %shift_left3A_3611 = arith.constant 11 : i32
    %shift_left3A_3612 = vector.broadcast %shift_left3A_3611 : i32 to vector<8x128xi32>
    %shift_left3A_3613 = arith.shli %get3A_3610, %shift_left3A_3612 : vector<8x128xi32>
    %or3A_3614 = arith.ori %or3A_3607, %shift_left3A_3613 : vector<8x128xi32>
    %get3A_3615 = arith.constant 0 : index
    %get3A_3616 = arith.constant 1536 : index
    %get3A_3617 = vector.load %arg2[%get3A_3615, %get3A_3616] : memref<8x4096xi32, #tpu.memory_space<vmem>>, vector<8x128xi32>
    %shift_left3A_3618 = arith.constant 12 : i32
    %shift_left3A_3619 = vector.broadcast %shift_left3A_3618 : i32 to vector<8x128xi32>
    %shift_left3A_3620 = arith.shli %get3A_3617, %shift_left3A_3619 : vector<8x128xi32>
    %or3A_3621 = arith.ori %or3A_3614, %shift_left3A_3620 : vector<8x128xi32>
    %get3A_3622 = arith.constant 0 : index
    %get3A_3623 = arith.constant 1664 : index
    %get3A_3624 = vector.load %arg2[%get3A_3622, %get3A_3623] : memref<8x4096xi32, #tpu.memory_space<vmem>>, vector<8x128xi32>
    %shift_left3A_3625 = arith.constant 13 : i32
    %shift_left3A_3626 = vector.broadcast %shift_left3A_3625 : i32 to vector<8x128xi32>
    %shift_left3A_3627 = arith.shli %get3A_3624, %shift_left3A_3626 : vector<8x128xi32>
    %or3A_3628 = arith.ori %or3A_3621, %shift_left3A_3627 : vector<8x128xi32>
    %get3A_3629 = arith.constant 0 : index
    %get3A_3630 = arith.constant 1792 : index
    %get3A_3631 = vector.load %arg2[%get3A_3629, %get3A_3630] : memref<8x4096xi32, #tpu.memory_space<vmem>>, vector<8x128xi32>
    %shift_left3A_3632 = arith.constant 14 : i32
    %shift_left3A_3633 = vector.broadcast %shift_left3A_3632 : i32 to vector<8x128xi32>
    %shift_left3A_3634 = arith.shli %get3A_3631, %shift_left3A_3633 : vector<8x128xi32>
    %or3A_3635 = arith.ori %or3A_3628, %shift_left3A_3634 : vector<8x128xi32>
    %get3A_3636 = arith.constant 0 : index
    %get3A_3637 = arith.constant 1920 : index
    %get3A_3638 = vector.load %arg2[%get3A_3636, %get3A_3637] : memref<8x4096xi32, #tpu.memory_space<vmem>>, vector<8x128xi32>
    %shift_left3A_3639 = arith.constant 15 : i32
    %shift_left3A_3640 = vector.broadcast %shift_left3A_3639 : i32 to vector<8x128xi32>
    %shift_left3A_3641 = arith.shli %get3A_3638, %shift_left3A_3640 : vector<8x128xi32>
    %or3A_3642 = arith.ori %or3A_3635, %shift_left3A_3641 : vector<8x128xi32>
    %get3A_3643 = arith.constant 0 : index
    %get3A_3644 = arith.constant 2048 : index
    %get3A_3645 = vector.load %arg2[%get3A_3643, %get3A_3644] : memref<8x4096xi32, #tpu.memory_space<vmem>>, vector<8x128xi32>
    %shift_left3A_3646 = arith.constant 16 : i32
    %shift_left3A_3647 = vector.broadcast %shift_left3A_3646 : i32 to vector<8x128xi32>
    %shift_left3A_3648 = arith.shli %get3A_3645, %shift_left3A_3647 : vector<8x128xi32>
    %or3A_3649 = arith.ori %or3A_3642, %shift_left3A_3648 : vector<8x128xi32>
    %get3A_3650 = arith.constant 0 : index
    %get3A_3651 = arith.constant 2176 : index
    %get3A_3652 = vector.load %arg2[%get3A_3650, %get3A_3651] : memref<8x4096xi32, #tpu.memory_space<vmem>>, vector<8x128xi32>
    %shift_left3A_3653 = arith.constant 17 : i32
    %shift_left3A_3654 = vector.broadcast %shift_left3A_3653 : i32 to vector<8x128xi32>
    %shift_left3A_3655 = arith.shli %get3A_3652, %shift_left3A_3654 : vector<8x128xi32>
    %or3A_3656 = arith.ori %or3A_3649, %shift_left3A_3655 : vector<8x128xi32>
    %get3A_3657 = arith.constant 0 : index
    %get3A_3658 = arith.constant 2304 : index
    %get3A_3659 = vector.load %arg2[%get3A_3657, %get3A_3658] : memref<8x4096xi32, #tpu.memory_space<vmem>>, vector<8x128xi32>
    %shift_left3A_3660 = arith.constant 18 : i32
    %shift_left3A_3661 = vector.broadcast %shift_left3A_3660 : i32 to vector<8x128xi32>
    %shift_left3A_3662 = arith.shli %get3A_3659, %shift_left3A_3661 : vector<8x128xi32>
    %or3A_3663 = arith.ori %or3A_3656, %shift_left3A_3662 : vector<8x128xi32>
    %get3A_3664 = arith.constant 0 : index
    %get3A_3665 = arith.constant 2432 : index
    %get3A_3666 = vector.load %arg2[%get3A_3664, %get3A_3665] : memref<8x4096xi32, #tpu.memory_space<vmem>>, vector<8x128xi32>
    %shift_left3A_3667 = arith.constant 19 : i32
    %shift_left3A_3668 = vector.broadcast %shift_left3A_3667 : i32 to vector<8x128xi32>
    %shift_left3A_3669 = arith.shli %get3A_3666, %shift_left3A_3668 : vector<8x128xi32>
    %or3A_3670 = arith.ori %or3A_3663, %shift_left3A_3669 : vector<8x128xi32>
    %get3A_3671 = arith.constant 0 : index
    %get3A_3672 = arith.constant 2560 : index
    %get3A_3673 = vector.load %arg2[%get3A_3671, %get3A_3672] : memref<8x4096xi32, #tpu.memory_space<vmem>>, vector<8x128xi32>
    %shift_left3A_3674 = arith.constant 20 : i32
    %shift_left3A_3675 = vector.broadcast %shift_left3A_3674 : i32 to vector<8x128xi32>
    %shift_left3A_3676 = arith.shli %get3A_3673, %shift_left3A_3675 : vector<8x128xi32>
    %or3A_3677 = arith.ori %or3A_3670, %shift_left3A_3676 : vector<8x128xi32>
    %get3A_3678 = arith.constant 0 : index
    %get3A_3679 = arith.constant 2688 : index
    %get3A_3680 = vector.load %arg2[%get3A_3678, %get3A_3679] : memref<8x4096xi32, #tpu.memory_space<vmem>>, vector<8x128xi32>
    %shift_left3A_3681 = arith.constant 21 : i32
    %shift_left3A_3682 = vector.broadcast %shift_left3A_3681 : i32 to vector<8x128xi32>
    %shift_left3A_3683 = arith.shli %get3A_3680, %shift_left3A_3682 : vector<8x128xi32>
    %or3A_3684 = arith.ori %or3A_3677, %shift_left3A_3683 : vector<8x128xi32>
    %get3A_3685 = arith.constant 0 : index
    %get3A_3686 = arith.constant 2816 : index
    %get3A_3687 = vector.load %arg2[%get3A_3685, %get3A_3686] : memref<8x4096xi32, #tpu.memory_space<vmem>>, vector<8x128xi32>
    %shift_left3A_3688 = arith.constant 22 : i32
    %shift_left3A_3689 = vector.broadcast %shift_left3A_3688 : i32 to vector<8x128xi32>
    %shift_left3A_3690 = arith.shli %get3A_3687, %shift_left3A_3689 : vector<8x128xi32>
    %or3A_3691 = arith.ori %or3A_3684, %shift_left3A_3690 : vector<8x128xi32>
    %get3A_3692 = arith.constant 0 : index
    %get3A_3693 = arith.constant 2944 : index
    %get3A_3694 = vector.load %arg2[%get3A_3692, %get3A_3693] : memref<8x4096xi32, #tpu.memory_space<vmem>>, vector<8x128xi32>
    %shift_left3A_3695 = arith.constant 23 : i32
    %shift_left3A_3696 = vector.broadcast %shift_left3A_3695 : i32 to vector<8x128xi32>
    %shift_left3A_3697 = arith.shli %get3A_3694, %shift_left3A_3696 : vector<8x128xi32>
    %or3A_3698 = arith.ori %or3A_3691, %shift_left3A_3697 : vector<8x128xi32>
    %get3A_3699 = arith.constant 0 : index
    %get3A_3700 = arith.constant 3072 : index
    %get3A_3701 = vector.load %arg2[%get3A_3699, %get3A_3700] : memref<8x4096xi32, #tpu.memory_space<vmem>>, vector<8x128xi32>
    %shift_left3A_3702 = arith.constant 24 : i32
    %shift_left3A_3703 = vector.broadcast %shift_left3A_3702 : i32 to vector<8x128xi32>
    %shift_left3A_3704 = arith.shli %get3A_3701, %shift_left3A_3703 : vector<8x128xi32>
    %or3A_3705 = arith.ori %or3A_3698, %shift_left3A_3704 : vector<8x128xi32>
    %get3A_3706 = arith.constant 0 : index
    %get3A_3707 = arith.constant 3200 : index
    %get3A_3708 = vector.load %arg2[%get3A_3706, %get3A_3707] : memref<8x4096xi32, #tpu.memory_space<vmem>>, vector<8x128xi32>
    %shift_left3A_3709 = arith.constant 25 : i32
    %shift_left3A_3710 = vector.broadcast %shift_left3A_3709 : i32 to vector<8x128xi32>
    %shift_left3A_3711 = arith.shli %get3A_3708, %shift_left3A_3710 : vector<8x128xi32>
    %or3A_3712 = arith.ori %or3A_3705, %shift_left3A_3711 : vector<8x128xi32>
    %get3A_3713 = arith.constant 0 : index
    %get3A_3714 = arith.constant 3328 : index
    %get3A_3715 = vector.load %arg2[%get3A_3713, %get3A_3714] : memref<8x4096xi32, #tpu.memory_space<vmem>>, vector<8x128xi32>
    %shift_left3A_3716 = arith.constant 26 : i32
    %shift_left3A_3717 = vector.broadcast %shift_left3A_3716 : i32 to vector<8x128xi32>
    %shift_left3A_3718 = arith.shli %get3A_3715, %shift_left3A_3717 : vector<8x128xi32>
    %or3A_3719 = arith.ori %or3A_3712, %shift_left3A_3718 : vector<8x128xi32>
    %get3A_3720 = arith.constant 0 : index
    %get3A_3721 = arith.constant 3456 : index
    %get3A_3722 = vector.load %arg2[%get3A_3720, %get3A_3721] : memref<8x4096xi32, #tpu.memory_space<vmem>>, vector<8x128xi32>
    %shift_left3A_3723 = arith.constant 27 : i32
    %shift_left3A_3724 = vector.broadcast %shift_left3A_3723 : i32 to vector<8x128xi32>
    %shift_left3A_3725 = arith.shli %get3A_3722, %shift_left3A_3724 : vector<8x128xi32>
    %or3A_3726 = arith.ori %or3A_3719, %shift_left3A_3725 : vector<8x128xi32>
    %get3A_3727 = arith.constant 0 : index
    %get3A_3728 = arith.constant 3584 : index
    %get3A_3729 = vector.load %arg2[%get3A_3727, %get3A_3728] : memref<8x4096xi32, #tpu.memory_space<vmem>>, vector<8x128xi32>
    %shift_left3A_3730 = arith.constant 28 : i32
    %shift_left3A_3731 = vector.broadcast %shift_left3A_3730 : i32 to vector<8x128xi32>
    %shift_left3A_3732 = arith.shli %get3A_3729, %shift_left3A_3731 : vector<8x128xi32>
    %or3A_3733 = arith.ori %or3A_3726, %shift_left3A_3732 : vector<8x128xi32>
    %get3A_3734 = arith.constant 0 : index
    %get3A_3735 = arith.constant 3712 : index
    %get3A_3736 = vector.load %arg2[%get3A_3734, %get3A_3735] : memref<8x4096xi32, #tpu.memory_space<vmem>>, vector<8x128xi32>
    %shift_left3A_3737 = arith.constant 29 : i32
    %shift_left3A_3738 = vector.broadcast %shift_left3A_3737 : i32 to vector<8x128xi32>
    %shift_left3A_3739 = arith.shli %get3A_3736, %shift_left3A_3738 : vector<8x128xi32>
    %or3A_3740 = arith.ori %or3A_3733, %shift_left3A_3739 : vector<8x128xi32>
    %get3A_3741 = arith.constant 0 : index
    %get3A_3742 = arith.constant 3840 : index
    %get3A_3743 = vector.load %arg2[%get3A_3741, %get3A_3742] : memref<8x4096xi32, #tpu.memory_space<vmem>>, vector<8x128xi32>
    %shift_left3A_3744 = arith.constant 30 : i32
    %shift_left3A_3745 = vector.broadcast %shift_left3A_3744 : i32 to vector<8x128xi32>
    %shift_left3A_3746 = arith.shli %get3A_3743, %shift_left3A_3745 : vector<8x128xi32>
    %or3A_3747 = arith.ori %or3A_3740, %shift_left3A_3746 : vector<8x128xi32>
    %get3A_3748 = arith.constant 0 : index
    %get3A_3749 = arith.constant 3968 : index
    %get3A_3750 = vector.load %arg2[%get3A_3748, %get3A_3749] : memref<8x4096xi32, #tpu.memory_space<vmem>>, vector<8x128xi32>
    %shift_left3A_3751 = arith.constant 31 : i32
    %shift_left3A_3752 = vector.broadcast %shift_left3A_3751 : i32 to vector<8x128xi32>
    %shift_left3A_3753 = arith.shli %get3A_3750, %shift_left3A_3752 : vector<8x128xi32>
    %or3A_3754 = arith.ori %or3A_3747, %shift_left3A_3753 : vector<8x128xi32>
    %swap3A_3755 = arith.constant 0 : index
    %swap3A_3756 = arith.constant 0 : index
    %swap3A_3757 = vector.load %arg4[%swap3A_3755, %swap3A_3756] : memref<8x384xi32, #tpu.memory_space<vmem>>, vector<8x128xi32>
    tpu.vector_store %arg4[%swap3A_3755, %swap3A_3756], %or3A_3754 {strides = array<i32>} : memref<8x384xi32, #tpu.memory_space<vmem>>, vector<8x128xi32>,
    %iota3A_3758 = tpu.iota {dimensions = array<i32: 0>} : vector<32x1xi32>
    %get3A_3759 = arith.constant 0 : index
    %get3A_3760 = arith.constant 0 : index
    %get3A_3761 = vector.load %arg0[%get3A_3759, %get3A_3760] : memref<128x256xi32, #tpu.memory_space<vmem>>, vector<32x256xi32>
    %shift_left3A_3762 = vector.broadcast %iota3A_3758 : vector<32x1xi32> to vector<32x256xi32>
    %shift_left3A_3763 = arith.shli %get3A_3761, %shift_left3A_3762 : vector<32x256xi32>
    %reduce_sum3A = arith.constant dense<0> : vector<256xi32>
    %reduce_sum3A_3764 = vector.multi_reduction <add>, %shift_left3A_3763, %reduce_sum3A [0] : vector<32x256xi32> to vector<256xi32>
    %broadcast_in_dim3A_3765 = vector.shape_cast %reduce_sum3A_3764 : vector<256xi32> to vector<1x256xi32>
    %get3A_3766 = arith.constant 32 : index
    %get3A_3767 = arith.constant 0 : index
    %get3A_3768 = vector.load %arg0[%get3A_3766, %get3A_3767] : memref<128x256xi32, #tpu.memory_space<vmem>>, vector<32x256xi32>
    %shift_left3A_3769 = vector.broadcast %iota3A_3758 : vector<32x1xi32> to vector<32x256xi32>
    %shift_left3A_3770 = arith.shli %get3A_3768, %shift_left3A_3769 : vector<32x256xi32>
    %reduce_sum3A_3771 = arith.constant dense<0> : vector<256xi32>
    %reduce_sum3A_3772 = vector.multi_reduction <add>, %shift_left3A_3770, %reduce_sum3A_3771 [0] : vector<32x256xi32> to vector<256xi32>
    %broadcast_in_dim3A_3773 = vector.shape_cast %reduce_sum3A_3772 : vector<256xi32> to vector<1x256xi32>
    %get3A_3774 = arith.constant 64 : index
    %get3A_3775 = arith.constant 0 : index
    %get3A_3776 = vector.load %arg0[%get3A_3774, %get3A_3775] : memref<128x256xi32, #tpu.memory_space<vmem>>, vector<32x256xi32>
    %shift_left3A_3777 = vector.broadcast %iota3A_3758 : vector<32x1xi32> to vector<32x256xi32>
    %shift_left3A_3778 = arith.shli %get3A_3776, %shift_left3A_3777 : vector<32x256xi32>
    %reduce_sum3A_3779 = arith.constant dense<0> : vector<256xi32>
    %reduce_sum3A_3780 = vector.multi_reduction <add>, %shift_left3A_3778, %reduce_sum3A_3779 [0] : vector<32x256xi32> to vector<256xi32>
    %broadcast_in_dim3A_3781 = vector.shape_cast %reduce_sum3A_3780 : vector<256xi32> to vector<1x256xi32>
    %get3A_3782 = arith.constant 96 : index
    %get3A_3783 = arith.constant 0 : index
    %get3A_3784 = vector.load %arg0[%get3A_3782, %get3A_3783] : memref<128x256xi32, #tpu.memory_space<vmem>>, vector<32x256xi32>
    %shift_left3A_3785 = vector.broadcast %iota3A_3758 : vector<32x1xi32> to vector<32x256xi32>
    %shift_left3A_3786 = arith.shli %get3A_3784, %shift_left3A_3785 : vector<32x256xi32>
    %reduce_sum3A_3787 = arith.constant dense<0> : vector<256xi32>
    %reduce_sum3A_3788 = vector.multi_reduction <add>, %shift_left3A_3786, %reduce_sum3A_3787 [0] : vector<32x256xi32> to vector<256xi32>
    %broadcast_in_dim3A_3789 = vector.shape_cast %reduce_sum3A_3788 : vector<256xi32> to vector<1x256xi32>
    %broadcast_in_dim3A_3790 = arith.constant 0 : i32
    %broadcast_in_dim3A_3791 = vector.broadcast %broadcast_in_dim3A_3790 : i32 to vector<4x256xi32>
    %concatenate3A = tpu.concatenate %broadcast_in_dim3A_3765, %broadcast_in_dim3A_3773, %broadcast_in_dim3A_3781, %broadcast_in_dim3A_3789, %broadcast_in_dim3A_3791 in 0 : vector<1x256xi32>, vector<1x256xi32>, vector<1x256xi32>, vector<1x256xi32>, vector<4x256xi32> -> vector<8x256xi32>
    %swap3A_3792 = arith.constant 0 : index
    %swap3A_3793 = arith.constant 128 : index
    %swap3A_3794 = vector.load %arg4[%swap3A_3792, %swap3A_3793] : memref<8x384xi32, #tpu.memory_space<vmem>>, vector<8x256xi32>
    tpu.vector_store %arg4[%swap3A_3792, %swap3A_3793], %concatenate3A {strides = array<i32>} : memref<8x384xi32, #tpu.memory_space<vmem>>, vector<8x256xi32>,
    return
  }
}

</mosaic_0001>

<sc_bundles>
// kernel: kernel.4.cloned.1.call-start
scs
__scs_entry_jumppad:
0x0: {  	(pc) =	sbr.rel $0x88, $3  }
0x1: {  	(tag) =	ssettag $0x0;
	lr =	simm.s32 $0x1  }
0x2: {  	[smem:$0x3F9E] =	sst lr;
	_ =	strace $0xD0000000  }
0x3: {  	_ = 	snop  }
0x4: {  	_ = 	snop  }
0x5: {  	_ = 	snop  }
0x6: {  	_ = 	snop  }
0x7: {  	_ = 	snop  }
__scs_overlays_trampoline_lowered:
0x8: {  	[smem:$0x3FAD] =	sst s0  }
0x9: {  	[smem:$0x3FAE] =	sst s1  }
0xa: {  	[smem:$0x3FAF] =	sst s2  }
0xb: {  	[smem:$0x3FB0] =	sst s3  }
0xc: {  	[smem:$0x3FB1] =	sst s4  }
0xd: {  	[smem:$0x3FB2] =	sst s5  }
0xe: {  	[smem:$0x3FB3] =	sst s6  }
0xf: {  	[smem:$0x3FB4] =	sst s7  }
0x10: {  	[smem:$0x3FB5] =	sst s8  }
0x11: {  	[smem:$0x3FB6] =	sst s9;
	s0 =	simm.s32 @!p0 $0x0  }
0x12: {  	s1 =	sld [smem:$0x3F9C];
	s0 =	simm.s32 @p0 $0x1  }
0x13: {  	[smem:$0x3FB7] =	sst s0;
	s0 =	simm.s32 @!p1 $0x0  }
0x14: {  	s2 =	sld [smem:$0x3F9B];
	s0 =	simm.s32 @p1 $0x1  }
0x15: {  	[smem:$0x3FB8] =	sst s0;
	s0 =	simm.s32 @!p2 $0x0  }
0x16: {  	s3 =	sld [smem:$0x3FDB];
	s0 =	simm.s32 @p2 $0x1  }
0x17: {  	s4 =	simm.s32 $0x1BF5;
	[smem:$0x3FBA] =	sst s0  }
0x18: {  	s0 =	sld [smem:$0x3F9D];
	_ =	swait.ge [sflag:s4], $0x0  }
0x19: {  	s7 =	sld [smem:$0x3F9E]  }
0x1a: {  	s8 =	sadd.s32 $0xFFFFE003, lr  }
0x1b: {  	s9 =	sadd.s32 $0xFFFFFEF7, lr;
	s5 =	simm.s32 $0xFFFFFFFF;
	p2 =	slt.u32 s8, $0xFFFFF086  }
0x1c: {  	p1 =	slt.u32 s9, $0xF7A;
	s5 =	simm.s32 @!p2 $0x0  }
0x1d: {  	s5 =	simm.s32 @p1 $0x1;
	p0 =	seq.s32 s7, s2  }
0x1e: {  	s7 =	smul.u32 @!p0 $0xF7A, s2;
	p2 =	seq.s32 @!p0 s5, $0x0  }
0x1f: {  	s9 =	smul.u32 $0xF7A, s1;
	s8 =	simm.s32 @!p0 $0x1BF5;
	p2 =	por !p2, p0  }
0x20: {  	[sflag:s8] =	ssyncset.s32 @!p0 $0xFFFFF086;
	s6 =	sadd.s32 @!p0 s3, s7;
	s7 =	simm.s32 @!p0 $0x108  }
0x21: {  	s3 =	sadd.s32 s3, s9;
	s6 =	sadd.s32 @!p0 $0x88, s6;
	s7 =	simm.s32 @p2 $0x1082  }
0x22: {  	[simem:s7], [sflag:s8] =	dma.local @!p0 [hbm:s6], $0xF7A  }
0x23: {  	s9 =	sor.u32 $0xD0000000, s2;
	s6 =	simm.s32 $0x108;
	_ =	swait.ge @!p0 [sflag:s8], $0x0  }
0x24: {  	s3 =	sadd.s32 $0x88, s3;
	s6 =	simm.s32 @!p1 $0x1082;
	[sflag:s4] =	ssyncset.s32 $0xFFFFF086  }
0x25: {  	[simem:s6], [sflag:s4] =	dma.local [hbm:s3], $0xF7A  }
0x26: {  	[smem:$0x3F9E] =	sst s1;
	(tag) =	ssettag s2;
	_ =	strace s9  }
0x27: {  	s1 =	sld [smem:$0x3FAE]  }
0x28: {  	s2 =	sld [smem:$0x3FAF]  }
0x29: {  	s4 =	sld [smem:$0x3FB1]  }
0x2a: {  	p0 =	seq.s32 s5, $0x0;
	s5 =	sld [smem:$0x3FB2]  }
0x2b: {  	s6 =	sld [smem:$0x3FB3]  }
0x2c: {  	s7 =	sld [smem:$0x3FB4]  }
0x2d: {  	s3 =	simm.s32 $0x108;
	s8 =	sld [smem:$0x3FB5]  }
0x2e: {  	s3 =	simm.s32 @!p0 $0x1082;
	s9 =	sld [smem:$0x3FB6]  }
0x2f: {  	lr =	sadd.s32 s0, s3;
	s0 =	sld [smem:$0x3FAD]  }
0x30: {  	s3 =	sld [smem:$0x3FB0]  }
0x31: {  	[smem:$0x3FB9] =	sst s10  }
0x32: {  	s10 =	sld [smem:$0x3FB7];
	_ =	sdelay $0x3  }
0x33: {  	p0 =	seq.s32 s10, $0x1;
	s10 =	sld [smem:$0x3FB9];
	_ =	sdelay $0x3  }
0x34: {  	[smem:$0x3FB9] =	sst s10  }
0x35: {  	s10 =	sld [smem:$0x3FB8];
	_ =	sdelay $0x3  }
0x36: {  	p1 =	seq.s32 s10, $0x1;
	s10 =	sld [smem:$0x3FB9];
	_ =	sdelay $0x3  }
0x37: {  	[smem:$0x3FB9] =	sst s10  }
0x38: {  	s10 =	sld [smem:$0x3FBA]  }
0x39: {  	_ = 	snop;
	(pc) =	sbr.ind lr, $3  }
0x3a: {  	_ = 	snop  }
0x3b: {  	_ = 	snop  }
0x3c: {  	p2 =	seq.s32 s10, $0x1;
	s10 =	sld [smem:$0x3FB9]  }
0x3d: {  	_ =	shalt  }
0x3e: {  	_ =	shalt  }
0x3f: {  	_ =	shalt  }
0x40: {  	_ =	shalt  }
0x41: {  	_ =	shalt  }
0x42: {  	_ =	shalt  }
0x43: {  	_ =	shalt  }
0x44: {  	_ =	shalt  }
0x45: {  	_ =	shalt  }
0x46: {  	_ =	shalt  }
0x47: {  	_ =	shalt  }
0x48: {  	_ =	shalt  }
0x49: {  	_ =	shalt  }
0x4a: {  	_ =	shalt  }
0x4b: {  	_ =	shalt  }
0x4c: {  	_ =	shalt  }
0x4d: {  	_ =	shalt  }
0x4e: {  	_ =	shalt  }
0x4f: {  	_ =	shalt  }
0x50: {  	_ =	shalt  }
0x51: {  	_ =	shalt  }
0x52: {  	_ =	shalt  }
0x53: {  	_ =	shalt  }
0x54: {  	_ =	shalt  }
0x55: {  	_ =	shalt  }
0x56: {  	_ =	shalt  }
0x57: {  	_ =	shalt  }
0x58: {  	_ =	shalt  }
0x59: {  	_ =	shalt  }
0x5a: {  	_ =	shalt  }
0x5b: {  	_ =	shalt  }
0x5c: {  	_ =	shalt  }
0x5d: {  	_ =	shalt  }
0x5e: {  	_ =	shalt  }
0x5f: {  	_ =	shalt  }
0x60: {  	_ =	shalt  }
0x61: {  	_ =	shalt  }
0x62: {  	_ =	shalt  }
0x63: {  	_ =	shalt  }
0x64: {  	_ =	shalt  }
0x65: {  	_ =	shalt  }
0x66: {  	_ =	shalt  }
0x67: {  	_ =	shalt  }
0x68: {  	_ =	shalt  }
0x69: {  	_ =	shalt  }
0x6a: {  	_ =	shalt  }
0x6b: {  	_ =	shalt  }
0x6c: {  	_ =	shalt  }
0x6d: {  	_ =	shalt  }
0x6e: {  	_ =	shalt  }
0x6f: {  	_ =	shalt  }
0x70: {  	_ =	shalt  }
0x71: {  	_ =	shalt  }
0x72: {  	_ =	shalt  }
0x73: {  	_ =	shalt  }
0x74: {  	_ =	shalt  }
0x75: {  	_ =	shalt  }
0x76: {  	_ =	shalt  }
0x77: {  	_ =	shalt  }
0x78: {  	_ =	shalt  }
0x79: {  	_ =	shalt  }
0x7a: {  	_ =	shalt  }
0x7b: {  	_ =	shalt  }
0x7c: {  	_ =	shalt  }
0x7d: {  	_ =	shalt  }
0x7e: {  	_ =	shalt  }
0x7f: {  	_ =	shalt  }
0x80: {  	_ =	shalt  }
0x81: {  	_ =	shalt  }
0x82: {  	_ =	shalt  }
0x83: {  	_ =	shalt  }
0x84: {  	_ =	shalt  }
0x85: {  	_ =	shalt  }
0x86: {  	_ =	shalt  }
0x87: {  	_ =	shalt  }
.Lfunc_end0:
.L_simem_size_0:
called_computation_lowered:
.L_overlay_start_0:
0x88: {  	s0 =	sld [smem:$0x3FD9]  }
0x89: {  	s1 =	sld [smem:$0x3FFE];
	_ =	sdelay $0x3  }
0x8a: {  	s0 =	sadd.s32 s1, s0  }
0x8b: {  	[smem:$0x3FC5] =	sst s0  }
0x8c: {  	_ = 	snop  }
0x8d: {  	s0 =	sld [smem:$0x3FD0];
	(tm) =	ssettm $0x1  }
0x8e: {  	s16 =	sld [smem:$0x3FFB];
	_ =	sdelay $0x3  }
0x8f: {  	_ =	strace s16  }
0x90: {  	s1 =	sld [smem:$0x3FFC];
	_ =	sdelay $0x3  }
0x91: {  	_ =	strace s1  }
0x92: {  	s1 =	sld [smem:$0x3FFD];
	_ =	sdelay $0x3  }
0x93: {  	_ =	strace s1  }
0x94: {  	_ =	strace $0x8FFFFFFF  }
0x95: {  	s17 =	sld [smem:$0x3FDB];
	_ =	sdelay $0x1  }
0x96: {  	s2 =	simm.s32 $_scs_section_size  }
0x97: {  	s3 =	simm.s32 $_size__tile_overlayer_lowered;
	s4 =	simm.s32 $_tile_overlayer_lowered  }
0x98: {  	s20 =	simm.s32 $0x1BFF;
	s19 =	sshll.u32 s4, $0x1;
	s1 =	sadd.s32 s2, s17  }
0x99: {  	s5 =	simm.s32 $0x0;
	s18 =	sshll.u32 s3, $0x1;
	s3 =	sadd.s32 s19, s1  }
0x9a: {  	[timem:s5], [sflag:s20] =	dma.local [hbm:s3], s18  }
0x9b: {  	_ =	swait.ge [sflag:s20], s18  }
0x9c: {  	s2 =	ssub.s32 $0x0, s18;
	[sflag:s20] =	ssyncset.done $0x0  }
0x9d: {  	[sflag:s20] =	ssyncadd.s32 s2;
	_ =	sdelay $0x1  }
0x9e: {  	s21 =	simm.s32 $0x1B8B  }
0x9f: {  	_ =	swait.ge [sflag:s21], $0x1  }
0xa0: {  	[sflag:s21] =	ssyncset.done $0x0  }
0xa1: {  	s23 =	simm.s32 $0x1B8E;
	s22 =	sld [smem:$0x3FFE];
	[sflag:s21] =	ssyncadd.s32 $0xFFFFFFFF  }
0xa2: {  	s24 =	simm.s32 $execute0_lowered;
	[smem:$0x3FD2] =	sst s23  }
0xa3: {  	s3 =	sshll.u32 s24, $0x1;
	_ =	strace $0x80000046;
	[dreg:$0x1] =	wrdreg $0xFFFFFFFF  }
0xa4: {  	s25 =	simm.s32 $_size_execute0_lowered;
	s1 =	sadd.s32 s1, s3;
	[dreg:$0x0] =	wrdreg $0x0  }
0xa5: {  	s3 =	sshll.u32 s25, $0x1;
	[dreg:$0x2] =	wrdreg s1  }
0xa6: {  	[dreg:$0x3] =	wrdreg s3  }
0xa7: {  	[dreg:$0x4] =	wrdreg $0xC0  }
0xa8: {  	_ =	task [dreg:s5], $0x5FFFF  }
0xa9: {  	[dreg:$0x1] =	wrdreg $0xFFFFFFFF  }
0xaa: {  	[dreg:$0x0] =	wrdreg $0x60  }
0xab: {  	[dreg:$0x2] =	wrdreg s22  }
0xac: {  	[dreg:$0x3] =	wrdreg s0  }
0xad: {  	[dreg:$0x4] =	wrdreg $0x9  }
0xae: {  	_ =	task.clear_ibuf [dreg:s5], $0x5FFFF;
	_ =	strace $0x90000046  }
0xaf: {  	s26 =	simm.s32 $0x9;
	_ =	strace $0x80000048  }
0xb0: {  	_ =	swait.ge [sflag:s26], $0x1  }
0xb1: {  	[sflag:s26] =	ssyncadd.s32 $0xFFFFFFFF  }
0xb2: {  	_ =	strace $0x90000048  }
0xb3: {  	_ =	sfence  }
0xb4: {  	s28 =	sld [smem:$0x0];
	_ =	sdelay $0x1  }
0xb5: {  	s29 =	srdreg.scid  }
0xb6: {  	s30 =	sshll.u32 s29, $0xD;
	s31 =	sshrl.u32 s29, $0x2  }
0xb7: {  	s2 =	sand.u32 $0x4000, s30;
	s1 =	sand.u32 $0x1, s29;
	s0 =	sadd.s32 s31, s28  }
0xb8: {  	s1 =	sor.u32 s2, s1;
	s0 =	sshll.u32 s0, $0x11  }
0xb9: {  	s0 =	sor.u32 s0, s1  }
0xba: {  	s0 =	sadd.s32 $0x8F2B, s0  }
0xbb: {  	[sflag:s0] =	ssyncadd.remote.s32 $0x1  }
0xbc: {  	_ =	sfence.sel $0xFFFF  }
0xbd: {  	[dreg:$0x0] =	wrdreg $0xFFFFFFFF;
	(pc) =	sbr.abs _section_cstart, $3  }
0xbe: {  	[dreg:$0x1] =	wrdreg $0xFFFFFFFF  }
0xbf: {  	_ =	task.clear_ibuf [dreg:s5], $0x2FFFF;
	_ =	strace $0x9FFFFFFF  }
0xc0: {  	(tm) =	ssettm $0x7FFFFFFF  }
0xc1: {  	_ =	shalt  }
tec
execute0_lowered:
.L_overlay_start_1:
0x0: {  	(tag) =	ssettag $0x1  }
0x1: {  	s4 =	rddreg [dreg:$0x0]  }
0x2: {  	s2 =	rddreg [dreg:$0x1]  }
0x3: {  	s0 =	rddreg [dreg:$0x2];
	s3 =	simm.s32 $0x0;
	s1 =	stileid.u32  }
0x4: {  	[smem:$0x7FF] =	sst s3;
	s5 =	sshll.u32 s1, $0xA  }
0x5: {  	_ =	strace $0x80000047;
	s5 =	sadd.s32 s5, s4;
	s4 =	sadd.s32 $0x5000, s4  }
0x6: {  	[tilespmem:s3], [sflag:$0x1] =	stream.linear.gather [hbm4b:s4+s3], $0xC00, $0x38;
	[tilespmem:$0x3800] =	vst v63  }
0x7: {  	s29 =	simm.s32 $0xC00;
	s30 =	simm.s32 $0x1;
	s28 =	sadd.s32 $0x1000, s5  }
0x8: {  	[tilespmem:s29], [sflag:$0x2] =	stream.linear.gather [hbm4b:s28+s3], $0x2000, $0x38;
	[tilespmem:$0x3800] =	vst v63  }
0x9: {  	_ =	swait.ge [sflag:s30], $0xC00  }
0xa: {  	[sflag:s30] =	ssyncset.done $0x0  }
0xb: {  	s31 =	simm.s32 $0x2;
	v0 =	vlaneseq.u32;
	[sflag:s30] =	ssyncadd.s32 $0xFFFFF400  }
0xc: {  	v1 =	vimm.s32 $0x0;
	v2 =	vor.u32 $0x10, v0;
	_ =	swait.ge [sflag:s31], $0x2000  }
0xd: {  	s6 =	simm.s32 $0xE00;
	s7 =	simm.s32 $0x0;
	v3 =	vor.u32 $0x20, v0;
	v4 =	vor.u32 $0x30, v0;
	v5 =	vor.u32 $0x40, v0;
	[sflag:s31] =	ssyncset.done $0x0  }
0xe: {  	v6 =	vor.u32 $0x50, v0;
	v7 =	vor.u32 $0x60, v0;
	v8 =	vor.u32 $0x70, v0;
	s4 =	sshll.u32 s1, $0x3;
	s5 =	simm.s32 $0x2C00;
	[sflag:s31] =	ssyncadd.s32 $0xFFFFE000  }
.LBB2_1:
0xf: {  	v10 =	vld [tilespmem:s6+$0xFFFFFE00]  }
0x10: {  	v11 =	vld [tilespmem:s6+$0xFFFFFE80]  }
0x11: {  	v12 =	vld [tilespmem:s6+$0xFFFFFF00]  }
0x12: {  	v13 =	vld [tilespmem:s6+$0xFFFFFF80]  }
0x13: {  	v14 =	vld [tilespmem:s6+$0x0]  }
0x14: {  	v15 =	vld [tilespmem:s6+$0x80]  }
0x15: {  	v17 =	vld [tilespmem:s6+$0x100];
	v9 =	vand.u32 $0x7F, v10;
	v16 =	vand.u32 $0x7F, v11  }
0x16: {  	v19 =	vld [tilespmem:s6+$0x180];
	v18 =	vand.u32 $0x7F, v12;
	v16 =	vor.u32 $0x80, v16  }
0x17: {  	v20 =	vand.u32 $0x7F, v13;
	v18 =	vor.u32 $0x100, v18  }
0x18: {  	v21 =	vand.u32 $0x7F, v14;
	v20 =	vor.u32 $0x180, v20  }
0x19: {  	v22 =	vand.u32 $0x7F, v15;
	v21 =	vor.u32 $0x200, v21  }
0x1a: {  	v22 =	vor.u32 $0x280, v22;
	v23 =	vld.idx.msk [tilespmem:v9+s3+$0x0], $0xffff;
	v9 =	vand.u32 $0x7F, v17  }
0x1b: {  	v16 =	vld.idx.msk [tilespmem:v16+s3+$0x0], $0xffff;
	v24 =	vor.u32 $0x300, v9;
	v9 =	vand.u32 $0x7F, v19  }
0x1c: {  	v18 =	vld.idx.msk [tilespmem:v18+s3+$0x0], $0xffff;
	v25 =	vor.u32 $0x380, v9  }
0x1d: {  	v14 =	vshrl.u32 v14, $0x7;
	v15 =	vshrl.u32 v15, $0x7;
	v20 =	vld.idx.msk [tilespmem:v20+s3+$0x0], $0xffff  }
0x1e: {  	v10 =	vshrl.u32 v10, $0x7;
	v11 =	vshrl.u32 v11, $0x7;
	v13 =	vshrl.u32 v13, $0x7;
	v21 =	vld.idx.msk [tilespmem:v21+s3+$0x0], $0xffff  }
0x1f: {  	s8 =	sadd.s32 s4, s7;
	v12 =	vshrl.u32 v12, $0x7;
	v17 =	vshrl.u32 v17, $0x7;
	v19 =	vshrl.u32 v19, $0x7;
	v22 =	vld.idx.msk [tilespmem:v22+s3+$0x0], $0xffff  }
0x20: {  	v9 =	vmov s8;
	v10 =	vshrl.u32 v23, v10;
	v24 =	vld.idx.msk [tilespmem:v24+s3+$0x0], $0xffff;
	v11 =	vshrl.u32 v16, v11  }
0x21: {  	v10 =	vand.u32 $0x1, v10;
	v12 =	vshrl.u32 v18, v12;
	v63 =	vld.idx.msk [tilespmem:v25+s3+$0x0], $0xffff;
	v11 =	vand.u32 $0x1, v11  }
0x22: {  	v10 =	vadd.s32 v10, v11;
	v11 =	vand.u32 $0x1, v12;
	v12 =	vshrl.u32 v20, v13  }
0x23: {  	v10 =	vadd.s32 v11, v10;
	v11 =	vand.u32 $0x1, v12;
	v12 =	vshrl.u32 v21, v14  }
0x24: {  	v10 =	vadd.s32 v11, v10;
	v11 =	vand.u32 $0x1, v12;
	v12 =	vshrl.u32 v22, v15  }
0x25: {  	v10 =	vadd.s32 v11, v10;
	v11 =	vand.u32 $0x1, v12;
	v12 =	vshrl.u32 v24, v17  }
0x26: {  	v10 =	vadd.s32 v11, v10;
	v11 =	vand.u32 $0x1, v12;
	v12 =	vshrl.u32 v63, v19  }
0x27: {  	v10 =	vadd.s32 v11, v10;
	v11 =	vand.u32 $0x1, v12;
	v12 =	vor.u32 s3, v0  }
0x28: {  	v10 =	vadd.s32 v11, v10;
	vm0 =	vgt.u32 v12, v9  }
0x29: {  	s31 =	sshll.u32 s7, $0x9;
	s10 =	simm.s32 $0x10;
	s12 =	simm.s32 $0x20;
	v11 =	vimm.s32 $0x0;
	v12 =	vsel vm0, $0x0, v10  }
0x2a: {  	s11 =	sadd.s32 $0x10, s6;
	s9 =	smov.u32 s5;
	s8 =	sshrl.u32 s31, $0x2;
	v10 =	vimm.s32 $0x0;
	vm0 =	vgt.u32 v12, $0x3;
	[tilespmem:s5+$0x0] =	vst v12;
	vm1 =	vgt.s32 v1, v12  }
.LBB2_2:
0x2b: {  	p0 =	sne.s32 s12, $0x70;
	v13 =	vld [tilespmem:s11+$0xFFFFFE00];
	v14 =	vsel vm0, $0x1, v1;
	v11 =	vsel vm1, v11, v12  }
0x2c: {  	v12 =	vld [tilespmem:s11+$0xFFFFFE80];
	v10 =	vadd.s32 v14, v10  }
0x2d: {  	v14 =	vld [tilespmem:s11+$0xFFFFFF00]  }
0x2e: {  	v15 =	vld [tilespmem:s11+$0xFFFFFF80]  }
0x2f: {  	v16 =	vld [tilespmem:s11+$0x0]  }
0x30: {  	v17 =	vld [tilespmem:s11+$0x80]  }
0x31: {  	v18 =	vand.u32 $0x7F, v13;
	v19 =	vand.u32 $0x7F, v12;
	v20 =	vld [tilespmem:s11+$0x100]  }
0x32: {  	v19 =	vor.u32 $0x80, v19;
	v21 =	vand.u32 $0x7F, v14;
	v22 =	vld [tilespmem:s11+$0x180]  }
0x33: {  	v21 =	vor.u32 $0x100, v21;
	v23 =	vand.u32 $0x7F, v15  }
0x34: {  	v23 =	vor.u32 $0x180, v23;
	v24 =	vand.u32 $0x7F, v16  }
0x35: {  	v24 =	vor.u32 $0x200, v24;
	v25 =	vand.u32 $0x7F, v17  }
0x36: {  	v18 =	vld.idx.msk [tilespmem:v18+s3+$0x0], $0xffff;
	v25 =	vor.u32 $0x280, v25;
	v26 =	vand.u32 $0x7F, v20  }
0x37: {  	v19 =	vld.idx.msk [tilespmem:v19+s3+$0x0], $0xffff;
	v26 =	vor.u32 $0x300, v26;
	v27 =	vand.u32 $0x7F, v22  }
0x38: {  	v21 =	vld.idx.msk [tilespmem:v21+s3+$0x0], $0xffff;
	v27 =	vor.u32 $0x380, v27  }
0x39: {  	v23 =	vld.idx.msk [tilespmem:v23+s3+$0x0], $0xffff  }
0x3a: {  	v22 =	vshrl.u32 v22, $0x7;
	v24 =	vld.idx.msk [tilespmem:v24+s3+$0x0], $0xffff  }
0x3b: {  	v16 =	vshrl.u32 v16, $0x7;
	v17 =	vshrl.u32 v17, $0x7;
	v20 =	vshrl.u32 v20, $0x7;
	v25 =	vld.idx.msk [tilespmem:v25+s3+$0x0], $0xffff  }
0x3c: {  	v13 =	vshrl.u32 v13, $0x7;
	v12 =	vshrl.u32 v12, $0x7;
	v15 =	vshrl.u32 v15, $0x7;
	v26 =	vld.idx.msk [tilespmem:v26+s3+$0x0], $0xffff  }
0x3d: {  	v14 =	vshrl.u32 v14, $0x7;
	v13 =	vshrl.u32 v18, v13;
	v12 =	vshrl.u32 v19, v12;
	v18 =	vld.idx.msk [tilespmem:v27+s3+$0x0], $0xffff  }
0x3e: {  	v13 =	vand.u32 $0x1, v13;
	v12 =	vand.u32 $0x1, v12;
	v14 =	vshrl.u32 v21, v14  }
0x3f: {  	v12 =	vadd.s32 v13, v12;
	v13 =	vand.u32 $0x1, v14;
	v14 =	vshrl.u32 v23, v15  }
0x40: {  	v12 =	vadd.s32 v13, v12;
	v13 =	vand.u32 $0x1, v14;
	v14 =	vshrl.u32 v24, v16  }
0x41: {  	v12 =	vadd.s32 v13, v12;
	v13 =	vand.u32 $0x1, v14;
	v14 =	vshrl.u32 v25, v17  }
0x42: {  	v12 =	vadd.s32 v13, v12;
	v13 =	vand.u32 $0x1, v14;
	v14 =	vshrl.u32 v26, v20  }
.Ltmp0:
0x43: {  	v12 =	vadd.s32 v13, v12;
	v13 =	vand.u32 $0x1, v14;
	v14 =	vshrl.u32 v18, v22;
	(pc) =	sbr.rel @p0 .LBB2_2-.Ltmp0, $4  }
0x44: {  	v12 =	vadd.s32 v13, v12;
	v13 =	vand.u32 $0x1, v14;
	v14 =	vor.u32 s10, v0;
	s10 =	smov.u32 s12  }
0x45: {  	v12 =	vadd.s32 v13, v12;
	vm0 =	vgt.u32 v14, v9  }
0x46: {  	s9 =	sadd.s32 $0x10, s9;
	v12 =	vsel vm0, $0x0, v12  }
0x47: {  	s11 =	sadd.s32 $0x10, s11;
	s12 =	sadd.s32 $0x10, s12;
	vm0 =	vgt.u32 v12, $0x3;
	vm1 =	vgt.s32 v11, v12;
	[tilespmem:s9+$0x0] =	vst v12  }
0x48: {  	v13 =	vld [tilespmem:s11+$0xFFFFFE00]  }
0x49: {  	v14 =	vld [tilespmem:s11+$0xFFFFFE80]  }
0x4a: {  	v15 =	vld [tilespmem:s11+$0xFFFFFF00]  }
0x4b: {  	v16 =	vld [tilespmem:s11+$0xFFFFFF80]  }
0x4c: {  	v17 =	vld [tilespmem:s11+$0x0]  }
0x4d: {  	v20 =	vld [tilespmem:s11+$0x80]  }
0x4e: {  	v22 =	vld [tilespmem:s11+$0x100];
	v18 =	vand.u32 $0x7F, v13;
	v19 =	vand.u32 $0x7F, v14  }
0x4f: {  	v23 =	vld [tilespmem:s11+$0x180];
	v21 =	vand.u32 $0x7F, v15;
	v19 =	vor.u32 $0x80, v19  }
0x50: {  	v24 =	vand.u32 $0x7F, v16;
	v21 =	vor.u32 $0x100, v21  }
0x51: {  	v25 =	vand.u32 $0x7F, v17;
	v24 =	vor.u32 $0x180, v24  }
0x52: {  	v26 =	vand.u32 $0x7F, v20;
	v25 =	vor.u32 $0x200, v25  }
0x53: {  	v27 =	vand.u32 $0x7F, v22;
	v26 =	vor.u32 $0x280, v26;
	v18 =	vld.idx.msk [tilespmem:v18+s3+$0x0], $0xffff  }
0x54: {  	v28 =	vand.u32 $0x7F, v23;
	v27 =	vor.u32 $0x300, v27;
	v19 =	vld.idx.msk [tilespmem:v19+s3+$0x0], $0xffff  }
0x55: {  	v28 =	vor.u32 $0x380, v28;
	v21 =	vld.idx.msk [tilespmem:v21+s3+$0x0], $0xffff  }
0x56: {  	v13 =	vshrl.u32 v13, $0x7;
	v24 =	vld.idx.msk [tilespmem:v24+s3+$0x0], $0xffff  }
0x57: {  	v14 =	vshrl.u32 v14, $0x7;
	v15 =	vshrl.u32 v15, $0x7;
	v60 =	vshrl.u32 v23, $0x7;
	v59 =	vld.idx.msk [tilespmem:v25+s3+$0x0], $0xffff  }
0x58: {  	v17 =	vshrl.u32 v17, $0x7;
	v20 =	vshrl.u32 v20, $0x7;
	v22 =	vshrl.u32 v22, $0x7;
	v61 =	vld.idx.msk [tilespmem:v26+s3+$0x0], $0xffff  }
0x59: {  	v16 =	vshrl.u32 v16, $0x7;
	v62 =	vld.idx.msk [tilespmem:v27+s3+$0x0], $0xffff;
	v13 =	vshrl.u32 v18, v13;
	v14 =	vshrl.u32 v19, v14  }
0x5a: {  	v63 =	vld.idx.msk [tilespmem:v28+s3+$0x0], $0xffff;
	v15 =	vshrl.u32 v21, v15;
	v13 =	vand.u32 $0x1, v13;
	v14 =	vand.u32 $0x1, v14  }
0x5b: {  	v13 =	vadd.s32 v13, v14;
	v14 =	vand.u32 $0x1, v15;
	v15 =	vshrl.u32 v24, v16  }
0x5c: {  	v13 =	vadd.s32 v14, v13;
	v14 =	vand.u32 $0x1, v15;
	v15 =	vshrl.u32 v59, v17  }
0x5d: {  	v13 =	vadd.s32 v14, v13;
	v14 =	vand.u32 $0x1, v15;
	v15 =	vshrl.u32 v61, v20  }
0x5e: {  	v13 =	vadd.s32 v14, v13;
	v14 =	vand.u32 $0x1, v15;
	v15 =	vshrl.u32 v62, v22  }
0x5f: {  	v13 =	vadd.s32 v14, v13;
	v14 =	vand.u32 $0x1, v15;
	v15 =	vshrl.u32 v63, v60  }
0x60: {  	v13 =	vadd.s32 v14, v13;
	v14 =	vand.u32 $0x1, v15;
	v15 =	vor.u32 s10, v0  }
0x61: {  	v13 =	vadd.s32 v14, v13;
	vm2 =	vgt.u32 v15, v9  }
0x62: {  	v9 =	vsel vm1, v11, v12;
	v11 =	vsel vm2, $0x0, v13  }
0x63: {  	vm1 =	vgt.s32 v9, v11  }
0x64: {  	v9 =	vsel vm1, v9, v11  }
0x65: {  	v9 =	vxor.u32 $0x80000000, v9  }
0x66: {  	(xrf0) =	vmax.scan.msk.u32 $0xffff, v9;
	_ =	sdelay $0x5  }
0x67: {  	v9, _, _ =	vpop (xrf0)  }
0x68: {  	(v2sf) =	vpush v9, $0xF;
	_ =	sdelay $0xa  }
0x69: {  	s9 =	sadd.s32 $0x10, s9  }
0x6a: {  	[tilespmem:s9+$0x0] =	vst v11  }
0x6b: {  	v12 =	vld [tilespmem:s5+$0x0];
	_ =	sdelay $0x1  }
0x6c: {  	v9 =	vsel vm0, $0x1, v1;
	vm0 =	vgt.u32 v11, $0x3;
	s30 =	spop (v2sf)  }
0x6d: {  	v9 =	vadd.s32 v9, v10;
	v10 =	vsel vm0, $0x1, v1;
	s9 =	sxor.u32 $0x80000000, s30  }
0x6e: {  	s31 =	simm.s32 $0x0;
	v9 =	vadd.s32 v10, v9;
	v11 =	vmov s9  }
0x6f: {  	s10 =	sadd.s32 $0x10, s5;
	v10 =	vimm.s32 $0x80;
	s9 =	simm.s32 $0x10;
	vm0 =	veq.s32 v12, v11;
	v12 =	vor.u32 s31, v0  }
.LBB2_4:
0x70: {  	v13 =	vld [tilespmem:s10+$0x0];
	p0 =	sne.s32 s9, $0x70;
	v12 =	vnsel vm0, $0x80, v12;
	s11 =	smov.u32 s9;
	s9 =	sadd.s32 $0x10, s9  }
.Ltmp1:
0x71: {  	vm0 =	vlt.s32 v10, v12;
	(pc) =	sbr.rel @p0 .LBB2_4-.Ltmp1, $2  }
0x72: {  	v10 =	vsel vm0, v10, v12;
	_ =	sdelay $0x2  }
0x73: {  	s10 =	sadd.s32 $0x10, s10;
	v12 =	vor.u32 s11, v0;
	vm0 =	veq.s32 v13, v11  }
0x74: {  	v11 =	vnsel vm0, $0x80, v12;
	(xrf0) =	vadd.scan.msk.s32 $0xffff, v9  }
0x75: {  	vm0 =	vlt.s32 v10, v11  }
0x76: {  	v10 =	vsel vm0, v10, v11  }
0x77: {  	v9 =	vxor.u32 $0x80000000, v10  }
0x78: {  	(xrf0) =	vmin.scan.msk.u32 $0xffff, v9;
	_ =	sdelay $0x1  }
0x79: {  	v9, _, _ =	vpop (xrf0)  }
0x7a: {  	(v2sf) =	vpush v9, $0xF;
	_ =	sdelay $0x2  }
0x7b: {  	v9, _, _ =	vpop (xrf0)  }
0x7c: {  	(v2sf) =	vpush v9, $0xF;
	_ =	sdelay $0x2  }
0x7d: {  	v11 =	vld [tilespmem:s8+$0x2C20]  }
0x7e: {  	v12 =	vld [tilespmem:s8+$0x2C30]  }
0x7f: {  	v16 =	vld [tilespmem:s8+$0x2C40]  }
0x80: {  	v21 =	vld [tilespmem:s8+$0x2C60]  }
0x81: {  	v10 =	vld [tilespmem:s8+$0x2C10]  }
0x82: {  	vm4 =	vgt.s32 v11, $0x3;
	v11 =	vld [tilespmem:s8+$0x2C50]  }
0x83: {  	v9 =	vld [tilespmem:s8+$0x2C00];
	_ =	sdelay $0x1  }
0x84: {  	s11 =	simm.s32 $0x1;
	s9 =	spop (v2sf)  }
0x85: {  	v22 =	vld [tilespmem:s8+$0x2C70];
	vm6 =	vgt.s32 v12, $0x3;
	vm8 =	vgt.s32 v16, $0x3;
	p0 =	sne.s32 s9, $0x0;
	p1 =	seq.s32 s9, $0x0;
	s9 =	simm.s32 $0x1  }
0x86: {  	vm12 =	vgt.s32 v21, $0x3;
	vm15 =	vgt.s32 v10, $0x3;
	vm10 =	vgt.s32 v11, $0x3;
	s11 =	simm.s32 @!p0 $0x0;
	s9 =	simm.s32 @!p1 $0x0  }
0x87: {  	vm13 =	vgt.s32 v9, $0x3;
	v9 =	vmov s11;
	v15 =	vmov s9  }
0x88: {  	s10 =	spop (v2sf);
	v14 =	vnsel vm13, $0x0, v9;
	v10 =	vnsel vm15, $0x0, v9;
	v19 =	vnsel vm4, $0x0, v9  }
0x89: {  	v20 =	vnsel vm6, $0x0, v9;
	v16 =	vnsel vm8, $0x0, v9;
	v11 =	vnsel vm10, $0x0, v9;
	s10 =	sxor.u32 $0x80000000, s10  }
0x8a: {  	v62 =	vnsel vm12, $0x0, v9;
	vm13 =	vgt.s32 v22, $0x3;
	v13 =	vmov s10  }
0x8b: {  	v9 =	vnsel vm13, $0x0, v9;
	vm14 =	veq.s32 v13, v0;
	vm1 =	veq.s32 v13, v2  }
0x8c: {  	vm5 =	veq.s32 v13, v3;
	vm7 =	veq.s32 v13, v4;
	vm9 =	veq.s32 v13, v5  }
0x8d: {  	vm11 =	veq.s32 v13, v6;
	vm15 =	veq.s32 v13, v8;
	v17 =	vnsel vm14, $0x0, v15  }
0x8e: {  	v18 =	vnsel vm1, $0x0, v15;
	v12 =	vnsel vm5, $0x0, v15;
	v60 =	vnsel vm7, $0x0, v15  }
0x8f: {  	v61 =	vnsel vm9, $0x0, v15;
	vm14 =	veq.s32 v13, v7;
	v13 =	vnsel vm15, $0x0, v15  }
0x90: {  	v14 =	vadd.s32 v17, v14;
	v10 =	vadd.s32 v18, v10;
	v12 =	vadd.s32 v12, v19  }
0x91: {  	v17 =	vadd.s32 v60, v20;
	v16 =	vadd.s32 v61, v16;
	v63 =	vnsel vm14, $0x0, v15  }
0x92: {  	v14 =	vshll.u32 v14, v0;
	v10 =	vshll.u32 v10, v2;
	v12 =	vshll.u32 v12, v0  }
0x93: {  	v17 =	vshll.u32 v17, v2;
	v10 =	vadd.s32 v14, v10;
	v14 =	vnsel vm11, $0x0, v15  }
0x94: {  	v9 =	vadd.s32 v13, v9;
	v12 =	vadd.s32 v12, v17;
	v11 =	vadd.s32 v14, v11  }
0x95: {  	v14 =	vshll.u32 v16, v0;
	(xrf0) =	vadd.scan.msk.s32 $0xffff, v10;
	v10 =	vshll.u32 v11, v2;
	v11 =	vadd.s32 v63, v62  }
0x96: {  	v9 =	vshll.u32 v9, v2;
	(xrf0) =	vadd.scan.msk.s32 $0xffff, v12;
	v10 =	vadd.s32 v14, v10;
	v11 =	vshll.u32 v11, v0  }
0x97: {  	(xrf0) =	vadd.scan.msk.s32 $0xffff, v10;
	v9 =	vadd.s32 v11, v9  }
0x98: {  	(xrf0) =	vadd.scan.msk.s32 $0xffff, v9;
	_ =	sdelay $0x2  }
0x99: {  	v9, _, _ =	vpop (xrf0)  }
0x9a: {  	v10, _, _ =	vpop (xrf0)  }
0x9b: {  	s11 =	simm.s32 $0x0;
	v11, _, _ =	vpop (xrf0)  }
0x9c: {  	s9 =	sand.u32 $0x70, s11;
	s10 =	sand.u32 $0x400, s11;
	v9 =	vbroadcast v9, $0xF;
	v10 =	vbroadcast v10, $0xF;
	v13, _, _ =	vpop (xrf0)  }
0x9d: {  	s12 =	simm.s32 $0x10;
	s8 =	sadd.s32 $0x3000, s8;
	s13 =	sor.u32 s9, s10;
	v12 =	vbroadcast v11, $0xF;
	v11 =	vbroadcast v13, $0xF  }
.LBB2_6:
0x9e: {  	p0 =	sne.s32 s12, $0xF0;
	v13 =	vld [tilespmem:s13+$0x400]  }
0x9f: {  	v14 =	vld [tilespmem:s13+$0x480]  }
0xa0: {  	v15 =	vld [tilespmem:s13+$0x500]  }
0xa1: {  	v16 =	vld [tilespmem:s13+$0x580];
	_ =	sdelay $0x2  }
0xa2: {  	v13 =	vand.u32 v9, v13;
	v14 =	vand.u32 v10, v14  }
0xa3: {  	v13 =	vxor.u32 v13, v14;
	v14 =	vand.u32 v12, v15  }
0xa4: {  	v13 =	vxor.u32 v14, v13;
	v14 =	vand.u32 v11, v16  }
0xa5: {  	v13 =	vxor.u32 v14, v13  }
0xa6: {  	v14 =	vshrl.u32 v13, $0x10  }
0xa7: {  	v13 =	vxor.u32 v13, v14  }
0xa8: {  	v14 =	vshrl.u32 v13, $0x8  }
0xa9: {  	v13 =	vxor.u32 v13, v14  }
0xaa: {  	v14 =	vshrl.u32 v13, $0x4  }
0xab: {  	v13 =	vxor.u32 v13, v14  }
0xac: {  	v14 =	vshrl.u32 v13, $0x2  }
.Ltmp2:
0xad: {  	v13 =	vxor.u32 v13, v14;
	(pc) =	sbr.rel @p0 .LBB2_6-.Ltmp2, $4  }
0xae: {  	v14 =	vshrl.u32 v13, $0x1  }
0xaf: {  	s11 =	sadd.s32 $0x80, s11;
	s13 =	sadd.s32 s10, s8;
	v13 =	vxor.u32 v13, v14  }
0xb0: {  	s10 =	sand.u32 $0x400, s11;
	s14 =	sadd.s32 s9, s13;
	s9 =	sand.u32 $0x70, s12;
	v13 =	vand.u32 $0x1, v13  }
0xb1: {  	s12 =	sadd.s32 $0x10, s12;
	s13 =	sor.u32 s9, s10;
	[tilespmem:s14+$0x0] =	vst v13  }
0xb2: {  	v13 =	vld [tilespmem:s13+$0x400]  }
0xb3: {  	v14 =	vld [tilespmem:s13+$0x480]  }
0xb4: {  	v15 =	vld [tilespmem:s13+$0x500]  }
0xb5: {  	v16 =	vld [tilespmem:s13+$0x580];
	_ =	sdelay $0x2  }
0xb6: {  	v9 =	vand.u32 v9, v13;
	v10 =	vand.u32 v10, v14  }
0xb7: {  	v9 =	vxor.u32 v9, v10;
	v10 =	vand.u32 v12, v15  }
0xb8: {  	v9 =	vxor.u32 v10, v9;
	v10 =	vand.u32 v11, v16  }
0xb9: {  	v9 =	vxor.u32 v10, v9  }
0xba: {  	v10 =	vshrl.u32 v9, $0x10  }
0xbb: {  	v9 =	vxor.u32 v9, v10  }
0xbc: {  	v10 =	vshrl.u32 v9, $0x8  }
0xbd: {  	v9 =	vxor.u32 v9, v10  }
0xbe: {  	v10 =	vshrl.u32 v9, $0x4  }
0xbf: {  	s7 =	sadd.s32 $0x1, s7;
	v9 =	vxor.u32 v9, v10  }
0xc0: {  	p0 =	sne.s32 s7, $0x8;
	v10 =	vshrl.u32 v9, $0x2  }
.Ltmp3:
0xc1: {  	v9 =	vxor.u32 v9, v10;
	(pc) =	sbr.rel @p0 .LBB2_1-.Ltmp3, $4  }
0xc2: {  	v10 =	vshrl.u32 v9, $0x1  }
0xc3: {  	s8 =	sadd.s32 s10, s8;
	v9 =	vxor.u32 v9, v10  }
0xc4: {  	s8 =	sadd.s32 s9, s8;
	v9 =	vand.u32 $0x1, v9  }
0xc5: {  	s5 =	sadd.s32 $0x80, s5;
	s6 =	sadd.s32 $0x400, s6;
	[tilespmem:s8+$0x0] =	vst v9  }
0xc6: {  	s3 =	sshll.u32 s1, $0x8;
	s30 =	simm.s32 $0x0  }
0xc7: {  	s4 =	simm.s32 $0x3000;
	s31 =	simm.s32 $0x3;
	s2 =	sadd.s32 s2, s3  }
0xc8: {  	[hbm4b:s2+s30] =	stream.linear.scatter [tilespmem:s4], [sflag:$0x3], $0x800, $0x38;
	[tilespmem:$0x3800] =	vst v63  }
0xc9: {  	_ =	swait.ge [sflag:s31], $0x800  }
0xca: {  	[sflag:s31] =	ssyncset.done $0x0  }
0xcb: {  	[sflag:s31] =	ssyncadd.s32 $0xFFFFF800  }
0xcc: {  	_ =	sfence.sel $0x180000  }
0xcd: {  	[bflag:$0x0] =	sbarrier.arrive $0xFFFF  }
0xce: {  	p0 =	sne.s32 s1, $0x0;
	_ =	strace $0x90000047  }
0xcf: {  	s0 =	sadd.s32 @!p0 $0x100000, s0;
	[bflag:$0x2] =	sbarrier.arrive $0xFFFF  }
0xd0: {  	[sflag:s0] =	ssyncadd.tile.s32 @!p0 $0x1;
	_ =	shalt  }
.Lfunc_end2:
_tile_overlayer_lowered:
.L_overlay_start_2:
0xd1: {  	(tag) =	ssettag $0x2  }
0xd2: {  	s0 =	rddreg [dreg:$0x0];
	s2 =	stileid.u32  }
0xd3: {  	s1 =	rddreg [dreg:$0x1];
	p0 =	sne.s32 s2, $0x0  }
0xd4: {  	s3 =	rddreg [dreg:$0x2];
	[bflag:$0x3] =	sbarrier.arrive $0xFFFF;
	s2 =	simm.s32 @!p0 $0x1C03  }
0xd5: {  	[timem:s3], [sflag:s2] =	dma.local @!p0 [hbm:s0], s1  }
0xd6: {  	s0 =	simm.s32 @!p0 $0x3  }
0xd7: {  	_ =	swait.ge @!p0 [sflag:s0], s1  }
0xd8: {  	s1 =	ssub.s32 @!p0 $0x0, s1;
	[sflag:s0] =	ssyncset.done @!p0 $0x0  }
0xd9: {  	[sflag:s0] =	ssyncadd.s32 @!p0 s1  }
0xda: {  	[bflag:$0x3] =	sbarrier.arrive $0xFFFF  }
0xdb: {  	_ =	shalt  }

</sc_bundles>
